<compile_context>
chip_gen: v7x
topology: tpu7x:2x2x1
jax: 0.10.2.dev20260603
libtpu: 0.0.44.dev20260713+nightly
codegen_flags: <defaults>
</compile_context>

<pallas_src>
import functools

import jax
import jax.numpy as jnp
from jax import lax
from jax.experimental import pallas as pl
from jax.experimental.pallas import tpu as pltpu
from jax.experimental.pallas import tpu_sc as plsc

NBK = 14
SIDE = 7
SF = 1.7
W = 32
L = 16
UP = 32
BU = 4
NEG = -3.4e38


def _group(cls_v, off_v, prop_v, bbox_b, conf_v, b, gu, pp,
           ub, cfb, ppb, cs_stride, prop_flat=False):
    iota = lax.iota(jnp.int32, L)
    bvec = jnp.full((L,), b, jnp.int32)
    up = gu * UP + pp
    col = up * 28 + iota * 28
    c = [plsc.load_gather(cls_v, [bvec, col + j]) for j in range(28)]

    ifs = []
    osel_s = []
    conf = None
    for s in range(4):
        e = [jnp.exp(c[SIDE * s + j]) for j in range(SIDE)]
        m1 = e[0]
        i1 = jnp.zeros((L,), jnp.float32)
        m2 = jnp.zeros((L,), jnp.float32)
        i2 = jnp.zeros((L,), jnp.float32)
        den = e[0]
        for j in range(1, SIDE):
            jv = jnp.float32(j)
            gt1 = e[j] > m1
            gt2 = e[j] > m2
            m2 = jnp.where(gt1, m1, jnp.where(gt2, e[j], m2))
            i2 = jnp.where(gt1, i1, jnp.where(gt2, jv, i2))
            m1 = jnp.maximum(e[j], m1)
            i1 = jnp.where(gt1, jv, i1)
            den = den + e[j]
        i1i = i1.astype(jnp.int32)
        osel = plsc.load_gather(off_v, [bvec, col + jnp.int32(SIDE * s) + i1i])
        rden = jnp.float32(1.0) / den
        v1 = m1 * rden
        v2 = m2 * rden
        cf = v1 + v2 * (jnp.abs(i1 - i2) - jnp.float32(1.0))
        conf = cf if conf is None else conf + cf
        ifs.append(i1)
        osel_s.append(osel)

    if prop_flat:
        fcol = b * (UP * 4) + (pp + iota) * 4
        p0 = plsc.load_gather(prop_v, [fcol])
        p1 = plsc.load_gather(prop_v, [fcol + 1])
        p2 = plsc.load_gather(prop_v, [fcol + 2])
        p3 = plsc.load_gather(prop_v, [fcol + 3])
    else:
        cvec = [jnp.full((L,), cc, jnp.int32) for cc in range(4)]
        pcol = ppb + up + iota
        p0 = plsc.load_gather(prop_v, [bvec, cvec[0], pcol])
        p1 = plsc.load_gather(prop_v, [bvec, cvec[1], pcol])
        p2 = plsc.load_gather(prop_v, [bvec, cvec[2], pcol])
        p3 = plsc.load_gather(prop_v, [bvec, cvec[3], pcol])
    cx2 = p0 + p2
    cy2 = p1 + p3
    w17 = (p2 - p0) * SF
    h17 = (p3 - p1) * SF
    px1 = (cx2 - w17) * 0.5
    px2 = (cx2 + w17) * 0.5
    py1 = (cy2 - h17) * 0.5
    py2 = (cy2 + h17) * 0.5
    bw = w17 / NBK
    bh = h17 / NBK
    half = jnp.float32(0.5)
    x1 = px1 + (half + ifs[0] - osel_s[0]) * bw
    x2 = px2 - (half + ifs[1] + osel_s[1]) * bw
    y1 = py1 + (half + ifs[2] - osel_s[2]) * bh
    y2 = py2 - (half + ifs[3] + osel_s[3]) * bh
    kvec = [jnp.full((L,), cc, jnp.int32) for cc in range(4)]
    ucol = ub + up + iota
    plsc.store_scatter(bbox_b, [bvec, kvec[0], ucol], x1)
    plsc.store_scatter(bbox_b, [bvec, kvec[1], ucol], y1)
    plsc.store_scatter(bbox_b, [bvec, kvec[2], ucol], x2)
    plsc.store_scatter(bbox_b, [bvec, kvec[3], ucol], y2)
    conf_v[pl.ds(b * cs_stride + cfb + up, L)] = conf * jnp.float32(0.25)


@functools.lru_cache(maxsize=None)
def _build(B, N):
    CU = UP * 28
    CB = CU * BU
    CH = CB // 2
    HU = BU // 2
    PB = UP * BU
    NB = N // PB
    TAIL = N - NB * PB
    K = NB // W
    R = NB - K * W
    MX = K + 1
    PW = MX * PB
    CS = PW + UP

    mesh = plsc.VectorSubcoreMesh(core_axis_name="c", subcore_axis_name="s")

    @functools.partial(
        pl.kernel,
        out_type=[
            jax.ShapeDtypeStruct((B, 4, NB * PB + PB), jnp.float32),
            jax.ShapeDtypeStruct((B * N,), jnp.float32),
        ],
        mesh=mesh,
        compiler_params=pltpu.CompilerParams(needs_layout_passes=False),
        scratch_types=[
            pltpu.VMEM((B, CH), jnp.float32),
            pltpu.VMEM((B, CH), jnp.float32),
            pltpu.VMEM((B, CH), jnp.float32),
            pltpu.VMEM((B, CH), jnp.float32),
            pltpu.VMEM((B, 4, PW), jnp.float32),
            pltpu.VMEM((B, 4, PB), jnp.float32),
            pltpu.VMEM((B * CS,), jnp.float32),
            pltpu.VMEM((B * UP * 4,), jnp.float32),
            pltpu.SemaphoreType.DMA,
            pltpu.SemaphoreType.DMA,
        ],
    )
    def run(cls_hbm, off_hbm, prop_hbm, tprop_hbm, outb_hbm, outc_hbm,
            cls0, cls1, off0, off1, prop_v, bbox_b, conf_v, tprop_v,
            sem0, sem1):
        w = lax.axis_index("c") * 16 + lax.axis_index("s")
        is_big = w < R
        base = jnp.where(is_big, MX * w, K * w + R)
        cnt = jnp.where(is_big, MX, K)
        H = 2 * cnt
        has_tail = w == W - 1
        bufs = ((cls0, off0, sem0), (cls1, off1, sem1))

        def fire(h, par):
            colh = base * CB + h * CH
            cbuf, obuf, sem = bufs[par]
            pltpu.make_async_copy(
                cls_hbm.at[:, pl.ds(colh, CH)], cbuf, sem).start()
            pltpu.make_async_copy(
                off_hbm.at[:, pl.ds(colh, CH)], obuf, sem).start()

        def wait(h, par):
            colh = base * CB + h * CH
            cbuf, obuf, sem = bufs[par]
            pltpu.make_async_copy(
                cls_hbm.at[:, pl.ds(colh, CH)], cbuf, sem).wait()
            pltpu.make_async_copy(
                off_hbm.at[:, pl.ds(colh, CH)], obuf, sem).wait()

        fire(jnp.int32(0), 0)
        fire(jnp.int32(1), 1)

        @pl.when(is_big)
        def _():
            pltpu.sync_copy(prop_hbm.at[:, :, pl.ds(base * PB, MX * PB)],
                            prop_v)

        @pl.when(jnp.logical_not(is_big))
        def _():
            pltpu.sync_copy(prop_hbm.at[:, :, pl.ds(base * PB, K * PB)],
                            prop_v.at[:, :, pl.ds(0, K * PB)])

        @pl.when(has_tail)
        def _():
            pltpu.sync_copy(tprop_hbm, tprop_v)

        def process(h, par, sub):
            lb = h // 2
            blk = base + lb
            wait(h, par)
            cbuf, obuf, _ = bufs[par]

            def group_body(g, _):
                _group(cbuf, obuf, prop_v, bbox_b, conf_v,
                       (g // 2) % B, g // (2 * B), (g % 2) * L,
                       sub * (HU * UP), lb * PB + sub * (HU * UP),
                       lb * PB + sub * (HU * UP), CS)
                return _
            lax.fori_loop(0, 2 * B * HU, group_body, None)
            if sub == 1:
                pltpu.sync_copy(bbox_b,
                                outb_hbm.at[:, :, pl.ds(blk * PB, PB)])

            @pl.when(h + 2 < H)
            def _():
                fire(h + 2, par)

        def half_body(h, _):
            @pl.when((h & 1) == 0)
            def _():
                process(h, 0, 0)

            @pl.when((h & 1) == 1)
            def _():
                process(h, 1, 1)
            return _
        lax.fori_loop(0, H, half_body, None)

        @pl.when(has_tail)
        def _():
            pltpu.sync_copy(cls_hbm.at[:, pl.ds(NB * CB, CU)],
                            cls0.at[:, pl.ds(0, CU)])
            pltpu.sync_copy(off_hbm.at[:, pl.ds(NB * CB, CU)],
                            off0.at[:, pl.ds(0, CU)])

            def tgroup_body(g, _):
                _group(cls0, off0, tprop_v, bbox_b, conf_v,
                       g // 2, 0, (g % 2) * L,
                       0, K * PB, 0, CS, prop_flat=True)
                return _
            lax.fori_loop(0, 2 * B, tgroup_body, None)
            pltpu.sync_copy(bbox_b, outb_hbm.at[:, :, pl.ds(NB * PB, PB)])

        @pl.when(is_big)
        def _():
            for b in range(B):
                pltpu.sync_copy(
                    conf_v.at[pl.ds(b * CS, MX * PB)],
                    outc_hbm.at[pl.ds(b * N + base * PB, MX * PB)])

        @pl.when(jnp.logical_not(is_big) & jnp.logical_not(has_tail))
        def _():
            for b in range(B):
                pltpu.sync_copy(
                    conf_v.at[pl.ds(b * CS, K * PB)],
                    outc_hbm.at[pl.ds(b * N + base * PB, K * PB)])

        @pl.when(has_tail)
        def _():
            for b in range(B):
                pltpu.sync_copy(
                    conf_v.at[pl.ds(b * CS, K * PB + TAIL)],
                    outc_hbm.at[pl.ds(b * N + base * PB, K * PB + TAIL)])

    return run


def kernel(proposals, cls_preds, offset_preds):
    B, N, _ = proposals.shape
    nfull = (N // 128) * 128
    tail_prop = proposals[:, nfull:, :].reshape(-1)
    bbox_t, conf_flat = _build(B, N)(
        cls_preds, offset_preds, jnp.swapaxes(proposals, 1, 2), tail_prop)
    return jnp.swapaxes(bbox_t, 1, 2)[:, :N, :], conf_flat.reshape(B, N)

# --- scband reference (transcript-rebuilt; emitter-appended) ---
"""Pipeline reference for scband-bucketing-bbox-coder-wraper-1202590843769 (READ-ONLY COPY).

The authoritative reference and input builder live on the scoring server;
editing this copy changes nothing except your own understanding.
"""

import jax, jax.numpy as jnp
import numpy as np

NUM_BUCKETS = 14
SCALE_FACTOR = 1.7


def bbox_rescale(b, sf):
    cx = (b[..., 0] + b[..., 2]) * 0.5
    cy = (b[..., 1] + b[..., 3]) * 0.5
    w = (b[..., 2] - b[..., 0]) * sf
    h = (b[..., 3] - b[..., 1]) * sf
    return jnp.stack([cx - 0.5 * w, cy - 0.5 * h, cx + 0.5 * w, cy + 0.5 * h], axis=-1)


def setup_inputs(seed: int = 0) -> dict:
    key = jax.random.key(seed)
    k1, k2, k3 = jax.random.split(key, 3)
    B, N = 8, 20000
    side = int(np.ceil(NUM_BUCKETS / 2.0))
    x1 = jax.random.uniform(jax.random.fold_in(k1, 0), (B, N, 1)) * 800.0
    y1 = jax.random.uniform(jax.random.fold_in(k1, 1), (B, N, 1)) * 800.0
    w = jax.random.uniform(jax.random.fold_in(k1, 2), (B, N, 1)) * 200.0 + 8.0
    h = jax.random.uniform(jax.random.fold_in(k1, 3), (B, N, 1)) * 200.0 + 8.0
    proposals = jnp.concatenate([x1, y1, x1 + w, y1 + h], axis=-1)
    cls_preds = jax.random.normal(k2, (B, N * 4 * side), dtype=jnp.float32)
    offset_preds = jax.random.normal(k3, (B, N * 4 * side), dtype=jnp.float32)
    return {"proposals": proposals, "cls_preds": cls_preds, "offset_preds": offset_preds}


def reference(proposals, cls_preds, offset_preds):
    num_buckets = NUM_BUCKETS
    side = int(np.ceil(num_buckets / 2.0))
    B = cls_preds.shape[0]
    cls = cls_preds.reshape(B, -1, side)
    off = offset_preds.reshape(B, -1, side)
    scores = jax.nn.softmax(cls, axis=2)
    score_topk, score_label = jax.lax.top_k(scores, 2)
    rp = bbox_rescale(proposals, SCALE_FACTOR)
    pw = rp[..., 2] - rp[..., 0]
    ph = rp[..., 3] - rp[..., 1]
    px1 = rp[..., 0]
    py1 = rp[..., 1]
    px2 = rp[..., 2]
    py2 = rp[..., 3]
    bucket_w = pw / num_buckets
    bucket_h = ph / num_buckets
    inds_l = score_label[:, 0::4, 0]
    inds_r = score_label[:, 1::4, 0]
    inds_t = score_label[:, 2::4, 0]
    inds_d = score_label[:, 3::4, 0]
    l_buckets = px1 + (0.5 + inds_l.astype(jnp.float32)) * bucket_w
    r_buckets = px2 - (0.5 + inds_r.astype(jnp.float32)) * bucket_w
    t_buckets = py1 + (0.5 + inds_t.astype(jnp.float32)) * bucket_h
    d_buckets = py2 - (0.5 + inds_d.astype(jnp.float32)) * bucket_h
    offsets = off.reshape(B, -1, 4, side)
    l_off = jnp.take_along_axis(offsets[:, :, 0, :], inds_l[:, :, None], axis=2)[:, :, 0]
    r_off = jnp.take_along_axis(offsets[:, :, 1, :], inds_r[:, :, None], axis=2)[:, :, 0]
    t_off = jnp.take_along_axis(offsets[:, :, 2, :], inds_t[:, :, None], axis=2)[:, :, 0]
    d_off = jnp.take_along_axis(offsets[:, :, 3, :], inds_d[:, :, None], axis=2)[:, :, 0]
    x1 = l_buckets - l_off * bucket_w
    x2 = r_buckets - r_off * bucket_w
    y1 = t_buckets - t_off * bucket_h
    y2 = d_buckets - d_off * bucket_h
    bboxes = jnp.concatenate([x1[:, :, None], y1[:, :, None], x2[:, :, None], y2[:, :, None]], axis=-1)
    loc_conf = score_topk[:, :, 0]
    top2_neighbor = jnp.abs((score_label[:, :, 0] - score_label[:, :, 1]).astype(jnp.float32)) - 1.0
    loc_conf = loc_conf + score_topk[:, :, 1] * top2_neighbor
    loc_conf = loc_conf.reshape(B, -1, 4).mean(axis=2)
    return (bboxes, loc_conf)

if __name__ == "__main__":
    import jax
    _d = setup_inputs()
    print(jax.jit(kernel)(*tuple(_d.values())))

</pallas_src>

<mosaic_0001>
#map = affine_map<(d0, d1) -> (0, 0)>
#map1 = affine_map<(d0, d1) -> (0, 0, 0)>
#map2 = affine_map<(d0, d1) -> (0)>
module attributes {stable_mosaic.version = 14 : i64} {
  func.func @run(%arg0: i32, %arg1: i32, %arg2: memref<8x560000xf32, #tpu.memory_space<hbm>>, %arg3: memref<8x560000xf32, #tpu.memory_space<hbm>>, %arg4: memref<8x4x20000xf32, #tpu.memory_space<hbm>>, %arg5: memref<1024xf32, #tpu.memory_space<hbm>>, %arg6: memref<8x4x20096xf32, #tpu.memory_space<hbm>>, %arg7: memref<160000xf32, #tpu.memory_space<hbm>>, %arg8: memref<8x1792xf32, #tpu.memory_space<vmem>>, %arg9: memref<8x1792xf32, #tpu.memory_space<vmem>>, %arg10: memref<8x1792xf32, #tpu.memory_space<vmem>>, %arg11: memref<8x1792xf32, #tpu.memory_space<vmem>>, %arg12: memref<8x4x640xf32, #tpu.memory_space<vmem>>, %arg13: memref<8x4x128xf32, #tpu.memory_space<vmem>>, %arg14: memref<5376xf32, #tpu.memory_space<vmem>>, %arg15: memref<1024xf32, #tpu.memory_space<vmem>>, %arg16: memref<!tpu.dma_semaphore, #tpu.memory_space<semaphore_mem>>, %arg17: memref<!tpu.dma_semaphore, #tpu.memory_space<semaphore_mem>>) attributes {dimension_semantics = [#tpu.dimension_semantics<core_parallel>, #tpu.dimension_semantics<subcore_parallel>], iteration_bounds = array<i64: 2, 16>, scalar_prefetch = 0 : i64, scratch_operands = 10 : i64, tpu.core_type = #tpu.core_type<sc_vector_subcore>, window_params = [{transform_indices = #map}, {transform_indices = #map}, {transform_indices = #map1}, {transform_indices = #map2}, {transform_indices = #map1}, {transform_indices = #map2}]} {
    %mul3A = arith.constant 16 : i32
    %mul3A_0 = arith.muli %arg0, %mul3A : i32
    %add3A = arith.addi %mul3A_0, %arg1 : i32
    %lt3A = arith.constant 28 : i32
    %lt3A_1 = arith.cmpi slt, %add3A, %lt3A : i32
    %mul3A_2 = arith.constant 5 : i32
    %mul3A_3 = arith.muli %mul3A_2, %add3A : i32
    %mul3A_4 = arith.constant 4 : i32
    %mul3A_5 = arith.muli %mul3A_4, %add3A : i32
    %add3A_6 = arith.constant 28 : i32
    %add3A_7 = arith.addi %mul3A_5, %add3A_6 : i32
    %select_n3A = arith.select %lt3A_1, %mul3A_3, %add3A_7 : i32
    %jit3A = arith.constant 5 : i32
    %jit3A_8 = arith.constant 4 : i32
    %select_n3A_9 = arith.select %lt3A_1, %jit3A, %jit3A_8 : i32
    %mul3A_10 = arith.constant 2 : i32
    %mul3A_11 = arith.muli %mul3A_10, %select_n3A_9 : i32
    %eq3A = arith.constant 31 : i32
    %eq3A_12 = arith.cmpi eq, %add3A, %eq3A : i32
    %mul3A_13 = arith.constant 3584 : i32
    %mul3A_14 = arith.muli %select_n3A, %mul3A_13 : i32
    %mul3A_15 = arith.constant 0 : i32
    %mul3A_16 = arith.constant 1792 : i32
    %mul3A_17 = arith.muli %mul3A_15, %mul3A_16 : i32
    %add3A_18 = arith.addi %mul3A_14, %mul3A_17 : i32
    %dma_start3A = arith.constant 0 : i32
    %dma_start3A_19 = tpu.memref_slice %arg2[%dma_start3A, %add3A_18] : memref<8x560000xf32, #tpu.memory_space<hbm>> -> memref<8x1792xf32, #tpu.memory_space<hbm>>
    %dma_start3A_20 = arith.constant 0 : i32
    %dma_start3A_21 = tpu.memref_slice %arg2[%dma_start3A_20, %add3A_18] : memref<8x560000xf32, #tpu.memory_space<hbm>> -> memref<8x1792xf32, #tpu.memory_space<hbm>>
    tpu.enqueue_dma source(%dma_start3A_21 : memref<8x1792xf32, #tpu.memory_space<hbm>>) target(%arg8 : memref<8x1792xf32, #tpu.memory_space<vmem>>) target_semaphore(%arg16 : memref<!tpu.dma_semaphore, #tpu.memory_space<semaphore_mem>>)
    %dma_start3A_22 = arith.constant 0 : i32
    %dma_start3A_23 = tpu.memref_slice %arg3[%dma_start3A_22, %add3A_18] : memref<8x560000xf32, #tpu.memory_space<hbm>> -> memref<8x1792xf32, #tpu.memory_space<hbm>>
    %dma_start3A_24 = arith.constant 0 : i32
    %dma_start3A_25 = tpu.memref_slice %arg3[%dma_start3A_24, %add3A_18] : memref<8x560000xf32, #tpu.memory_space<hbm>> -> memref<8x1792xf32, #tpu.memory_space<hbm>>
    tpu.enqueue_dma source(%dma_start3A_25 : memref<8x1792xf32, #tpu.memory_space<hbm>>) target(%arg10 : memref<8x1792xf32, #tpu.memory_space<vmem>>) target_semaphore(%arg16 : memref<!tpu.dma_semaphore, #tpu.memory_space<semaphore_mem>>)
    %mul3A_26 = arith.constant 3584 : i32
    %mul3A_27 = arith.muli %select_n3A, %mul3A_26 : i32
    %mul3A_28 = arith.constant 1 : i32
    %mul3A_29 = arith.constant 1792 : i32
    %mul3A_30 = arith.muli %mul3A_28, %mul3A_29 : i32
    %add3A_31 = arith.addi %mul3A_27, %mul3A_30 : i32
    %dma_start3A_32 = arith.constant 0 : i32
    %dma_start3A_33 = tpu.memref_slice %arg2[%dma_start3A_32, %add3A_31] : memref<8x560000xf32, #tpu.memory_space<hbm>> -> memref<8x1792xf32, #tpu.memory_space<hbm>>
    %dma_start3A_34 = arith.constant 0 : i32
    %dma_start3A_35 = tpu.memref_slice %arg2[%dma_start3A_34, %add3A_31] : memref<8x560000xf32, #tpu.memory_space<hbm>> -> memref<8x1792xf32, #tpu.memory_space<hbm>>
    tpu.enqueue_dma source(%dma_start3A_35 : memref<8x1792xf32, #tpu.memory_space<hbm>>) target(%arg9 : memref<8x1792xf32, #tpu.memory_space<vmem>>) target_semaphore(%arg17 : memref<!tpu.dma_semaphore, #tpu.memory_space<semaphore_mem>>)
    %dma_start3A_36 = arith.constant 0 : i32
    %dma_start3A_37 = tpu.memref_slice %arg3[%dma_start3A_36, %add3A_31] : memref<8x560000xf32, #tpu.memory_space<hbm>> -> memref<8x1792xf32, #tpu.memory_space<hbm>>
    %dma_start3A_38 = arith.constant 0 : i32
    %dma_start3A_39 = tpu.memref_slice %arg3[%dma_start3A_38, %add3A_31] : memref<8x560000xf32, #tpu.memory_space<hbm>> -> memref<8x1792xf32, #tpu.memory_space<hbm>>
    tpu.enqueue_dma source(%dma_start3A_39 : memref<8x1792xf32, #tpu.memory_space<hbm>>) target(%arg11 : memref<8x1792xf32, #tpu.memory_space<vmem>>) target_semaphore(%arg17 : memref<!tpu.dma_semaphore, #tpu.memory_space<semaphore_mem>>)
    %convert_element_type3A = arith.extui %lt3A_1 : i1 to i32
    %cond3A = arith.constant 0 : i32
    %cond3A_40 = arith.cmpi ne, %convert_element_type3A, %cond3A : i32
    scf.if %cond3A_40 {
      %mul3A_72 = arith.constant 128 : i32
      %mul3A_73 = arith.muli %select_n3A, %mul3A_72 : i32
      "tpu.region"() ({
        %run_scoped3A = tpu.sem_alloc : memref<!tpu.dma_semaphore, #tpu.memory_space<semaphore_mem>>
        %dma_start3A_74 = arith.constant 0 : i32
        %dma_start3A_75 = arith.constant 0 : i32
        %dma_start3A_76 = tpu.memref_slice %arg4[%dma_start3A_74, %dma_start3A_75, %mul3A_73] : memref<8x4x20000xf32, #tpu.memory_space<hbm>> -> memref<8x4x640xf32, #tpu.memory_space<hbm>>
        %dma_start3A_77 = arith.constant 0 : i32
        %dma_start3A_78 = arith.constant 0 : i32
        %dma_start3A_79 = tpu.memref_slice %arg4[%dma_start3A_77, %dma_start3A_78, %mul3A_73] : memref<8x4x20000xf32, #tpu.memory_space<hbm>> -> memref<8x4x640xf32, #tpu.memory_space<hbm>>
        tpu.enqueue_dma source(%dma_start3A_79 : memref<8x4x640xf32, #tpu.memory_space<hbm>>) target(%arg12 : memref<8x4x640xf32, #tpu.memory_space<vmem>>) target_semaphore(%run_scoped3A : memref<!tpu.dma_semaphore, #tpu.memory_space<semaphore_mem>>)
        %dma_wait3A = arith.constant 0 : i32
        %dma_wait3A_80 = arith.constant 0 : i32
        %dma_wait3A_81 = tpu.memref_slice %arg4[%dma_wait3A, %dma_wait3A_80, %mul3A_73] : memref<8x4x20000xf32, #tpu.memory_space<hbm>> -> memref<8x4x640xf32, #tpu.memory_space<hbm>>
        %dma_wait3A_82 = arith.constant 0 : i32
        %dma_wait3A_83 = arith.constant 0 : i32
        %dma_wait3A_84 = tpu.memref_slice %arg4[%dma_wait3A_82, %dma_wait3A_83, %mul3A_73] : memref<8x4x20000xf32, #tpu.memory_space<hbm>> -> memref<8x4x640xf32, #tpu.memory_space<hbm>>
        tpu.wait_dma2 semaphore(%run_scoped3A : memref<!tpu.dma_semaphore, #tpu.memory_space<semaphore_mem>>) src(%dma_wait3A_84 : memref<8x4x640xf32, #tpu.memory_space<hbm>>) dst(%arg12 : memref<8x4x640xf32, #tpu.memory_space<vmem>>)
        tpu.yield
      }) : () -> ()
    } else {
    }
    %not3A = arith.constant true
    %not3A_41 = arith.xori %lt3A_1, %not3A : i1
    %convert_element_type3A_42 = arith.extui %not3A_41 : i1 to i32
    %cond3A_43 = arith.constant 0 : i32
    %cond3A_44 = arith.cmpi ne, %convert_element_type3A_42, %cond3A_43 : i32
    scf.if %cond3A_44 {
      %mul3A_72 = arith.constant 128 : i32
      %mul3A_73 = arith.muli %select_n3A, %mul3A_72 : i32
      "tpu.region"() ({
        %run_scoped3A = tpu.sem_alloc : memref<!tpu.dma_semaphore, #tpu.memory_space<semaphore_mem>>
        %dma_start3A_74 = arith.constant 0 : i32
        %dma_start3A_75 = arith.constant 0 : i32
        %dma_start3A_76 = arith.constant 0 : i32
        %dma_start3A_77 = tpu.memref_slice %arg12[%dma_start3A_74, %dma_start3A_75, %dma_start3A_76] : memref<8x4x640xf32, #tpu.memory_space<vmem>> -> memref<8x4x512xf32, #tpu.memory_space<vmem>>
        %dma_start3A_78 = arith.constant 0 : i32
        %dma_start3A_79 = arith.constant 0 : i32
        %dma_start3A_80 = tpu.memref_slice %arg4[%dma_start3A_78, %dma_start3A_79, %mul3A_73] : memref<8x4x20000xf32, #tpu.memory_space<hbm>> -> memref<8x4x512xf32, #tpu.memory_space<hbm>>
        %dma_start3A_81 = arith.constant 0 : i32
        %dma_start3A_82 = arith.constant 0 : i32
        %dma_start3A_83 = arith.constant 0 : i32
        %dma_start3A_84 = tpu.memref_slice %arg12[%dma_start3A_81, %dma_start3A_82, %dma_start3A_83] : memref<8x4x640xf32, #tpu.memory_space<vmem>> -> memref<8x4x512xf32, #tpu.memory_space<vmem>>
        %dma_start3A_85 = arith.constant 0 : i32
        %dma_start3A_86 = arith.constant 0 : i32
        %dma_start3A_87 = tpu.memref_slice %arg4[%dma_start3A_85, %dma_start3A_86, %mul3A_73] : memref<8x4x20000xf32, #tpu.memory_space<hbm>> -> memref<8x4x512xf32, #tpu.memory_space<hbm>>
        tpu.enqueue_dma source(%dma_start3A_87 : memref<8x4x512xf32, #tpu.memory_space<hbm>>) target(%dma_start3A_84 : memref<8x4x512xf32, #tpu.memory_space<vmem>>) target_semaphore(%run_scoped3A : memref<!tpu.dma_semaphore, #tpu.memory_space<semaphore_mem>>)
        %dma_wait3A = arith.constant 0 : i32
        %dma_wait3A_88 = arith.constant 0 : i32
        %dma_wait3A_89 = arith.constant 0 : i32
        %dma_wait3A_90 = tpu.memref_slice %arg12[%dma_wait3A, %dma_wait3A_88, %dma_wait3A_89] : memref<8x4x640xf32, #tpu.memory_space<vmem>> -> memref<8x4x512xf32, #tpu.memory_space<vmem>>
        %dma_wait3A_91 = arith.constant 0 : i32
        %dma_wait3A_92 = arith.constant 0 : i32
        %dma_wait3A_93 = tpu.memref_slice %arg4[%dma_wait3A_91, %dma_wait3A_92, %mul3A_73] : memref<8x4x20000xf32, #tpu.memory_space<hbm>> -> memref<8x4x512xf32, #tpu.memory_space<hbm>>
        %dma_wait3A_94 = arith.constant 0 : i32
        %dma_wait3A_95 = arith.constant 0 : i32
        %dma_wait3A_96 = arith.constant 0 : i32
        %dma_wait3A_97 = tpu.memref_slice %arg12[%dma_wait3A_94, %dma_wait3A_95, %dma_wait3A_96] : memref<8x4x640xf32, #tpu.memory_space<vmem>> -> memref<8x4x512xf32, #tpu.memory_space<vmem>>
        %dma_wait3A_98 = arith.constant 0 : i32
        %dma_wait3A_99 = arith.constant 0 : i32
        %dma_wait3A_100 = tpu.memref_slice %arg4[%dma_wait3A_98, %dma_wait3A_99, %mul3A_73] : memref<8x4x20000xf32, #tpu.memory_space<hbm>> -> memref<8x4x512xf32, #tpu.memory_space<hbm>>
        tpu.wait_dma2 semaphore(%run_scoped3A : memref<!tpu.dma_semaphore, #tpu.memory_space<semaphore_mem>>) src(%dma_wait3A_100 : memref<8x4x512xf32, #tpu.memory_space<hbm>>) dst(%dma_wait3A_97 : memref<8x4x512xf32, #tpu.memory_space<vmem>>)
        tpu.yield
      }) : () -> ()
    } else {
    }
    %convert_element_type3A_45 = arith.extui %eq3A_12 : i1 to i32
    %cond3A_46 = arith.constant 0 : i32
    %cond3A_47 = arith.cmpi ne, %convert_element_type3A_45, %cond3A_46 : i32
    scf.if %cond3A_47 {
      "tpu.region"() ({
        %run_scoped3A = tpu.sem_alloc : memref<!tpu.dma_semaphore, #tpu.memory_space<semaphore_mem>>
        tpu.enqueue_dma source(%arg5 : memref<1024xf32, #tpu.memory_space<hbm>>) target(%arg15 : memref<1024xf32, #tpu.memory_space<vmem>>) target_semaphore(%run_scoped3A : memref<!tpu.dma_semaphore, #tpu.memory_space<semaphore_mem>>)
        tpu.wait_dma2 semaphore(%run_scoped3A : memref<!tpu.dma_semaphore, #tpu.memory_space<semaphore_mem>>) src(%arg5 : memref<1024xf32, #tpu.memory_space<hbm>>) dst(%arg15 : memref<1024xf32, #tpu.memory_space<vmem>>)
        tpu.yield
      }) : () -> ()
    } else {
    }
    %while3A = arith.constant 0 : i32
    %while3A_48 = arith.subi %mul3A_11, %while3A : i32
    %while3A_49 = arith.addi %while3A, %while3A_48 : i32
    %while3A_50 = arith.constant 1 : i32
    %while3A_51 = arith.divsi %while3A_48, %while3A_50 : i32
    %while3A_52 = arith.muli %while3A_51, %while3A_50 : i32
    %while3A_53 = arith.addi %while3A, %while3A_52 : i32
    %while3A_54 = arith.constant 1 : i32
    scf.for %while3A_72 = %while3A to %while3A_53 step %while3A_54  : i32 {
      %and3A_73 = arith.constant 1 : i32
      %and3A_74 = arith.andi %while3A_72, %and3A_73 : i32
      %eq3A_75 = arith.constant 0 : i32
      %eq3A_76 = arith.cmpi eq, %and3A_74, %eq3A_75 : i32
      %convert_element_type3A_77 = arith.extui %eq3A_76 : i1 to i32
      %cond3A_78 = arith.constant 0 : i32
      %cond3A_79 = arith.cmpi ne, %convert_element_type3A_77, %cond3A_78 : i32
      scf.if %cond3A_79 {
        %jit3A_87 = arith.constant 2 : i32
        %div3A = arith.divsi %while3A_72, %jit3A_87 : i32
        %sign3A = arith.constant 0 : i32
        %sign3A_88 = arith.cmpi sgt, %while3A_72, %sign3A : i32
        %sign3A_89 = arith.extui %sign3A_88 : i1 to i32
        %sign3A_90 = arith.constant 0 : i32
        %sign3A_91 = arith.cmpi slt, %while3A_72, %sign3A_90 : i32
        %sign3A_92 = arith.extui %sign3A_91 : i1 to i32
        %sign3A_93 = arith.subi %sign3A_89, %sign3A_92 : i32
        %sign3A_94 = arith.constant 0 : i32
        %sign3A_95 = arith.cmpi sgt, %jit3A_87, %sign3A_94 : i32
        %sign3A_96 = arith.extui %sign3A_95 : i1 to i32
        %sign3A_97 = arith.constant 0 : i32
        %sign3A_98 = arith.cmpi slt, %jit3A_87, %sign3A_97 : i32
        %sign3A_99 = arith.extui %sign3A_98 : i1 to i32
        %sign3A_100 = arith.subi %sign3A_96, %sign3A_99 : i32
        %ne3A = arith.cmpi ne, %sign3A_93, %sign3A_100 : i32
        %rem3A = arith.remsi %while3A_72, %jit3A_87 : i32
        %ne3A_101 = arith.constant 0 : i32
        %ne3A_102 = arith.cmpi ne, %rem3A, %ne3A_101 : i32
        %and3A_103 = arith.andi %ne3A, %ne3A_102 : i1
        %sub3A = arith.constant 1 : i32
        %sub3A_104 = arith.subi %div3A, %sub3A : i32
        %select_n3A_105 = arith.select %and3A_103, %sub3A_104, %div3A : i32
        %add3A_106 = arith.addi %select_n3A, %select_n3A_105 : i32
        %mul3A_107 = arith.constant 3584 : i32
        %mul3A_108 = arith.muli %select_n3A, %mul3A_107 : i32
        %mul3A_109 = arith.constant 1792 : i32
        %mul3A_110 = arith.muli %while3A_72, %mul3A_109 : i32
        %add3A_111 = arith.addi %mul3A_108, %mul3A_110 : i32
        %dma_wait3A = arith.constant 0 : i32
        %dma_wait3A_112 = tpu.memref_slice %arg2[%dma_wait3A, %add3A_111] : memref<8x560000xf32, #tpu.memory_space<hbm>> -> memref<8x1792xf32, #tpu.memory_space<hbm>>
        %dma_wait3A_113 = arith.constant 0 : i32
        %dma_wait3A_114 = tpu.memref_slice %arg2[%dma_wait3A_113, %add3A_111] : memref<8x560000xf32, #tpu.memory_space<hbm>> -> memref<8x1792xf32, #tpu.memory_space<hbm>>
        tpu.wait_dma2 semaphore(%arg16 : memref<!tpu.dma_semaphore, #tpu.memory_space<semaphore_mem>>) src(%dma_wait3A_114 : memref<8x1792xf32, #tpu.memory_space<hbm>>) dst(%arg8 : memref<8x1792xf32, #tpu.memory_space<vmem>>)
        %dma_wait3A_115 = arith.constant 0 : i32
        %dma_wait3A_116 = tpu.memref_slice %arg3[%dma_wait3A_115, %add3A_111] : memref<8x560000xf32, #tpu.memory_space<hbm>> -> memref<8x1792xf32, #tpu.memory_space<hbm>>
        %dma_wait3A_117 = arith.constant 0 : i32
        %dma_wait3A_118 = tpu.memref_slice %arg3[%dma_wait3A_117, %add3A_111] : memref<8x560000xf32, #tpu.memory_space<hbm>> -> memref<8x1792xf32, #tpu.memory_space<hbm>>
        tpu.wait_dma2 semaphore(%arg16 : memref<!tpu.dma_semaphore, #tpu.memory_space<semaphore_mem>>) src(%dma_wait3A_118 : memref<8x1792xf32, #tpu.memory_space<hbm>>) dst(%arg10 : memref<8x1792xf32, #tpu.memory_space<vmem>>)
        %scan3A = arith.constant 0 : i32
        %scan3A_119 = arith.constant 32 : i32
        %scan3A_120 = arith.addi %scan3A, %scan3A_119 : i32
        %scan3A_121 = arith.constant 1 : i32
        scf.for %scan3A_129 = %scan3A to %scan3A_120 step %scan3A_121  : i32 {
          %jit3A_130 = arith.constant 2 : i32
          %div3A_131 = arith.divsi %scan3A_129, %jit3A_130 : i32
          %sign3A_132 = arith.constant 0 : i32
          %sign3A_133 = arith.cmpi sgt, %scan3A_129, %sign3A_132 : i32
          %sign3A_134 = arith.extui %sign3A_133 : i1 to i32
          %sign3A_135 = arith.constant 0 : i32
          %sign3A_136 = arith.cmpi slt, %scan3A_129, %sign3A_135 : i32
          %sign3A_137 = arith.extui %sign3A_136 : i1 to i32
          %sign3A_138 = arith.subi %sign3A_134, %sign3A_137 : i32
          %sign3A_139 = arith.constant 0 : i32
          %sign3A_140 = arith.cmpi sgt, %jit3A_130, %sign3A_139 : i32
          %sign3A_141 = arith.extui %sign3A_140 : i1 to i32
          %sign3A_142 = arith.constant 0 : i32
          %sign3A_143 = arith.cmpi slt, %jit3A_130, %sign3A_142 : i32
          %sign3A_144 = arith.extui %sign3A_143 : i1 to i32
          %sign3A_145 = arith.subi %sign3A_141, %sign3A_144 : i32
          %ne3A_146 = arith.cmpi ne, %sign3A_138, %sign3A_145 : i32
          %rem3A_147 = arith.remsi %scan3A_129, %jit3A_130 : i32
          %ne3A_148 = arith.constant 0 : i32
          %ne3A_149 = arith.cmpi ne, %rem3A_147, %ne3A_148 : i32
          %and3A_150 = arith.andi %ne3A_146, %ne3A_149 : i1
          %sub3A_151 = arith.constant 1 : i32
          %sub3A_152 = arith.subi %div3A_131, %sub3A_151 : i32
          %select_n3A_153 = arith.select %and3A_150, %sub3A_152, %div3A_131 : i32
          %jit3A_154 = arith.constant 8 : i32
          %eq3A_155 = arith.constant 0 : i32
          %eq3A_156 = arith.cmpi eq, %jit3A_154, %eq3A_155 : i32
          %jit3A_157 = arith.constant 1 : i32
          %select_n3A_158 = arith.select %eq3A_156, %jit3A_157, %jit3A_154 : i32
          %rem3A_159 = arith.remsi %select_n3A_153, %select_n3A_158 : i32
          %ne3A_160 = arith.constant 0 : i32
          %ne3A_161 = arith.cmpi ne, %rem3A_159, %ne3A_160 : i32
          %lt3A_162 = arith.constant 0 : i32
          %lt3A_163 = arith.cmpi slt, %rem3A_159, %lt3A_162 : i32
          %lt3A_164 = arith.constant 0 : i32
          %lt3A_165 = arith.cmpi slt, %select_n3A_158, %lt3A_164 : i32
          %ne3A_166 = arith.xori %lt3A_163, %lt3A_165 : i1
          %and3A_167 = arith.andi %ne3A_166, %ne3A_161 : i1
          %add3A_168 = arith.addi %rem3A_159, %select_n3A_158 : i32
          %select_n3A_169 = arith.select %and3A_167, %add3A_168, %rem3A_159 : i32
          %jit3A_170 = arith.constant 16 : i32
          %div3A_171 = arith.divsi %scan3A_129, %jit3A_170 : i32
          %sign3A_172 = arith.constant 0 : i32
          %sign3A_173 = arith.cmpi sgt, %scan3A_129, %sign3A_172 : i32
          %sign3A_174 = arith.extui %sign3A_173 : i1 to i32
          %sign3A_175 = arith.constant 0 : i32
          %sign3A_176 = arith.cmpi slt, %scan3A_129, %sign3A_175 : i32
          %sign3A_177 = arith.extui %sign3A_176 : i1 to i32
          %sign3A_178 = arith.subi %sign3A_174, %sign3A_177 : i32
          %sign3A_179 = arith.constant 0 : i32
          %sign3A_180 = arith.cmpi sgt, %jit3A_170, %sign3A_179 : i32
          %sign3A_181 = arith.extui %sign3A_180 : i1 to i32
          %sign3A_182 = arith.constant 0 : i32
          %sign3A_183 = arith.cmpi slt, %jit3A_170, %sign3A_182 : i32
          %sign3A_184 = arith.extui %sign3A_183 : i1 to i32
          %sign3A_185 = arith.subi %sign3A_181, %sign3A_184 : i32
          %ne3A_186 = arith.cmpi ne, %sign3A_178, %sign3A_185 : i32
          %rem3A_187 = arith.remsi %scan3A_129, %jit3A_170 : i32
          %ne3A_188 = arith.constant 0 : i32
          %ne3A_189 = arith.cmpi ne, %rem3A_187, %ne3A_188 : i32
          %and3A_190 = arith.andi %ne3A_186, %ne3A_189 : i1
          %sub3A_191 = arith.constant 1 : i32
          %sub3A_192 = arith.subi %div3A_171, %sub3A_191 : i32
          %select_n3A_193 = arith.select %and3A_190, %sub3A_192, %div3A_171 : i32
          %jit3A_194 = arith.constant 2 : i32
          %eq3A_195 = arith.constant 0 : i32
          %eq3A_196 = arith.cmpi eq, %jit3A_194, %eq3A_195 : i32
          %jit3A_197 = arith.constant 1 : i32
          %select_n3A_198 = arith.select %eq3A_196, %jit3A_197, %jit3A_194 : i32
          %rem3A_199 = arith.remsi %scan3A_129, %select_n3A_198 : i32
          %ne3A_200 = arith.constant 0 : i32
          %ne3A_201 = arith.cmpi ne, %rem3A_199, %ne3A_200 : i32
          %lt3A_202 = arith.constant 0 : i32
          %lt3A_203 = arith.cmpi slt, %rem3A_199, %lt3A_202 : i32
          %lt3A_204 = arith.constant 0 : i32
          %lt3A_205 = arith.cmpi slt, %select_n3A_198, %lt3A_204 : i32
          %ne3A_206 = arith.xori %lt3A_203, %lt3A_205 : i1
          %and3A_207 = arith.andi %ne3A_206, %ne3A_201 : i1
          %add3A_208 = arith.addi %rem3A_199, %select_n3A_198 : i32
          %select_n3A_209 = arith.select %and3A_207, %add3A_208, %rem3A_199 : i32
          %mul3A_210 = arith.constant 16 : i32
          %mul3A_211 = arith.muli %select_n3A_209, %mul3A_210 : i32
          %mul3A_212 = arith.constant 128 : i32
          %mul3A_213 = arith.muli %select_n3A_105, %mul3A_212 : i32
          %add3A_214 = arith.constant 0 : i32
          %add3A_215 = arith.addi %mul3A_213, %add3A_214 : i32
          %mul3A_216 = arith.constant 128 : i32
          %mul3A_217 = arith.muli %select_n3A_105, %mul3A_216 : i32
          %add3A_218 = arith.constant 0 : i32
          %add3A_219 = arith.addi %mul3A_217, %add3A_218 : i32
          %iota3A = tpu.iota {dimensions = array<i32: 0>} : vector<16xi32>
          %broadcast_in_dim3A = vector.broadcast %select_n3A_169 : i32 to vector<16xi32>
          %mul3A_220 = arith.constant 32 : i32
          %mul3A_221 = arith.muli %select_n3A_193, %mul3A_220 : i32
          %add3A_222 = arith.addi %mul3A_221, %mul3A_211 : i32
          %mul3A_223 = arith.constant 28 : i32
          %mul3A_224 = arith.muli %add3A_222, %mul3A_223 : i32
          %mul3A_225 = arith.constant 28 : i32
          %mul3A_226 = vector.broadcast %mul3A_225 : i32 to vector<16xi32>
          %mul3A_227 = arith.muli %iota3A, %mul3A_226 : vector<16xi32>
          %add3A_228 = vector.broadcast %mul3A_224 : i32 to vector<16xi32>
          %add3A_229 = arith.addi %add3A_228, %mul3A_227 : vector<16xi32>
          %add3A_230 = arith.constant 0 : i32
          %add3A_231 = vector.broadcast %add3A_230 : i32 to vector<16xi32>
          %add3A_232 = arith.addi %add3A_229, %add3A_231 : vector<16xi32>
          %gather3A = tpu.vector_load_idx %arg8[%broadcast_in_dim3A, %add3A_232] : memref<8x1792xf32, #tpu.memory_space<vmem>>[vector<16xi32>, vector<16xi32>], vector<16xf32>,
          %add3A_233 = arith.constant 1 : i32
          %add3A_234 = vector.broadcast %add3A_233 : i32 to vector<16xi32>
          %add3A_235 = arith.addi %add3A_229, %add3A_234 : vector<16xi32>
          %gather3A_236 = tpu.vector_load_idx %arg8[%broadcast_in_dim3A, %add3A_235] : memref<8x1792xf32, #tpu.memory_space<vmem>>[vector<16xi32>, vector<16xi32>], vector<16xf32>,
          %add3A_237 = arith.constant 2 : i32
          %add3A_238 = vector.broadcast %add3A_237 : i32 to vector<16xi32>
          %add3A_239 = arith.addi %add3A_229, %add3A_238 : vector<16xi32>
          %gather3A_240 = tpu.vector_load_idx %arg8[%broadcast_in_dim3A, %add3A_239] : memref<8x1792xf32, #tpu.memory_space<vmem>>[vector<16xi32>, vector<16xi32>], vector<16xf32>,
          %add3A_241 = arith.constant 3 : i32
          %add3A_242 = vector.broadcast %add3A_241 : i32 to vector<16xi32>
          %add3A_243 = arith.addi %add3A_229, %add3A_242 : vector<16xi32>
          %gather3A_244 = tpu.vector_load_idx %arg8[%broadcast_in_dim3A, %add3A_243] : memref<8x1792xf32, #tpu.memory_space<vmem>>[vector<16xi32>, vector<16xi32>], vector<16xf32>,
          %add3A_245 = arith.constant 4 : i32
          %add3A_246 = vector.broadcast %add3A_245 : i32 to vector<16xi32>
          %add3A_247 = arith.addi %add3A_229, %add3A_246 : vector<16xi32>
          %gather3A_248 = tpu.vector_load_idx %arg8[%broadcast_in_dim3A, %add3A_247] : memref<8x1792xf32, #tpu.memory_space<vmem>>[vector<16xi32>, vector<16xi32>], vector<16xf32>,
          %add3A_249 = arith.constant 5 : i32
          %add3A_250 = vector.broadcast %add3A_249 : i32 to vector<16xi32>
          %add3A_251 = arith.addi %add3A_229, %add3A_250 : vector<16xi32>
          %gather3A_252 = tpu.vector_load_idx %arg8[%broadcast_in_dim3A, %add3A_251] : memref<8x1792xf32, #tpu.memory_space<vmem>>[vector<16xi32>, vector<16xi32>], vector<16xf32>,
          %add3A_253 = arith.constant 6 : i32
          %add3A_254 = vector.broadcast %add3A_253 : i32 to vector<16xi32>
          %add3A_255 = arith.addi %add3A_229, %add3A_254 : vector<16xi32>
          %gather3A_256 = tpu.vector_load_idx %arg8[%broadcast_in_dim3A, %add3A_255] : memref<8x1792xf32, #tpu.memory_space<vmem>>[vector<16xi32>, vector<16xi32>], vector<16xf32>,
          %add3A_257 = arith.constant 7 : i32
          %add3A_258 = vector.broadcast %add3A_257 : i32 to vector<16xi32>
          %add3A_259 = arith.addi %add3A_229, %add3A_258 : vector<16xi32>
          %gather3A_260 = tpu.vector_load_idx %arg8[%broadcast_in_dim3A, %add3A_259] : memref<8x1792xf32, #tpu.memory_space<vmem>>[vector<16xi32>, vector<16xi32>], vector<16xf32>,
          %add3A_261 = arith.constant 8 : i32
          %add3A_262 = vector.broadcast %add3A_261 : i32 to vector<16xi32>
          %add3A_263 = arith.addi %add3A_229, %add3A_262 : vector<16xi32>
          %gather3A_264 = tpu.vector_load_idx %arg8[%broadcast_in_dim3A, %add3A_263] : memref<8x1792xf32, #tpu.memory_space<vmem>>[vector<16xi32>, vector<16xi32>], vector<16xf32>,
          %add3A_265 = arith.constant 9 : i32
          %add3A_266 = vector.broadcast %add3A_265 : i32 to vector<16xi32>
          %add3A_267 = arith.addi %add3A_229, %add3A_266 : vector<16xi32>
          %gather3A_268 = tpu.vector_load_idx %arg8[%broadcast_in_dim3A, %add3A_267] : memref<8x1792xf32, #tpu.memory_space<vmem>>[vector<16xi32>, vector<16xi32>], vector<16xf32>,
          %add3A_269 = arith.constant 10 : i32
          %add3A_270 = vector.broadcast %add3A_269 : i32 to vector<16xi32>
          %add3A_271 = arith.addi %add3A_229, %add3A_270 : vector<16xi32>
          %gather3A_272 = tpu.vector_load_idx %arg8[%broadcast_in_dim3A, %add3A_271] : memref<8x1792xf32, #tpu.memory_space<vmem>>[vector<16xi32>, vector<16xi32>], vector<16xf32>,
          %add3A_273 = arith.constant 11 : i32
          %add3A_274 = vector.broadcast %add3A_273 : i32 to vector<16xi32>
          %add3A_275 = arith.addi %add3A_229, %add3A_274 : vector<16xi32>
          %gather3A_276 = tpu.vector_load_idx %arg8[%broadcast_in_dim3A, %add3A_275] : memref<8x1792xf32, #tpu.memory_space<vmem>>[vector<16xi32>, vector<16xi32>], vector<16xf32>,
          %add3A_277 = arith.constant 12 : i32
          %add3A_278 = vector.broadcast %add3A_277 : i32 to vector<16xi32>
          %add3A_279 = arith.addi %add3A_229, %add3A_278 : vector<16xi32>
          %gather3A_280 = tpu.vector_load_idx %arg8[%broadcast_in_dim3A, %add3A_279] : memref<8x1792xf32, #tpu.memory_space<vmem>>[vector<16xi32>, vector<16xi32>], vector<16xf32>,
          %add3A_281 = arith.constant 13 : i32
          %add3A_282 = vector.broadcast %add3A_281 : i32 to vector<16xi32>
          %add3A_283 = arith.addi %add3A_229, %add3A_282 : vector<16xi32>
          %gather3A_284 = tpu.vector_load_idx %arg8[%broadcast_in_dim3A, %add3A_283] : memref<8x1792xf32, #tpu.memory_space<vmem>>[vector<16xi32>, vector<16xi32>], vector<16xf32>,
          %add3A_285 = arith.constant 14 : i32
          %add3A_286 = vector.broadcast %add3A_285 : i32 to vector<16xi32>
          %add3A_287 = arith.addi %add3A_229, %add3A_286 : vector<16xi32>
          %gather3A_288 = tpu.vector_load_idx %arg8[%broadcast_in_dim3A, %add3A_287] : memref<8x1792xf32, #tpu.memory_space<vmem>>[vector<16xi32>, vector<16xi32>], vector<16xf32>,
          %add3A_289 = arith.constant 15 : i32
          %add3A_290 = vector.broadcast %add3A_289 : i32 to vector<16xi32>
          %add3A_291 = arith.addi %add3A_229, %add3A_290 : vector<16xi32>
          %gather3A_292 = tpu.vector_load_idx %arg8[%broadcast_in_dim3A, %add3A_291] : memref<8x1792xf32, #tpu.memory_space<vmem>>[vector<16xi32>, vector<16xi32>], vector<16xf32>,
          %add3A_293 = arith.constant 16 : i32
          %add3A_294 = vector.broadcast %add3A_293 : i32 to vector<16xi32>
          %add3A_295 = arith.addi %add3A_229, %add3A_294 : vector<16xi32>
          %gather3A_296 = tpu.vector_load_idx %arg8[%broadcast_in_dim3A, %add3A_295] : memref<8x1792xf32, #tpu.memory_space<vmem>>[vector<16xi32>, vector<16xi32>], vector<16xf32>,
          %add3A_297 = arith.constant 17 : i32
          %add3A_298 = vector.broadcast %add3A_297 : i32 to vector<16xi32>
          %add3A_299 = arith.addi %add3A_229, %add3A_298 : vector<16xi32>
          %gather3A_300 = tpu.vector_load_idx %arg8[%broadcast_in_dim3A, %add3A_299] : memref<8x1792xf32, #tpu.memory_space<vmem>>[vector<16xi32>, vector<16xi32>], vector<16xf32>,
          %add3A_301 = arith.constant 18 : i32
          %add3A_302 = vector.broadcast %add3A_301 : i32 to vector<16xi32>
          %add3A_303 = arith.addi %add3A_229, %add3A_302 : vector<16xi32>
          %gather3A_304 = tpu.vector_load_idx %arg8[%broadcast_in_dim3A, %add3A_303] : memref<8x1792xf32, #tpu.memory_space<vmem>>[vector<16xi32>, vector<16xi32>], vector<16xf32>,
          %add3A_305 = arith.constant 19 : i32
          %add3A_306 = vector.broadcast %add3A_305 : i32 to vector<16xi32>
          %add3A_307 = arith.addi %add3A_229, %add3A_306 : vector<16xi32>
          %gather3A_308 = tpu.vector_load_idx %arg8[%broadcast_in_dim3A, %add3A_307] : memref<8x1792xf32, #tpu.memory_space<vmem>>[vector<16xi32>, vector<16xi32>], vector<16xf32>,
          %add3A_309 = arith.constant 20 : i32
          %add3A_310 = vector.broadcast %add3A_309 : i32 to vector<16xi32>
          %add3A_311 = arith.addi %add3A_229, %add3A_310 : vector<16xi32>
          %gather3A_312 = tpu.vector_load_idx %arg8[%broadcast_in_dim3A, %add3A_311] : memref<8x1792xf32, #tpu.memory_space<vmem>>[vector<16xi32>, vector<16xi32>], vector<16xf32>,
          %add3A_313 = arith.constant 21 : i32
          %add3A_314 = vector.broadcast %add3A_313 : i32 to vector<16xi32>
          %add3A_315 = arith.addi %add3A_229, %add3A_314 : vector<16xi32>
          %gather3A_316 = tpu.vector_load_idx %arg8[%broadcast_in_dim3A, %add3A_315] : memref<8x1792xf32, #tpu.memory_space<vmem>>[vector<16xi32>, vector<16xi32>], vector<16xf32>,
          %add3A_317 = arith.constant 22 : i32
          %add3A_318 = vector.broadcast %add3A_317 : i32 to vector<16xi32>
          %add3A_319 = arith.addi %add3A_229, %add3A_318 : vector<16xi32>
          %gather3A_320 = tpu.vector_load_idx %arg8[%broadcast_in_dim3A, %add3A_319] : memref<8x1792xf32, #tpu.memory_space<vmem>>[vector<16xi32>, vector<16xi32>], vector<16xf32>,
          %add3A_321 = arith.constant 23 : i32
          %add3A_322 = vector.broadcast %add3A_321 : i32 to vector<16xi32>
          %add3A_323 = arith.addi %add3A_229, %add3A_322 : vector<16xi32>
          %gather3A_324 = tpu.vector_load_idx %arg8[%broadcast_in_dim3A, %add3A_323] : memref<8x1792xf32, #tpu.memory_space<vmem>>[vector<16xi32>, vector<16xi32>], vector<16xf32>,
          %add3A_325 = arith.constant 24 : i32
          %add3A_326 = vector.broadcast %add3A_325 : i32 to vector<16xi32>
          %add3A_327 = arith.addi %add3A_229, %add3A_326 : vector<16xi32>
          %gather3A_328 = tpu.vector_load_idx %arg8[%broadcast_in_dim3A, %add3A_327] : memref<8x1792xf32, #tpu.memory_space<vmem>>[vector<16xi32>, vector<16xi32>], vector<16xf32>,
          %add3A_329 = arith.constant 25 : i32
          %add3A_330 = vector.broadcast %add3A_329 : i32 to vector<16xi32>
          %add3A_331 = arith.addi %add3A_229, %add3A_330 : vector<16xi32>
          %gather3A_332 = tpu.vector_load_idx %arg8[%broadcast_in_dim3A, %add3A_331] : memref<8x1792xf32, #tpu.memory_space<vmem>>[vector<16xi32>, vector<16xi32>], vector<16xf32>,
          %add3A_333 = arith.constant 26 : i32
          %add3A_334 = vector.broadcast %add3A_333 : i32 to vector<16xi32>
          %add3A_335 = arith.addi %add3A_229, %add3A_334 : vector<16xi32>
          %gather3A_336 = tpu.vector_load_idx %arg8[%broadcast_in_dim3A, %add3A_335] : memref<8x1792xf32, #tpu.memory_space<vmem>>[vector<16xi32>, vector<16xi32>], vector<16xf32>,
          %add3A_337 = arith.constant 27 : i32
          %add3A_338 = vector.broadcast %add3A_337 : i32 to vector<16xi32>
          %add3A_339 = arith.addi %add3A_229, %add3A_338 : vector<16xi32>
          %gather3A_340 = tpu.vector_load_idx %arg8[%broadcast_in_dim3A, %add3A_339] : memref<8x1792xf32, #tpu.memory_space<vmem>>[vector<16xi32>, vector<16xi32>], vector<16xf32>,
          %exp3A = math.exp %gather3A : vector<16xf32>
          %exp3A_341 = math.exp %gather3A_236 : vector<16xf32>
          %exp3A_342 = math.exp %gather3A_240 : vector<16xf32>
          %exp3A_343 = math.exp %gather3A_244 : vector<16xf32>
          %exp3A_344 = math.exp %gather3A_248 : vector<16xf32>
          %exp3A_345 = math.exp %gather3A_252 : vector<16xf32>
          %exp3A_346 = math.exp %gather3A_256 : vector<16xf32>
          %broadcast_in_dim3A_347 = arith.constant 0.000000e+00 : f32
          %broadcast_in_dim3A_348 = vector.broadcast %broadcast_in_dim3A_347 : f32 to vector<16xf32>
          %broadcast_in_dim3A_349 = arith.constant 0.000000e+00 : f32
          %broadcast_in_dim3A_350 = vector.broadcast %broadcast_in_dim3A_349 : f32 to vector<16xf32>
          %broadcast_in_dim3A_351 = arith.constant 0.000000e+00 : f32
          %broadcast_in_dim3A_352 = vector.broadcast %broadcast_in_dim3A_351 : f32 to vector<16xf32>
          %gt3A = arith.cmpf ogt, %exp3A_341, %exp3A : vector<16xf32>
          %gt3A_353 = arith.cmpf ogt, %exp3A_341, %broadcast_in_dim3A_350 : vector<16xf32>
          %select_n3A_354 = arith.select %gt3A_353, %exp3A_341, %broadcast_in_dim3A_350 : vector<16xi1>, vector<16xf32>
          %select_n3A_355 = arith.select %gt3A, %exp3A, %select_n3A_354 : vector<16xi1>, vector<16xf32>
          %jit3A_356 = arith.constant 1.000000e+00 : f32
          %broadcast_in_dim3A_357 = vector.broadcast %jit3A_356 : f32 to vector<16xf32>
          %select_n3A_358 = arith.select %gt3A_353, %broadcast_in_dim3A_357, %broadcast_in_dim3A_352 : vector<16xi1>, vector<16xf32>
          %select_n3A_359 = arith.select %gt3A, %broadcast_in_dim3A_348, %select_n3A_358 : vector<16xi1>, vector<16xf32>
          %max3A = arith.maximumf %exp3A_341, %exp3A : vector<16xf32>
          %jit3A_360 = arith.constant 1.000000e+00 : f32
          %broadcast_in_dim3A_361 = vector.broadcast %jit3A_360 : f32 to vector<16xf32>
          %select_n3A_362 = arith.select %gt3A, %broadcast_in_dim3A_361, %broadcast_in_dim3A_348 : vector<16xi1>, vector<16xf32>
          %add3A_363 = arith.addf %exp3A, %exp3A_341 : vector<16xf32>
          %gt3A_364 = arith.cmpf ogt, %exp3A_342, %max3A : vector<16xf32>
          %gt3A_365 = arith.cmpf ogt, %exp3A_342, %select_n3A_355 : vector<16xf32>
          %select_n3A_366 = arith.select %gt3A_365, %exp3A_342, %select_n3A_355 : vector<16xi1>, vector<16xf32>
          %select_n3A_367 = arith.select %gt3A_364, %max3A, %select_n3A_366 : vector<16xi1>, vector<16xf32>
          %jit3A_368 = arith.constant 2.000000e+00 : f32
          %broadcast_in_dim3A_369 = vector.broadcast %jit3A_368 : f32 to vector<16xf32>
          %select_n3A_370 = arith.select %gt3A_365, %broadcast_in_dim3A_369, %select_n3A_359 : vector<16xi1>, vector<16xf32>
          %select_n3A_371 = arith.select %gt3A_364, %select_n3A_362, %select_n3A_370 : vector<16xi1>, vector<16xf32>
          %max3A_372 = arith.maximumf %exp3A_342, %max3A : vector<16xf32>
          %jit3A_373 = arith.constant 2.000000e+00 : f32
          %broadcast_in_dim3A_374 = vector.broadcast %jit3A_373 : f32 to vector<16xf32>
          %select_n3A_375 = arith.select %gt3A_364, %broadcast_in_dim3A_374, %select_n3A_362 : vector<16xi1>, vector<16xf32>
          %add3A_376 = arith.addf %add3A_363, %exp3A_342 : vector<16xf32>
          %gt3A_377 = arith.cmpf ogt, %exp3A_343, %max3A_372 : vector<16xf32>
          %gt3A_378 = arith.cmpf ogt, %exp3A_343, %select_n3A_367 : vector<16xf32>
          %select_n3A_379 = arith.select %gt3A_378, %exp3A_343, %select_n3A_367 : vector<16xi1>, vector<16xf32>
          %select_n3A_380 = arith.select %gt3A_377, %max3A_372, %select_n3A_379 : vector<16xi1>, vector<16xf32>
          %jit3A_381 = arith.constant 3.000000e+00 : f32
          %broadcast_in_dim3A_382 = vector.broadcast %jit3A_381 : f32 to vector<16xf32>
          %select_n3A_383 = arith.select %gt3A_378, %broadcast_in_dim3A_382, %select_n3A_371 : vector<16xi1>, vector<16xf32>
          %select_n3A_384 = arith.select %gt3A_377, %select_n3A_375, %select_n3A_383 : vector<16xi1>, vector<16xf32>
          %max3A_385 = arith.maximumf %exp3A_343, %max3A_372 : vector<16xf32>
          %jit3A_386 = arith.constant 3.000000e+00 : f32
          %broadcast_in_dim3A_387 = vector.broadcast %jit3A_386 : f32 to vector<16xf32>
          %select_n3A_388 = arith.select %gt3A_377, %broadcast_in_dim3A_387, %select_n3A_375 : vector<16xi1>, vector<16xf32>
          %add3A_389 = arith.addf %add3A_376, %exp3A_343 : vector<16xf32>
          %gt3A_390 = arith.cmpf ogt, %exp3A_344, %max3A_385 : vector<16xf32>
          %gt3A_391 = arith.cmpf ogt, %exp3A_344, %select_n3A_380 : vector<16xf32>
          %select_n3A_392 = arith.select %gt3A_391, %exp3A_344, %select_n3A_380 : vector<16xi1>, vector<16xf32>
          %select_n3A_393 = arith.select %gt3A_390, %max3A_385, %select_n3A_392 : vector<16xi1>, vector<16xf32>
          %jit3A_394 = arith.constant 4.000000e+00 : f32
          %broadcast_in_dim3A_395 = vector.broadcast %jit3A_394 : f32 to vector<16xf32>
          %select_n3A_396 = arith.select %gt3A_391, %broadcast_in_dim3A_395, %select_n3A_384 : vector<16xi1>, vector<16xf32>
          %select_n3A_397 = arith.select %gt3A_390, %select_n3A_388, %select_n3A_396 : vector<16xi1>, vector<16xf32>
          %max3A_398 = arith.maximumf %exp3A_344, %max3A_385 : vector<16xf32>
          %jit3A_399 = arith.constant 4.000000e+00 : f32
          %broadcast_in_dim3A_400 = vector.broadcast %jit3A_399 : f32 to vector<16xf32>
          %select_n3A_401 = arith.select %gt3A_390, %broadcast_in_dim3A_400, %select_n3A_388 : vector<16xi1>, vector<16xf32>
          %add3A_402 = arith.addf %add3A_389, %exp3A_344 : vector<16xf32>
          %gt3A_403 = arith.cmpf ogt, %exp3A_345, %max3A_398 : vector<16xf32>
          %gt3A_404 = arith.cmpf ogt, %exp3A_345, %select_n3A_393 : vector<16xf32>
          %select_n3A_405 = arith.select %gt3A_404, %exp3A_345, %select_n3A_393 : vector<16xi1>, vector<16xf32>
          %select_n3A_406 = arith.select %gt3A_403, %max3A_398, %select_n3A_405 : vector<16xi1>, vector<16xf32>
          %jit3A_407 = arith.constant 5.000000e+00 : f32
          %broadcast_in_dim3A_408 = vector.broadcast %jit3A_407 : f32 to vector<16xf32>
          %select_n3A_409 = arith.select %gt3A_404, %broadcast_in_dim3A_408, %select_n3A_397 : vector<16xi1>, vector<16xf32>
          %select_n3A_410 = arith.select %gt3A_403, %select_n3A_401, %select_n3A_409 : vector<16xi1>, vector<16xf32>
          %max3A_411 = arith.maximumf %exp3A_345, %max3A_398 : vector<16xf32>
          %jit3A_412 = arith.constant 5.000000e+00 : f32
          %broadcast_in_dim3A_413 = vector.broadcast %jit3A_412 : f32 to vector<16xf32>
          %select_n3A_414 = arith.select %gt3A_403, %broadcast_in_dim3A_413, %select_n3A_401 : vector<16xi1>, vector<16xf32>
          %add3A_415 = arith.addf %add3A_402, %exp3A_345 : vector<16xf32>
          %gt3A_416 = arith.cmpf ogt, %exp3A_346, %max3A_411 : vector<16xf32>
          %gt3A_417 = arith.cmpf ogt, %exp3A_346, %select_n3A_406 : vector<16xf32>
          %select_n3A_418 = arith.select %gt3A_417, %exp3A_346, %select_n3A_406 : vector<16xi1>, vector<16xf32>
          %select_n3A_419 = arith.select %gt3A_416, %max3A_411, %select_n3A_418 : vector<16xi1>, vector<16xf32>
          %jit3A_420 = arith.constant 6.000000e+00 : f32
          %broadcast_in_dim3A_421 = vector.broadcast %jit3A_420 : f32 to vector<16xf32>
          %select_n3A_422 = arith.select %gt3A_417, %broadcast_in_dim3A_421, %select_n3A_410 : vector<16xi1>, vector<16xf32>
          %select_n3A_423 = arith.select %gt3A_416, %select_n3A_414, %select_n3A_422 : vector<16xi1>, vector<16xf32>
          %max3A_424 = arith.maximumf %exp3A_346, %max3A_411 : vector<16xf32>
          %jit3A_425 = arith.constant 6.000000e+00 : f32
          %broadcast_in_dim3A_426 = vector.broadcast %jit3A_425 : f32 to vector<16xf32>
          %select_n3A_427 = arith.select %gt3A_416, %broadcast_in_dim3A_426, %select_n3A_414 : vector<16xi1>, vector<16xf32>
          %add3A_428 = arith.addf %add3A_415, %exp3A_346 : vector<16xf32>
          %convert_element_type3A_429 = arith.fptosi %select_n3A_427 : vector<16xf32> to vector<16xi32>
          %add3A_430 = arith.constant 0 : i32
          %add3A_431 = vector.broadcast %add3A_430 : i32 to vector<16xi32>
          %add3A_432 = arith.addi %add3A_229, %add3A_431 : vector<16xi32>
          %add3A_433 = arith.addi %add3A_432, %convert_element_type3A_429 : vector<16xi32>
          %gather3A_434 = tpu.vector_load_idx %arg10[%broadcast_in_dim3A, %add3A_433] : memref<8x1792xf32, #tpu.memory_space<vmem>>[vector<16xi32>, vector<16xi32>], vector<16xf32>,
          %div3A_435 = arith.constant 1.000000e+00 : f32
          %div3A_436 = vector.broadcast %div3A_435 : f32 to vector<16xf32>
          %div3A_437 = arith.divf %div3A_436, %add3A_428 : vector<16xf32>
          %mul3A_438 = arith.mulf %max3A_424, %div3A_437 : vector<16xf32>
          %mul3A_439 = arith.mulf %select_n3A_419, %div3A_437 : vector<16xf32>
          %sub3A_440 = arith.subf %select_n3A_427, %select_n3A_423 : vector<16xf32>
          %abs3A = math.absf %sub3A_440 : vector<16xf32>
          %sub3A_441 = arith.constant 1.000000e+00 : f32
          %sub3A_442 = vector.broadcast %sub3A_441 : f32 to vector<16xf32>
          %sub3A_443 = arith.subf %abs3A, %sub3A_442 : vector<16xf32>
          %mul3A_444 = arith.mulf %mul3A_439, %sub3A_443 : vector<16xf32>
          %add3A_445 = arith.addf %mul3A_438, %mul3A_444 : vector<16xf32>
          %exp3A_446 = math.exp %gather3A_260 : vector<16xf32>
          %exp3A_447 = math.exp %gather3A_264 : vector<16xf32>
          %exp3A_448 = math.exp %gather3A_268 : vector<16xf32>
          %exp3A_449 = math.exp %gather3A_272 : vector<16xf32>
          %exp3A_450 = math.exp %gather3A_276 : vector<16xf32>
          %exp3A_451 = math.exp %gather3A_280 : vector<16xf32>
          %exp3A_452 = math.exp %gather3A_284 : vector<16xf32>
          %broadcast_in_dim3A_453 = arith.constant 0.000000e+00 : f32
          %broadcast_in_dim3A_454 = vector.broadcast %broadcast_in_dim3A_453 : f32 to vector<16xf32>
          %broadcast_in_dim3A_455 = arith.constant 0.000000e+00 : f32
          %broadcast_in_dim3A_456 = vector.broadcast %broadcast_in_dim3A_455 : f32 to vector<16xf32>
          %broadcast_in_dim3A_457 = arith.constant 0.000000e+00 : f32
          %broadcast_in_dim3A_458 = vector.broadcast %broadcast_in_dim3A_457 : f32 to vector<16xf32>
          %gt3A_459 = arith.cmpf ogt, %exp3A_447, %exp3A_446 : vector<16xf32>
          %gt3A_460 = arith.cmpf ogt, %exp3A_447, %broadcast_in_dim3A_456 : vector<16xf32>
          %select_n3A_461 = arith.select %gt3A_460, %exp3A_447, %broadcast_in_dim3A_456 : vector<16xi1>, vector<16xf32>
          %select_n3A_462 = arith.select %gt3A_459, %exp3A_446, %select_n3A_461 : vector<16xi1>, vector<16xf32>
          %jit3A_463 = arith.constant 1.000000e+00 : f32
          %broadcast_in_dim3A_464 = vector.broadcast %jit3A_463 : f32 to vector<16xf32>
          %select_n3A_465 = arith.select %gt3A_460, %broadcast_in_dim3A_464, %broadcast_in_dim3A_458 : vector<16xi1>, vector<16xf32>
          %select_n3A_466 = arith.select %gt3A_459, %broadcast_in_dim3A_454, %select_n3A_465 : vector<16xi1>, vector<16xf32>
          %max3A_467 = arith.maximumf %exp3A_447, %exp3A_446 : vector<16xf32>
          %jit3A_468 = arith.constant 1.000000e+00 : f32
          %broadcast_in_dim3A_469 = vector.broadcast %jit3A_468 : f32 to vector<16xf32>
          %select_n3A_470 = arith.select %gt3A_459, %broadcast_in_dim3A_469, %broadcast_in_dim3A_454 : vector<16xi1>, vector<16xf32>
          %add3A_471 = arith.addf %exp3A_446, %exp3A_447 : vector<16xf32>
          %gt3A_472 = arith.cmpf ogt, %exp3A_448, %max3A_467 : vector<16xf32>
          %gt3A_473 = arith.cmpf ogt, %exp3A_448, %select_n3A_462 : vector<16xf32>
          %select_n3A_474 = arith.select %gt3A_473, %exp3A_448, %select_n3A_462 : vector<16xi1>, vector<16xf32>
          %select_n3A_475 = arith.select %gt3A_472, %max3A_467, %select_n3A_474 : vector<16xi1>, vector<16xf32>
          %jit3A_476 = arith.constant 2.000000e+00 : f32
          %broadcast_in_dim3A_477 = vector.broadcast %jit3A_476 : f32 to vector<16xf32>
          %select_n3A_478 = arith.select %gt3A_473, %broadcast_in_dim3A_477, %select_n3A_466 : vector<16xi1>, vector<16xf32>
          %select_n3A_479 = arith.select %gt3A_472, %select_n3A_470, %select_n3A_478 : vector<16xi1>, vector<16xf32>
          %max3A_480 = arith.maximumf %exp3A_448, %max3A_467 : vector<16xf32>
          %jit3A_481 = arith.constant 2.000000e+00 : f32
          %broadcast_in_dim3A_482 = vector.broadcast %jit3A_481 : f32 to vector<16xf32>
          %select_n3A_483 = arith.select %gt3A_472, %broadcast_in_dim3A_482, %select_n3A_470 : vector<16xi1>, vector<16xf32>
          %add3A_484 = arith.addf %add3A_471, %exp3A_448 : vector<16xf32>
          %gt3A_485 = arith.cmpf ogt, %exp3A_449, %max3A_480 : vector<16xf32>
          %gt3A_486 = arith.cmpf ogt, %exp3A_449, %select_n3A_475 : vector<16xf32>
          %select_n3A_487 = arith.select %gt3A_486, %exp3A_449, %select_n3A_475 : vector<16xi1>, vector<16xf32>
          %select_n3A_488 = arith.select %gt3A_485, %max3A_480, %select_n3A_487 : vector<16xi1>, vector<16xf32>
          %jit3A_489 = arith.constant 3.000000e+00 : f32
          %broadcast_in_dim3A_490 = vector.broadcast %jit3A_489 : f32 to vector<16xf32>
          %select_n3A_491 = arith.select %gt3A_486, %broadcast_in_dim3A_490, %select_n3A_479 : vector<16xi1>, vector<16xf32>
          %select_n3A_492 = arith.select %gt3A_485, %select_n3A_483, %select_n3A_491 : vector<16xi1>, vector<16xf32>
          %max3A_493 = arith.maximumf %exp3A_449, %max3A_480 : vector<16xf32>
          %jit3A_494 = arith.constant 3.000000e+00 : f32
          %broadcast_in_dim3A_495 = vector.broadcast %jit3A_494 : f32 to vector<16xf32>
          %select_n3A_496 = arith.select %gt3A_485, %broadcast_in_dim3A_495, %select_n3A_483 : vector<16xi1>, vector<16xf32>
          %add3A_497 = arith.addf %add3A_484, %exp3A_449 : vector<16xf32>
          %gt3A_498 = arith.cmpf ogt, %exp3A_450, %max3A_493 : vector<16xf32>
          %gt3A_499 = arith.cmpf ogt, %exp3A_450, %select_n3A_488 : vector<16xf32>
          %select_n3A_500 = arith.select %gt3A_499, %exp3A_450, %select_n3A_488 : vector<16xi1>, vector<16xf32>
          %select_n3A_501 = arith.select %gt3A_498, %max3A_493, %select_n3A_500 : vector<16xi1>, vector<16xf32>
          %jit3A_502 = arith.constant 4.000000e+00 : f32
          %broadcast_in_dim3A_503 = vector.broadcast %jit3A_502 : f32 to vector<16xf32>
          %select_n3A_504 = arith.select %gt3A_499, %broadcast_in_dim3A_503, %select_n3A_492 : vector<16xi1>, vector<16xf32>
          %select_n3A_505 = arith.select %gt3A_498, %select_n3A_496, %select_n3A_504 : vector<16xi1>, vector<16xf32>
          %max3A_506 = arith.maximumf %exp3A_450, %max3A_493 : vector<16xf32>
          %jit3A_507 = arith.constant 4.000000e+00 : f32
          %broadcast_in_dim3A_508 = vector.broadcast %jit3A_507 : f32 to vector<16xf32>
          %select_n3A_509 = arith.select %gt3A_498, %broadcast_in_dim3A_508, %select_n3A_496 : vector<16xi1>, vector<16xf32>
          %add3A_510 = arith.addf %add3A_497, %exp3A_450 : vector<16xf32>
          %gt3A_511 = arith.cmpf ogt, %exp3A_451, %max3A_506 : vector<16xf32>
          %gt3A_512 = arith.cmpf ogt, %exp3A_451, %select_n3A_501 : vector<16xf32>
          %select_n3A_513 = arith.select %gt3A_512, %exp3A_451, %select_n3A_501 : vector<16xi1>, vector<16xf32>
          %select_n3A_514 = arith.select %gt3A_511, %max3A_506, %select_n3A_513 : vector<16xi1>, vector<16xf32>
          %jit3A_515 = arith.constant 5.000000e+00 : f32
          %broadcast_in_dim3A_516 = vector.broadcast %jit3A_515 : f32 to vector<16xf32>
          %select_n3A_517 = arith.select %gt3A_512, %broadcast_in_dim3A_516, %select_n3A_505 : vector<16xi1>, vector<16xf32>
          %select_n3A_518 = arith.select %gt3A_511, %select_n3A_509, %select_n3A_517 : vector<16xi1>, vector<16xf32>
          %max3A_519 = arith.maximumf %exp3A_451, %max3A_506 : vector<16xf32>
          %jit3A_520 = arith.constant 5.000000e+00 : f32
          %broadcast_in_dim3A_521 = vector.broadcast %jit3A_520 : f32 to vector<16xf32>
          %select_n3A_522 = arith.select %gt3A_511, %broadcast_in_dim3A_521, %select_n3A_509 : vector<16xi1>, vector<16xf32>
          %add3A_523 = arith.addf %add3A_510, %exp3A_451 : vector<16xf32>
          %gt3A_524 = arith.cmpf ogt, %exp3A_452, %max3A_519 : vector<16xf32>
          %gt3A_525 = arith.cmpf ogt, %exp3A_452, %select_n3A_514 : vector<16xf32>
          %select_n3A_526 = arith.select %gt3A_525, %exp3A_452, %select_n3A_514 : vector<16xi1>, vector<16xf32>
          %select_n3A_527 = arith.select %gt3A_524, %max3A_519, %select_n3A_526 : vector<16xi1>, vector<16xf32>
          %jit3A_528 = arith.constant 6.000000e+00 : f32
          %broadcast_in_dim3A_529 = vector.broadcast %jit3A_528 : f32 to vector<16xf32>
          %select_n3A_530 = arith.select %gt3A_525, %broadcast_in_dim3A_529, %select_n3A_518 : vector<16xi1>, vector<16xf32>
          %select_n3A_531 = arith.select %gt3A_524, %select_n3A_522, %select_n3A_530 : vector<16xi1>, vector<16xf32>
          %max3A_532 = arith.maximumf %exp3A_452, %max3A_519 : vector<16xf32>
          %jit3A_533 = arith.constant 6.000000e+00 : f32
          %broadcast_in_dim3A_534 = vector.broadcast %jit3A_533 : f32 to vector<16xf32>
          %select_n3A_535 = arith.select %gt3A_524, %broadcast_in_dim3A_534, %select_n3A_522 : vector<16xi1>, vector<16xf32>
          %add3A_536 = arith.addf %add3A_523, %exp3A_452 : vector<16xf32>
          %convert_element_type3A_537 = arith.fptosi %select_n3A_535 : vector<16xf32> to vector<16xi32>
          %add3A_538 = arith.constant 7 : i32
          %add3A_539 = vector.broadcast %add3A_538 : i32 to vector<16xi32>
          %add3A_540 = arith.addi %add3A_229, %add3A_539 : vector<16xi32>
          %add3A_541 = arith.addi %add3A_540, %convert_element_type3A_537 : vector<16xi32>
          %gather3A_542 = tpu.vector_load_idx %arg10[%broadcast_in_dim3A, %add3A_541] : memref<8x1792xf32, #tpu.memory_space<vmem>>[vector<16xi32>, vector<16xi32>], vector<16xf32>,
          %div3A_543 = arith.constant 1.000000e+00 : f32
          %div3A_544 = vector.broadcast %div3A_543 : f32 to vector<16xf32>
          %div3A_545 = arith.divf %div3A_544, %add3A_536 : vector<16xf32>
          %mul3A_546 = arith.mulf %max3A_532, %div3A_545 : vector<16xf32>
          %mul3A_547 = arith.mulf %select_n3A_527, %div3A_545 : vector<16xf32>
          %sub3A_548 = arith.subf %select_n3A_535, %select_n3A_531 : vector<16xf32>
          %abs3A_549 = math.absf %sub3A_548 : vector<16xf32>
          %sub3A_550 = arith.constant 1.000000e+00 : f32
          %sub3A_551 = vector.broadcast %sub3A_550 : f32 to vector<16xf32>
          %sub3A_552 = arith.subf %abs3A_549, %sub3A_551 : vector<16xf32>
          %mul3A_553 = arith.mulf %mul3A_547, %sub3A_552 : vector<16xf32>
          %add3A_554 = arith.addf %mul3A_546, %mul3A_553 : vector<16xf32>
          %add3A_555 = arith.addf %add3A_445, %add3A_554 : vector<16xf32>
          %exp3A_556 = math.exp %gather3A_288 : vector<16xf32>
          %exp3A_557 = math.exp %gather3A_292 : vector<16xf32>
          %exp3A_558 = math.exp %gather3A_296 : vector<16xf32>
          %exp3A_559 = math.exp %gather3A_300 : vector<16xf32>
          %exp3A_560 = math.exp %gather3A_304 : vector<16xf32>
          %exp3A_561 = math.exp %gather3A_308 : vector<16xf32>
          %exp3A_562 = math.exp %gather3A_312 : vector<16xf32>
          %broadcast_in_dim3A_563 = arith.constant 0.000000e+00 : f32
          %broadcast_in_dim3A_564 = vector.broadcast %broadcast_in_dim3A_563 : f32 to vector<16xf32>
          %broadcast_in_dim3A_565 = arith.constant 0.000000e+00 : f32
          %broadcast_in_dim3A_566 = vector.broadcast %broadcast_in_dim3A_565 : f32 to vector<16xf32>
          %broadcast_in_dim3A_567 = arith.constant 0.000000e+00 : f32
          %broadcast_in_dim3A_568 = vector.broadcast %broadcast_in_dim3A_567 : f32 to vector<16xf32>
          %gt3A_569 = arith.cmpf ogt, %exp3A_557, %exp3A_556 : vector<16xf32>
          %gt3A_570 = arith.cmpf ogt, %exp3A_557, %broadcast_in_dim3A_566 : vector<16xf32>
          %select_n3A_571 = arith.select %gt3A_570, %exp3A_557, %broadcast_in_dim3A_566 : vector<16xi1>, vector<16xf32>
          %select_n3A_572 = arith.select %gt3A_569, %exp3A_556, %select_n3A_571 : vector<16xi1>, vector<16xf32>
          %jit3A_573 = arith.constant 1.000000e+00 : f32
          %broadcast_in_dim3A_574 = vector.broadcast %jit3A_573 : f32 to vector<16xf32>
          %select_n3A_575 = arith.select %gt3A_570, %broadcast_in_dim3A_574, %broadcast_in_dim3A_568 : vector<16xi1>, vector<16xf32>
          %select_n3A_576 = arith.select %gt3A_569, %broadcast_in_dim3A_564, %select_n3A_575 : vector<16xi1>, vector<16xf32>
          %max3A_577 = arith.maximumf %exp3A_557, %exp3A_556 : vector<16xf32>
          %jit3A_578 = arith.constant 1.000000e+00 : f32
          %broadcast_in_dim3A_579 = vector.broadcast %jit3A_578 : f32 to vector<16xf32>
          %select_n3A_580 = arith.select %gt3A_569, %broadcast_in_dim3A_579, %broadcast_in_dim3A_564 : vector<16xi1>, vector<16xf32>
          %add3A_581 = arith.addf %exp3A_556, %exp3A_557 : vector<16xf32>
          %gt3A_582 = arith.cmpf ogt, %exp3A_558, %max3A_577 : vector<16xf32>
          %gt3A_583 = arith.cmpf ogt, %exp3A_558, %select_n3A_572 : vector<16xf32>
          %select_n3A_584 = arith.select %gt3A_583, %exp3A_558, %select_n3A_572 : vector<16xi1>, vector<16xf32>
          %select_n3A_585 = arith.select %gt3A_582, %max3A_577, %select_n3A_584 : vector<16xi1>, vector<16xf32>
          %jit3A_586 = arith.constant 2.000000e+00 : f32
          %broadcast_in_dim3A_587 = vector.broadcast %jit3A_586 : f32 to vector<16xf32>
          %select_n3A_588 = arith.select %gt3A_583, %broadcast_in_dim3A_587, %select_n3A_576 : vector<16xi1>, vector<16xf32>
          %select_n3A_589 = arith.select %gt3A_582, %select_n3A_580, %select_n3A_588 : vector<16xi1>, vector<16xf32>
          %max3A_590 = arith.maximumf %exp3A_558, %max3A_577 : vector<16xf32>
          %jit3A_591 = arith.constant 2.000000e+00 : f32
          %broadcast_in_dim3A_592 = vector.broadcast %jit3A_591 : f32 to vector<16xf32>
          %select_n3A_593 = arith.select %gt3A_582, %broadcast_in_dim3A_592, %select_n3A_580 : vector<16xi1>, vector<16xf32>
          %add3A_594 = arith.addf %add3A_581, %exp3A_558 : vector<16xf32>
          %gt3A_595 = arith.cmpf ogt, %exp3A_559, %max3A_590 : vector<16xf32>
          %gt3A_596 = arith.cmpf ogt, %exp3A_559, %select_n3A_585 : vector<16xf32>
          %select_n3A_597 = arith.select %gt3A_596, %exp3A_559, %select_n3A_585 : vector<16xi1>, vector<16xf32>
          %select_n3A_598 = arith.select %gt3A_595, %max3A_590, %select_n3A_597 : vector<16xi1>, vector<16xf32>
          %jit3A_599 = arith.constant 3.000000e+00 : f32
          %broadcast_in_dim3A_600 = vector.broadcast %jit3A_599 : f32 to vector<16xf32>
          %select_n3A_601 = arith.select %gt3A_596, %broadcast_in_dim3A_600, %select_n3A_589 : vector<16xi1>, vector<16xf32>
          %select_n3A_602 = arith.select %gt3A_595, %select_n3A_593, %select_n3A_601 : vector<16xi1>, vector<16xf32>
          %max3A_603 = arith.maximumf %exp3A_559, %max3A_590 : vector<16xf32>
          %jit3A_604 = arith.constant 3.000000e+00 : f32
          %broadcast_in_dim3A_605 = vector.broadcast %jit3A_604 : f32 to vector<16xf32>
          %select_n3A_606 = arith.select %gt3A_595, %broadcast_in_dim3A_605, %select_n3A_593 : vector<16xi1>, vector<16xf32>
          %add3A_607 = arith.addf %add3A_594, %exp3A_559 : vector<16xf32>
          %gt3A_608 = arith.cmpf ogt, %exp3A_560, %max3A_603 : vector<16xf32>
          %gt3A_609 = arith.cmpf ogt, %exp3A_560, %select_n3A_598 : vector<16xf32>
          %select_n3A_610 = arith.select %gt3A_609, %exp3A_560, %select_n3A_598 : vector<16xi1>, vector<16xf32>
          %select_n3A_611 = arith.select %gt3A_608, %max3A_603, %select_n3A_610 : vector<16xi1>, vector<16xf32>
          %jit3A_612 = arith.constant 4.000000e+00 : f32
          %broadcast_in_dim3A_613 = vector.broadcast %jit3A_612 : f32 to vector<16xf32>
          %select_n3A_614 = arith.select %gt3A_609, %broadcast_in_dim3A_613, %select_n3A_602 : vector<16xi1>, vector<16xf32>
          %select_n3A_615 = arith.select %gt3A_608, %select_n3A_606, %select_n3A_614 : vector<16xi1>, vector<16xf32>
          %max3A_616 = arith.maximumf %exp3A_560, %max3A_603 : vector<16xf32>
          %jit3A_617 = arith.constant 4.000000e+00 : f32
          %broadcast_in_dim3A_618 = vector.broadcast %jit3A_617 : f32 to vector<16xf32>
          %select_n3A_619 = arith.select %gt3A_608, %broadcast_in_dim3A_618, %select_n3A_606 : vector<16xi1>, vector<16xf32>
          %add3A_620 = arith.addf %add3A_607, %exp3A_560 : vector<16xf32>
          %gt3A_621 = arith.cmpf ogt, %exp3A_561, %max3A_616 : vector<16xf32>
          %gt3A_622 = arith.cmpf ogt, %exp3A_561, %select_n3A_611 : vector<16xf32>
          %select_n3A_623 = arith.select %gt3A_622, %exp3A_561, %select_n3A_611 : vector<16xi1>, vector<16xf32>
          %select_n3A_624 = arith.select %gt3A_621, %max3A_616, %select_n3A_623 : vector<16xi1>, vector<16xf32>
          %jit3A_625 = arith.constant 5.000000e+00 : f32
          %broadcast_in_dim3A_626 = vector.broadcast %jit3A_625 : f32 to vector<16xf32>
          %select_n3A_627 = arith.select %gt3A_622, %broadcast_in_dim3A_626, %select_n3A_615 : vector<16xi1>, vector<16xf32>
          %select_n3A_628 = arith.select %gt3A_621, %select_n3A_619, %select_n3A_627 : vector<16xi1>, vector<16xf32>
          %max3A_629 = arith.maximumf %exp3A_561, %max3A_616 : vector<16xf32>
          %jit3A_630 = arith.constant 5.000000e+00 : f32
          %broadcast_in_dim3A_631 = vector.broadcast %jit3A_630 : f32 to vector<16xf32>
          %select_n3A_632 = arith.select %gt3A_621, %broadcast_in_dim3A_631, %select_n3A_619 : vector<16xi1>, vector<16xf32>
          %add3A_633 = arith.addf %add3A_620, %exp3A_561 : vector<16xf32>
          %gt3A_634 = arith.cmpf ogt, %exp3A_562, %max3A_629 : vector<16xf32>
          %gt3A_635 = arith.cmpf ogt, %exp3A_562, %select_n3A_624 : vector<16xf32>
          %select_n3A_636 = arith.select %gt3A_635, %exp3A_562, %select_n3A_624 : vector<16xi1>, vector<16xf32>
          %select_n3A_637 = arith.select %gt3A_634, %max3A_629, %select_n3A_636 : vector<16xi1>, vector<16xf32>
          %jit3A_638 = arith.constant 6.000000e+00 : f32
          %broadcast_in_dim3A_639 = vector.broadcast %jit3A_638 : f32 to vector<16xf32>
          %select_n3A_640 = arith.select %gt3A_635, %broadcast_in_dim3A_639, %select_n3A_628 : vector<16xi1>, vector<16xf32>
          %select_n3A_641 = arith.select %gt3A_634, %select_n3A_632, %select_n3A_640 : vector<16xi1>, vector<16xf32>
          %max3A_642 = arith.maximumf %exp3A_562, %max3A_629 : vector<16xf32>
          %jit3A_643 = arith.constant 6.000000e+00 : f32
          %broadcast_in_dim3A_644 = vector.broadcast %jit3A_643 : f32 to vector<16xf32>
          %select_n3A_645 = arith.select %gt3A_634, %broadcast_in_dim3A_644, %select_n3A_632 : vector<16xi1>, vector<16xf32>
          %add3A_646 = arith.addf %add3A_633, %exp3A_562 : vector<16xf32>
          %convert_element_type3A_647 = arith.fptosi %select_n3A_645 : vector<16xf32> to vector<16xi32>
          %add3A_648 = arith.constant 14 : i32
          %add3A_649 = vector.broadcast %add3A_648 : i32 to vector<16xi32>
          %add3A_650 = arith.addi %add3A_229, %add3A_649 : vector<16xi32>
          %add3A_651 = arith.addi %add3A_650, %convert_element_type3A_647 : vector<16xi32>
          %gather3A_652 = tpu.vector_load_idx %arg10[%broadcast_in_dim3A, %add3A_651] : memref<8x1792xf32, #tpu.memory_space<vmem>>[vector<16xi32>, vector<16xi32>], vector<16xf32>,
          %div3A_653 = arith.constant 1.000000e+00 : f32
          %div3A_654 = vector.broadcast %div3A_653 : f32 to vector<16xf32>
          %div3A_655 = arith.divf %div3A_654, %add3A_646 : vector<16xf32>
          %mul3A_656 = arith.mulf %max3A_642, %div3A_655 : vector<16xf32>
          %mul3A_657 = arith.mulf %select_n3A_637, %div3A_655 : vector<16xf32>
          %sub3A_658 = arith.subf %select_n3A_645, %select_n3A_641 : vector<16xf32>
          %abs3A_659 = math.absf %sub3A_658 : vector<16xf32>
          %sub3A_660 = arith.constant 1.000000e+00 : f32
          %sub3A_661 = vector.broadcast %sub3A_660 : f32 to vector<16xf32>
          %sub3A_662 = arith.subf %abs3A_659, %sub3A_661 : vector<16xf32>
          %mul3A_663 = arith.mulf %mul3A_657, %sub3A_662 : vector<16xf32>
          %add3A_664 = arith.addf %mul3A_656, %mul3A_663 : vector<16xf32>
          %add3A_665 = arith.addf %add3A_555, %add3A_664 : vector<16xf32>
          %exp3A_666 = math.exp %gather3A_316 : vector<16xf32>
          %exp3A_667 = math.exp %gather3A_320 : vector<16xf32>
          %exp3A_668 = math.exp %gather3A_324 : vector<16xf32>
          %exp3A_669 = math.exp %gather3A_328 : vector<16xf32>
          %exp3A_670 = math.exp %gather3A_332 : vector<16xf32>
          %exp3A_671 = math.exp %gather3A_336 : vector<16xf32>
          %exp3A_672 = math.exp %gather3A_340 : vector<16xf32>
          %broadcast_in_dim3A_673 = arith.constant 0.000000e+00 : f32
          %broadcast_in_dim3A_674 = vector.broadcast %broadcast_in_dim3A_673 : f32 to vector<16xf32>
          %broadcast_in_dim3A_675 = arith.constant 0.000000e+00 : f32
          %broadcast_in_dim3A_676 = vector.broadcast %broadcast_in_dim3A_675 : f32 to vector<16xf32>
          %broadcast_in_dim3A_677 = arith.constant 0.000000e+00 : f32
          %broadcast_in_dim3A_678 = vector.broadcast %broadcast_in_dim3A_677 : f32 to vector<16xf32>
          %gt3A_679 = arith.cmpf ogt, %exp3A_667, %exp3A_666 : vector<16xf32>
          %gt3A_680 = arith.cmpf ogt, %exp3A_667, %broadcast_in_dim3A_676 : vector<16xf32>
          %select_n3A_681 = arith.select %gt3A_680, %exp3A_667, %broadcast_in_dim3A_676 : vector<16xi1>, vector<16xf32>
          %select_n3A_682 = arith.select %gt3A_679, %exp3A_666, %select_n3A_681 : vector<16xi1>, vector<16xf32>
          %jit3A_683 = arith.constant 1.000000e+00 : f32
          %broadcast_in_dim3A_684 = vector.broadcast %jit3A_683 : f32 to vector<16xf32>
          %select_n3A_685 = arith.select %gt3A_680, %broadcast_in_dim3A_684, %broadcast_in_dim3A_678 : vector<16xi1>, vector<16xf32>
          %select_n3A_686 = arith.select %gt3A_679, %broadcast_in_dim3A_674, %select_n3A_685 : vector<16xi1>, vector<16xf32>
          %max3A_687 = arith.maximumf %exp3A_667, %exp3A_666 : vector<16xf32>
          %jit3A_688 = arith.constant 1.000000e+00 : f32
          %broadcast_in_dim3A_689 = vector.broadcast %jit3A_688 : f32 to vector<16xf32>
          %select_n3A_690 = arith.select %gt3A_679, %broadcast_in_dim3A_689, %broadcast_in_dim3A_674 : vector<16xi1>, vector<16xf32>
          %add3A_691 = arith.addf %exp3A_666, %exp3A_667 : vector<16xf32>
          %gt3A_692 = arith.cmpf ogt, %exp3A_668, %max3A_687 : vector<16xf32>
          %gt3A_693 = arith.cmpf ogt, %exp3A_668, %select_n3A_682 : vector<16xf32>
          %select_n3A_694 = arith.select %gt3A_693, %exp3A_668, %select_n3A_682 : vector<16xi1>, vector<16xf32>
          %select_n3A_695 = arith.select %gt3A_692, %max3A_687, %select_n3A_694 : vector<16xi1>, vector<16xf32>
          %jit3A_696 = arith.constant 2.000000e+00 : f32
          %broadcast_in_dim3A_697 = vector.broadcast %jit3A_696 : f32 to vector<16xf32>
          %select_n3A_698 = arith.select %gt3A_693, %broadcast_in_dim3A_697, %select_n3A_686 : vector<16xi1>, vector<16xf32>
          %select_n3A_699 = arith.select %gt3A_692, %select_n3A_690, %select_n3A_698 : vector<16xi1>, vector<16xf32>
          %max3A_700 = arith.maximumf %exp3A_668, %max3A_687 : vector<16xf32>
          %jit3A_701 = arith.constant 2.000000e+00 : f32
          %broadcast_in_dim3A_702 = vector.broadcast %jit3A_701 : f32 to vector<16xf32>
          %select_n3A_703 = arith.select %gt3A_692, %broadcast_in_dim3A_702, %select_n3A_690 : vector<16xi1>, vector<16xf32>
          %add3A_704 = arith.addf %add3A_691, %exp3A_668 : vector<16xf32>
          %gt3A_705 = arith.cmpf ogt, %exp3A_669, %max3A_700 : vector<16xf32>
          %gt3A_706 = arith.cmpf ogt, %exp3A_669, %select_n3A_695 : vector<16xf32>
          %select_n3A_707 = arith.select %gt3A_706, %exp3A_669, %select_n3A_695 : vector<16xi1>, vector<16xf32>
          %select_n3A_708 = arith.select %gt3A_705, %max3A_700, %select_n3A_707 : vector<16xi1>, vector<16xf32>
          %jit3A_709 = arith.constant 3.000000e+00 : f32
          %broadcast_in_dim3A_710 = vector.broadcast %jit3A_709 : f32 to vector<16xf32>
          %select_n3A_711 = arith.select %gt3A_706, %broadcast_in_dim3A_710, %select_n3A_699 : vector<16xi1>, vector<16xf32>
          %select_n3A_712 = arith.select %gt3A_705, %select_n3A_703, %select_n3A_711 : vector<16xi1>, vector<16xf32>
          %max3A_713 = arith.maximumf %exp3A_669, %max3A_700 : vector<16xf32>
          %jit3A_714 = arith.constant 3.000000e+00 : f32
          %broadcast_in_dim3A_715 = vector.broadcast %jit3A_714 : f32 to vector<16xf32>
          %select_n3A_716 = arith.select %gt3A_705, %broadcast_in_dim3A_715, %select_n3A_703 : vector<16xi1>, vector<16xf32>
          %add3A_717 = arith.addf %add3A_704, %exp3A_669 : vector<16xf32>
          %gt3A_718 = arith.cmpf ogt, %exp3A_670, %max3A_713 : vector<16xf32>
          %gt3A_719 = arith.cmpf ogt, %exp3A_670, %select_n3A_708 : vector<16xf32>
          %select_n3A_720 = arith.select %gt3A_719, %exp3A_670, %select_n3A_708 : vector<16xi1>, vector<16xf32>
          %select_n3A_721 = arith.select %gt3A_718, %max3A_713, %select_n3A_720 : vector<16xi1>, vector<16xf32>
          %jit3A_722 = arith.constant 4.000000e+00 : f32
          %broadcast_in_dim3A_723 = vector.broadcast %jit3A_722 : f32 to vector<16xf32>
          %select_n3A_724 = arith.select %gt3A_719, %broadcast_in_dim3A_723, %select_n3A_712 : vector<16xi1>, vector<16xf32>
          %select_n3A_725 = arith.select %gt3A_718, %select_n3A_716, %select_n3A_724 : vector<16xi1>, vector<16xf32>
          %max3A_726 = arith.maximumf %exp3A_670, %max3A_713 : vector<16xf32>
          %jit3A_727 = arith.constant 4.000000e+00 : f32
          %broadcast_in_dim3A_728 = vector.broadcast %jit3A_727 : f32 to vector<16xf32>
          %select_n3A_729 = arith.select %gt3A_718, %broadcast_in_dim3A_728, %select_n3A_716 : vector<16xi1>, vector<16xf32>
          %add3A_730 = arith.addf %add3A_717, %exp3A_670 : vector<16xf32>
          %gt3A_731 = arith.cmpf ogt, %exp3A_671, %max3A_726 : vector<16xf32>
          %gt3A_732 = arith.cmpf ogt, %exp3A_671, %select_n3A_721 : vector<16xf32>
          %select_n3A_733 = arith.select %gt3A_732, %exp3A_671, %select_n3A_721 : vector<16xi1>, vector<16xf32>
          %select_n3A_734 = arith.select %gt3A_731, %max3A_726, %select_n3A_733 : vector<16xi1>, vector<16xf32>
          %jit3A_735 = arith.constant 5.000000e+00 : f32
          %broadcast_in_dim3A_736 = vector.broadcast %jit3A_735 : f32 to vector<16xf32>
          %select_n3A_737 = arith.select %gt3A_732, %broadcast_in_dim3A_736, %select_n3A_725 : vector<16xi1>, vector<16xf32>
          %select_n3A_738 = arith.select %gt3A_731, %select_n3A_729, %select_n3A_737 : vector<16xi1>, vector<16xf32>
          %max3A_739 = arith.maximumf %exp3A_671, %max3A_726 : vector<16xf32>
          %jit3A_740 = arith.constant 5.000000e+00 : f32
          %broadcast_in_dim3A_741 = vector.broadcast %jit3A_740 : f32 to vector<16xf32>
          %select_n3A_742 = arith.select %gt3A_731, %broadcast_in_dim3A_741, %select_n3A_729 : vector<16xi1>, vector<16xf32>
          %add3A_743 = arith.addf %add3A_730, %exp3A_671 : vector<16xf32>
          %gt3A_744 = arith.cmpf ogt, %exp3A_672, %max3A_739 : vector<16xf32>
          %gt3A_745 = arith.cmpf ogt, %exp3A_672, %select_n3A_734 : vector<16xf32>
          %select_n3A_746 = arith.select %gt3A_745, %exp3A_672, %select_n3A_734 : vector<16xi1>, vector<16xf32>
          %select_n3A_747 = arith.select %gt3A_744, %max3A_739, %select_n3A_746 : vector<16xi1>, vector<16xf32>
          %jit3A_748 = arith.constant 6.000000e+00 : f32
          %broadcast_in_dim3A_749 = vector.broadcast %jit3A_748 : f32 to vector<16xf32>
          %select_n3A_750 = arith.select %gt3A_745, %broadcast_in_dim3A_749, %select_n3A_738 : vector<16xi1>, vector<16xf32>
          %select_n3A_751 = arith.select %gt3A_744, %select_n3A_742, %select_n3A_750 : vector<16xi1>, vector<16xf32>
          %max3A_752 = arith.maximumf %exp3A_672, %max3A_739 : vector<16xf32>
          %jit3A_753 = arith.constant 6.000000e+00 : f32
          %broadcast_in_dim3A_754 = vector.broadcast %jit3A_753 : f32 to vector<16xf32>
          %select_n3A_755 = arith.select %gt3A_744, %broadcast_in_dim3A_754, %select_n3A_742 : vector<16xi1>, vector<16xf32>
          %add3A_756 = arith.addf %add3A_743, %exp3A_672 : vector<16xf32>
          %convert_element_type3A_757 = arith.fptosi %select_n3A_755 : vector<16xf32> to vector<16xi32>
          %add3A_758 = arith.constant 21 : i32
          %add3A_759 = vector.broadcast %add3A_758 : i32 to vector<16xi32>
          %add3A_760 = arith.addi %add3A_229, %add3A_759 : vector<16xi32>
          %add3A_761 = arith.addi %add3A_760, %convert_element_type3A_757 : vector<16xi32>
          %gather3A_762 = tpu.vector_load_idx %arg10[%broadcast_in_dim3A, %add3A_761] : memref<8x1792xf32, #tpu.memory_space<vmem>>[vector<16xi32>, vector<16xi32>], vector<16xf32>,
          %div3A_763 = arith.constant 1.000000e+00 : f32
          %div3A_764 = vector.broadcast %div3A_763 : f32 to vector<16xf32>
          %div3A_765 = arith.divf %div3A_764, %add3A_756 : vector<16xf32>
          %mul3A_766 = arith.mulf %max3A_752, %div3A_765 : vector<16xf32>
          %mul3A_767 = arith.mulf %select_n3A_747, %div3A_765 : vector<16xf32>
          %sub3A_768 = arith.subf %select_n3A_755, %select_n3A_751 : vector<16xf32>
          %abs3A_769 = math.absf %sub3A_768 : vector<16xf32>
          %sub3A_770 = arith.constant 1.000000e+00 : f32
          %sub3A_771 = vector.broadcast %sub3A_770 : f32 to vector<16xf32>
          %sub3A_772 = arith.subf %abs3A_769, %sub3A_771 : vector<16xf32>
          %mul3A_773 = arith.mulf %mul3A_767, %sub3A_772 : vector<16xf32>
          %add3A_774 = arith.addf %mul3A_766, %mul3A_773 : vector<16xf32>
          %add3A_775 = arith.addf %add3A_665, %add3A_774 : vector<16xf32>
          %broadcast_in_dim3A_776 = arith.constant 0 : i32
          %broadcast_in_dim3A_777 = vector.broadcast %broadcast_in_dim3A_776 : i32 to vector<16xi32>
          %broadcast_in_dim3A_778 = arith.constant 1 : i32
          %broadcast_in_dim3A_779 = vector.broadcast %broadcast_in_dim3A_778 : i32 to vector<16xi32>
          %broadcast_in_dim3A_780 = arith.constant 2 : i32
          %broadcast_in_dim3A_781 = vector.broadcast %broadcast_in_dim3A_780 : i32 to vector<16xi32>
          %broadcast_in_dim3A_782 = arith.constant 3 : i32
          %broadcast_in_dim3A_783 = vector.broadcast %broadcast_in_dim3A_782 : i32 to vector<16xi32>
          %add3A_784 = arith.addi %add3A_219, %add3A_222 : i32
          %add3A_785 = vector.broadcast %add3A_784 : i32 to vector<16xi32>
          %add3A_786 = arith.addi %add3A_785, %iota3A : vector<16xi32>
          %gather3A_787 = tpu.vector_load_idx %arg12[%broadcast_in_dim3A, %broadcast_in_dim3A_777, %add3A_786] : memref<8x4x640xf32, #tpu.memory_space<vmem>>[vector<16xi32>, vector<16xi32>, vector<16xi32>], vector<16xf32>,
          %gather3A_788 = tpu.vector_load_idx %arg12[%broadcast_in_dim3A, %broadcast_in_dim3A_779, %add3A_786] : memref<8x4x640xf32, #tpu.memory_space<vmem>>[vector<16xi32>, vector<16xi32>, vector<16xi32>], vector<16xf32>,
          %gather3A_789 = tpu.vector_load_idx %arg12[%broadcast_in_dim3A, %broadcast_in_dim3A_781, %add3A_786] : memref<8x4x640xf32, #tpu.memory_space<vmem>>[vector<16xi32>, vector<16xi32>, vector<16xi32>], vector<16xf32>,
          %gather3A_790 = tpu.vector_load_idx %arg12[%broadcast_in_dim3A, %broadcast_in_dim3A_783, %add3A_786] : memref<8x4x640xf32, #tpu.memory_space<vmem>>[vector<16xi32>, vector<16xi32>, vector<16xi32>], vector<16xf32>,
          %add3A_791 = arith.addf %gather3A_787, %gather3A_789 : vector<16xf32>
          %add3A_792 = arith.addf %gather3A_788, %gather3A_790 : vector<16xf32>
          %sub3A_793 = arith.subf %gather3A_789, %gather3A_787 : vector<16xf32>
          %mul3A_794 = arith.constant 1.700000e+00 : f32
          %mul3A_795 = vector.broadcast %mul3A_794 : f32 to vector<16xf32>
          %mul3A_796 = arith.mulf %sub3A_793, %mul3A_795 : vector<16xf32>
          %sub3A_797 = arith.subf %gather3A_790, %gather3A_788 : vector<16xf32>
          %mul3A_798 = arith.constant 1.700000e+00 : f32
          %mul3A_799 = vector.broadcast %mul3A_798 : f32 to vector<16xf32>
          %mul3A_800 = arith.mulf %sub3A_797, %mul3A_799 : vector<16xf32>
          %sub3A_801 = arith.subf %add3A_791, %mul3A_796 : vector<16xf32>
          %mul3A_802 = arith.constant 5.000000e-01 : f32
          %mul3A_803 = vector.broadcast %mul3A_802 : f32 to vector<16xf32>
          %mul3A_804 = arith.mulf %sub3A_801, %mul3A_803 : vector<16xf32>
          %add3A_805 = arith.addf %add3A_791, %mul3A_796 : vector<16xf32>
          %mul3A_806 = arith.constant 5.000000e-01 : f32
          %mul3A_807 = vector.broadcast %mul3A_806 : f32 to vector<16xf32>
          %mul3A_808 = arith.mulf %add3A_805, %mul3A_807 : vector<16xf32>
          %sub3A_809 = arith.subf %add3A_792, %mul3A_800 : vector<16xf32>
          %mul3A_810 = arith.constant 5.000000e-01 : f32
          %mul3A_811 = vector.broadcast %mul3A_810 : f32 to vector<16xf32>
          %mul3A_812 = arith.mulf %sub3A_809, %mul3A_811 : vector<16xf32>
          %add3A_813 = arith.addf %add3A_792, %mul3A_800 : vector<16xf32>
          %mul3A_814 = arith.constant 5.000000e-01 : f32
          %mul3A_815 = vector.broadcast %mul3A_814 : f32 to vector<16xf32>
          %mul3A_816 = arith.mulf %add3A_813, %mul3A_815 : vector<16xf32>
          %div3A_817 = arith.constant 1.400000e+01 : f32
          %div3A_818 = vector.broadcast %div3A_817 : f32 to vector<16xf32>
          %div3A_819 = arith.divf %mul3A_796, %div3A_818 : vector<16xf32>
          %div3A_820 = arith.constant 1.400000e+01 : f32
          %div3A_821 = vector.broadcast %div3A_820 : f32 to vector<16xf32>
          %div3A_822 = arith.divf %mul3A_800, %div3A_821 : vector<16xf32>
          %add3A_823 = arith.constant 5.000000e-01 : f32
          %add3A_824 = vector.broadcast %add3A_823 : f32 to vector<16xf32>
          %add3A_825 = arith.addf %add3A_824, %select_n3A_427 : vector<16xf32>
          %sub3A_826 = arith.subf %add3A_825, %gather3A_434 : vector<16xf32>
          %mul3A_827 = arith.mulf %sub3A_826, %div3A_819 : vector<16xf32>
          %add3A_828 = arith.addf %mul3A_804, %mul3A_827 : vector<16xf32>
          %add3A_829 = arith.constant 5.000000e-01 : f32
          %add3A_830 = vector.broadcast %add3A_829 : f32 to vector<16xf32>
          %add3A_831 = arith.addf %add3A_830, %select_n3A_535 : vector<16xf32>
          %add3A_832 = arith.addf %add3A_831, %gather3A_542 : vector<16xf32>
          %mul3A_833 = arith.mulf %add3A_832, %div3A_819 : vector<16xf32>
          %sub3A_834 = arith.subf %mul3A_808, %mul3A_833 : vector<16xf32>
          %add3A_835 = arith.constant 5.000000e-01 : f32
          %add3A_836 = vector.broadcast %add3A_835 : f32 to vector<16xf32>
          %add3A_837 = arith.addf %add3A_836, %select_n3A_645 : vector<16xf32>
          %sub3A_838 = arith.subf %add3A_837, %gather3A_652 : vector<16xf32>
          %mul3A_839 = arith.mulf %sub3A_838, %div3A_822 : vector<16xf32>
          %add3A_840 = arith.addf %mul3A_812, %mul3A_839 : vector<16xf32>
          %add3A_841 = arith.constant 5.000000e-01 : f32
          %add3A_842 = vector.broadcast %add3A_841 : f32 to vector<16xf32>
          %add3A_843 = arith.addf %add3A_842, %select_n3A_755 : vector<16xf32>
          %add3A_844 = arith.addf %add3A_843, %gather3A_762 : vector<16xf32>
          %mul3A_845 = arith.mulf %add3A_844, %div3A_822 : vector<16xf32>
          %sub3A_846 = arith.subf %mul3A_816, %mul3A_845 : vector<16xf32>
          %broadcast_in_dim3A_847 = arith.constant 0 : i32
          %broadcast_in_dim3A_848 = vector.broadcast %broadcast_in_dim3A_847 : i32 to vector<16xi32>
          %broadcast_in_dim3A_849 = arith.constant 1 : i32
          %broadcast_in_dim3A_850 = vector.broadcast %broadcast_in_dim3A_849 : i32 to vector<16xi32>
          %broadcast_in_dim3A_851 = arith.constant 2 : i32
          %broadcast_in_dim3A_852 = vector.broadcast %broadcast_in_dim3A_851 : i32 to vector<16xi32>
          %broadcast_in_dim3A_853 = arith.constant 3 : i32
          %broadcast_in_dim3A_854 = vector.broadcast %broadcast_in_dim3A_853 : i32 to vector<16xi32>
          %add3A_855 = arith.constant 0 : i32
          %add3A_856 = arith.addi %add3A_855, %add3A_222 : i32
          %add3A_857 = vector.broadcast %add3A_856 : i32 to vector<16xi32>
          %add3A_858 = arith.addi %add3A_857, %iota3A : vector<16xi32>
          tpu.vector_store_idx %arg13[%broadcast_in_dim3A, %broadcast_in_dim3A_848, %add3A_858], %add3A_828 : memref<8x4x128xf32, #tpu.memory_space<vmem>>[vector<16xi32>, vector<16xi32>, vector<16xi32>], vector<16xf32>,
          tpu.vector_store_idx %arg13[%broadcast_in_dim3A, %broadcast_in_dim3A_850, %add3A_858], %add3A_840 : memref<8x4x128xf32, #tpu.memory_space<vmem>>[vector<16xi32>, vector<16xi32>, vector<16xi32>], vector<16xf32>,
          tpu.vector_store_idx %arg13[%broadcast_in_dim3A, %broadcast_in_dim3A_852, %add3A_858], %sub3A_834 : memref<8x4x128xf32, #tpu.memory_space<vmem>>[vector<16xi32>, vector<16xi32>, vector<16xi32>], vector<16xf32>,
          tpu.vector_store_idx %arg13[%broadcast_in_dim3A, %broadcast_in_dim3A_854, %add3A_858], %sub3A_846 : memref<8x4x128xf32, #tpu.memory_space<vmem>>[vector<16xi32>, vector<16xi32>, vector<16xi32>], vector<16xf32>,
          %mul3A_859 = arith.constant 2.500000e-01 : f32
          %mul3A_860 = vector.broadcast %mul3A_859 : f32 to vector<16xf32>
          %mul3A_861 = arith.mulf %add3A_775, %mul3A_860 : vector<16xf32>
          %mul3A_862 = arith.constant 672 : i32
          %mul3A_863 = arith.muli %select_n3A_169, %mul3A_862 : i32
          %add3A_864 = arith.addi %mul3A_863, %add3A_215 : i32
          %add3A_865 = arith.addi %add3A_864, %add3A_222 : i32
          %swap3A = arith.index_cast %add3A_865 : i32 to index
          %swap3A_866 = tpu.vector_load %arg14[%swap3A] {strides = array<i32>} : memref<5376xf32, #tpu.memory_space<vmem>>, vector<16xf32>,
          tpu.vector_store %arg14[%swap3A], %mul3A_861 {strides = array<i32>} : memref<5376xf32, #tpu.memory_space<vmem>>, vector<16xf32>,
        }
        %scan3A_122 = arith.constant 32 : i32
        %add3A_123 = arith.constant 2 : i32
        %add3A_124 = arith.addi %while3A_72, %add3A_123 : i32
        %lt3A_125 = arith.cmpi slt, %add3A_124, %mul3A_11 : i32
        %convert_element_type3A_126 = arith.extui %lt3A_125 : i1 to i32
        %cond3A_127 = arith.constant 0 : i32
        %cond3A_128 = arith.cmpi ne, %convert_element_type3A_126, %cond3A_127 : i32
        scf.if %cond3A_128 {
          %add3A_129 = arith.constant 2 : i32
          %add3A_130 = arith.addi %while3A_72, %add3A_129 : i32
          %mul3A_131 = arith.constant 3584 : i32
          %mul3A_132 = arith.muli %select_n3A, %mul3A_131 : i32
          %mul3A_133 = arith.constant 1792 : i32
          %mul3A_134 = arith.muli %add3A_130, %mul3A_133 : i32
          %add3A_135 = arith.addi %mul3A_132, %mul3A_134 : i32
          %dma_start3A_136 = arith.constant 0 : i32
          %dma_start3A_137 = tpu.memref_slice %arg2[%dma_start3A_136, %add3A_135] : memref<8x560000xf32, #tpu.memory_space<hbm>> -> memref<8x1792xf32, #tpu.memory_space<hbm>>
          %dma_start3A_138 = arith.constant 0 : i32
          %dma_start3A_139 = tpu.memref_slice %arg2[%dma_start3A_138, %add3A_135] : memref<8x560000xf32, #tpu.memory_space<hbm>> -> memref<8x1792xf32, #tpu.memory_space<hbm>>
          tpu.enqueue_dma source(%dma_start3A_139 : memref<8x1792xf32, #tpu.memory_space<hbm>>) target(%arg8 : memref<8x1792xf32, #tpu.memory_space<vmem>>) target_semaphore(%arg16 : memref<!tpu.dma_semaphore, #tpu.memory_space<semaphore_mem>>)
          %dma_start3A_140 = arith.constant 0 : i32
          %dma_start3A_141 = tpu.memref_slice %arg3[%dma_start3A_140, %add3A_135] : memref<8x560000xf32, #tpu.memory_space<hbm>> -> memref<8x1792xf32, #tpu.memory_space<hbm>>
          %dma_start3A_142 = arith.constant 0 : i32
          %dma_start3A_143 = tpu.memref_slice %arg3[%dma_start3A_142, %add3A_135] : memref<8x560000xf32, #tpu.memory_space<hbm>> -> memref<8x1792xf32, #tpu.memory_space<hbm>>
          tpu.enqueue_dma source(%dma_start3A_143 : memref<8x1792xf32, #tpu.memory_space<hbm>>) target(%arg10 : memref<8x1792xf32, #tpu.memory_space<vmem>>) target_semaphore(%arg16 : memref<!tpu.dma_semaphore, #tpu.memory_space<semaphore_mem>>)
        } else {
        }
      } else {
      }
      %and3A_80 = arith.constant 1 : i32
      %and3A_81 = arith.andi %while3A_72, %and3A_80 : i32
      %eq3A_82 = arith.constant 1 : i32
      %eq3A_83 = arith.cmpi eq, %and3A_81, %eq3A_82 : i32
      %convert_element_type3A_84 = arith.extui %eq3A_83 : i1 to i32
      %cond3A_85 = arith.constant 0 : i32
      %cond3A_86 = arith.cmpi ne, %convert_element_type3A_84, %cond3A_85 : i32
      scf.if %cond3A_86 {
        %jit3A_87 = arith.constant 2 : i32
        %div3A = arith.divsi %while3A_72, %jit3A_87 : i32
        %sign3A = arith.constant 0 : i32
        %sign3A_88 = arith.cmpi sgt, %while3A_72, %sign3A : i32
        %sign3A_89 = arith.extui %sign3A_88 : i1 to i32
        %sign3A_90 = arith.constant 0 : i32
        %sign3A_91 = arith.cmpi slt, %while3A_72, %sign3A_90 : i32
        %sign3A_92 = arith.extui %sign3A_91 : i1 to i32
        %sign3A_93 = arith.subi %sign3A_89, %sign3A_92 : i32
        %sign3A_94 = arith.constant 0 : i32
        %sign3A_95 = arith.cmpi sgt, %jit3A_87, %sign3A_94 : i32
        %sign3A_96 = arith.extui %sign3A_95 : i1 to i32
        %sign3A_97 = arith.constant 0 : i32
        %sign3A_98 = arith.cmpi slt, %jit3A_87, %sign3A_97 : i32
        %sign3A_99 = arith.extui %sign3A_98 : i1 to i32
        %sign3A_100 = arith.subi %sign3A_96, %sign3A_99 : i32
        %ne3A = arith.cmpi ne, %sign3A_93, %sign3A_100 : i32
        %rem3A = arith.remsi %while3A_72, %jit3A_87 : i32
        %ne3A_101 = arith.constant 0 : i32
        %ne3A_102 = arith.cmpi ne, %rem3A, %ne3A_101 : i32
        %and3A_103 = arith.andi %ne3A, %ne3A_102 : i1
        %sub3A = arith.constant 1 : i32
        %sub3A_104 = arith.subi %div3A, %sub3A : i32
        %select_n3A_105 = arith.select %and3A_103, %sub3A_104, %div3A : i32
        %add3A_106 = arith.addi %select_n3A, %select_n3A_105 : i32
        %mul3A_107 = arith.constant 3584 : i32
        %mul3A_108 = arith.muli %select_n3A, %mul3A_107 : i32
        %mul3A_109 = arith.constant 1792 : i32
        %mul3A_110 = arith.muli %while3A_72, %mul3A_109 : i32
        %add3A_111 = arith.addi %mul3A_108, %mul3A_110 : i32
        %dma_wait3A = arith.constant 0 : i32
        %dma_wait3A_112 = tpu.memref_slice %arg2[%dma_wait3A, %add3A_111] : memref<8x560000xf32, #tpu.memory_space<hbm>> -> memref<8x1792xf32, #tpu.memory_space<hbm>>
        %dma_wait3A_113 = arith.constant 0 : i32
        %dma_wait3A_114 = tpu.memref_slice %arg2[%dma_wait3A_113, %add3A_111] : memref<8x560000xf32, #tpu.memory_space<hbm>> -> memref<8x1792xf32, #tpu.memory_space<hbm>>
        tpu.wait_dma2 semaphore(%arg17 : memref<!tpu.dma_semaphore, #tpu.memory_space<semaphore_mem>>) src(%dma_wait3A_114 : memref<8x1792xf32, #tpu.memory_space<hbm>>) dst(%arg9 : memref<8x1792xf32, #tpu.memory_space<vmem>>)
        %dma_wait3A_115 = arith.constant 0 : i32
        %dma_wait3A_116 = tpu.memref_slice %arg3[%dma_wait3A_115, %add3A_111] : memref<8x560000xf32, #tpu.memory_space<hbm>> -> memref<8x1792xf32, #tpu.memory_space<hbm>>
        %dma_wait3A_117 = arith.constant 0 : i32
        %dma_wait3A_118 = tpu.memref_slice %arg3[%dma_wait3A_117, %add3A_111] : memref<8x560000xf32, #tpu.memory_space<hbm>> -> memref<8x1792xf32, #tpu.memory_space<hbm>>
        tpu.wait_dma2 semaphore(%arg17 : memref<!tpu.dma_semaphore, #tpu.memory_space<semaphore_mem>>) src(%dma_wait3A_118 : memref<8x1792xf32, #tpu.memory_space<hbm>>) dst(%arg11 : memref<8x1792xf32, #tpu.memory_space<vmem>>)
        %scan3A = arith.constant 0 : i32
        %scan3A_119 = arith.constant 32 : i32
        %scan3A_120 = arith.addi %scan3A, %scan3A_119 : i32
        %scan3A_121 = arith.constant 1 : i32
        scf.for %scan3A_131 = %scan3A to %scan3A_120 step %scan3A_121  : i32 {
          %jit3A_132 = arith.constant 2 : i32
          %div3A_133 = arith.divsi %scan3A_131, %jit3A_132 : i32
          %sign3A_134 = arith.constant 0 : i32
          %sign3A_135 = arith.cmpi sgt, %scan3A_131, %sign3A_134 : i32
          %sign3A_136 = arith.extui %sign3A_135 : i1 to i32
          %sign3A_137 = arith.constant 0 : i32
          %sign3A_138 = arith.cmpi slt, %scan3A_131, %sign3A_137 : i32
          %sign3A_139 = arith.extui %sign3A_138 : i1 to i32
          %sign3A_140 = arith.subi %sign3A_136, %sign3A_139 : i32
          %sign3A_141 = arith.constant 0 : i32
          %sign3A_142 = arith.cmpi sgt, %jit3A_132, %sign3A_141 : i32
          %sign3A_143 = arith.extui %sign3A_142 : i1 to i32
          %sign3A_144 = arith.constant 0 : i32
          %sign3A_145 = arith.cmpi slt, %jit3A_132, %sign3A_144 : i32
          %sign3A_146 = arith.extui %sign3A_145 : i1 to i32
          %sign3A_147 = arith.subi %sign3A_143, %sign3A_146 : i32
          %ne3A_148 = arith.cmpi ne, %sign3A_140, %sign3A_147 : i32
          %rem3A_149 = arith.remsi %scan3A_131, %jit3A_132 : i32
          %ne3A_150 = arith.constant 0 : i32
          %ne3A_151 = arith.cmpi ne, %rem3A_149, %ne3A_150 : i32
          %and3A_152 = arith.andi %ne3A_148, %ne3A_151 : i1
          %sub3A_153 = arith.constant 1 : i32
          %sub3A_154 = arith.subi %div3A_133, %sub3A_153 : i32
          %select_n3A_155 = arith.select %and3A_152, %sub3A_154, %div3A_133 : i32
          %jit3A_156 = arith.constant 8 : i32
          %eq3A_157 = arith.constant 0 : i32
          %eq3A_158 = arith.cmpi eq, %jit3A_156, %eq3A_157 : i32
          %jit3A_159 = arith.constant 1 : i32
          %select_n3A_160 = arith.select %eq3A_158, %jit3A_159, %jit3A_156 : i32
          %rem3A_161 = arith.remsi %select_n3A_155, %select_n3A_160 : i32
          %ne3A_162 = arith.constant 0 : i32
          %ne3A_163 = arith.cmpi ne, %rem3A_161, %ne3A_162 : i32
          %lt3A_164 = arith.constant 0 : i32
          %lt3A_165 = arith.cmpi slt, %rem3A_161, %lt3A_164 : i32
          %lt3A_166 = arith.constant 0 : i32
          %lt3A_167 = arith.cmpi slt, %select_n3A_160, %lt3A_166 : i32
          %ne3A_168 = arith.xori %lt3A_165, %lt3A_167 : i1
          %and3A_169 = arith.andi %ne3A_168, %ne3A_163 : i1
          %add3A_170 = arith.addi %rem3A_161, %select_n3A_160 : i32
          %select_n3A_171 = arith.select %and3A_169, %add3A_170, %rem3A_161 : i32
          %jit3A_172 = arith.constant 16 : i32
          %div3A_173 = arith.divsi %scan3A_131, %jit3A_172 : i32
          %sign3A_174 = arith.constant 0 : i32
          %sign3A_175 = arith.cmpi sgt, %scan3A_131, %sign3A_174 : i32
          %sign3A_176 = arith.extui %sign3A_175 : i1 to i32
          %sign3A_177 = arith.constant 0 : i32
          %sign3A_178 = arith.cmpi slt, %scan3A_131, %sign3A_177 : i32
          %sign3A_179 = arith.extui %sign3A_178 : i1 to i32
          %sign3A_180 = arith.subi %sign3A_176, %sign3A_179 : i32
          %sign3A_181 = arith.constant 0 : i32
          %sign3A_182 = arith.cmpi sgt, %jit3A_172, %sign3A_181 : i32
          %sign3A_183 = arith.extui %sign3A_182 : i1 to i32
          %sign3A_184 = arith.constant 0 : i32
          %sign3A_185 = arith.cmpi slt, %jit3A_172, %sign3A_184 : i32
          %sign3A_186 = arith.extui %sign3A_185 : i1 to i32
          %sign3A_187 = arith.subi %sign3A_183, %sign3A_186 : i32
          %ne3A_188 = arith.cmpi ne, %sign3A_180, %sign3A_187 : i32
          %rem3A_189 = arith.remsi %scan3A_131, %jit3A_172 : i32
          %ne3A_190 = arith.constant 0 : i32
          %ne3A_191 = arith.cmpi ne, %rem3A_189, %ne3A_190 : i32
          %and3A_192 = arith.andi %ne3A_188, %ne3A_191 : i1
          %sub3A_193 = arith.constant 1 : i32
          %sub3A_194 = arith.subi %div3A_173, %sub3A_193 : i32
          %select_n3A_195 = arith.select %and3A_192, %sub3A_194, %div3A_173 : i32
          %jit3A_196 = arith.constant 2 : i32
          %eq3A_197 = arith.constant 0 : i32
          %eq3A_198 = arith.cmpi eq, %jit3A_196, %eq3A_197 : i32
          %jit3A_199 = arith.constant 1 : i32
          %select_n3A_200 = arith.select %eq3A_198, %jit3A_199, %jit3A_196 : i32
          %rem3A_201 = arith.remsi %scan3A_131, %select_n3A_200 : i32
          %ne3A_202 = arith.constant 0 : i32
          %ne3A_203 = arith.cmpi ne, %rem3A_201, %ne3A_202 : i32
          %lt3A_204 = arith.constant 0 : i32
          %lt3A_205 = arith.cmpi slt, %rem3A_201, %lt3A_204 : i32
          %lt3A_206 = arith.constant 0 : i32
          %lt3A_207 = arith.cmpi slt, %select_n3A_200, %lt3A_206 : i32
          %ne3A_208 = arith.xori %lt3A_205, %lt3A_207 : i1
          %and3A_209 = arith.andi %ne3A_208, %ne3A_203 : i1
          %add3A_210 = arith.addi %rem3A_201, %select_n3A_200 : i32
          %select_n3A_211 = arith.select %and3A_209, %add3A_210, %rem3A_201 : i32
          %mul3A_212 = arith.constant 16 : i32
          %mul3A_213 = arith.muli %select_n3A_211, %mul3A_212 : i32
          %mul3A_214 = arith.constant 128 : i32
          %mul3A_215 = arith.muli %select_n3A_105, %mul3A_214 : i32
          %add3A_216 = arith.constant 64 : i32
          %add3A_217 = arith.addi %mul3A_215, %add3A_216 : i32
          %mul3A_218 = arith.constant 128 : i32
          %mul3A_219 = arith.muli %select_n3A_105, %mul3A_218 : i32
          %add3A_220 = arith.constant 64 : i32
          %add3A_221 = arith.addi %mul3A_219, %add3A_220 : i32
          %iota3A = tpu.iota {dimensions = array<i32: 0>} : vector<16xi32>
          %broadcast_in_dim3A = vector.broadcast %select_n3A_171 : i32 to vector<16xi32>
          %mul3A_222 = arith.constant 32 : i32
          %mul3A_223 = arith.muli %select_n3A_195, %mul3A_222 : i32
          %add3A_224 = arith.addi %mul3A_223, %mul3A_213 : i32
          %mul3A_225 = arith.constant 28 : i32
          %mul3A_226 = arith.muli %add3A_224, %mul3A_225 : i32
          %mul3A_227 = arith.constant 28 : i32
          %mul3A_228 = vector.broadcast %mul3A_227 : i32 to vector<16xi32>
          %mul3A_229 = arith.muli %iota3A, %mul3A_228 : vector<16xi32>
          %add3A_230 = vector.broadcast %mul3A_226 : i32 to vector<16xi32>
          %add3A_231 = arith.addi %add3A_230, %mul3A_229 : vector<16xi32>
          %add3A_232 = arith.constant 0 : i32
          %add3A_233 = vector.broadcast %add3A_232 : i32 to vector<16xi32>
          %add3A_234 = arith.addi %add3A_231, %add3A_233 : vector<16xi32>
          %gather3A = tpu.vector_load_idx %arg9[%broadcast_in_dim3A, %add3A_234] : memref<8x1792xf32, #tpu.memory_space<vmem>>[vector<16xi32>, vector<16xi32>], vector<16xf32>,
          %add3A_235 = arith.constant 1 : i32
          %add3A_236 = vector.broadcast %add3A_235 : i32 to vector<16xi32>
          %add3A_237 = arith.addi %add3A_231, %add3A_236 : vector<16xi32>
          %gather3A_238 = tpu.vector_load_idx %arg9[%broadcast_in_dim3A, %add3A_237] : memref<8x1792xf32, #tpu.memory_space<vmem>>[vector<16xi32>, vector<16xi32>], vector<16xf32>,
          %add3A_239 = arith.constant 2 : i32
          %add3A_240 = vector.broadcast %add3A_239 : i32 to vector<16xi32>
          %add3A_241 = arith.addi %add3A_231, %add3A_240 : vector<16xi32>
          %gather3A_242 = tpu.vector_load_idx %arg9[%broadcast_in_dim3A, %add3A_241] : memref<8x1792xf32, #tpu.memory_space<vmem>>[vector<16xi32>, vector<16xi32>], vector<16xf32>,
          %add3A_243 = arith.constant 3 : i32
          %add3A_244 = vector.broadcast %add3A_243 : i32 to vector<16xi32>
          %add3A_245 = arith.addi %add3A_231, %add3A_244 : vector<16xi32>
          %gather3A_246 = tpu.vector_load_idx %arg9[%broadcast_in_dim3A, %add3A_245] : memref<8x1792xf32, #tpu.memory_space<vmem>>[vector<16xi32>, vector<16xi32>], vector<16xf32>,
          %add3A_247 = arith.constant 4 : i32
          %add3A_248 = vector.broadcast %add3A_247 : i32 to vector<16xi32>
          %add3A_249 = arith.addi %add3A_231, %add3A_248 : vector<16xi32>
          %gather3A_250 = tpu.vector_load_idx %arg9[%broadcast_in_dim3A, %add3A_249] : memref<8x1792xf32, #tpu.memory_space<vmem>>[vector<16xi32>, vector<16xi32>], vector<16xf32>,
          %add3A_251 = arith.constant 5 : i32
          %add3A_252 = vector.broadcast %add3A_251 : i32 to vector<16xi32>
          %add3A_253 = arith.addi %add3A_231, %add3A_252 : vector<16xi32>
          %gather3A_254 = tpu.vector_load_idx %arg9[%broadcast_in_dim3A, %add3A_253] : memref<8x1792xf32, #tpu.memory_space<vmem>>[vector<16xi32>, vector<16xi32>], vector<16xf32>,
          %add3A_255 = arith.constant 6 : i32
          %add3A_256 = vector.broadcast %add3A_255 : i32 to vector<16xi32>
          %add3A_257 = arith.addi %add3A_231, %add3A_256 : vector<16xi32>
          %gather3A_258 = tpu.vector_load_idx %arg9[%broadcast_in_dim3A, %add3A_257] : memref<8x1792xf32, #tpu.memory_space<vmem>>[vector<16xi32>, vector<16xi32>], vector<16xf32>,
          %add3A_259 = arith.constant 7 : i32
          %add3A_260 = vector.broadcast %add3A_259 : i32 to vector<16xi32>
          %add3A_261 = arith.addi %add3A_231, %add3A_260 : vector<16xi32>
          %gather3A_262 = tpu.vector_load_idx %arg9[%broadcast_in_dim3A, %add3A_261] : memref<8x1792xf32, #tpu.memory_space<vmem>>[vector<16xi32>, vector<16xi32>], vector<16xf32>,
          %add3A_263 = arith.constant 8 : i32
          %add3A_264 = vector.broadcast %add3A_263 : i32 to vector<16xi32>
          %add3A_265 = arith.addi %add3A_231, %add3A_264 : vector<16xi32>
          %gather3A_266 = tpu.vector_load_idx %arg9[%broadcast_in_dim3A, %add3A_265] : memref<8x1792xf32, #tpu.memory_space<vmem>>[vector<16xi32>, vector<16xi32>], vector<16xf32>,
          %add3A_267 = arith.constant 9 : i32
          %add3A_268 = vector.broadcast %add3A_267 : i32 to vector<16xi32>
          %add3A_269 = arith.addi %add3A_231, %add3A_268 : vector<16xi32>
          %gather3A_270 = tpu.vector_load_idx %arg9[%broadcast_in_dim3A, %add3A_269] : memref<8x1792xf32, #tpu.memory_space<vmem>>[vector<16xi32>, vector<16xi32>], vector<16xf32>,
          %add3A_271 = arith.constant 10 : i32
          %add3A_272 = vector.broadcast %add3A_271 : i32 to vector<16xi32>
          %add3A_273 = arith.addi %add3A_231, %add3A_272 : vector<16xi32>
          %gather3A_274 = tpu.vector_load_idx %arg9[%broadcast_in_dim3A, %add3A_273] : memref<8x1792xf32, #tpu.memory_space<vmem>>[vector<16xi32>, vector<16xi32>], vector<16xf32>,
          %add3A_275 = arith.constant 11 : i32
          %add3A_276 = vector.broadcast %add3A_275 : i32 to vector<16xi32>
          %add3A_277 = arith.addi %add3A_231, %add3A_276 : vector<16xi32>
          %gather3A_278 = tpu.vector_load_idx %arg9[%broadcast_in_dim3A, %add3A_277] : memref<8x1792xf32, #tpu.memory_space<vmem>>[vector<16xi32>, vector<16xi32>], vector<16xf32>,
          %add3A_279 = arith.constant 12 : i32
          %add3A_280 = vector.broadcast %add3A_279 : i32 to vector<16xi32>
          %add3A_281 = arith.addi %add3A_231, %add3A_280 : vector<16xi32>
          %gather3A_282 = tpu.vector_load_idx %arg9[%broadcast_in_dim3A, %add3A_281] : memref<8x1792xf32, #tpu.memory_space<vmem>>[vector<16xi32>, vector<16xi32>], vector<16xf32>,
          %add3A_283 = arith.constant 13 : i32
          %add3A_284 = vector.broadcast %add3A_283 : i32 to vector<16xi32>
          %add3A_285 = arith.addi %add3A_231, %add3A_284 : vector<16xi32>
          %gather3A_286 = tpu.vector_load_idx %arg9[%broadcast_in_dim3A, %add3A_285] : memref<8x1792xf32, #tpu.memory_space<vmem>>[vector<16xi32>, vector<16xi32>], vector<16xf32>,
          %add3A_287 = arith.constant 14 : i32
          %add3A_288 = vector.broadcast %add3A_287 : i32 to vector<16xi32>
          %add3A_289 = arith.addi %add3A_231, %add3A_288 : vector<16xi32>
          %gather3A_290 = tpu.vector_load_idx %arg9[%broadcast_in_dim3A, %add3A_289] : memref<8x1792xf32, #tpu.memory_space<vmem>>[vector<16xi32>, vector<16xi32>], vector<16xf32>,
          %add3A_291 = arith.constant 15 : i32
          %add3A_292 = vector.broadcast %add3A_291 : i32 to vector<16xi32>
          %add3A_293 = arith.addi %add3A_231, %add3A_292 : vector<16xi32>
          %gather3A_294 = tpu.vector_load_idx %arg9[%broadcast_in_dim3A, %add3A_293] : memref<8x1792xf32, #tpu.memory_space<vmem>>[vector<16xi32>, vector<16xi32>], vector<16xf32>,
          %add3A_295 = arith.constant 16 : i32
          %add3A_296 = vector.broadcast %add3A_295 : i32 to vector<16xi32>
          %add3A_297 = arith.addi %add3A_231, %add3A_296 : vector<16xi32>
          %gather3A_298 = tpu.vector_load_idx %arg9[%broadcast_in_dim3A, %add3A_297] : memref<8x1792xf32, #tpu.memory_space<vmem>>[vector<16xi32>, vector<16xi32>], vector<16xf32>,
          %add3A_299 = arith.constant 17 : i32
          %add3A_300 = vector.broadcast %add3A_299 : i32 to vector<16xi32>
          %add3A_301 = arith.addi %add3A_231, %add3A_300 : vector<16xi32>
          %gather3A_302 = tpu.vector_load_idx %arg9[%broadcast_in_dim3A, %add3A_301] : memref<8x1792xf32, #tpu.memory_space<vmem>>[vector<16xi32>, vector<16xi32>], vector<16xf32>,
          %add3A_303 = arith.constant 18 : i32
          %add3A_304 = vector.broadcast %add3A_303 : i32 to vector<16xi32>
          %add3A_305 = arith.addi %add3A_231, %add3A_304 : vector<16xi32>
          %gather3A_306 = tpu.vector_load_idx %arg9[%broadcast_in_dim3A, %add3A_305] : memref<8x1792xf32, #tpu.memory_space<vmem>>[vector<16xi32>, vector<16xi32>], vector<16xf32>,
          %add3A_307 = arith.constant 19 : i32
          %add3A_308 = vector.broadcast %add3A_307 : i32 to vector<16xi32>
          %add3A_309 = arith.addi %add3A_231, %add3A_308 : vector<16xi32>
          %gather3A_310 = tpu.vector_load_idx %arg9[%broadcast_in_dim3A, %add3A_309] : memref<8x1792xf32, #tpu.memory_space<vmem>>[vector<16xi32>, vector<16xi32>], vector<16xf32>,
          %add3A_311 = arith.constant 20 : i32
          %add3A_312 = vector.broadcast %add3A_311 : i32 to vector<16xi32>
          %add3A_313 = arith.addi %add3A_231, %add3A_312 : vector<16xi32>
          %gather3A_314 = tpu.vector_load_idx %arg9[%broadcast_in_dim3A, %add3A_313] : memref<8x1792xf32, #tpu.memory_space<vmem>>[vector<16xi32>, vector<16xi32>], vector<16xf32>,
          %add3A_315 = arith.constant 21 : i32
          %add3A_316 = vector.broadcast %add3A_315 : i32 to vector<16xi32>
          %add3A_317 = arith.addi %add3A_231, %add3A_316 : vector<16xi32>
          %gather3A_318 = tpu.vector_load_idx %arg9[%broadcast_in_dim3A, %add3A_317] : memref<8x1792xf32, #tpu.memory_space<vmem>>[vector<16xi32>, vector<16xi32>], vector<16xf32>,
          %add3A_319 = arith.constant 22 : i32
          %add3A_320 = vector.broadcast %add3A_319 : i32 to vector<16xi32>
          %add3A_321 = arith.addi %add3A_231, %add3A_320 : vector<16xi32>
          %gather3A_322 = tpu.vector_load_idx %arg9[%broadcast_in_dim3A, %add3A_321] : memref<8x1792xf32, #tpu.memory_space<vmem>>[vector<16xi32>, vector<16xi32>], vector<16xf32>,
          %add3A_323 = arith.constant 23 : i32
          %add3A_324 = vector.broadcast %add3A_323 : i32 to vector<16xi32>
          %add3A_325 = arith.addi %add3A_231, %add3A_324 : vector<16xi32>
          %gather3A_326 = tpu.vector_load_idx %arg9[%broadcast_in_dim3A, %add3A_325] : memref<8x1792xf32, #tpu.memory_space<vmem>>[vector<16xi32>, vector<16xi32>], vector<16xf32>,
          %add3A_327 = arith.constant 24 : i32
          %add3A_328 = vector.broadcast %add3A_327 : i32 to vector<16xi32>
          %add3A_329 = arith.addi %add3A_231, %add3A_328 : vector<16xi32>
          %gather3A_330 = tpu.vector_load_idx %arg9[%broadcast_in_dim3A, %add3A_329] : memref<8x1792xf32, #tpu.memory_space<vmem>>[vector<16xi32>, vector<16xi32>], vector<16xf32>,
          %add3A_331 = arith.constant 25 : i32
          %add3A_332 = vector.broadcast %add3A_331 : i32 to vector<16xi32>
          %add3A_333 = arith.addi %add3A_231, %add3A_332 : vector<16xi32>
          %gather3A_334 = tpu.vector_load_idx %arg9[%broadcast_in_dim3A, %add3A_333] : memref<8x1792xf32, #tpu.memory_space<vmem>>[vector<16xi32>, vector<16xi32>], vector<16xf32>,
          %add3A_335 = arith.constant 26 : i32
          %add3A_336 = vector.broadcast %add3A_335 : i32 to vector<16xi32>
          %add3A_337 = arith.addi %add3A_231, %add3A_336 : vector<16xi32>
          %gather3A_338 = tpu.vector_load_idx %arg9[%broadcast_in_dim3A, %add3A_337] : memref<8x1792xf32, #tpu.memory_space<vmem>>[vector<16xi32>, vector<16xi32>], vector<16xf32>,
          %add3A_339 = arith.constant 27 : i32
          %add3A_340 = vector.broadcast %add3A_339 : i32 to vector<16xi32>
          %add3A_341 = arith.addi %add3A_231, %add3A_340 : vector<16xi32>
          %gather3A_342 = tpu.vector_load_idx %arg9[%broadcast_in_dim3A, %add3A_341] : memref<8x1792xf32, #tpu.memory_space<vmem>>[vector<16xi32>, vector<16xi32>], vector<16xf32>,
          %exp3A = math.exp %gather3A : vector<16xf32>
          %exp3A_343 = math.exp %gather3A_238 : vector<16xf32>
          %exp3A_344 = math.exp %gather3A_242 : vector<16xf32>
          %exp3A_345 = math.exp %gather3A_246 : vector<16xf32>
          %exp3A_346 = math.exp %gather3A_250 : vector<16xf32>
          %exp3A_347 = math.exp %gather3A_254 : vector<16xf32>
          %exp3A_348 = math.exp %gather3A_258 : vector<16xf32>
          %broadcast_in_dim3A_349 = arith.constant 0.000000e+00 : f32
          %broadcast_in_dim3A_350 = vector.broadcast %broadcast_in_dim3A_349 : f32 to vector<16xf32>
          %broadcast_in_dim3A_351 = arith.constant 0.000000e+00 : f32
          %broadcast_in_dim3A_352 = vector.broadcast %broadcast_in_dim3A_351 : f32 to vector<16xf32>
          %broadcast_in_dim3A_353 = arith.constant 0.000000e+00 : f32
          %broadcast_in_dim3A_354 = vector.broadcast %broadcast_in_dim3A_353 : f32 to vector<16xf32>
          %gt3A = arith.cmpf ogt, %exp3A_343, %exp3A : vector<16xf32>
          %gt3A_355 = arith.cmpf ogt, %exp3A_343, %broadcast_in_dim3A_352 : vector<16xf32>
          %select_n3A_356 = arith.select %gt3A_355, %exp3A_343, %broadcast_in_dim3A_352 : vector<16xi1>, vector<16xf32>
          %select_n3A_357 = arith.select %gt3A, %exp3A, %select_n3A_356 : vector<16xi1>, vector<16xf32>
          %jit3A_358 = arith.constant 1.000000e+00 : f32
          %broadcast_in_dim3A_359 = vector.broadcast %jit3A_358 : f32 to vector<16xf32>
          %select_n3A_360 = arith.select %gt3A_355, %broadcast_in_dim3A_359, %broadcast_in_dim3A_354 : vector<16xi1>, vector<16xf32>
          %select_n3A_361 = arith.select %gt3A, %broadcast_in_dim3A_350, %select_n3A_360 : vector<16xi1>, vector<16xf32>
          %max3A = arith.maximumf %exp3A_343, %exp3A : vector<16xf32>
          %jit3A_362 = arith.constant 1.000000e+00 : f32
          %broadcast_in_dim3A_363 = vector.broadcast %jit3A_362 : f32 to vector<16xf32>
          %select_n3A_364 = arith.select %gt3A, %broadcast_in_dim3A_363, %broadcast_in_dim3A_350 : vector<16xi1>, vector<16xf32>
          %add3A_365 = arith.addf %exp3A, %exp3A_343 : vector<16xf32>
          %gt3A_366 = arith.cmpf ogt, %exp3A_344, %max3A : vector<16xf32>
          %gt3A_367 = arith.cmpf ogt, %exp3A_344, %select_n3A_357 : vector<16xf32>
          %select_n3A_368 = arith.select %gt3A_367, %exp3A_344, %select_n3A_357 : vector<16xi1>, vector<16xf32>
          %select_n3A_369 = arith.select %gt3A_366, %max3A, %select_n3A_368 : vector<16xi1>, vector<16xf32>
          %jit3A_370 = arith.constant 2.000000e+00 : f32
          %broadcast_in_dim3A_371 = vector.broadcast %jit3A_370 : f32 to vector<16xf32>
          %select_n3A_372 = arith.select %gt3A_367, %broadcast_in_dim3A_371, %select_n3A_361 : vector<16xi1>, vector<16xf32>
          %select_n3A_373 = arith.select %gt3A_366, %select_n3A_364, %select_n3A_372 : vector<16xi1>, vector<16xf32>
          %max3A_374 = arith.maximumf %exp3A_344, %max3A : vector<16xf32>
          %jit3A_375 = arith.constant 2.000000e+00 : f32
          %broadcast_in_dim3A_376 = vector.broadcast %jit3A_375 : f32 to vector<16xf32>
          %select_n3A_377 = arith.select %gt3A_366, %broadcast_in_dim3A_376, %select_n3A_364 : vector<16xi1>, vector<16xf32>
          %add3A_378 = arith.addf %add3A_365, %exp3A_344 : vector<16xf32>
          %gt3A_379 = arith.cmpf ogt, %exp3A_345, %max3A_374 : vector<16xf32>
          %gt3A_380 = arith.cmpf ogt, %exp3A_345, %select_n3A_369 : vector<16xf32>
          %select_n3A_381 = arith.select %gt3A_380, %exp3A_345, %select_n3A_369 : vector<16xi1>, vector<16xf32>
          %select_n3A_382 = arith.select %gt3A_379, %max3A_374, %select_n3A_381 : vector<16xi1>, vector<16xf32>
          %jit3A_383 = arith.constant 3.000000e+00 : f32
          %broadcast_in_dim3A_384 = vector.broadcast %jit3A_383 : f32 to vector<16xf32>
          %select_n3A_385 = arith.select %gt3A_380, %broadcast_in_dim3A_384, %select_n3A_373 : vector<16xi1>, vector<16xf32>
          %select_n3A_386 = arith.select %gt3A_379, %select_n3A_377, %select_n3A_385 : vector<16xi1>, vector<16xf32>
          %max3A_387 = arith.maximumf %exp3A_345, %max3A_374 : vector<16xf32>
          %jit3A_388 = arith.constant 3.000000e+00 : f32
          %broadcast_in_dim3A_389 = vector.broadcast %jit3A_388 : f32 to vector<16xf32>
          %select_n3A_390 = arith.select %gt3A_379, %broadcast_in_dim3A_389, %select_n3A_377 : vector<16xi1>, vector<16xf32>
          %add3A_391 = arith.addf %add3A_378, %exp3A_345 : vector<16xf32>
          %gt3A_392 = arith.cmpf ogt, %exp3A_346, %max3A_387 : vector<16xf32>
          %gt3A_393 = arith.cmpf ogt, %exp3A_346, %select_n3A_382 : vector<16xf32>
          %select_n3A_394 = arith.select %gt3A_393, %exp3A_346, %select_n3A_382 : vector<16xi1>, vector<16xf32>
          %select_n3A_395 = arith.select %gt3A_392, %max3A_387, %select_n3A_394 : vector<16xi1>, vector<16xf32>
          %jit3A_396 = arith.constant 4.000000e+00 : f32
          %broadcast_in_dim3A_397 = vector.broadcast %jit3A_396 : f32 to vector<16xf32>
          %select_n3A_398 = arith.select %gt3A_393, %broadcast_in_dim3A_397, %select_n3A_386 : vector<16xi1>, vector<16xf32>
          %select_n3A_399 = arith.select %gt3A_392, %select_n3A_390, %select_n3A_398 : vector<16xi1>, vector<16xf32>
          %max3A_400 = arith.maximumf %exp3A_346, %max3A_387 : vector<16xf32>
          %jit3A_401 = arith.constant 4.000000e+00 : f32
          %broadcast_in_dim3A_402 = vector.broadcast %jit3A_401 : f32 to vector<16xf32>
          %select_n3A_403 = arith.select %gt3A_392, %broadcast_in_dim3A_402, %select_n3A_390 : vector<16xi1>, vector<16xf32>
          %add3A_404 = arith.addf %add3A_391, %exp3A_346 : vector<16xf32>
          %gt3A_405 = arith.cmpf ogt, %exp3A_347, %max3A_400 : vector<16xf32>
          %gt3A_406 = arith.cmpf ogt, %exp3A_347, %select_n3A_395 : vector<16xf32>
          %select_n3A_407 = arith.select %gt3A_406, %exp3A_347, %select_n3A_395 : vector<16xi1>, vector<16xf32>
          %select_n3A_408 = arith.select %gt3A_405, %max3A_400, %select_n3A_407 : vector<16xi1>, vector<16xf32>
          %jit3A_409 = arith.constant 5.000000e+00 : f32
          %broadcast_in_dim3A_410 = vector.broadcast %jit3A_409 : f32 to vector<16xf32>
          %select_n3A_411 = arith.select %gt3A_406, %broadcast_in_dim3A_410, %select_n3A_399 : vector<16xi1>, vector<16xf32>
          %select_n3A_412 = arith.select %gt3A_405, %select_n3A_403, %select_n3A_411 : vector<16xi1>, vector<16xf32>
          %max3A_413 = arith.maximumf %exp3A_347, %max3A_400 : vector<16xf32>
          %jit3A_414 = arith.constant 5.000000e+00 : f32
          %broadcast_in_dim3A_415 = vector.broadcast %jit3A_414 : f32 to vector<16xf32>
          %select_n3A_416 = arith.select %gt3A_405, %broadcast_in_dim3A_415, %select_n3A_403 : vector<16xi1>, vector<16xf32>
          %add3A_417 = arith.addf %add3A_404, %exp3A_347 : vector<16xf32>
          %gt3A_418 = arith.cmpf ogt, %exp3A_348, %max3A_413 : vector<16xf32>
          %gt3A_419 = arith.cmpf ogt, %exp3A_348, %select_n3A_408 : vector<16xf32>
          %select_n3A_420 = arith.select %gt3A_419, %exp3A_348, %select_n3A_408 : vector<16xi1>, vector<16xf32>
          %select_n3A_421 = arith.select %gt3A_418, %max3A_413, %select_n3A_420 : vector<16xi1>, vector<16xf32>
          %jit3A_422 = arith.constant 6.000000e+00 : f32
          %broadcast_in_dim3A_423 = vector.broadcast %jit3A_422 : f32 to vector<16xf32>
          %select_n3A_424 = arith.select %gt3A_419, %broadcast_in_dim3A_423, %select_n3A_412 : vector<16xi1>, vector<16xf32>
          %select_n3A_425 = arith.select %gt3A_418, %select_n3A_416, %select_n3A_424 : vector<16xi1>, vector<16xf32>
          %max3A_426 = arith.maximumf %exp3A_348, %max3A_413 : vector<16xf32>
          %jit3A_427 = arith.constant 6.000000e+00 : f32
          %broadcast_in_dim3A_428 = vector.broadcast %jit3A_427 : f32 to vector<16xf32>
          %select_n3A_429 = arith.select %gt3A_418, %broadcast_in_dim3A_428, %select_n3A_416 : vector<16xi1>, vector<16xf32>
          %add3A_430 = arith.addf %add3A_417, %exp3A_348 : vector<16xf32>
          %convert_element_type3A_431 = arith.fptosi %select_n3A_429 : vector<16xf32> to vector<16xi32>
          %add3A_432 = arith.constant 0 : i32
          %add3A_433 = vector.broadcast %add3A_432 : i32 to vector<16xi32>
          %add3A_434 = arith.addi %add3A_231, %add3A_433 : vector<16xi32>
          %add3A_435 = arith.addi %add3A_434, %convert_element_type3A_431 : vector<16xi32>
          %gather3A_436 = tpu.vector_load_idx %arg11[%broadcast_in_dim3A, %add3A_435] : memref<8x1792xf32, #tpu.memory_space<vmem>>[vector<16xi32>, vector<16xi32>], vector<16xf32>,
          %div3A_437 = arith.constant 1.000000e+00 : f32
          %div3A_438 = vector.broadcast %div3A_437 : f32 to vector<16xf32>
          %div3A_439 = arith.divf %div3A_438, %add3A_430 : vector<16xf32>
          %mul3A_440 = arith.mulf %max3A_426, %div3A_439 : vector<16xf32>
          %mul3A_441 = arith.mulf %select_n3A_421, %div3A_439 : vector<16xf32>
          %sub3A_442 = arith.subf %select_n3A_429, %select_n3A_425 : vector<16xf32>
          %abs3A = math.absf %sub3A_442 : vector<16xf32>
          %sub3A_443 = arith.constant 1.000000e+00 : f32
          %sub3A_444 = vector.broadcast %sub3A_443 : f32 to vector<16xf32>
          %sub3A_445 = arith.subf %abs3A, %sub3A_444 : vector<16xf32>
          %mul3A_446 = arith.mulf %mul3A_441, %sub3A_445 : vector<16xf32>
          %add3A_447 = arith.addf %mul3A_440, %mul3A_446 : vector<16xf32>
          %exp3A_448 = math.exp %gather3A_262 : vector<16xf32>
          %exp3A_449 = math.exp %gather3A_266 : vector<16xf32>
          %exp3A_450 = math.exp %gather3A_270 : vector<16xf32>
          %exp3A_451 = math.exp %gather3A_274 : vector<16xf32>
          %exp3A_452 = math.exp %gather3A_278 : vector<16xf32>
          %exp3A_453 = math.exp %gather3A_282 : vector<16xf32>
          %exp3A_454 = math.exp %gather3A_286 : vector<16xf32>
          %broadcast_in_dim3A_455 = arith.constant 0.000000e+00 : f32
          %broadcast_in_dim3A_456 = vector.broadcast %broadcast_in_dim3A_455 : f32 to vector<16xf32>
          %broadcast_in_dim3A_457 = arith.constant 0.000000e+00 : f32
          %broadcast_in_dim3A_458 = vector.broadcast %broadcast_in_dim3A_457 : f32 to vector<16xf32>
          %broadcast_in_dim3A_459 = arith.constant 0.000000e+00 : f32
          %broadcast_in_dim3A_460 = vector.broadcast %broadcast_in_dim3A_459 : f32 to vector<16xf32>
          %gt3A_461 = arith.cmpf ogt, %exp3A_449, %exp3A_448 : vector<16xf32>
          %gt3A_462 = arith.cmpf ogt, %exp3A_449, %broadcast_in_dim3A_458 : vector<16xf32>
          %select_n3A_463 = arith.select %gt3A_462, %exp3A_449, %broadcast_in_dim3A_458 : vector<16xi1>, vector<16xf32>
          %select_n3A_464 = arith.select %gt3A_461, %exp3A_448, %select_n3A_463 : vector<16xi1>, vector<16xf32>
          %jit3A_465 = arith.constant 1.000000e+00 : f32
          %broadcast_in_dim3A_466 = vector.broadcast %jit3A_465 : f32 to vector<16xf32>
          %select_n3A_467 = arith.select %gt3A_462, %broadcast_in_dim3A_466, %broadcast_in_dim3A_460 : vector<16xi1>, vector<16xf32>
          %select_n3A_468 = arith.select %gt3A_461, %broadcast_in_dim3A_456, %select_n3A_467 : vector<16xi1>, vector<16xf32>
          %max3A_469 = arith.maximumf %exp3A_449, %exp3A_448 : vector<16xf32>
          %jit3A_470 = arith.constant 1.000000e+00 : f32
          %broadcast_in_dim3A_471 = vector.broadcast %jit3A_470 : f32 to vector<16xf32>
          %select_n3A_472 = arith.select %gt3A_461, %broadcast_in_dim3A_471, %broadcast_in_dim3A_456 : vector<16xi1>, vector<16xf32>
          %add3A_473 = arith.addf %exp3A_448, %exp3A_449 : vector<16xf32>
          %gt3A_474 = arith.cmpf ogt, %exp3A_450, %max3A_469 : vector<16xf32>
          %gt3A_475 = arith.cmpf ogt, %exp3A_450, %select_n3A_464 : vector<16xf32>
          %select_n3A_476 = arith.select %gt3A_475, %exp3A_450, %select_n3A_464 : vector<16xi1>, vector<16xf32>
          %select_n3A_477 = arith.select %gt3A_474, %max3A_469, %select_n3A_476 : vector<16xi1>, vector<16xf32>
          %jit3A_478 = arith.constant 2.000000e+00 : f32
          %broadcast_in_dim3A_479 = vector.broadcast %jit3A_478 : f32 to vector<16xf32>
          %select_n3A_480 = arith.select %gt3A_475, %broadcast_in_dim3A_479, %select_n3A_468 : vector<16xi1>, vector<16xf32>
          %select_n3A_481 = arith.select %gt3A_474, %select_n3A_472, %select_n3A_480 : vector<16xi1>, vector<16xf32>
          %max3A_482 = arith.maximumf %exp3A_450, %max3A_469 : vector<16xf32>
          %jit3A_483 = arith.constant 2.000000e+00 : f32
          %broadcast_in_dim3A_484 = vector.broadcast %jit3A_483 : f32 to vector<16xf32>
          %select_n3A_485 = arith.select %gt3A_474, %broadcast_in_dim3A_484, %select_n3A_472 : vector<16xi1>, vector<16xf32>
          %add3A_486 = arith.addf %add3A_473, %exp3A_450 : vector<16xf32>
          %gt3A_487 = arith.cmpf ogt, %exp3A_451, %max3A_482 : vector<16xf32>
          %gt3A_488 = arith.cmpf ogt, %exp3A_451, %select_n3A_477 : vector<16xf32>
          %select_n3A_489 = arith.select %gt3A_488, %exp3A_451, %select_n3A_477 : vector<16xi1>, vector<16xf32>
          %select_n3A_490 = arith.select %gt3A_487, %max3A_482, %select_n3A_489 : vector<16xi1>, vector<16xf32>
          %jit3A_491 = arith.constant 3.000000e+00 : f32
          %broadcast_in_dim3A_492 = vector.broadcast %jit3A_491 : f32 to vector<16xf32>
          %select_n3A_493 = arith.select %gt3A_488, %broadcast_in_dim3A_492, %select_n3A_481 : vector<16xi1>, vector<16xf32>
          %select_n3A_494 = arith.select %gt3A_487, %select_n3A_485, %select_n3A_493 : vector<16xi1>, vector<16xf32>
          %max3A_495 = arith.maximumf %exp3A_451, %max3A_482 : vector<16xf32>
          %jit3A_496 = arith.constant 3.000000e+00 : f32
          %broadcast_in_dim3A_497 = vector.broadcast %jit3A_496 : f32 to vector<16xf32>
          %select_n3A_498 = arith.select %gt3A_487, %broadcast_in_dim3A_497, %select_n3A_485 : vector<16xi1>, vector<16xf32>
          %add3A_499 = arith.addf %add3A_486, %exp3A_451 : vector<16xf32>
          %gt3A_500 = arith.cmpf ogt, %exp3A_452, %max3A_495 : vector<16xf32>
          %gt3A_501 = arith.cmpf ogt, %exp3A_452, %select_n3A_490 : vector<16xf32>
          %select_n3A_502 = arith.select %gt3A_501, %exp3A_452, %select_n3A_490 : vector<16xi1>, vector<16xf32>
          %select_n3A_503 = arith.select %gt3A_500, %max3A_495, %select_n3A_502 : vector<16xi1>, vector<16xf32>
          %jit3A_504 = arith.constant 4.000000e+00 : f32
          %broadcast_in_dim3A_505 = vector.broadcast %jit3A_504 : f32 to vector<16xf32>
          %select_n3A_506 = arith.select %gt3A_501, %broadcast_in_dim3A_505, %select_n3A_494 : vector<16xi1>, vector<16xf32>
          %select_n3A_507 = arith.select %gt3A_500, %select_n3A_498, %select_n3A_506 : vector<16xi1>, vector<16xf32>
          %max3A_508 = arith.maximumf %exp3A_452, %max3A_495 : vector<16xf32>
          %jit3A_509 = arith.constant 4.000000e+00 : f32
          %broadcast_in_dim3A_510 = vector.broadcast %jit3A_509 : f32 to vector<16xf32>
          %select_n3A_511 = arith.select %gt3A_500, %broadcast_in_dim3A_510, %select_n3A_498 : vector<16xi1>, vector<16xf32>
          %add3A_512 = arith.addf %add3A_499, %exp3A_452 : vector<16xf32>
          %gt3A_513 = arith.cmpf ogt, %exp3A_453, %max3A_508 : vector<16xf32>
          %gt3A_514 = arith.cmpf ogt, %exp3A_453, %select_n3A_503 : vector<16xf32>
          %select_n3A_515 = arith.select %gt3A_514, %exp3A_453, %select_n3A_503 : vector<16xi1>, vector<16xf32>
          %select_n3A_516 = arith.select %gt3A_513, %max3A_508, %select_n3A_515 : vector<16xi1>, vector<16xf32>
          %jit3A_517 = arith.constant 5.000000e+00 : f32
          %broadcast_in_dim3A_518 = vector.broadcast %jit3A_517 : f32 to vector<16xf32>
          %select_n3A_519 = arith.select %gt3A_514, %broadcast_in_dim3A_518, %select_n3A_507 : vector<16xi1>, vector<16xf32>
          %select_n3A_520 = arith.select %gt3A_513, %select_n3A_511, %select_n3A_519 : vector<16xi1>, vector<16xf32>
          %max3A_521 = arith.maximumf %exp3A_453, %max3A_508 : vector<16xf32>
          %jit3A_522 = arith.constant 5.000000e+00 : f32
          %broadcast_in_dim3A_523 = vector.broadcast %jit3A_522 : f32 to vector<16xf32>
          %select_n3A_524 = arith.select %gt3A_513, %broadcast_in_dim3A_523, %select_n3A_511 : vector<16xi1>, vector<16xf32>
          %add3A_525 = arith.addf %add3A_512, %exp3A_453 : vector<16xf32>
          %gt3A_526 = arith.cmpf ogt, %exp3A_454, %max3A_521 : vector<16xf32>
          %gt3A_527 = arith.cmpf ogt, %exp3A_454, %select_n3A_516 : vector<16xf32>
          %select_n3A_528 = arith.select %gt3A_527, %exp3A_454, %select_n3A_516 : vector<16xi1>, vector<16xf32>
          %select_n3A_529 = arith.select %gt3A_526, %max3A_521, %select_n3A_528 : vector<16xi1>, vector<16xf32>
          %jit3A_530 = arith.constant 6.000000e+00 : f32
          %broadcast_in_dim3A_531 = vector.broadcast %jit3A_530 : f32 to vector<16xf32>
          %select_n3A_532 = arith.select %gt3A_527, %broadcast_in_dim3A_531, %select_n3A_520 : vector<16xi1>, vector<16xf32>
          %select_n3A_533 = arith.select %gt3A_526, %select_n3A_524, %select_n3A_532 : vector<16xi1>, vector<16xf32>
          %max3A_534 = arith.maximumf %exp3A_454, %max3A_521 : vector<16xf32>
          %jit3A_535 = arith.constant 6.000000e+00 : f32
          %broadcast_in_dim3A_536 = vector.broadcast %jit3A_535 : f32 to vector<16xf32>
          %select_n3A_537 = arith.select %gt3A_526, %broadcast_in_dim3A_536, %select_n3A_524 : vector<16xi1>, vector<16xf32>
          %add3A_538 = arith.addf %add3A_525, %exp3A_454 : vector<16xf32>
          %convert_element_type3A_539 = arith.fptosi %select_n3A_537 : vector<16xf32> to vector<16xi32>
          %add3A_540 = arith.constant 7 : i32
          %add3A_541 = vector.broadcast %add3A_540 : i32 to vector<16xi32>
          %add3A_542 = arith.addi %add3A_231, %add3A_541 : vector<16xi32>
          %add3A_543 = arith.addi %add3A_542, %convert_element_type3A_539 : vector<16xi32>
          %gather3A_544 = tpu.vector_load_idx %arg11[%broadcast_in_dim3A, %add3A_543] : memref<8x1792xf32, #tpu.memory_space<vmem>>[vector<16xi32>, vector<16xi32>], vector<16xf32>,
          %div3A_545 = arith.constant 1.000000e+00 : f32
          %div3A_546 = vector.broadcast %div3A_545 : f32 to vector<16xf32>
          %div3A_547 = arith.divf %div3A_546, %add3A_538 : vector<16xf32>
          %mul3A_548 = arith.mulf %max3A_534, %div3A_547 : vector<16xf32>
          %mul3A_549 = arith.mulf %select_n3A_529, %div3A_547 : vector<16xf32>
          %sub3A_550 = arith.subf %select_n3A_537, %select_n3A_533 : vector<16xf32>
          %abs3A_551 = math.absf %sub3A_550 : vector<16xf32>
          %sub3A_552 = arith.constant 1.000000e+00 : f32
          %sub3A_553 = vector.broadcast %sub3A_552 : f32 to vector<16xf32>
          %sub3A_554 = arith.subf %abs3A_551, %sub3A_553 : vector<16xf32>
          %mul3A_555 = arith.mulf %mul3A_549, %sub3A_554 : vector<16xf32>
          %add3A_556 = arith.addf %mul3A_548, %mul3A_555 : vector<16xf32>
          %add3A_557 = arith.addf %add3A_447, %add3A_556 : vector<16xf32>
          %exp3A_558 = math.exp %gather3A_290 : vector<16xf32>
          %exp3A_559 = math.exp %gather3A_294 : vector<16xf32>
          %exp3A_560 = math.exp %gather3A_298 : vector<16xf32>
          %exp3A_561 = math.exp %gather3A_302 : vector<16xf32>
          %exp3A_562 = math.exp %gather3A_306 : vector<16xf32>
          %exp3A_563 = math.exp %gather3A_310 : vector<16xf32>
          %exp3A_564 = math.exp %gather3A_314 : vector<16xf32>
          %broadcast_in_dim3A_565 = arith.constant 0.000000e+00 : f32
          %broadcast_in_dim3A_566 = vector.broadcast %broadcast_in_dim3A_565 : f32 to vector<16xf32>
          %broadcast_in_dim3A_567 = arith.constant 0.000000e+00 : f32
          %broadcast_in_dim3A_568 = vector.broadcast %broadcast_in_dim3A_567 : f32 to vector<16xf32>
          %broadcast_in_dim3A_569 = arith.constant 0.000000e+00 : f32
          %broadcast_in_dim3A_570 = vector.broadcast %broadcast_in_dim3A_569 : f32 to vector<16xf32>
          %gt3A_571 = arith.cmpf ogt, %exp3A_559, %exp3A_558 : vector<16xf32>
          %gt3A_572 = arith.cmpf ogt, %exp3A_559, %broadcast_in_dim3A_568 : vector<16xf32>
          %select_n3A_573 = arith.select %gt3A_572, %exp3A_559, %broadcast_in_dim3A_568 : vector<16xi1>, vector<16xf32>
          %select_n3A_574 = arith.select %gt3A_571, %exp3A_558, %select_n3A_573 : vector<16xi1>, vector<16xf32>
          %jit3A_575 = arith.constant 1.000000e+00 : f32
          %broadcast_in_dim3A_576 = vector.broadcast %jit3A_575 : f32 to vector<16xf32>
          %select_n3A_577 = arith.select %gt3A_572, %broadcast_in_dim3A_576, %broadcast_in_dim3A_570 : vector<16xi1>, vector<16xf32>
          %select_n3A_578 = arith.select %gt3A_571, %broadcast_in_dim3A_566, %select_n3A_577 : vector<16xi1>, vector<16xf32>
          %max3A_579 = arith.maximumf %exp3A_559, %exp3A_558 : vector<16xf32>
          %jit3A_580 = arith.constant 1.000000e+00 : f32
          %broadcast_in_dim3A_581 = vector.broadcast %jit3A_580 : f32 to vector<16xf32>
          %select_n3A_582 = arith.select %gt3A_571, %broadcast_in_dim3A_581, %broadcast_in_dim3A_566 : vector<16xi1>, vector<16xf32>
          %add3A_583 = arith.addf %exp3A_558, %exp3A_559 : vector<16xf32>
          %gt3A_584 = arith.cmpf ogt, %exp3A_560, %max3A_579 : vector<16xf32>
          %gt3A_585 = arith.cmpf ogt, %exp3A_560, %select_n3A_574 : vector<16xf32>
          %select_n3A_586 = arith.select %gt3A_585, %exp3A_560, %select_n3A_574 : vector<16xi1>, vector<16xf32>
          %select_n3A_587 = arith.select %gt3A_584, %max3A_579, %select_n3A_586 : vector<16xi1>, vector<16xf32>
          %jit3A_588 = arith.constant 2.000000e+00 : f32
          %broadcast_in_dim3A_589 = vector.broadcast %jit3A_588 : f32 to vector<16xf32>
          %select_n3A_590 = arith.select %gt3A_585, %broadcast_in_dim3A_589, %select_n3A_578 : vector<16xi1>, vector<16xf32>
          %select_n3A_591 = arith.select %gt3A_584, %select_n3A_582, %select_n3A_590 : vector<16xi1>, vector<16xf32>
          %max3A_592 = arith.maximumf %exp3A_560, %max3A_579 : vector<16xf32>
          %jit3A_593 = arith.constant 2.000000e+00 : f32
          %broadcast_in_dim3A_594 = vector.broadcast %jit3A_593 : f32 to vector<16xf32>
          %select_n3A_595 = arith.select %gt3A_584, %broadcast_in_dim3A_594, %select_n3A_582 : vector<16xi1>, vector<16xf32>
          %add3A_596 = arith.addf %add3A_583, %exp3A_560 : vector<16xf32>
          %gt3A_597 = arith.cmpf ogt, %exp3A_561, %max3A_592 : vector<16xf32>
          %gt3A_598 = arith.cmpf ogt, %exp3A_561, %select_n3A_587 : vector<16xf32>
          %select_n3A_599 = arith.select %gt3A_598, %exp3A_561, %select_n3A_587 : vector<16xi1>, vector<16xf32>
          %select_n3A_600 = arith.select %gt3A_597, %max3A_592, %select_n3A_599 : vector<16xi1>, vector<16xf32>
          %jit3A_601 = arith.constant 3.000000e+00 : f32
          %broadcast_in_dim3A_602 = vector.broadcast %jit3A_601 : f32 to vector<16xf32>
          %select_n3A_603 = arith.select %gt3A_598, %broadcast_in_dim3A_602, %select_n3A_591 : vector<16xi1>, vector<16xf32>
          %select_n3A_604 = arith.select %gt3A_597, %select_n3A_595, %select_n3A_603 : vector<16xi1>, vector<16xf32>
          %max3A_605 = arith.maximumf %exp3A_561, %max3A_592 : vector<16xf32>
          %jit3A_606 = arith.constant 3.000000e+00 : f32
          %broadcast_in_dim3A_607 = vector.broadcast %jit3A_606 : f32 to vector<16xf32>
          %select_n3A_608 = arith.select %gt3A_597, %broadcast_in_dim3A_607, %select_n3A_595 : vector<16xi1>, vector<16xf32>
          %add3A_609 = arith.addf %add3A_596, %exp3A_561 : vector<16xf32>
          %gt3A_610 = arith.cmpf ogt, %exp3A_562, %max3A_605 : vector<16xf32>
          %gt3A_611 = arith.cmpf ogt, %exp3A_562, %select_n3A_600 : vector<16xf32>
          %select_n3A_612 = arith.select %gt3A_611, %exp3A_562, %select_n3A_600 : vector<16xi1>, vector<16xf32>
          %select_n3A_613 = arith.select %gt3A_610, %max3A_605, %select_n3A_612 : vector<16xi1>, vector<16xf32>
          %jit3A_614 = arith.constant 4.000000e+00 : f32
          %broadcast_in_dim3A_615 = vector.broadcast %jit3A_614 : f32 to vector<16xf32>
          %select_n3A_616 = arith.select %gt3A_611, %broadcast_in_dim3A_615, %select_n3A_604 : vector<16xi1>, vector<16xf32>
          %select_n3A_617 = arith.select %gt3A_610, %select_n3A_608, %select_n3A_616 : vector<16xi1>, vector<16xf32>
          %max3A_618 = arith.maximumf %exp3A_562, %max3A_605 : vector<16xf32>
          %jit3A_619 = arith.constant 4.000000e+00 : f32
          %broadcast_in_dim3A_620 = vector.broadcast %jit3A_619 : f32 to vector<16xf32>
          %select_n3A_621 = arith.select %gt3A_610, %broadcast_in_dim3A_620, %select_n3A_608 : vector<16xi1>, vector<16xf32>
          %add3A_622 = arith.addf %add3A_609, %exp3A_562 : vector<16xf32>
          %gt3A_623 = arith.cmpf ogt, %exp3A_563, %max3A_618 : vector<16xf32>
          %gt3A_624 = arith.cmpf ogt, %exp3A_563, %select_n3A_613 : vector<16xf32>
          %select_n3A_625 = arith.select %gt3A_624, %exp3A_563, %select_n3A_613 : vector<16xi1>, vector<16xf32>
          %select_n3A_626 = arith.select %gt3A_623, %max3A_618, %select_n3A_625 : vector<16xi1>, vector<16xf32>
          %jit3A_627 = arith.constant 5.000000e+00 : f32
          %broadcast_in_dim3A_628 = vector.broadcast %jit3A_627 : f32 to vector<16xf32>
          %select_n3A_629 = arith.select %gt3A_624, %broadcast_in_dim3A_628, %select_n3A_617 : vector<16xi1>, vector<16xf32>
          %select_n3A_630 = arith.select %gt3A_623, %select_n3A_621, %select_n3A_629 : vector<16xi1>, vector<16xf32>
          %max3A_631 = arith.maximumf %exp3A_563, %max3A_618 : vector<16xf32>
          %jit3A_632 = arith.constant 5.000000e+00 : f32
          %broadcast_in_dim3A_633 = vector.broadcast %jit3A_632 : f32 to vector<16xf32>
          %select_n3A_634 = arith.select %gt3A_623, %broadcast_in_dim3A_633, %select_n3A_621 : vector<16xi1>, vector<16xf32>
          %add3A_635 = arith.addf %add3A_622, %exp3A_563 : vector<16xf32>
          %gt3A_636 = arith.cmpf ogt, %exp3A_564, %max3A_631 : vector<16xf32>
          %gt3A_637 = arith.cmpf ogt, %exp3A_564, %select_n3A_626 : vector<16xf32>
          %select_n3A_638 = arith.select %gt3A_637, %exp3A_564, %select_n3A_626 : vector<16xi1>, vector<16xf32>
          %select_n3A_639 = arith.select %gt3A_636, %max3A_631, %select_n3A_638 : vector<16xi1>, vector<16xf32>
          %jit3A_640 = arith.constant 6.000000e+00 : f32
          %broadcast_in_dim3A_641 = vector.broadcast %jit3A_640 : f32 to vector<16xf32>
          %select_n3A_642 = arith.select %gt3A_637, %broadcast_in_dim3A_641, %select_n3A_630 : vector<16xi1>, vector<16xf32>
          %select_n3A_643 = arith.select %gt3A_636, %select_n3A_634, %select_n3A_642 : vector<16xi1>, vector<16xf32>
          %max3A_644 = arith.maximumf %exp3A_564, %max3A_631 : vector<16xf32>
          %jit3A_645 = arith.constant 6.000000e+00 : f32
          %broadcast_in_dim3A_646 = vector.broadcast %jit3A_645 : f32 to vector<16xf32>
          %select_n3A_647 = arith.select %gt3A_636, %broadcast_in_dim3A_646, %select_n3A_634 : vector<16xi1>, vector<16xf32>
          %add3A_648 = arith.addf %add3A_635, %exp3A_564 : vector<16xf32>
          %convert_element_type3A_649 = arith.fptosi %select_n3A_647 : vector<16xf32> to vector<16xi32>
          %add3A_650 = arith.constant 14 : i32
          %add3A_651 = vector.broadcast %add3A_650 : i32 to vector<16xi32>
          %add3A_652 = arith.addi %add3A_231, %add3A_651 : vector<16xi32>
          %add3A_653 = arith.addi %add3A_652, %convert_element_type3A_649 : vector<16xi32>
          %gather3A_654 = tpu.vector_load_idx %arg11[%broadcast_in_dim3A, %add3A_653] : memref<8x1792xf32, #tpu.memory_space<vmem>>[vector<16xi32>, vector<16xi32>], vector<16xf32>,
          %div3A_655 = arith.constant 1.000000e+00 : f32
          %div3A_656 = vector.broadcast %div3A_655 : f32 to vector<16xf32>
          %div3A_657 = arith.divf %div3A_656, %add3A_648 : vector<16xf32>
          %mul3A_658 = arith.mulf %max3A_644, %div3A_657 : vector<16xf32>
          %mul3A_659 = arith.mulf %select_n3A_639, %div3A_657 : vector<16xf32>
          %sub3A_660 = arith.subf %select_n3A_647, %select_n3A_643 : vector<16xf32>
          %abs3A_661 = math.absf %sub3A_660 : vector<16xf32>
          %sub3A_662 = arith.constant 1.000000e+00 : f32
          %sub3A_663 = vector.broadcast %sub3A_662 : f32 to vector<16xf32>
          %sub3A_664 = arith.subf %abs3A_661, %sub3A_663 : vector<16xf32>
          %mul3A_665 = arith.mulf %mul3A_659, %sub3A_664 : vector<16xf32>
          %add3A_666 = arith.addf %mul3A_658, %mul3A_665 : vector<16xf32>
          %add3A_667 = arith.addf %add3A_557, %add3A_666 : vector<16xf32>
          %exp3A_668 = math.exp %gather3A_318 : vector<16xf32>
          %exp3A_669 = math.exp %gather3A_322 : vector<16xf32>
          %exp3A_670 = math.exp %gather3A_326 : vector<16xf32>
          %exp3A_671 = math.exp %gather3A_330 : vector<16xf32>
          %exp3A_672 = math.exp %gather3A_334 : vector<16xf32>
          %exp3A_673 = math.exp %gather3A_338 : vector<16xf32>
          %exp3A_674 = math.exp %gather3A_342 : vector<16xf32>
          %broadcast_in_dim3A_675 = arith.constant 0.000000e+00 : f32
          %broadcast_in_dim3A_676 = vector.broadcast %broadcast_in_dim3A_675 : f32 to vector<16xf32>
          %broadcast_in_dim3A_677 = arith.constant 0.000000e+00 : f32
          %broadcast_in_dim3A_678 = vector.broadcast %broadcast_in_dim3A_677 : f32 to vector<16xf32>
          %broadcast_in_dim3A_679 = arith.constant 0.000000e+00 : f32
          %broadcast_in_dim3A_680 = vector.broadcast %broadcast_in_dim3A_679 : f32 to vector<16xf32>
          %gt3A_681 = arith.cmpf ogt, %exp3A_669, %exp3A_668 : vector<16xf32>
          %gt3A_682 = arith.cmpf ogt, %exp3A_669, %broadcast_in_dim3A_678 : vector<16xf32>
          %select_n3A_683 = arith.select %gt3A_682, %exp3A_669, %broadcast_in_dim3A_678 : vector<16xi1>, vector<16xf32>
          %select_n3A_684 = arith.select %gt3A_681, %exp3A_668, %select_n3A_683 : vector<16xi1>, vector<16xf32>
          %jit3A_685 = arith.constant 1.000000e+00 : f32
          %broadcast_in_dim3A_686 = vector.broadcast %jit3A_685 : f32 to vector<16xf32>
          %select_n3A_687 = arith.select %gt3A_682, %broadcast_in_dim3A_686, %broadcast_in_dim3A_680 : vector<16xi1>, vector<16xf32>
          %select_n3A_688 = arith.select %gt3A_681, %broadcast_in_dim3A_676, %select_n3A_687 : vector<16xi1>, vector<16xf32>
          %max3A_689 = arith.maximumf %exp3A_669, %exp3A_668 : vector<16xf32>
          %jit3A_690 = arith.constant 1.000000e+00 : f32
          %broadcast_in_dim3A_691 = vector.broadcast %jit3A_690 : f32 to vector<16xf32>
          %select_n3A_692 = arith.select %gt3A_681, %broadcast_in_dim3A_691, %broadcast_in_dim3A_676 : vector<16xi1>, vector<16xf32>
          %add3A_693 = arith.addf %exp3A_668, %exp3A_669 : vector<16xf32>
          %gt3A_694 = arith.cmpf ogt, %exp3A_670, %max3A_689 : vector<16xf32>
          %gt3A_695 = arith.cmpf ogt, %exp3A_670, %select_n3A_684 : vector<16xf32>
          %select_n3A_696 = arith.select %gt3A_695, %exp3A_670, %select_n3A_684 : vector<16xi1>, vector<16xf32>
          %select_n3A_697 = arith.select %gt3A_694, %max3A_689, %select_n3A_696 : vector<16xi1>, vector<16xf32>
          %jit3A_698 = arith.constant 2.000000e+00 : f32
          %broadcast_in_dim3A_699 = vector.broadcast %jit3A_698 : f32 to vector<16xf32>
          %select_n3A_700 = arith.select %gt3A_695, %broadcast_in_dim3A_699, %select_n3A_688 : vector<16xi1>, vector<16xf32>
          %select_n3A_701 = arith.select %gt3A_694, %select_n3A_692, %select_n3A_700 : vector<16xi1>, vector<16xf32>
          %max3A_702 = arith.maximumf %exp3A_670, %max3A_689 : vector<16xf32>
          %jit3A_703 = arith.constant 2.000000e+00 : f32
          %broadcast_in_dim3A_704 = vector.broadcast %jit3A_703 : f32 to vector<16xf32>
          %select_n3A_705 = arith.select %gt3A_694, %broadcast_in_dim3A_704, %select_n3A_692 : vector<16xi1>, vector<16xf32>
          %add3A_706 = arith.addf %add3A_693, %exp3A_670 : vector<16xf32>
          %gt3A_707 = arith.cmpf ogt, %exp3A_671, %max3A_702 : vector<16xf32>
          %gt3A_708 = arith.cmpf ogt, %exp3A_671, %select_n3A_697 : vector<16xf32>
          %select_n3A_709 = arith.select %gt3A_708, %exp3A_671, %select_n3A_697 : vector<16xi1>, vector<16xf32>
          %select_n3A_710 = arith.select %gt3A_707, %max3A_702, %select_n3A_709 : vector<16xi1>, vector<16xf32>
          %jit3A_711 = arith.constant 3.000000e+00 : f32
          %broadcast_in_dim3A_712 = vector.broadcast %jit3A_711 : f32 to vector<16xf32>
          %select_n3A_713 = arith.select %gt3A_708, %broadcast_in_dim3A_712, %select_n3A_701 : vector<16xi1>, vector<16xf32>
          %select_n3A_714 = arith.select %gt3A_707, %select_n3A_705, %select_n3A_713 : vector<16xi1>, vector<16xf32>
          %max3A_715 = arith.maximumf %exp3A_671, %max3A_702 : vector<16xf32>
          %jit3A_716 = arith.constant 3.000000e+00 : f32
          %broadcast_in_dim3A_717 = vector.broadcast %jit3A_716 : f32 to vector<16xf32>
          %select_n3A_718 = arith.select %gt3A_707, %broadcast_in_dim3A_717, %select_n3A_705 : vector<16xi1>, vector<16xf32>
          %add3A_719 = arith.addf %add3A_706, %exp3A_671 : vector<16xf32>
          %gt3A_720 = arith.cmpf ogt, %exp3A_672, %max3A_715 : vector<16xf32>
          %gt3A_721 = arith.cmpf ogt, %exp3A_672, %select_n3A_710 : vector<16xf32>
          %select_n3A_722 = arith.select %gt3A_721, %exp3A_672, %select_n3A_710 : vector<16xi1>, vector<16xf32>
          %select_n3A_723 = arith.select %gt3A_720, %max3A_715, %select_n3A_722 : vector<16xi1>, vector<16xf32>
          %jit3A_724 = arith.constant 4.000000e+00 : f32
          %broadcast_in_dim3A_725 = vector.broadcast %jit3A_724 : f32 to vector<16xf32>
          %select_n3A_726 = arith.select %gt3A_721, %broadcast_in_dim3A_725, %select_n3A_714 : vector<16xi1>, vector<16xf32>
          %select_n3A_727 = arith.select %gt3A_720, %select_n3A_718, %select_n3A_726 : vector<16xi1>, vector<16xf32>
          %max3A_728 = arith.maximumf %exp3A_672, %max3A_715 : vector<16xf32>
          %jit3A_729 = arith.constant 4.000000e+00 : f32
          %broadcast_in_dim3A_730 = vector.broadcast %jit3A_729 : f32 to vector<16xf32>
          %select_n3A_731 = arith.select %gt3A_720, %broadcast_in_dim3A_730, %select_n3A_718 : vector<16xi1>, vector<16xf32>
          %add3A_732 = arith.addf %add3A_719, %exp3A_672 : vector<16xf32>
          %gt3A_733 = arith.cmpf ogt, %exp3A_673, %max3A_728 : vector<16xf32>
          %gt3A_734 = arith.cmpf ogt, %exp3A_673, %select_n3A_723 : vector<16xf32>
          %select_n3A_735 = arith.select %gt3A_734, %exp3A_673, %select_n3A_723 : vector<16xi1>, vector<16xf32>
          %select_n3A_736 = arith.select %gt3A_733, %max3A_728, %select_n3A_735 : vector<16xi1>, vector<16xf32>
          %jit3A_737 = arith.constant 5.000000e+00 : f32
          %broadcast_in_dim3A_738 = vector.broadcast %jit3A_737 : f32 to vector<16xf32>
          %select_n3A_739 = arith.select %gt3A_734, %broadcast_in_dim3A_738, %select_n3A_727 : vector<16xi1>, vector<16xf32>
          %select_n3A_740 = arith.select %gt3A_733, %select_n3A_731, %select_n3A_739 : vector<16xi1>, vector<16xf32>
          %max3A_741 = arith.maximumf %exp3A_673, %max3A_728 : vector<16xf32>
          %jit3A_742 = arith.constant 5.000000e+00 : f32
          %broadcast_in_dim3A_743 = vector.broadcast %jit3A_742 : f32 to vector<16xf32>
          %select_n3A_744 = arith.select %gt3A_733, %broadcast_in_dim3A_743, %select_n3A_731 : vector<16xi1>, vector<16xf32>
          %add3A_745 = arith.addf %add3A_732, %exp3A_673 : vector<16xf32>
          %gt3A_746 = arith.cmpf ogt, %exp3A_674, %max3A_741 : vector<16xf32>
          %gt3A_747 = arith.cmpf ogt, %exp3A_674, %select_n3A_736 : vector<16xf32>
          %select_n3A_748 = arith.select %gt3A_747, %exp3A_674, %select_n3A_736 : vector<16xi1>, vector<16xf32>
          %select_n3A_749 = arith.select %gt3A_746, %max3A_741, %select_n3A_748 : vector<16xi1>, vector<16xf32>
          %jit3A_750 = arith.constant 6.000000e+00 : f32
          %broadcast_in_dim3A_751 = vector.broadcast %jit3A_750 : f32 to vector<16xf32>
          %select_n3A_752 = arith.select %gt3A_747, %broadcast_in_dim3A_751, %select_n3A_740 : vector<16xi1>, vector<16xf32>
          %select_n3A_753 = arith.select %gt3A_746, %select_n3A_744, %select_n3A_752 : vector<16xi1>, vector<16xf32>
          %max3A_754 = arith.maximumf %exp3A_674, %max3A_741 : vector<16xf32>
          %jit3A_755 = arith.constant 6.000000e+00 : f32
          %broadcast_in_dim3A_756 = vector.broadcast %jit3A_755 : f32 to vector<16xf32>
          %select_n3A_757 = arith.select %gt3A_746, %broadcast_in_dim3A_756, %select_n3A_744 : vector<16xi1>, vector<16xf32>
          %add3A_758 = arith.addf %add3A_745, %exp3A_674 : vector<16xf32>
          %convert_element_type3A_759 = arith.fptosi %select_n3A_757 : vector<16xf32> to vector<16xi32>
          %add3A_760 = arith.constant 21 : i32
          %add3A_761 = vector.broadcast %add3A_760 : i32 to vector<16xi32>
          %add3A_762 = arith.addi %add3A_231, %add3A_761 : vector<16xi32>
          %add3A_763 = arith.addi %add3A_762, %convert_element_type3A_759 : vector<16xi32>
          %gather3A_764 = tpu.vector_load_idx %arg11[%broadcast_in_dim3A, %add3A_763] : memref<8x1792xf32, #tpu.memory_space<vmem>>[vector<16xi32>, vector<16xi32>], vector<16xf32>,
          %div3A_765 = arith.constant 1.000000e+00 : f32
          %div3A_766 = vector.broadcast %div3A_765 : f32 to vector<16xf32>
          %div3A_767 = arith.divf %div3A_766, %add3A_758 : vector<16xf32>
          %mul3A_768 = arith.mulf %max3A_754, %div3A_767 : vector<16xf32>
          %mul3A_769 = arith.mulf %select_n3A_749, %div3A_767 : vector<16xf32>
          %sub3A_770 = arith.subf %select_n3A_757, %select_n3A_753 : vector<16xf32>
          %abs3A_771 = math.absf %sub3A_770 : vector<16xf32>
          %sub3A_772 = arith.constant 1.000000e+00 : f32
          %sub3A_773 = vector.broadcast %sub3A_772 : f32 to vector<16xf32>
          %sub3A_774 = arith.subf %abs3A_771, %sub3A_773 : vector<16xf32>
          %mul3A_775 = arith.mulf %mul3A_769, %sub3A_774 : vector<16xf32>
          %add3A_776 = arith.addf %mul3A_768, %mul3A_775 : vector<16xf32>
          %add3A_777 = arith.addf %add3A_667, %add3A_776 : vector<16xf32>
          %broadcast_in_dim3A_778 = arith.constant 0 : i32
          %broadcast_in_dim3A_779 = vector.broadcast %broadcast_in_dim3A_778 : i32 to vector<16xi32>
          %broadcast_in_dim3A_780 = arith.constant 1 : i32
          %broadcast_in_dim3A_781 = vector.broadcast %broadcast_in_dim3A_780 : i32 to vector<16xi32>
          %broadcast_in_dim3A_782 = arith.constant 2 : i32
          %broadcast_in_dim3A_783 = vector.broadcast %broadcast_in_dim3A_782 : i32 to vector<16xi32>
          %broadcast_in_dim3A_784 = arith.constant 3 : i32
          %broadcast_in_dim3A_785 = vector.broadcast %broadcast_in_dim3A_784 : i32 to vector<16xi32>
          %add3A_786 = arith.addi %add3A_221, %add3A_224 : i32
          %add3A_787 = vector.broadcast %add3A_786 : i32 to vector<16xi32>
          %add3A_788 = arith.addi %add3A_787, %iota3A : vector<16xi32>
          %gather3A_789 = tpu.vector_load_idx %arg12[%broadcast_in_dim3A, %broadcast_in_dim3A_779, %add3A_788] : memref<8x4x640xf32, #tpu.memory_space<vmem>>[vector<16xi32>, vector<16xi32>, vector<16xi32>], vector<16xf32>,
          %gather3A_790 = tpu.vector_load_idx %arg12[%broadcast_in_dim3A, %broadcast_in_dim3A_781, %add3A_788] : memref<8x4x640xf32, #tpu.memory_space<vmem>>[vector<16xi32>, vector<16xi32>, vector<16xi32>], vector<16xf32>,
          %gather3A_791 = tpu.vector_load_idx %arg12[%broadcast_in_dim3A, %broadcast_in_dim3A_783, %add3A_788] : memref<8x4x640xf32, #tpu.memory_space<vmem>>[vector<16xi32>, vector<16xi32>, vector<16xi32>], vector<16xf32>,
          %gather3A_792 = tpu.vector_load_idx %arg12[%broadcast_in_dim3A, %broadcast_in_dim3A_785, %add3A_788] : memref<8x4x640xf32, #tpu.memory_space<vmem>>[vector<16xi32>, vector<16xi32>, vector<16xi32>], vector<16xf32>,
          %add3A_793 = arith.addf %gather3A_789, %gather3A_791 : vector<16xf32>
          %add3A_794 = arith.addf %gather3A_790, %gather3A_792 : vector<16xf32>
          %sub3A_795 = arith.subf %gather3A_791, %gather3A_789 : vector<16xf32>
          %mul3A_796 = arith.constant 1.700000e+00 : f32
          %mul3A_797 = vector.broadcast %mul3A_796 : f32 to vector<16xf32>
          %mul3A_798 = arith.mulf %sub3A_795, %mul3A_797 : vector<16xf32>
          %sub3A_799 = arith.subf %gather3A_792, %gather3A_790 : vector<16xf32>
          %mul3A_800 = arith.constant 1.700000e+00 : f32
          %mul3A_801 = vector.broadcast %mul3A_800 : f32 to vector<16xf32>
          %mul3A_802 = arith.mulf %sub3A_799, %mul3A_801 : vector<16xf32>
          %sub3A_803 = arith.subf %add3A_793, %mul3A_798 : vector<16xf32>
          %mul3A_804 = arith.constant 5.000000e-01 : f32
          %mul3A_805 = vector.broadcast %mul3A_804 : f32 to vector<16xf32>
          %mul3A_806 = arith.mulf %sub3A_803, %mul3A_805 : vector<16xf32>
          %add3A_807 = arith.addf %add3A_793, %mul3A_798 : vector<16xf32>
          %mul3A_808 = arith.constant 5.000000e-01 : f32
          %mul3A_809 = vector.broadcast %mul3A_808 : f32 to vector<16xf32>
          %mul3A_810 = arith.mulf %add3A_807, %mul3A_809 : vector<16xf32>
          %sub3A_811 = arith.subf %add3A_794, %mul3A_802 : vector<16xf32>
          %mul3A_812 = arith.constant 5.000000e-01 : f32
          %mul3A_813 = vector.broadcast %mul3A_812 : f32 to vector<16xf32>
          %mul3A_814 = arith.mulf %sub3A_811, %mul3A_813 : vector<16xf32>
          %add3A_815 = arith.addf %add3A_794, %mul3A_802 : vector<16xf32>
          %mul3A_816 = arith.constant 5.000000e-01 : f32
          %mul3A_817 = vector.broadcast %mul3A_816 : f32 to vector<16xf32>
          %mul3A_818 = arith.mulf %add3A_815, %mul3A_817 : vector<16xf32>
          %div3A_819 = arith.constant 1.400000e+01 : f32
          %div3A_820 = vector.broadcast %div3A_819 : f32 to vector<16xf32>
          %div3A_821 = arith.divf %mul3A_798, %div3A_820 : vector<16xf32>
          %div3A_822 = arith.constant 1.400000e+01 : f32
          %div3A_823 = vector.broadcast %div3A_822 : f32 to vector<16xf32>
          %div3A_824 = arith.divf %mul3A_802, %div3A_823 : vector<16xf32>
          %add3A_825 = arith.constant 5.000000e-01 : f32
          %add3A_826 = vector.broadcast %add3A_825 : f32 to vector<16xf32>
          %add3A_827 = arith.addf %add3A_826, %select_n3A_429 : vector<16xf32>
          %sub3A_828 = arith.subf %add3A_827, %gather3A_436 : vector<16xf32>
          %mul3A_829 = arith.mulf %sub3A_828, %div3A_821 : vector<16xf32>
          %add3A_830 = arith.addf %mul3A_806, %mul3A_829 : vector<16xf32>
          %add3A_831 = arith.constant 5.000000e-01 : f32
          %add3A_832 = vector.broadcast %add3A_831 : f32 to vector<16xf32>
          %add3A_833 = arith.addf %add3A_832, %select_n3A_537 : vector<16xf32>
          %add3A_834 = arith.addf %add3A_833, %gather3A_544 : vector<16xf32>
          %mul3A_835 = arith.mulf %add3A_834, %div3A_821 : vector<16xf32>
          %sub3A_836 = arith.subf %mul3A_810, %mul3A_835 : vector<16xf32>
          %add3A_837 = arith.constant 5.000000e-01 : f32
          %add3A_838 = vector.broadcast %add3A_837 : f32 to vector<16xf32>
          %add3A_839 = arith.addf %add3A_838, %select_n3A_647 : vector<16xf32>
          %sub3A_840 = arith.subf %add3A_839, %gather3A_654 : vector<16xf32>
          %mul3A_841 = arith.mulf %sub3A_840, %div3A_824 : vector<16xf32>
          %add3A_842 = arith.addf %mul3A_814, %mul3A_841 : vector<16xf32>
          %add3A_843 = arith.constant 5.000000e-01 : f32
          %add3A_844 = vector.broadcast %add3A_843 : f32 to vector<16xf32>
          %add3A_845 = arith.addf %add3A_844, %select_n3A_757 : vector<16xf32>
          %add3A_846 = arith.addf %add3A_845, %gather3A_764 : vector<16xf32>
          %mul3A_847 = arith.mulf %add3A_846, %div3A_824 : vector<16xf32>
          %sub3A_848 = arith.subf %mul3A_818, %mul3A_847 : vector<16xf32>
          %broadcast_in_dim3A_849 = arith.constant 0 : i32
          %broadcast_in_dim3A_850 = vector.broadcast %broadcast_in_dim3A_849 : i32 to vector<16xi32>
          %broadcast_in_dim3A_851 = arith.constant 1 : i32
          %broadcast_in_dim3A_852 = vector.broadcast %broadcast_in_dim3A_851 : i32 to vector<16xi32>
          %broadcast_in_dim3A_853 = arith.constant 2 : i32
          %broadcast_in_dim3A_854 = vector.broadcast %broadcast_in_dim3A_853 : i32 to vector<16xi32>
          %broadcast_in_dim3A_855 = arith.constant 3 : i32
          %broadcast_in_dim3A_856 = vector.broadcast %broadcast_in_dim3A_855 : i32 to vector<16xi32>
          %add3A_857 = arith.constant 64 : i32
          %add3A_858 = arith.addi %add3A_857, %add3A_224 : i32
          %add3A_859 = vector.broadcast %add3A_858 : i32 to vector<16xi32>
          %add3A_860 = arith.addi %add3A_859, %iota3A : vector<16xi32>
          tpu.vector_store_idx %arg13[%broadcast_in_dim3A, %broadcast_in_dim3A_850, %add3A_860], %add3A_830 : memref<8x4x128xf32, #tpu.memory_space<vmem>>[vector<16xi32>, vector<16xi32>, vector<16xi32>], vector<16xf32>,
          tpu.vector_store_idx %arg13[%broadcast_in_dim3A, %broadcast_in_dim3A_852, %add3A_860], %add3A_842 : memref<8x4x128xf32, #tpu.memory_space<vmem>>[vector<16xi32>, vector<16xi32>, vector<16xi32>], vector<16xf32>,
          tpu.vector_store_idx %arg13[%broadcast_in_dim3A, %broadcast_in_dim3A_854, %add3A_860], %sub3A_836 : memref<8x4x128xf32, #tpu.memory_space<vmem>>[vector<16xi32>, vector<16xi32>, vector<16xi32>], vector<16xf32>,
          tpu.vector_store_idx %arg13[%broadcast_in_dim3A, %broadcast_in_dim3A_856, %add3A_860], %sub3A_848 : memref<8x4x128xf32, #tpu.memory_space<vmem>>[vector<16xi32>, vector<16xi32>, vector<16xi32>], vector<16xf32>,
          %mul3A_861 = arith.constant 2.500000e-01 : f32
          %mul3A_862 = vector.broadcast %mul3A_861 : f32 to vector<16xf32>
          %mul3A_863 = arith.mulf %add3A_777, %mul3A_862 : vector<16xf32>
          %mul3A_864 = arith.constant 672 : i32
          %mul3A_865 = arith.muli %select_n3A_171, %mul3A_864 : i32
          %add3A_866 = arith.addi %mul3A_865, %add3A_217 : i32
          %add3A_867 = arith.addi %add3A_866, %add3A_224 : i32
          %swap3A = arith.index_cast %add3A_867 : i32 to index
          %swap3A_868 = tpu.vector_load %arg14[%swap3A] {strides = array<i32>} : memref<5376xf32, #tpu.memory_space<vmem>>, vector<16xf32>,
          tpu.vector_store %arg14[%swap3A], %mul3A_863 {strides = array<i32>} : memref<5376xf32, #tpu.memory_space<vmem>>, vector<16xf32>,
        }
        %scan3A_122 = arith.constant 32 : i32
        %mul3A_123 = arith.constant 128 : i32
        %mul3A_124 = arith.muli %add3A_106, %mul3A_123 : i32
        "tpu.region"() ({
          %run_scoped3A = tpu.sem_alloc : memref<!tpu.dma_semaphore, #tpu.memory_space<semaphore_mem>>
          %dma_start3A_131 = arith.constant 0 : i32
          %dma_start3A_132 = arith.constant 0 : i32
          %dma_start3A_133 = tpu.memref_slice %arg6[%dma_start3A_131, %dma_start3A_132, %mul3A_124] : memref<8x4x20096xf32, #tpu.memory_space<hbm>> -> memref<8x4x128xf32, #tpu.memory_space<hbm>>
          %dma_start3A_134 = arith.constant 0 : i32
          %dma_start3A_135 = arith.constant 0 : i32
          %dma_start3A_136 = tpu.memref_slice %arg6[%dma_start3A_134, %dma_start3A_135, %mul3A_124] : memref<8x4x20096xf32, #tpu.memory_space<hbm>> -> memref<8x4x128xf32, #tpu.memory_space<hbm>>
          tpu.enqueue_dma source(%arg13 : memref<8x4x128xf32, #tpu.memory_space<vmem>>) target(%dma_start3A_136 : memref<8x4x128xf32, #tpu.memory_space<hbm>>) target_semaphore(%run_scoped3A : memref<!tpu.dma_semaphore, #tpu.memory_space<semaphore_mem>>)
          %dma_wait3A_137 = arith.constant 0 : i32
          %dma_wait3A_138 = arith.constant 0 : i32
          %dma_wait3A_139 = tpu.memref_slice %arg6[%dma_wait3A_137, %dma_wait3A_138, %mul3A_124] : memref<8x4x20096xf32, #tpu.memory_space<hbm>> -> memref<8x4x128xf32, #tpu.memory_space<hbm>>
          %dma_wait3A_140 = arith.constant 0 : i32
          %dma_wait3A_141 = arith.constant 0 : i32
          %dma_wait3A_142 = tpu.memref_slice %arg6[%dma_wait3A_140, %dma_wait3A_141, %mul3A_124] : memref<8x4x20096xf32, #tpu.memory_space<hbm>> -> memref<8x4x128xf32, #tpu.memory_space<hbm>>
          tpu.wait_dma2 semaphore(%run_scoped3A : memref<!tpu.dma_semaphore, #tpu.memory_space<semaphore_mem>>) src(%arg13 : memref<8x4x128xf32, #tpu.memory_space<vmem>>) dst(%dma_wait3A_142 : memref<8x4x128xf32, #tpu.memory_space<hbm>>)
          tpu.yield
        }) : () -> ()
        %add3A_125 = arith.constant 2 : i32
        %add3A_126 = arith.addi %while3A_72, %add3A_125 : i32
        %lt3A_127 = arith.cmpi slt, %add3A_126, %mul3A_11 : i32
        %convert_element_type3A_128 = arith.extui %lt3A_127 : i1 to i32
        %cond3A_129 = arith.constant 0 : i32
        %cond3A_130 = arith.cmpi ne, %convert_element_type3A_128, %cond3A_129 : i32
        scf.if %cond3A_130 {
          %add3A_131 = arith.constant 2 : i32
          %add3A_132 = arith.addi %while3A_72, %add3A_131 : i32
          %mul3A_133 = arith.constant 3584 : i32
          %mul3A_134 = arith.muli %select_n3A, %mul3A_133 : i32
          %mul3A_135 = arith.constant 1792 : i32
          %mul3A_136 = arith.muli %add3A_132, %mul3A_135 : i32
          %add3A_137 = arith.addi %mul3A_134, %mul3A_136 : i32
          %dma_start3A_138 = arith.constant 0 : i32
          %dma_start3A_139 = tpu.memref_slice %arg2[%dma_start3A_138, %add3A_137] : memref<8x560000xf32, #tpu.memory_space<hbm>> -> memref<8x1792xf32, #tpu.memory_space<hbm>>
          %dma_start3A_140 = arith.constant 0 : i32
          %dma_start3A_141 = tpu.memref_slice %arg2[%dma_start3A_140, %add3A_137] : memref<8x560000xf32, #tpu.memory_space<hbm>> -> memref<8x1792xf32, #tpu.memory_space<hbm>>
          tpu.enqueue_dma source(%dma_start3A_141 : memref<8x1792xf32, #tpu.memory_space<hbm>>) target(%arg9 : memref<8x1792xf32, #tpu.memory_space<vmem>>) target_semaphore(%arg17 : memref<!tpu.dma_semaphore, #tpu.memory_space<semaphore_mem>>)
          %dma_start3A_142 = arith.constant 0 : i32
          %dma_start3A_143 = tpu.memref_slice %arg3[%dma_start3A_142, %add3A_137] : memref<8x560000xf32, #tpu.memory_space<hbm>> -> memref<8x1792xf32, #tpu.memory_space<hbm>>
          %dma_start3A_144 = arith.constant 0 : i32
          %dma_start3A_145 = tpu.memref_slice %arg3[%dma_start3A_144, %add3A_137] : memref<8x560000xf32, #tpu.memory_space<hbm>> -> memref<8x1792xf32, #tpu.memory_space<hbm>>
          tpu.enqueue_dma source(%dma_start3A_145 : memref<8x1792xf32, #tpu.memory_space<hbm>>) target(%arg11 : memref<8x1792xf32, #tpu.memory_space<vmem>>) target_semaphore(%arg17 : memref<!tpu.dma_semaphore, #tpu.memory_space<semaphore_mem>>)
        } else {
        }
      } else {
      }
    }
    %while3A_55 = arith.constant 1 : i32
    scf.for %while3A_72 = %while3A_53 to %while3A_49 step %while3A_55  : i32 {
      %and3A_73 = arith.constant 1 : i32
      %and3A_74 = arith.andi %while3A_72, %and3A_73 : i32
      %eq3A_75 = arith.constant 0 : i32
      %eq3A_76 = arith.cmpi eq, %and3A_74, %eq3A_75 : i32
      %convert_element_type3A_77 = arith.extui %eq3A_76 : i1 to i32
      %cond3A_78 = arith.constant 0 : i32
      %cond3A_79 = arith.cmpi ne, %convert_element_type3A_77, %cond3A_78 : i32
      scf.if %cond3A_79 {
        %jit3A_87 = arith.constant 2 : i32
        %div3A = arith.divsi %while3A_72, %jit3A_87 : i32
        %sign3A = arith.constant 0 : i32
        %sign3A_88 = arith.cmpi sgt, %while3A_72, %sign3A : i32
        %sign3A_89 = arith.extui %sign3A_88 : i1 to i32
        %sign3A_90 = arith.constant 0 : i32
        %sign3A_91 = arith.cmpi slt, %while3A_72, %sign3A_90 : i32
        %sign3A_92 = arith.extui %sign3A_91 : i1 to i32
        %sign3A_93 = arith.subi %sign3A_89, %sign3A_92 : i32
        %sign3A_94 = arith.constant 0 : i32
        %sign3A_95 = arith.cmpi sgt, %jit3A_87, %sign3A_94 : i32
        %sign3A_96 = arith.extui %sign3A_95 : i1 to i32
        %sign3A_97 = arith.constant 0 : i32
        %sign3A_98 = arith.cmpi slt, %jit3A_87, %sign3A_97 : i32
        %sign3A_99 = arith.extui %sign3A_98 : i1 to i32
        %sign3A_100 = arith.subi %sign3A_96, %sign3A_99 : i32
        %ne3A = arith.cmpi ne, %sign3A_93, %sign3A_100 : i32
        %rem3A = arith.remsi %while3A_72, %jit3A_87 : i32
        %ne3A_101 = arith.constant 0 : i32
        %ne3A_102 = arith.cmpi ne, %rem3A, %ne3A_101 : i32
        %and3A_103 = arith.andi %ne3A, %ne3A_102 : i1
        %sub3A = arith.constant 1 : i32
        %sub3A_104 = arith.subi %div3A, %sub3A : i32
        %select_n3A_105 = arith.select %and3A_103, %sub3A_104, %div3A : i32
        %add3A_106 = arith.addi %select_n3A, %select_n3A_105 : i32
        %mul3A_107 = arith.constant 3584 : i32
        %mul3A_108 = arith.muli %select_n3A, %mul3A_107 : i32
        %mul3A_109 = arith.constant 1792 : i32
        %mul3A_110 = arith.muli %while3A_72, %mul3A_109 : i32
        %add3A_111 = arith.addi %mul3A_108, %mul3A_110 : i32
        %dma_wait3A = arith.constant 0 : i32
        %dma_wait3A_112 = tpu.memref_slice %arg2[%dma_wait3A, %add3A_111] : memref<8x560000xf32, #tpu.memory_space<hbm>> -> memref<8x1792xf32, #tpu.memory_space<hbm>>
        %dma_wait3A_113 = arith.constant 0 : i32
        %dma_wait3A_114 = tpu.memref_slice %arg2[%dma_wait3A_113, %add3A_111] : memref<8x560000xf32, #tpu.memory_space<hbm>> -> memref<8x1792xf32, #tpu.memory_space<hbm>>
        tpu.wait_dma2 semaphore(%arg16 : memref<!tpu.dma_semaphore, #tpu.memory_space<semaphore_mem>>) src(%dma_wait3A_114 : memref<8x1792xf32, #tpu.memory_space<hbm>>) dst(%arg8 : memref<8x1792xf32, #tpu.memory_space<vmem>>)
        %dma_wait3A_115 = arith.constant 0 : i32
        %dma_wait3A_116 = tpu.memref_slice %arg3[%dma_wait3A_115, %add3A_111] : memref<8x560000xf32, #tpu.memory_space<hbm>> -> memref<8x1792xf32, #tpu.memory_space<hbm>>
        %dma_wait3A_117 = arith.constant 0 : i32
        %dma_wait3A_118 = tpu.memref_slice %arg3[%dma_wait3A_117, %add3A_111] : memref<8x560000xf32, #tpu.memory_space<hbm>> -> memref<8x1792xf32, #tpu.memory_space<hbm>>
        tpu.wait_dma2 semaphore(%arg16 : memref<!tpu.dma_semaphore, #tpu.memory_space<semaphore_mem>>) src(%dma_wait3A_118 : memref<8x1792xf32, #tpu.memory_space<hbm>>) dst(%arg10 : memref<8x1792xf32, #tpu.memory_space<vmem>>)
        %scan3A = arith.constant 0 : i32
        %scan3A_119 = arith.constant 32 : i32
        %scan3A_120 = arith.addi %scan3A, %scan3A_119 : i32
        %scan3A_121 = arith.constant 1 : i32
        scf.for %scan3A_129 = %scan3A to %scan3A_120 step %scan3A_121  : i32 {
          %jit3A_130 = arith.constant 2 : i32
          %div3A_131 = arith.divsi %scan3A_129, %jit3A_130 : i32
          %sign3A_132 = arith.constant 0 : i32
          %sign3A_133 = arith.cmpi sgt, %scan3A_129, %sign3A_132 : i32
          %sign3A_134 = arith.extui %sign3A_133 : i1 to i32
          %sign3A_135 = arith.constant 0 : i32
          %sign3A_136 = arith.cmpi slt, %scan3A_129, %sign3A_135 : i32
          %sign3A_137 = arith.extui %sign3A_136 : i1 to i32
          %sign3A_138 = arith.subi %sign3A_134, %sign3A_137 : i32
          %sign3A_139 = arith.constant 0 : i32
          %sign3A_140 = arith.cmpi sgt, %jit3A_130, %sign3A_139 : i32
          %sign3A_141 = arith.extui %sign3A_140 : i1 to i32
          %sign3A_142 = arith.constant 0 : i32
          %sign3A_143 = arith.cmpi slt, %jit3A_130, %sign3A_142 : i32
          %sign3A_144 = arith.extui %sign3A_143 : i1 to i32
          %sign3A_145 = arith.subi %sign3A_141, %sign3A_144 : i32
          %ne3A_146 = arith.cmpi ne, %sign3A_138, %sign3A_145 : i32
          %rem3A_147 = arith.remsi %scan3A_129, %jit3A_130 : i32
          %ne3A_148 = arith.constant 0 : i32
          %ne3A_149 = arith.cmpi ne, %rem3A_147, %ne3A_148 : i32
          %and3A_150 = arith.andi %ne3A_146, %ne3A_149 : i1
          %sub3A_151 = arith.constant 1 : i32
          %sub3A_152 = arith.subi %div3A_131, %sub3A_151 : i32
          %select_n3A_153 = arith.select %and3A_150, %sub3A_152, %div3A_131 : i32
          %jit3A_154 = arith.constant 8 : i32
          %eq3A_155 = arith.constant 0 : i32
          %eq3A_156 = arith.cmpi eq, %jit3A_154, %eq3A_155 : i32
          %jit3A_157 = arith.constant 1 : i32
          %select_n3A_158 = arith.select %eq3A_156, %jit3A_157, %jit3A_154 : i32
          %rem3A_159 = arith.remsi %select_n3A_153, %select_n3A_158 : i32
          %ne3A_160 = arith.constant 0 : i32
          %ne3A_161 = arith.cmpi ne, %rem3A_159, %ne3A_160 : i32
          %lt3A_162 = arith.constant 0 : i32
          %lt3A_163 = arith.cmpi slt, %rem3A_159, %lt3A_162 : i32
          %lt3A_164 = arith.constant 0 : i32
          %lt3A_165 = arith.cmpi slt, %select_n3A_158, %lt3A_164 : i32
          %ne3A_166 = arith.xori %lt3A_163, %lt3A_165 : i1
          %and3A_167 = arith.andi %ne3A_166, %ne3A_161 : i1
          %add3A_168 = arith.addi %rem3A_159, %select_n3A_158 : i32
          %select_n3A_169 = arith.select %and3A_167, %add3A_168, %rem3A_159 : i32
          %jit3A_170 = arith.constant 16 : i32
          %div3A_171 = arith.divsi %scan3A_129, %jit3A_170 : i32
          %sign3A_172 = arith.constant 0 : i32
          %sign3A_173 = arith.cmpi sgt, %scan3A_129, %sign3A_172 : i32
          %sign3A_174 = arith.extui %sign3A_173 : i1 to i32
          %sign3A_175 = arith.constant 0 : i32
          %sign3A_176 = arith.cmpi slt, %scan3A_129, %sign3A_175 : i32
          %sign3A_177 = arith.extui %sign3A_176 : i1 to i32
          %sign3A_178 = arith.subi %sign3A_174, %sign3A_177 : i32
          %sign3A_179 = arith.constant 0 : i32
          %sign3A_180 = arith.cmpi sgt, %jit3A_170, %sign3A_179 : i32
          %sign3A_181 = arith.extui %sign3A_180 : i1 to i32
          %sign3A_182 = arith.constant 0 : i32
          %sign3A_183 = arith.cmpi slt, %jit3A_170, %sign3A_182 : i32
          %sign3A_184 = arith.extui %sign3A_183 : i1 to i32
          %sign3A_185 = arith.subi %sign3A_181, %sign3A_184 : i32
          %ne3A_186 = arith.cmpi ne, %sign3A_178, %sign3A_185 : i32
          %rem3A_187 = arith.remsi %scan3A_129, %jit3A_170 : i32
          %ne3A_188 = arith.constant 0 : i32
          %ne3A_189 = arith.cmpi ne, %rem3A_187, %ne3A_188 : i32
          %and3A_190 = arith.andi %ne3A_186, %ne3A_189 : i1
          %sub3A_191 = arith.constant 1 : i32
          %sub3A_192 = arith.subi %div3A_171, %sub3A_191 : i32
          %select_n3A_193 = arith.select %and3A_190, %sub3A_192, %div3A_171 : i32
          %jit3A_194 = arith.constant 2 : i32
          %eq3A_195 = arith.constant 0 : i32
          %eq3A_196 = arith.cmpi eq, %jit3A_194, %eq3A_195 : i32
          %jit3A_197 = arith.constant 1 : i32
          %select_n3A_198 = arith.select %eq3A_196, %jit3A_197, %jit3A_194 : i32
          %rem3A_199 = arith.remsi %scan3A_129, %select_n3A_198 : i32
          %ne3A_200 = arith.constant 0 : i32
          %ne3A_201 = arith.cmpi ne, %rem3A_199, %ne3A_200 : i32
          %lt3A_202 = arith.constant 0 : i32
          %lt3A_203 = arith.cmpi slt, %rem3A_199, %lt3A_202 : i32
          %lt3A_204 = arith.constant 0 : i32
          %lt3A_205 = arith.cmpi slt, %select_n3A_198, %lt3A_204 : i32
          %ne3A_206 = arith.xori %lt3A_203, %lt3A_205 : i1
          %and3A_207 = arith.andi %ne3A_206, %ne3A_201 : i1
          %add3A_208 = arith.addi %rem3A_199, %select_n3A_198 : i32
          %select_n3A_209 = arith.select %and3A_207, %add3A_208, %rem3A_199 : i32
          %mul3A_210 = arith.constant 16 : i32
          %mul3A_211 = arith.muli %select_n3A_209, %mul3A_210 : i32
          %mul3A_212 = arith.constant 128 : i32
          %mul3A_213 = arith.muli %select_n3A_105, %mul3A_212 : i32
          %add3A_214 = arith.constant 0 : i32
          %add3A_215 = arith.addi %mul3A_213, %add3A_214 : i32
          %mul3A_216 = arith.constant 128 : i32
          %mul3A_217 = arith.muli %select_n3A_105, %mul3A_216 : i32
          %add3A_218 = arith.constant 0 : i32
          %add3A_219 = arith.addi %mul3A_217, %add3A_218 : i32
          %iota3A = tpu.iota {dimensions = array<i32: 0>} : vector<16xi32>
          %broadcast_in_dim3A = vector.broadcast %select_n3A_169 : i32 to vector<16xi32>
          %mul3A_220 = arith.constant 32 : i32
          %mul3A_221 = arith.muli %select_n3A_193, %mul3A_220 : i32
          %add3A_222 = arith.addi %mul3A_221, %mul3A_211 : i32
          %mul3A_223 = arith.constant 28 : i32
          %mul3A_224 = arith.muli %add3A_222, %mul3A_223 : i32
          %mul3A_225 = arith.constant 28 : i32
          %mul3A_226 = vector.broadcast %mul3A_225 : i32 to vector<16xi32>
          %mul3A_227 = arith.muli %iota3A, %mul3A_226 : vector<16xi32>
          %add3A_228 = vector.broadcast %mul3A_224 : i32 to vector<16xi32>
          %add3A_229 = arith.addi %add3A_228, %mul3A_227 : vector<16xi32>
          %add3A_230 = arith.constant 0 : i32
          %add3A_231 = vector.broadcast %add3A_230 : i32 to vector<16xi32>
          %add3A_232 = arith.addi %add3A_229, %add3A_231 : vector<16xi32>
          %gather3A = tpu.vector_load_idx %arg8[%broadcast_in_dim3A, %add3A_232] : memref<8x1792xf32, #tpu.memory_space<vmem>>[vector<16xi32>, vector<16xi32>], vector<16xf32>,
          %add3A_233 = arith.constant 1 : i32
          %add3A_234 = vector.broadcast %add3A_233 : i32 to vector<16xi32>
          %add3A_235 = arith.addi %add3A_229, %add3A_234 : vector<16xi32>
          %gather3A_236 = tpu.vector_load_idx %arg8[%broadcast_in_dim3A, %add3A_235] : memref<8x1792xf32, #tpu.memory_space<vmem>>[vector<16xi32>, vector<16xi32>], vector<16xf32>,
          %add3A_237 = arith.constant 2 : i32
          %add3A_238 = vector.broadcast %add3A_237 : i32 to vector<16xi32>
          %add3A_239 = arith.addi %add3A_229, %add3A_238 : vector<16xi32>
          %gather3A_240 = tpu.vector_load_idx %arg8[%broadcast_in_dim3A, %add3A_239] : memref<8x1792xf32, #tpu.memory_space<vmem>>[vector<16xi32>, vector<16xi32>], vector<16xf32>,
          %add3A_241 = arith.constant 3 : i32
          %add3A_242 = vector.broadcast %add3A_241 : i32 to vector<16xi32>
          %add3A_243 = arith.addi %add3A_229, %add3A_242 : vector<16xi32>
          %gather3A_244 = tpu.vector_load_idx %arg8[%broadcast_in_dim3A, %add3A_243] : memref<8x1792xf32, #tpu.memory_space<vmem>>[vector<16xi32>, vector<16xi32>], vector<16xf32>,
          %add3A_245 = arith.constant 4 : i32
          %add3A_246 = vector.broadcast %add3A_245 : i32 to vector<16xi32>
          %add3A_247 = arith.addi %add3A_229, %add3A_246 : vector<16xi32>
          %gather3A_248 = tpu.vector_load_idx %arg8[%broadcast_in_dim3A, %add3A_247] : memref<8x1792xf32, #tpu.memory_space<vmem>>[vector<16xi32>, vector<16xi32>], vector<16xf32>,
          %add3A_249 = arith.constant 5 : i32
          %add3A_250 = vector.broadcast %add3A_249 : i32 to vector<16xi32>
          %add3A_251 = arith.addi %add3A_229, %add3A_250 : vector<16xi32>
          %gather3A_252 = tpu.vector_load_idx %arg8[%broadcast_in_dim3A, %add3A_251] : memref<8x1792xf32, #tpu.memory_space<vmem>>[vector<16xi32>, vector<16xi32>], vector<16xf32>,
          %add3A_253 = arith.constant 6 : i32
          %add3A_254 = vector.broadcast %add3A_253 : i32 to vector<16xi32>
          %add3A_255 = arith.addi %add3A_229, %add3A_254 : vector<16xi32>
          %gather3A_256 = tpu.vector_load_idx %arg8[%broadcast_in_dim3A, %add3A_255] : memref<8x1792xf32, #tpu.memory_space<vmem>>[vector<16xi32>, vector<16xi32>], vector<16xf32>,
          %add3A_257 = arith.constant 7 : i32
          %add3A_258 = vector.broadcast %add3A_257 : i32 to vector<16xi32>
          %add3A_259 = arith.addi %add3A_229, %add3A_258 : vector<16xi32>
          %gather3A_260 = tpu.vector_load_idx %arg8[%broadcast_in_dim3A, %add3A_259] : memref<8x1792xf32, #tpu.memory_space<vmem>>[vector<16xi32>, vector<16xi32>], vector<16xf32>,
          %add3A_261 = arith.constant 8 : i32
          %add3A_262 = vector.broadcast %add3A_261 : i32 to vector<16xi32>
          %add3A_263 = arith.addi %add3A_229, %add3A_262 : vector<16xi32>
          %gather3A_264 = tpu.vector_load_idx %arg8[%broadcast_in_dim3A, %add3A_263] : memref<8x1792xf32, #tpu.memory_space<vmem>>[vector<16xi32>, vector<16xi32>], vector<16xf32>,
          %add3A_265 = arith.constant 9 : i32
          %add3A_266 = vector.broadcast %add3A_265 : i32 to vector<16xi32>
          %add3A_267 = arith.addi %add3A_229, %add3A_266 : vector<16xi32>
          %gather3A_268 = tpu.vector_load_idx %arg8[%broadcast_in_dim3A, %add3A_267] : memref<8x1792xf32, #tpu.memory_space<vmem>>[vector<16xi32>, vector<16xi32>], vector<16xf32>,
          %add3A_269 = arith.constant 10 : i32
          %add3A_270 = vector.broadcast %add3A_269 : i32 to vector<16xi32>
          %add3A_271 = arith.addi %add3A_229, %add3A_270 : vector<16xi32>
          %gather3A_272 = tpu.vector_load_idx %arg8[%broadcast_in_dim3A, %add3A_271] : memref<8x1792xf32, #tpu.memory_space<vmem>>[vector<16xi32>, vector<16xi32>], vector<16xf32>,
          %add3A_273 = arith.constant 11 : i32
          %add3A_274 = vector.broadcast %add3A_273 : i32 to vector<16xi32>
          %add3A_275 = arith.addi %add3A_229, %add3A_274 : vector<16xi32>
          %gather3A_276 = tpu.vector_load_idx %arg8[%broadcast_in_dim3A, %add3A_275] : memref<8x1792xf32, #tpu.memory_space<vmem>>[vector<16xi32>, vector<16xi32>], vector<16xf32>,
          %add3A_277 = arith.constant 12 : i32
          %add3A_278 = vector.broadcast %add3A_277 : i32 to vector<16xi32>
          %add3A_279 = arith.addi %add3A_229, %add3A_278 : vector<16xi32>
          %gather3A_280 = tpu.vector_load_idx %arg8[%broadcast_in_dim3A, %add3A_279] : memref<8x1792xf32, #tpu.memory_space<vmem>>[vector<16xi32>, vector<16xi32>], vector<16xf32>,
          %add3A_281 = arith.constant 13 : i32
          %add3A_282 = vector.broadcast %add3A_281 : i32 to vector<16xi32>
          %add3A_283 = arith.addi %add3A_229, %add3A_282 : vector<16xi32>
          %gather3A_284 = tpu.vector_load_idx %arg8[%broadcast_in_dim3A, %add3A_283] : memref<8x1792xf32, #tpu.memory_space<vmem>>[vector<16xi32>, vector<16xi32>], vector<16xf32>,
          %add3A_285 = arith.constant 14 : i32
          %add3A_286 = vector.broadcast %add3A_285 : i32 to vector<16xi32>
          %add3A_287 = arith.addi %add3A_229, %add3A_286 : vector<16xi32>
          %gather3A_288 = tpu.vector_load_idx %arg8[%broadcast_in_dim3A, %add3A_287] : memref<8x1792xf32, #tpu.memory_space<vmem>>[vector<16xi32>, vector<16xi32>], vector<16xf32>,
          %add3A_289 = arith.constant 15 : i32
          %add3A_290 = vector.broadcast %add3A_289 : i32 to vector<16xi32>
          %add3A_291 = arith.addi %add3A_229, %add3A_290 : vector<16xi32>
          %gather3A_292 = tpu.vector_load_idx %arg8[%broadcast_in_dim3A, %add3A_291] : memref<8x1792xf32, #tpu.memory_space<vmem>>[vector<16xi32>, vector<16xi32>], vector<16xf32>,
          %add3A_293 = arith.constant 16 : i32
          %add3A_294 = vector.broadcast %add3A_293 : i32 to vector<16xi32>
          %add3A_295 = arith.addi %add3A_229, %add3A_294 : vector<16xi32>
          %gather3A_296 = tpu.vector_load_idx %arg8[%broadcast_in_dim3A, %add3A_295] : memref<8x1792xf32, #tpu.memory_space<vmem>>[vector<16xi32>, vector<16xi32>], vector<16xf32>,
          %add3A_297 = arith.constant 17 : i32
          %add3A_298 = vector.broadcast %add3A_297 : i32 to vector<16xi32>
          %add3A_299 = arith.addi %add3A_229, %add3A_298 : vector<16xi32>
          %gather3A_300 = tpu.vector_load_idx %arg8[%broadcast_in_dim3A, %add3A_299] : memref<8x1792xf32, #tpu.memory_space<vmem>>[vector<16xi32>, vector<16xi32>], vector<16xf32>,
          %add3A_301 = arith.constant 18 : i32
          %add3A_302 = vector.broadcast %add3A_301 : i32 to vector<16xi32>
          %add3A_303 = arith.addi %add3A_229, %add3A_302 : vector<16xi32>
          %gather3A_304 = tpu.vector_load_idx %arg8[%broadcast_in_dim3A, %add3A_303] : memref<8x1792xf32, #tpu.memory_space<vmem>>[vector<16xi32>, vector<16xi32>], vector<16xf32>,
          %add3A_305 = arith.constant 19 : i32
          %add3A_306 = vector.broadcast %add3A_305 : i32 to vector<16xi32>
          %add3A_307 = arith.addi %add3A_229, %add3A_306 : vector<16xi32>
          %gather3A_308 = tpu.vector_load_idx %arg8[%broadcast_in_dim3A, %add3A_307] : memref<8x1792xf32, #tpu.memory_space<vmem>>[vector<16xi32>, vector<16xi32>], vector<16xf32>,
          %add3A_309 = arith.constant 20 : i32
          %add3A_310 = vector.broadcast %add3A_309 : i32 to vector<16xi32>
          %add3A_311 = arith.addi %add3A_229, %add3A_310 : vector<16xi32>
          %gather3A_312 = tpu.vector_load_idx %arg8[%broadcast_in_dim3A, %add3A_311] : memref<8x1792xf32, #tpu.memory_space<vmem>>[vector<16xi32>, vector<16xi32>], vector<16xf32>,
          %add3A_313 = arith.constant 21 : i32
          %add3A_314 = vector.broadcast %add3A_313 : i32 to vector<16xi32>
          %add3A_315 = arith.addi %add3A_229, %add3A_314 : vector<16xi32>
          %gather3A_316 = tpu.vector_load_idx %arg8[%broadcast_in_dim3A, %add3A_315] : memref<8x1792xf32, #tpu.memory_space<vmem>>[vector<16xi32>, vector<16xi32>], vector<16xf32>,
          %add3A_317 = arith.constant 22 : i32
          %add3A_318 = vector.broadcast %add3A_317 : i32 to vector<16xi32>
          %add3A_319 = arith.addi %add3A_229, %add3A_318 : vector<16xi32>
          %gather3A_320 = tpu.vector_load_idx %arg8[%broadcast_in_dim3A, %add3A_319] : memref<8x1792xf32, #tpu.memory_space<vmem>>[vector<16xi32>, vector<16xi32>], vector<16xf32>,
          %add3A_321 = arith.constant 23 : i32
          %add3A_322 = vector.broadcast %add3A_321 : i32 to vector<16xi32>
          %add3A_323 = arith.addi %add3A_229, %add3A_322 : vector<16xi32>
          %gather3A_324 = tpu.vector_load_idx %arg8[%broadcast_in_dim3A, %add3A_323] : memref<8x1792xf32, #tpu.memory_space<vmem>>[vector<16xi32>, vector<16xi32>], vector<16xf32>,
          %add3A_325 = arith.constant 24 : i32
          %add3A_326 = vector.broadcast %add3A_325 : i32 to vector<16xi32>
          %add3A_327 = arith.addi %add3A_229, %add3A_326 : vector<16xi32>
          %gather3A_328 = tpu.vector_load_idx %arg8[%broadcast_in_dim3A, %add3A_327] : memref<8x1792xf32, #tpu.memory_space<vmem>>[vector<16xi32>, vector<16xi32>], vector<16xf32>,
          %add3A_329 = arith.constant 25 : i32
          %add3A_330 = vector.broadcast %add3A_329 : i32 to vector<16xi32>
          %add3A_331 = arith.addi %add3A_229, %add3A_330 : vector<16xi32>
          %gather3A_332 = tpu.vector_load_idx %arg8[%broadcast_in_dim3A, %add3A_331] : memref<8x1792xf32, #tpu.memory_space<vmem>>[vector<16xi32>, vector<16xi32>], vector<16xf32>,
          %add3A_333 = arith.constant 26 : i32
          %add3A_334 = vector.broadcast %add3A_333 : i32 to vector<16xi32>
          %add3A_335 = arith.addi %add3A_229, %add3A_334 : vector<16xi32>
          %gather3A_336 = tpu.vector_load_idx %arg8[%broadcast_in_dim3A, %add3A_335] : memref<8x1792xf32, #tpu.memory_space<vmem>>[vector<16xi32>, vector<16xi32>], vector<16xf32>,
          %add3A_337 = arith.constant 27 : i32
          %add3A_338 = vector.broadcast %add3A_337 : i32 to vector<16xi32>
          %add3A_339 = arith.addi %add3A_229, %add3A_338 : vector<16xi32>
          %gather3A_340 = tpu.vector_load_idx %arg8[%broadcast_in_dim3A, %add3A_339] : memref<8x1792xf32, #tpu.memory_space<vmem>>[vector<16xi32>, vector<16xi32>], vector<16xf32>,
          %exp3A = math.exp %gather3A : vector<16xf32>
          %exp3A_341 = math.exp %gather3A_236 : vector<16xf32>
          %exp3A_342 = math.exp %gather3A_240 : vector<16xf32>
          %exp3A_343 = math.exp %gather3A_244 : vector<16xf32>
          %exp3A_344 = math.exp %gather3A_248 : vector<16xf32>
          %exp3A_345 = math.exp %gather3A_252 : vector<16xf32>
          %exp3A_346 = math.exp %gather3A_256 : vector<16xf32>
          %broadcast_in_dim3A_347 = arith.constant 0.000000e+00 : f32
          %broadcast_in_dim3A_348 = vector.broadcast %broadcast_in_dim3A_347 : f32 to vector<16xf32>
          %broadcast_in_dim3A_349 = arith.constant 0.000000e+00 : f32
          %broadcast_in_dim3A_350 = vector.broadcast %broadcast_in_dim3A_349 : f32 to vector<16xf32>
          %broadcast_in_dim3A_351 = arith.constant 0.000000e+00 : f32
          %broadcast_in_dim3A_352 = vector.broadcast %broadcast_in_dim3A_351 : f32 to vector<16xf32>
          %gt3A = arith.cmpf ogt, %exp3A_341, %exp3A : vector<16xf32>
          %gt3A_353 = arith.cmpf ogt, %exp3A_341, %broadcast_in_dim3A_350 : vector<16xf32>
          %select_n3A_354 = arith.select %gt3A_353, %exp3A_341, %broadcast_in_dim3A_350 : vector<16xi1>, vector<16xf32>
          %select_n3A_355 = arith.select %gt3A, %exp3A, %select_n3A_354 : vector<16xi1>, vector<16xf32>
          %jit3A_356 = arith.constant 1.000000e+00 : f32
          %broadcast_in_dim3A_357 = vector.broadcast %jit3A_356 : f32 to vector<16xf32>
          %select_n3A_358 = arith.select %gt3A_353, %broadcast_in_dim3A_357, %broadcast_in_dim3A_352 : vector<16xi1>, vector<16xf32>
          %select_n3A_359 = arith.select %gt3A, %broadcast_in_dim3A_348, %select_n3A_358 : vector<16xi1>, vector<16xf32>
          %max3A = arith.maximumf %exp3A_341, %exp3A : vector<16xf32>
          %jit3A_360 = arith.constant 1.000000e+00 : f32
          %broadcast_in_dim3A_361 = vector.broadcast %jit3A_360 : f32 to vector<16xf32>
          %select_n3A_362 = arith.select %gt3A, %broadcast_in_dim3A_361, %broadcast_in_dim3A_348 : vector<16xi1>, vector<16xf32>
          %add3A_363 = arith.addf %exp3A, %exp3A_341 : vector<16xf32>
          %gt3A_364 = arith.cmpf ogt, %exp3A_342, %max3A : vector<16xf32>
          %gt3A_365 = arith.cmpf ogt, %exp3A_342, %select_n3A_355 : vector<16xf32>
          %select_n3A_366 = arith.select %gt3A_365, %exp3A_342, %select_n3A_355 : vector<16xi1>, vector<16xf32>
          %select_n3A_367 = arith.select %gt3A_364, %max3A, %select_n3A_366 : vector<16xi1>, vector<16xf32>
          %jit3A_368 = arith.constant 2.000000e+00 : f32
          %broadcast_in_dim3A_369 = vector.broadcast %jit3A_368 : f32 to vector<16xf32>
          %select_n3A_370 = arith.select %gt3A_365, %broadcast_in_dim3A_369, %select_n3A_359 : vector<16xi1>, vector<16xf32>
          %select_n3A_371 = arith.select %gt3A_364, %select_n3A_362, %select_n3A_370 : vector<16xi1>, vector<16xf32>
          %max3A_372 = arith.maximumf %exp3A_342, %max3A : vector<16xf32>
          %jit3A_373 = arith.constant 2.000000e+00 : f32
          %broadcast_in_dim3A_374 = vector.broadcast %jit3A_373 : f32 to vector<16xf32>
          %select_n3A_375 = arith.select %gt3A_364, %broadcast_in_dim3A_374, %select_n3A_362 : vector<16xi1>, vector<16xf32>
          %add3A_376 = arith.addf %add3A_363, %exp3A_342 : vector<16xf32>
          %gt3A_377 = arith.cmpf ogt, %exp3A_343, %max3A_372 : vector<16xf32>
          %gt3A_378 = arith.cmpf ogt, %exp3A_343, %select_n3A_367 : vector<16xf32>
          %select_n3A_379 = arith.select %gt3A_378, %exp3A_343, %select_n3A_367 : vector<16xi1>, vector<16xf32>
          %select_n3A_380 = arith.select %gt3A_377, %max3A_372, %select_n3A_379 : vector<16xi1>, vector<16xf32>
          %jit3A_381 = arith.constant 3.000000e+00 : f32
          %broadcast_in_dim3A_382 = vector.broadcast %jit3A_381 : f32 to vector<16xf32>
          %select_n3A_383 = arith.select %gt3A_378, %broadcast_in_dim3A_382, %select_n3A_371 : vector<16xi1>, vector<16xf32>
          %select_n3A_384 = arith.select %gt3A_377, %select_n3A_375, %select_n3A_383 : vector<16xi1>, vector<16xf32>
          %max3A_385 = arith.maximumf %exp3A_343, %max3A_372 : vector<16xf32>
          %jit3A_386 = arith.constant 3.000000e+00 : f32
          %broadcast_in_dim3A_387 = vector.broadcast %jit3A_386 : f32 to vector<16xf32>
          %select_n3A_388 = arith.select %gt3A_377, %broadcast_in_dim3A_387, %select_n3A_375 : vector<16xi1>, vector<16xf32>
          %add3A_389 = arith.addf %add3A_376, %exp3A_343 : vector<16xf32>
          %gt3A_390 = arith.cmpf ogt, %exp3A_344, %max3A_385 : vector<16xf32>
          %gt3A_391 = arith.cmpf ogt, %exp3A_344, %select_n3A_380 : vector<16xf32>
          %select_n3A_392 = arith.select %gt3A_391, %exp3A_344, %select_n3A_380 : vector<16xi1>, vector<16xf32>
          %select_n3A_393 = arith.select %gt3A_390, %max3A_385, %select_n3A_392 : vector<16xi1>, vector<16xf32>
          %jit3A_394 = arith.constant 4.000000e+00 : f32
          %broadcast_in_dim3A_395 = vector.broadcast %jit3A_394 : f32 to vector<16xf32>
          %select_n3A_396 = arith.select %gt3A_391, %broadcast_in_dim3A_395, %select_n3A_384 : vector<16xi1>, vector<16xf32>
          %select_n3A_397 = arith.select %gt3A_390, %select_n3A_388, %select_n3A_396 : vector<16xi1>, vector<16xf32>
          %max3A_398 = arith.maximumf %exp3A_344, %max3A_385 : vector<16xf32>
          %jit3A_399 = arith.constant 4.000000e+00 : f32
          %broadcast_in_dim3A_400 = vector.broadcast %jit3A_399 : f32 to vector<16xf32>
          %select_n3A_401 = arith.select %gt3A_390, %broadcast_in_dim3A_400, %select_n3A_388 : vector<16xi1>, vector<16xf32>
          %add3A_402 = arith.addf %add3A_389, %exp3A_344 : vector<16xf32>
          %gt3A_403 = arith.cmpf ogt, %exp3A_345, %max3A_398 : vector<16xf32>
          %gt3A_404 = arith.cmpf ogt, %exp3A_345, %select_n3A_393 : vector<16xf32>
          %select_n3A_405 = arith.select %gt3A_404, %exp3A_345, %select_n3A_393 : vector<16xi1>, vector<16xf32>
          %select_n3A_406 = arith.select %gt3A_403, %max3A_398, %select_n3A_405 : vector<16xi1>, vector<16xf32>
          %jit3A_407 = arith.constant 5.000000e+00 : f32
          %broadcast_in_dim3A_408 = vector.broadcast %jit3A_407 : f32 to vector<16xf32>
          %select_n3A_409 = arith.select %gt3A_404, %broadcast_in_dim3A_408, %select_n3A_397 : vector<16xi1>, vector<16xf32>
          %select_n3A_410 = arith.select %gt3A_403, %select_n3A_401, %select_n3A_409 : vector<16xi1>, vector<16xf32>
          %max3A_411 = arith.maximumf %exp3A_345, %max3A_398 : vector<16xf32>
          %jit3A_412 = arith.constant 5.000000e+00 : f32
          %broadcast_in_dim3A_413 = vector.broadcast %jit3A_412 : f32 to vector<16xf32>
          %select_n3A_414 = arith.select %gt3A_403, %broadcast_in_dim3A_413, %select_n3A_401 : vector<16xi1>, vector<16xf32>
          %add3A_415 = arith.addf %add3A_402, %exp3A_345 : vector<16xf32>
          %gt3A_416 = arith.cmpf ogt, %exp3A_346, %max3A_411 : vector<16xf32>
          %gt3A_417 = arith.cmpf ogt, %exp3A_346, %select_n3A_406 : vector<16xf32>
          %select_n3A_418 = arith.select %gt3A_417, %exp3A_346, %select_n3A_406 : vector<16xi1>, vector<16xf32>
          %select_n3A_419 = arith.select %gt3A_416, %max3A_411, %select_n3A_418 : vector<16xi1>, vector<16xf32>
          %jit3A_420 = arith.constant 6.000000e+00 : f32
          %broadcast_in_dim3A_421 = vector.broadcast %jit3A_420 : f32 to vector<16xf32>
          %select_n3A_422 = arith.select %gt3A_417, %broadcast_in_dim3A_421, %select_n3A_410 : vector<16xi1>, vector<16xf32>
          %select_n3A_423 = arith.select %gt3A_416, %select_n3A_414, %select_n3A_422 : vector<16xi1>, vector<16xf32>
          %max3A_424 = arith.maximumf %exp3A_346, %max3A_411 : vector<16xf32>
          %jit3A_425 = arith.constant 6.000000e+00 : f32
          %broadcast_in_dim3A_426 = vector.broadcast %jit3A_425 : f32 to vector<16xf32>
          %select_n3A_427 = arith.select %gt3A_416, %broadcast_in_dim3A_426, %select_n3A_414 : vector<16xi1>, vector<16xf32>
          %add3A_428 = arith.addf %add3A_415, %exp3A_346 : vector<16xf32>
          %convert_element_type3A_429 = arith.fptosi %select_n3A_427 : vector<16xf32> to vector<16xi32>
          %add3A_430 = arith.constant 0 : i32
          %add3A_431 = vector.broadcast %add3A_430 : i32 to vector<16xi32>
          %add3A_432 = arith.addi %add3A_229, %add3A_431 : vector<16xi32>
          %add3A_433 = arith.addi %add3A_432, %convert_element_type3A_429 : vector<16xi32>
          %gather3A_434 = tpu.vector_load_idx %arg10[%broadcast_in_dim3A, %add3A_433] : memref<8x1792xf32, #tpu.memory_space<vmem>>[vector<16xi32>, vector<16xi32>], vector<16xf32>,
          %div3A_435 = arith.constant 1.000000e+00 : f32
          %div3A_436 = vector.broadcast %div3A_435 : f32 to vector<16xf32>
          %div3A_437 = arith.divf %div3A_436, %add3A_428 : vector<16xf32>
          %mul3A_438 = arith.mulf %max3A_424, %div3A_437 : vector<16xf32>
          %mul3A_439 = arith.mulf %select_n3A_419, %div3A_437 : vector<16xf32>
          %sub3A_440 = arith.subf %select_n3A_427, %select_n3A_423 : vector<16xf32>
          %abs3A = math.absf %sub3A_440 : vector<16xf32>
          %sub3A_441 = arith.constant 1.000000e+00 : f32
          %sub3A_442 = vector.broadcast %sub3A_441 : f32 to vector<16xf32>
          %sub3A_443 = arith.subf %abs3A, %sub3A_442 : vector<16xf32>
          %mul3A_444 = arith.mulf %mul3A_439, %sub3A_443 : vector<16xf32>
          %add3A_445 = arith.addf %mul3A_438, %mul3A_444 : vector<16xf32>
          %exp3A_446 = math.exp %gather3A_260 : vector<16xf32>
          %exp3A_447 = math.exp %gather3A_264 : vector<16xf32>
          %exp3A_448 = math.exp %gather3A_268 : vector<16xf32>
          %exp3A_449 = math.exp %gather3A_272 : vector<16xf32>
          %exp3A_450 = math.exp %gather3A_276 : vector<16xf32>
          %exp3A_451 = math.exp %gather3A_280 : vector<16xf32>
          %exp3A_452 = math.exp %gather3A_284 : vector<16xf32>
          %broadcast_in_dim3A_453 = arith.constant 0.000000e+00 : f32
          %broadcast_in_dim3A_454 = vector.broadcast %broadcast_in_dim3A_453 : f32 to vector<16xf32>
          %broadcast_in_dim3A_455 = arith.constant 0.000000e+00 : f32
          %broadcast_in_dim3A_456 = vector.broadcast %broadcast_in_dim3A_455 : f32 to vector<16xf32>
          %broadcast_in_dim3A_457 = arith.constant 0.000000e+00 : f32
          %broadcast_in_dim3A_458 = vector.broadcast %broadcast_in_dim3A_457 : f32 to vector<16xf32>
          %gt3A_459 = arith.cmpf ogt, %exp3A_447, %exp3A_446 : vector<16xf32>
          %gt3A_460 = arith.cmpf ogt, %exp3A_447, %broadcast_in_dim3A_456 : vector<16xf32>
          %select_n3A_461 = arith.select %gt3A_460, %exp3A_447, %broadcast_in_dim3A_456 : vector<16xi1>, vector<16xf32>
          %select_n3A_462 = arith.select %gt3A_459, %exp3A_446, %select_n3A_461 : vector<16xi1>, vector<16xf32>
          %jit3A_463 = arith.constant 1.000000e+00 : f32
          %broadcast_in_dim3A_464 = vector.broadcast %jit3A_463 : f32 to vector<16xf32>
          %select_n3A_465 = arith.select %gt3A_460, %broadcast_in_dim3A_464, %broadcast_in_dim3A_458 : vector<16xi1>, vector<16xf32>
          %select_n3A_466 = arith.select %gt3A_459, %broadcast_in_dim3A_454, %select_n3A_465 : vector<16xi1>, vector<16xf32>
          %max3A_467 = arith.maximumf %exp3A_447, %exp3A_446 : vector<16xf32>
          %jit3A_468 = arith.constant 1.000000e+00 : f32
          %broadcast_in_dim3A_469 = vector.broadcast %jit3A_468 : f32 to vector<16xf32>
          %select_n3A_470 = arith.select %gt3A_459, %broadcast_in_dim3A_469, %broadcast_in_dim3A_454 : vector<16xi1>, vector<16xf32>
          %add3A_471 = arith.addf %exp3A_446, %exp3A_447 : vector<16xf32>
          %gt3A_472 = arith.cmpf ogt, %exp3A_448, %max3A_467 : vector<16xf32>
          %gt3A_473 = arith.cmpf ogt, %exp3A_448, %select_n3A_462 : vector<16xf32>
          %select_n3A_474 = arith.select %gt3A_473, %exp3A_448, %select_n3A_462 : vector<16xi1>, vector<16xf32>
          %select_n3A_475 = arith.select %gt3A_472, %max3A_467, %select_n3A_474 : vector<16xi1>, vector<16xf32>
          %jit3A_476 = arith.constant 2.000000e+00 : f32
          %broadcast_in_dim3A_477 = vector.broadcast %jit3A_476 : f32 to vector<16xf32>
          %select_n3A_478 = arith.select %gt3A_473, %broadcast_in_dim3A_477, %select_n3A_466 : vector<16xi1>, vector<16xf32>
          %select_n3A_479 = arith.select %gt3A_472, %select_n3A_470, %select_n3A_478 : vector<16xi1>, vector<16xf32>
          %max3A_480 = arith.maximumf %exp3A_448, %max3A_467 : vector<16xf32>
          %jit3A_481 = arith.constant 2.000000e+00 : f32
          %broadcast_in_dim3A_482 = vector.broadcast %jit3A_481 : f32 to vector<16xf32>
          %select_n3A_483 = arith.select %gt3A_472, %broadcast_in_dim3A_482, %select_n3A_470 : vector<16xi1>, vector<16xf32>
          %add3A_484 = arith.addf %add3A_471, %exp3A_448 : vector<16xf32>
          %gt3A_485 = arith.cmpf ogt, %exp3A_449, %max3A_480 : vector<16xf32>
          %gt3A_486 = arith.cmpf ogt, %exp3A_449, %select_n3A_475 : vector<16xf32>
          %select_n3A_487 = arith.select %gt3A_486, %exp3A_449, %select_n3A_475 : vector<16xi1>, vector<16xf32>
          %select_n3A_488 = arith.select %gt3A_485, %max3A_480, %select_n3A_487 : vector<16xi1>, vector<16xf32>
          %jit3A_489 = arith.constant 3.000000e+00 : f32
          %broadcast_in_dim3A_490 = vector.broadcast %jit3A_489 : f32 to vector<16xf32>
          %select_n3A_491 = arith.select %gt3A_486, %broadcast_in_dim3A_490, %select_n3A_479 : vector<16xi1>, vector<16xf32>
          %select_n3A_492 = arith.select %gt3A_485, %select_n3A_483, %select_n3A_491 : vector<16xi1>, vector<16xf32>
          %max3A_493 = arith.maximumf %exp3A_449, %max3A_480 : vector<16xf32>
          %jit3A_494 = arith.constant 3.000000e+00 : f32
          %broadcast_in_dim3A_495 = vector.broadcast %jit3A_494 : f32 to vector<16xf32>
          %select_n3A_496 = arith.select %gt3A_485, %broadcast_in_dim3A_495, %select_n3A_483 : vector<16xi1>, vector<16xf32>
          %add3A_497 = arith.addf %add3A_484, %exp3A_449 : vector<16xf32>
          %gt3A_498 = arith.cmpf ogt, %exp3A_450, %max3A_493 : vector<16xf32>
          %gt3A_499 = arith.cmpf ogt, %exp3A_450, %select_n3A_488 : vector<16xf32>
          %select_n3A_500 = arith.select %gt3A_499, %exp3A_450, %select_n3A_488 : vector<16xi1>, vector<16xf32>
          %select_n3A_501 = arith.select %gt3A_498, %max3A_493, %select_n3A_500 : vector<16xi1>, vector<16xf32>
          %jit3A_502 = arith.constant 4.000000e+00 : f32
          %broadcast_in_dim3A_503 = vector.broadcast %jit3A_502 : f32 to vector<16xf32>
          %select_n3A_504 = arith.select %gt3A_499, %broadcast_in_dim3A_503, %select_n3A_492 : vector<16xi1>, vector<16xf32>
          %select_n3A_505 = arith.select %gt3A_498, %select_n3A_496, %select_n3A_504 : vector<16xi1>, vector<16xf32>
          %max3A_506 = arith.maximumf %exp3A_450, %max3A_493 : vector<16xf32>
          %jit3A_507 = arith.constant 4.000000e+00 : f32
          %broadcast_in_dim3A_508 = vector.broadcast %jit3A_507 : f32 to vector<16xf32>
          %select_n3A_509 = arith.select %gt3A_498, %broadcast_in_dim3A_508, %select_n3A_496 : vector<16xi1>, vector<16xf32>
          %add3A_510 = arith.addf %add3A_497, %exp3A_450 : vector<16xf32>
          %gt3A_511 = arith.cmpf ogt, %exp3A_451, %max3A_506 : vector<16xf32>
          %gt3A_512 = arith.cmpf ogt, %exp3A_451, %select_n3A_501 : vector<16xf32>
          %select_n3A_513 = arith.select %gt3A_512, %exp3A_451, %select_n3A_501 : vector<16xi1>, vector<16xf32>
          %select_n3A_514 = arith.select %gt3A_511, %max3A_506, %select_n3A_513 : vector<16xi1>, vector<16xf32>
          %jit3A_515 = arith.constant 5.000000e+00 : f32
          %broadcast_in_dim3A_516 = vector.broadcast %jit3A_515 : f32 to vector<16xf32>
          %select_n3A_517 = arith.select %gt3A_512, %broadcast_in_dim3A_516, %select_n3A_505 : vector<16xi1>, vector<16xf32>
          %select_n3A_518 = arith.select %gt3A_511, %select_n3A_509, %select_n3A_517 : vector<16xi1>, vector<16xf32>
          %max3A_519 = arith.maximumf %exp3A_451, %max3A_506 : vector<16xf32>
          %jit3A_520 = arith.constant 5.000000e+00 : f32
          %broadcast_in_dim3A_521 = vector.broadcast %jit3A_520 : f32 to vector<16xf32>
          %select_n3A_522 = arith.select %gt3A_511, %broadcast_in_dim3A_521, %select_n3A_509 : vector<16xi1>, vector<16xf32>
          %add3A_523 = arith.addf %add3A_510, %exp3A_451 : vector<16xf32>
          %gt3A_524 = arith.cmpf ogt, %exp3A_452, %max3A_519 : vector<16xf32>
          %gt3A_525 = arith.cmpf ogt, %exp3A_452, %select_n3A_514 : vector<16xf32>
          %select_n3A_526 = arith.select %gt3A_525, %exp3A_452, %select_n3A_514 : vector<16xi1>, vector<16xf32>
          %select_n3A_527 = arith.select %gt3A_524, %max3A_519, %select_n3A_526 : vector<16xi1>, vector<16xf32>
          %jit3A_528 = arith.constant 6.000000e+00 : f32
          %broadcast_in_dim3A_529 = vector.broadcast %jit3A_528 : f32 to vector<16xf32>
          %select_n3A_530 = arith.select %gt3A_525, %broadcast_in_dim3A_529, %select_n3A_518 : vector<16xi1>, vector<16xf32>
          %select_n3A_531 = arith.select %gt3A_524, %select_n3A_522, %select_n3A_530 : vector<16xi1>, vector<16xf32>
          %max3A_532 = arith.maximumf %exp3A_452, %max3A_519 : vector<16xf32>
          %jit3A_533 = arith.constant 6.000000e+00 : f32
          %broadcast_in_dim3A_534 = vector.broadcast %jit3A_533 : f32 to vector<16xf32>
          %select_n3A_535 = arith.select %gt3A_524, %broadcast_in_dim3A_534, %select_n3A_522 : vector<16xi1>, vector<16xf32>
          %add3A_536 = arith.addf %add3A_523, %exp3A_452 : vector<16xf32>
          %convert_element_type3A_537 = arith.fptosi %select_n3A_535 : vector<16xf32> to vector<16xi32>
          %add3A_538 = arith.constant 7 : i32
          %add3A_539 = vector.broadcast %add3A_538 : i32 to vector<16xi32>
          %add3A_540 = arith.addi %add3A_229, %add3A_539 : vector<16xi32>
          %add3A_541 = arith.addi %add3A_540, %convert_element_type3A_537 : vector<16xi32>
          %gather3A_542 = tpu.vector_load_idx %arg10[%broadcast_in_dim3A, %add3A_541] : memref<8x1792xf32, #tpu.memory_space<vmem>>[vector<16xi32>, vector<16xi32>], vector<16xf32>,
          %div3A_543 = arith.constant 1.000000e+00 : f32
          %div3A_544 = vector.broadcast %div3A_543 : f32 to vector<16xf32>
          %div3A_545 = arith.divf %div3A_544, %add3A_536 : vector<16xf32>
          %mul3A_546 = arith.mulf %max3A_532, %div3A_545 : vector<16xf32>
          %mul3A_547 = arith.mulf %select_n3A_527, %div3A_545 : vector<16xf32>
          %sub3A_548 = arith.subf %select_n3A_535, %select_n3A_531 : vector<16xf32>
          %abs3A_549 = math.absf %sub3A_548 : vector<16xf32>
          %sub3A_550 = arith.constant 1.000000e+00 : f32
          %sub3A_551 = vector.broadcast %sub3A_550 : f32 to vector<16xf32>
          %sub3A_552 = arith.subf %abs3A_549, %sub3A_551 : vector<16xf32>
          %mul3A_553 = arith.mulf %mul3A_547, %sub3A_552 : vector<16xf32>
          %add3A_554 = arith.addf %mul3A_546, %mul3A_553 : vector<16xf32>
          %add3A_555 = arith.addf %add3A_445, %add3A_554 : vector<16xf32>
          %exp3A_556 = math.exp %gather3A_288 : vector<16xf32>
          %exp3A_557 = math.exp %gather3A_292 : vector<16xf32>
          %exp3A_558 = math.exp %gather3A_296 : vector<16xf32>
          %exp3A_559 = math.exp %gather3A_300 : vector<16xf32>
          %exp3A_560 = math.exp %gather3A_304 : vector<16xf32>
          %exp3A_561 = math.exp %gather3A_308 : vector<16xf32>
          %exp3A_562 = math.exp %gather3A_312 : vector<16xf32>
          %broadcast_in_dim3A_563 = arith.constant 0.000000e+00 : f32
          %broadcast_in_dim3A_564 = vector.broadcast %broadcast_in_dim3A_563 : f32 to vector<16xf32>
          %broadcast_in_dim3A_565 = arith.constant 0.000000e+00 : f32
          %broadcast_in_dim3A_566 = vector.broadcast %broadcast_in_dim3A_565 : f32 to vector<16xf32>
          %broadcast_in_dim3A_567 = arith.constant 0.000000e+00 : f32
          %broadcast_in_dim3A_568 = vector.broadcast %broadcast_in_dim3A_567 : f32 to vector<16xf32>
          %gt3A_569 = arith.cmpf ogt, %exp3A_557, %exp3A_556 : vector<16xf32>
          %gt3A_570 = arith.cmpf ogt, %exp3A_557, %broadcast_in_dim3A_566 : vector<16xf32>
          %select_n3A_571 = arith.select %gt3A_570, %exp3A_557, %broadcast_in_dim3A_566 : vector<16xi1>, vector<16xf32>
          %select_n3A_572 = arith.select %gt3A_569, %exp3A_556, %select_n3A_571 : vector<16xi1>, vector<16xf32>
          %jit3A_573 = arith.constant 1.000000e+00 : f32
          %broadcast_in_dim3A_574 = vector.broadcast %jit3A_573 : f32 to vector<16xf32>
          %select_n3A_575 = arith.select %gt3A_570, %broadcast_in_dim3A_574, %broadcast_in_dim3A_568 : vector<16xi1>, vector<16xf32>
          %select_n3A_576 = arith.select %gt3A_569, %broadcast_in_dim3A_564, %select_n3A_575 : vector<16xi1>, vector<16xf32>
          %max3A_577 = arith.maximumf %exp3A_557, %exp3A_556 : vector<16xf32>
          %jit3A_578 = arith.constant 1.000000e+00 : f32
          %broadcast_in_dim3A_579 = vector.broadcast %jit3A_578 : f32 to vector<16xf32>
          %select_n3A_580 = arith.select %gt3A_569, %broadcast_in_dim3A_579, %broadcast_in_dim3A_564 : vector<16xi1>, vector<16xf32>
          %add3A_581 = arith.addf %exp3A_556, %exp3A_557 : vector<16xf32>
          %gt3A_582 = arith.cmpf ogt, %exp3A_558, %max3A_577 : vector<16xf32>
          %gt3A_583 = arith.cmpf ogt, %exp3A_558, %select_n3A_572 : vector<16xf32>
          %select_n3A_584 = arith.select %gt3A_583, %exp3A_558, %select_n3A_572 : vector<16xi1>, vector<16xf32>
          %select_n3A_585 = arith.select %gt3A_582, %max3A_577, %select_n3A_584 : vector<16xi1>, vector<16xf32>
          %jit3A_586 = arith.constant 2.000000e+00 : f32
          %broadcast_in_dim3A_587 = vector.broadcast %jit3A_586 : f32 to vector<16xf32>
          %select_n3A_588 = arith.select %gt3A_583, %broadcast_in_dim3A_587, %select_n3A_576 : vector<16xi1>, vector<16xf32>
          %select_n3A_589 = arith.select %gt3A_582, %select_n3A_580, %select_n3A_588 : vector<16xi1>, vector<16xf32>
          %max3A_590 = arith.maximumf %exp3A_558, %max3A_577 : vector<16xf32>
          %jit3A_591 = arith.constant 2.000000e+00 : f32
          %broadcast_in_dim3A_592 = vector.broadcast %jit3A_591 : f32 to vector<16xf32>
          %select_n3A_593 = arith.select %gt3A_582, %broadcast_in_dim3A_592, %select_n3A_580 : vector<16xi1>, vector<16xf32>
          %add3A_594 = arith.addf %add3A_581, %exp3A_558 : vector<16xf32>
          %gt3A_595 = arith.cmpf ogt, %exp3A_559, %max3A_590 : vector<16xf32>
          %gt3A_596 = arith.cmpf ogt, %exp3A_559, %select_n3A_585 : vector<16xf32>
          %select_n3A_597 = arith.select %gt3A_596, %exp3A_559, %select_n3A_585 : vector<16xi1>, vector<16xf32>
          %select_n3A_598 = arith.select %gt3A_595, %max3A_590, %select_n3A_597 : vector<16xi1>, vector<16xf32>
          %jit3A_599 = arith.constant 3.000000e+00 : f32
          %broadcast_in_dim3A_600 = vector.broadcast %jit3A_599 : f32 to vector<16xf32>
          %select_n3A_601 = arith.select %gt3A_596, %broadcast_in_dim3A_600, %select_n3A_589 : vector<16xi1>, vector<16xf32>
          %select_n3A_602 = arith.select %gt3A_595, %select_n3A_593, %select_n3A_601 : vector<16xi1>, vector<16xf32>
          %max3A_603 = arith.maximumf %exp3A_559, %max3A_590 : vector<16xf32>
          %jit3A_604 = arith.constant 3.000000e+00 : f32
          %broadcast_in_dim3A_605 = vector.broadcast %jit3A_604 : f32 to vector<16xf32>
          %select_n3A_606 = arith.select %gt3A_595, %broadcast_in_dim3A_605, %select_n3A_593 : vector<16xi1>, vector<16xf32>
          %add3A_607 = arith.addf %add3A_594, %exp3A_559 : vector<16xf32>
          %gt3A_608 = arith.cmpf ogt, %exp3A_560, %max3A_603 : vector<16xf32>
          %gt3A_609 = arith.cmpf ogt, %exp3A_560, %select_n3A_598 : vector<16xf32>
          %select_n3A_610 = arith.select %gt3A_609, %exp3A_560, %select_n3A_598 : vector<16xi1>, vector<16xf32>
          %select_n3A_611 = arith.select %gt3A_608, %max3A_603, %select_n3A_610 : vector<16xi1>, vector<16xf32>
          %jit3A_612 = arith.constant 4.000000e+00 : f32
          %broadcast_in_dim3A_613 = vector.broadcast %jit3A_612 : f32 to vector<16xf32>
          %select_n3A_614 = arith.select %gt3A_609, %broadcast_in_dim3A_613, %select_n3A_602 : vector<16xi1>, vector<16xf32>
          %select_n3A_615 = arith.select %gt3A_608, %select_n3A_606, %select_n3A_614 : vector<16xi1>, vector<16xf32>
          %max3A_616 = arith.maximumf %exp3A_560, %max3A_603 : vector<16xf32>
          %jit3A_617 = arith.constant 4.000000e+00 : f32
          %broadcast_in_dim3A_618 = vector.broadcast %jit3A_617 : f32 to vector<16xf32>
          %select_n3A_619 = arith.select %gt3A_608, %broadcast_in_dim3A_618, %select_n3A_606 : vector<16xi1>, vector<16xf32>
          %add3A_620 = arith.addf %add3A_607, %exp3A_560 : vector<16xf32>
          %gt3A_621 = arith.cmpf ogt, %exp3A_561, %max3A_616 : vector<16xf32>
          %gt3A_622 = arith.cmpf ogt, %exp3A_561, %select_n3A_611 : vector<16xf32>
          %select_n3A_623 = arith.select %gt3A_622, %exp3A_561, %select_n3A_611 : vector<16xi1>, vector<16xf32>
          %select_n3A_624 = arith.select %gt3A_621, %max3A_616, %select_n3A_623 : vector<16xi1>, vector<16xf32>
          %jit3A_625 = arith.constant 5.000000e+00 : f32
          %broadcast_in_dim3A_626 = vector.broadcast %jit3A_625 : f32 to vector<16xf32>
          %select_n3A_627 = arith.select %gt3A_622, %broadcast_in_dim3A_626, %select_n3A_615 : vector<16xi1>, vector<16xf32>
          %select_n3A_628 = arith.select %gt3A_621, %select_n3A_619, %select_n3A_627 : vector<16xi1>, vector<16xf32>
          %max3A_629 = arith.maximumf %exp3A_561, %max3A_616 : vector<16xf32>
          %jit3A_630 = arith.constant 5.000000e+00 : f32
          %broadcast_in_dim3A_631 = vector.broadcast %jit3A_630 : f32 to vector<16xf32>
          %select_n3A_632 = arith.select %gt3A_621, %broadcast_in_dim3A_631, %select_n3A_619 : vector<16xi1>, vector<16xf32>
          %add3A_633 = arith.addf %add3A_620, %exp3A_561 : vector<16xf32>
          %gt3A_634 = arith.cmpf ogt, %exp3A_562, %max3A_629 : vector<16xf32>
          %gt3A_635 = arith.cmpf ogt, %exp3A_562, %select_n3A_624 : vector<16xf32>
          %select_n3A_636 = arith.select %gt3A_635, %exp3A_562, %select_n3A_624 : vector<16xi1>, vector<16xf32>
          %select_n3A_637 = arith.select %gt3A_634, %max3A_629, %select_n3A_636 : vector<16xi1>, vector<16xf32>
          %jit3A_638 = arith.constant 6.000000e+00 : f32
          %broadcast_in_dim3A_639 = vector.broadcast %jit3A_638 : f32 to vector<16xf32>
          %select_n3A_640 = arith.select %gt3A_635, %broadcast_in_dim3A_639, %select_n3A_628 : vector<16xi1>, vector<16xf32>
          %select_n3A_641 = arith.select %gt3A_634, %select_n3A_632, %select_n3A_640 : vector<16xi1>, vector<16xf32>
          %max3A_642 = arith.maximumf %exp3A_562, %max3A_629 : vector<16xf32>
          %jit3A_643 = arith.constant 6.000000e+00 : f32
          %broadcast_in_dim3A_644 = vector.broadcast %jit3A_643 : f32 to vector<16xf32>
          %select_n3A_645 = arith.select %gt3A_634, %broadcast_in_dim3A_644, %select_n3A_632 : vector<16xi1>, vector<16xf32>
          %add3A_646 = arith.addf %add3A_633, %exp3A_562 : vector<16xf32>
          %convert_element_type3A_647 = arith.fptosi %select_n3A_645 : vector<16xf32> to vector<16xi32>
          %add3A_648 = arith.constant 14 : i32
          %add3A_649 = vector.broadcast %add3A_648 : i32 to vector<16xi32>
          %add3A_650 = arith.addi %add3A_229, %add3A_649 : vector<16xi32>
          %add3A_651 = arith.addi %add3A_650, %convert_element_type3A_647 : vector<16xi32>
          %gather3A_652 = tpu.vector_load_idx %arg10[%broadcast_in_dim3A, %add3A_651] : memref<8x1792xf32, #tpu.memory_space<vmem>>[vector<16xi32>, vector<16xi32>], vector<16xf32>,
          %div3A_653 = arith.constant 1.000000e+00 : f32
          %div3A_654 = vector.broadcast %div3A_653 : f32 to vector<16xf32>
          %div3A_655 = arith.divf %div3A_654, %add3A_646 : vector<16xf32>
          %mul3A_656 = arith.mulf %max3A_642, %div3A_655 : vector<16xf32>
          %mul3A_657 = arith.mulf %select_n3A_637, %div3A_655 : vector<16xf32>
          %sub3A_658 = arith.subf %select_n3A_645, %select_n3A_641 : vector<16xf32>
          %abs3A_659 = math.absf %sub3A_658 : vector<16xf32>
          %sub3A_660 = arith.constant 1.000000e+00 : f32
          %sub3A_661 = vector.broadcast %sub3A_660 : f32 to vector<16xf32>
          %sub3A_662 = arith.subf %abs3A_659, %sub3A_661 : vector<16xf32>
          %mul3A_663 = arith.mulf %mul3A_657, %sub3A_662 : vector<16xf32>
          %add3A_664 = arith.addf %mul3A_656, %mul3A_663 : vector<16xf32>
          %add3A_665 = arith.addf %add3A_555, %add3A_664 : vector<16xf32>
          %exp3A_666 = math.exp %gather3A_316 : vector<16xf32>
          %exp3A_667 = math.exp %gather3A_320 : vector<16xf32>
          %exp3A_668 = math.exp %gather3A_324 : vector<16xf32>
          %exp3A_669 = math.exp %gather3A_328 : vector<16xf32>
          %exp3A_670 = math.exp %gather3A_332 : vector<16xf32>
          %exp3A_671 = math.exp %gather3A_336 : vector<16xf32>
          %exp3A_672 = math.exp %gather3A_340 : vector<16xf32>
          %broadcast_in_dim3A_673 = arith.constant 0.000000e+00 : f32
          %broadcast_in_dim3A_674 = vector.broadcast %broadcast_in_dim3A_673 : f32 to vector<16xf32>
          %broadcast_in_dim3A_675 = arith.constant 0.000000e+00 : f32
          %broadcast_in_dim3A_676 = vector.broadcast %broadcast_in_dim3A_675 : f32 to vector<16xf32>
          %broadcast_in_dim3A_677 = arith.constant 0.000000e+00 : f32
          %broadcast_in_dim3A_678 = vector.broadcast %broadcast_in_dim3A_677 : f32 to vector<16xf32>
          %gt3A_679 = arith.cmpf ogt, %exp3A_667, %exp3A_666 : vector<16xf32>
          %gt3A_680 = arith.cmpf ogt, %exp3A_667, %broadcast_in_dim3A_676 : vector<16xf32>
          %select_n3A_681 = arith.select %gt3A_680, %exp3A_667, %broadcast_in_dim3A_676 : vector<16xi1>, vector<16xf32>
          %select_n3A_682 = arith.select %gt3A_679, %exp3A_666, %select_n3A_681 : vector<16xi1>, vector<16xf32>
          %jit3A_683 = arith.constant 1.000000e+00 : f32
          %broadcast_in_dim3A_684 = vector.broadcast %jit3A_683 : f32 to vector<16xf32>
          %select_n3A_685 = arith.select %gt3A_680, %broadcast_in_dim3A_684, %broadcast_in_dim3A_678 : vector<16xi1>, vector<16xf32>
          %select_n3A_686 = arith.select %gt3A_679, %broadcast_in_dim3A_674, %select_n3A_685 : vector<16xi1>, vector<16xf32>
          %max3A_687 = arith.maximumf %exp3A_667, %exp3A_666 : vector<16xf32>
          %jit3A_688 = arith.constant 1.000000e+00 : f32
          %broadcast_in_dim3A_689 = vector.broadcast %jit3A_688 : f32 to vector<16xf32>
          %select_n3A_690 = arith.select %gt3A_679, %broadcast_in_dim3A_689, %broadcast_in_dim3A_674 : vector<16xi1>, vector<16xf32>
          %add3A_691 = arith.addf %exp3A_666, %exp3A_667 : vector<16xf32>
          %gt3A_692 = arith.cmpf ogt, %exp3A_668, %max3A_687 : vector<16xf32>
          %gt3A_693 = arith.cmpf ogt, %exp3A_668, %select_n3A_682 : vector<16xf32>
          %select_n3A_694 = arith.select %gt3A_693, %exp3A_668, %select_n3A_682 : vector<16xi1>, vector<16xf32>
          %select_n3A_695 = arith.select %gt3A_692, %max3A_687, %select_n3A_694 : vector<16xi1>, vector<16xf32>
          %jit3A_696 = arith.constant 2.000000e+00 : f32
          %broadcast_in_dim3A_697 = vector.broadcast %jit3A_696 : f32 to vector<16xf32>
          %select_n3A_698 = arith.select %gt3A_693, %broadcast_in_dim3A_697, %select_n3A_686 : vector<16xi1>, vector<16xf32>
          %select_n3A_699 = arith.select %gt3A_692, %select_n3A_690, %select_n3A_698 : vector<16xi1>, vector<16xf32>
          %max3A_700 = arith.maximumf %exp3A_668, %max3A_687 : vector<16xf32>
          %jit3A_701 = arith.constant 2.000000e+00 : f32
          %broadcast_in_dim3A_702 = vector.broadcast %jit3A_701 : f32 to vector<16xf32>
          %select_n3A_703 = arith.select %gt3A_692, %broadcast_in_dim3A_702, %select_n3A_690 : vector<16xi1>, vector<16xf32>
          %add3A_704 = arith.addf %add3A_691, %exp3A_668 : vector<16xf32>
          %gt3A_705 = arith.cmpf ogt, %exp3A_669, %max3A_700 : vector<16xf32>
          %gt3A_706 = arith.cmpf ogt, %exp3A_669, %select_n3A_695 : vector<16xf32>
          %select_n3A_707 = arith.select %gt3A_706, %exp3A_669, %select_n3A_695 : vector<16xi1>, vector<16xf32>
          %select_n3A_708 = arith.select %gt3A_705, %max3A_700, %select_n3A_707 : vector<16xi1>, vector<16xf32>
          %jit3A_709 = arith.constant 3.000000e+00 : f32
          %broadcast_in_dim3A_710 = vector.broadcast %jit3A_709 : f32 to vector<16xf32>
          %select_n3A_711 = arith.select %gt3A_706, %broadcast_in_dim3A_710, %select_n3A_699 : vector<16xi1>, vector<16xf32>
          %select_n3A_712 = arith.select %gt3A_705, %select_n3A_703, %select_n3A_711 : vector<16xi1>, vector<16xf32>
          %max3A_713 = arith.maximumf %exp3A_669, %max3A_700 : vector<16xf32>
          %jit3A_714 = arith.constant 3.000000e+00 : f32
          %broadcast_in_dim3A_715 = vector.broadcast %jit3A_714 : f32 to vector<16xf32>
          %select_n3A_716 = arith.select %gt3A_705, %broadcast_in_dim3A_715, %select_n3A_703 : vector<16xi1>, vector<16xf32>
          %add3A_717 = arith.addf %add3A_704, %exp3A_669 : vector<16xf32>
          %gt3A_718 = arith.cmpf ogt, %exp3A_670, %max3A_713 : vector<16xf32>
          %gt3A_719 = arith.cmpf ogt, %exp3A_670, %select_n3A_708 : vector<16xf32>
          %select_n3A_720 = arith.select %gt3A_719, %exp3A_670, %select_n3A_708 : vector<16xi1>, vector<16xf32>
          %select_n3A_721 = arith.select %gt3A_718, %max3A_713, %select_n3A_720 : vector<16xi1>, vector<16xf32>
          %jit3A_722 = arith.constant 4.000000e+00 : f32
          %broadcast_in_dim3A_723 = vector.broadcast %jit3A_722 : f32 to vector<16xf32>
          %select_n3A_724 = arith.select %gt3A_719, %broadcast_in_dim3A_723, %select_n3A_712 : vector<16xi1>, vector<16xf32>
          %select_n3A_725 = arith.select %gt3A_718, %select_n3A_716, %select_n3A_724 : vector<16xi1>, vector<16xf32>
          %max3A_726 = arith.maximumf %exp3A_670, %max3A_713 : vector<16xf32>
          %jit3A_727 = arith.constant 4.000000e+00 : f32
          %broadcast_in_dim3A_728 = vector.broadcast %jit3A_727 : f32 to vector<16xf32>
          %select_n3A_729 = arith.select %gt3A_718, %broadcast_in_dim3A_728, %select_n3A_716 : vector<16xi1>, vector<16xf32>
          %add3A_730 = arith.addf %add3A_717, %exp3A_670 : vector<16xf32>
          %gt3A_731 = arith.cmpf ogt, %exp3A_671, %max3A_726 : vector<16xf32>
          %gt3A_732 = arith.cmpf ogt, %exp3A_671, %select_n3A_721 : vector<16xf32>
          %select_n3A_733 = arith.select %gt3A_732, %exp3A_671, %select_n3A_721 : vector<16xi1>, vector<16xf32>
          %select_n3A_734 = arith.select %gt3A_731, %max3A_726, %select_n3A_733 : vector<16xi1>, vector<16xf32>
          %jit3A_735 = arith.constant 5.000000e+00 : f32
          %broadcast_in_dim3A_736 = vector.broadcast %jit3A_735 : f32 to vector<16xf32>
          %select_n3A_737 = arith.select %gt3A_732, %broadcast_in_dim3A_736, %select_n3A_725 : vector<16xi1>, vector<16xf32>
          %select_n3A_738 = arith.select %gt3A_731, %select_n3A_729, %select_n3A_737 : vector<16xi1>, vector<16xf32>
          %max3A_739 = arith.maximumf %exp3A_671, %max3A_726 : vector<16xf32>
          %jit3A_740 = arith.constant 5.000000e+00 : f32
          %broadcast_in_dim3A_741 = vector.broadcast %jit3A_740 : f32 to vector<16xf32>
          %select_n3A_742 = arith.select %gt3A_731, %broadcast_in_dim3A_741, %select_n3A_729 : vector<16xi1>, vector<16xf32>
          %add3A_743 = arith.addf %add3A_730, %exp3A_671 : vector<16xf32>
          %gt3A_744 = arith.cmpf ogt, %exp3A_672, %max3A_739 : vector<16xf32>
          %gt3A_745 = arith.cmpf ogt, %exp3A_672, %select_n3A_734 : vector<16xf32>
          %select_n3A_746 = arith.select %gt3A_745, %exp3A_672, %select_n3A_734 : vector<16xi1>, vector<16xf32>
          %select_n3A_747 = arith.select %gt3A_744, %max3A_739, %select_n3A_746 : vector<16xi1>, vector<16xf32>
          %jit3A_748 = arith.constant 6.000000e+00 : f32
          %broadcast_in_dim3A_749 = vector.broadcast %jit3A_748 : f32 to vector<16xf32>
          %select_n3A_750 = arith.select %gt3A_745, %broadcast_in_dim3A_749, %select_n3A_738 : vector<16xi1>, vector<16xf32>
          %select_n3A_751 = arith.select %gt3A_744, %select_n3A_742, %select_n3A_750 : vector<16xi1>, vector<16xf32>
          %max3A_752 = arith.maximumf %exp3A_672, %max3A_739 : vector<16xf32>
          %jit3A_753 = arith.constant 6.000000e+00 : f32
          %broadcast_in_dim3A_754 = vector.broadcast %jit3A_753 : f32 to vector<16xf32>
          %select_n3A_755 = arith.select %gt3A_744, %broadcast_in_dim3A_754, %select_n3A_742 : vector<16xi1>, vector<16xf32>
          %add3A_756 = arith.addf %add3A_743, %exp3A_672 : vector<16xf32>
          %convert_element_type3A_757 = arith.fptosi %select_n3A_755 : vector<16xf32> to vector<16xi32>
          %add3A_758 = arith.constant 21 : i32
          %add3A_759 = vector.broadcast %add3A_758 : i32 to vector<16xi32>
          %add3A_760 = arith.addi %add3A_229, %add3A_759 : vector<16xi32>
          %add3A_761 = arith.addi %add3A_760, %convert_element_type3A_757 : vector<16xi32>
          %gather3A_762 = tpu.vector_load_idx %arg10[%broadcast_in_dim3A, %add3A_761] : memref<8x1792xf32, #tpu.memory_space<vmem>>[vector<16xi32>, vector<16xi32>], vector<16xf32>,
          %div3A_763 = arith.constant 1.000000e+00 : f32
          %div3A_764 = vector.broadcast %div3A_763 : f32 to vector<16xf32>
          %div3A_765 = arith.divf %div3A_764, %add3A_756 : vector<16xf32>
          %mul3A_766 = arith.mulf %max3A_752, %div3A_765 : vector<16xf32>
          %mul3A_767 = arith.mulf %select_n3A_747, %div3A_765 : vector<16xf32>
          %sub3A_768 = arith.subf %select_n3A_755, %select_n3A_751 : vector<16xf32>
          %abs3A_769 = math.absf %sub3A_768 : vector<16xf32>
          %sub3A_770 = arith.constant 1.000000e+00 : f32
          %sub3A_771 = vector.broadcast %sub3A_770 : f32 to vector<16xf32>
          %sub3A_772 = arith.subf %abs3A_769, %sub3A_771 : vector<16xf32>
          %mul3A_773 = arith.mulf %mul3A_767, %sub3A_772 : vector<16xf32>
          %add3A_774 = arith.addf %mul3A_766, %mul3A_773 : vector<16xf32>
          %add3A_775 = arith.addf %add3A_665, %add3A_774 : vector<16xf32>
          %broadcast_in_dim3A_776 = arith.constant 0 : i32
          %broadcast_in_dim3A_777 = vector.broadcast %broadcast_in_dim3A_776 : i32 to vector<16xi32>
          %broadcast_in_dim3A_778 = arith.constant 1 : i32
          %broadcast_in_dim3A_779 = vector.broadcast %broadcast_in_dim3A_778 : i32 to vector<16xi32>
          %broadcast_in_dim3A_780 = arith.constant 2 : i32
          %broadcast_in_dim3A_781 = vector.broadcast %broadcast_in_dim3A_780 : i32 to vector<16xi32>
          %broadcast_in_dim3A_782 = arith.constant 3 : i32
          %broadcast_in_dim3A_783 = vector.broadcast %broadcast_in_dim3A_782 : i32 to vector<16xi32>
          %add3A_784 = arith.addi %add3A_219, %add3A_222 : i32
          %add3A_785 = vector.broadcast %add3A_784 : i32 to vector<16xi32>
          %add3A_786 = arith.addi %add3A_785, %iota3A : vector<16xi32>
          %gather3A_787 = tpu.vector_load_idx %arg12[%broadcast_in_dim3A, %broadcast_in_dim3A_777, %add3A_786] : memref<8x4x640xf32, #tpu.memory_space<vmem>>[vector<16xi32>, vector<16xi32>, vector<16xi32>], vector<16xf32>,
          %gather3A_788 = tpu.vector_load_idx %arg12[%broadcast_in_dim3A, %broadcast_in_dim3A_779, %add3A_786] : memref<8x4x640xf32, #tpu.memory_space<vmem>>[vector<16xi32>, vector<16xi32>, vector<16xi32>], vector<16xf32>,
          %gather3A_789 = tpu.vector_load_idx %arg12[%broadcast_in_dim3A, %broadcast_in_dim3A_781, %add3A_786] : memref<8x4x640xf32, #tpu.memory_space<vmem>>[vector<16xi32>, vector<16xi32>, vector<16xi32>], vector<16xf32>,
          %gather3A_790 = tpu.vector_load_idx %arg12[%broadcast_in_dim3A, %broadcast_in_dim3A_783, %add3A_786] : memref<8x4x640xf32, #tpu.memory_space<vmem>>[vector<16xi32>, vector<16xi32>, vector<16xi32>], vector<16xf32>,
          %add3A_791 = arith.addf %gather3A_787, %gather3A_789 : vector<16xf32>
          %add3A_792 = arith.addf %gather3A_788, %gather3A_790 : vector<16xf32>
          %sub3A_793 = arith.subf %gather3A_789, %gather3A_787 : vector<16xf32>
          %mul3A_794 = arith.constant 1.700000e+00 : f32
          %mul3A_795 = vector.broadcast %mul3A_794 : f32 to vector<16xf32>
          %mul3A_796 = arith.mulf %sub3A_793, %mul3A_795 : vector<16xf32>
          %sub3A_797 = arith.subf %gather3A_790, %gather3A_788 : vector<16xf32>
          %mul3A_798 = arith.constant 1.700000e+00 : f32
          %mul3A_799 = vector.broadcast %mul3A_798 : f32 to vector<16xf32>
          %mul3A_800 = arith.mulf %sub3A_797, %mul3A_799 : vector<16xf32>
          %sub3A_801 = arith.subf %add3A_791, %mul3A_796 : vector<16xf32>
          %mul3A_802 = arith.constant 5.000000e-01 : f32
          %mul3A_803 = vector.broadcast %mul3A_802 : f32 to vector<16xf32>
          %mul3A_804 = arith.mulf %sub3A_801, %mul3A_803 : vector<16xf32>
          %add3A_805 = arith.addf %add3A_791, %mul3A_796 : vector<16xf32>
          %mul3A_806 = arith.constant 5.000000e-01 : f32
          %mul3A_807 = vector.broadcast %mul3A_806 : f32 to vector<16xf32>
          %mul3A_808 = arith.mulf %add3A_805, %mul3A_807 : vector<16xf32>
          %sub3A_809 = arith.subf %add3A_792, %mul3A_800 : vector<16xf32>
          %mul3A_810 = arith.constant 5.000000e-01 : f32
          %mul3A_811 = vector.broadcast %mul3A_810 : f32 to vector<16xf32>
          %mul3A_812 = arith.mulf %sub3A_809, %mul3A_811 : vector<16xf32>
          %add3A_813 = arith.addf %add3A_792, %mul3A_800 : vector<16xf32>
          %mul3A_814 = arith.constant 5.000000e-01 : f32
          %mul3A_815 = vector.broadcast %mul3A_814 : f32 to vector<16xf32>
          %mul3A_816 = arith.mulf %add3A_813, %mul3A_815 : vector<16xf32>
          %div3A_817 = arith.constant 1.400000e+01 : f32
          %div3A_818 = vector.broadcast %div3A_817 : f32 to vector<16xf32>
          %div3A_819 = arith.divf %mul3A_796, %div3A_818 : vector<16xf32>
          %div3A_820 = arith.constant 1.400000e+01 : f32
          %div3A_821 = vector.broadcast %div3A_820 : f32 to vector<16xf32>
          %div3A_822 = arith.divf %mul3A_800, %div3A_821 : vector<16xf32>
          %add3A_823 = arith.constant 5.000000e-01 : f32
          %add3A_824 = vector.broadcast %add3A_823 : f32 to vector<16xf32>
          %add3A_825 = arith.addf %add3A_824, %select_n3A_427 : vector<16xf32>
          %sub3A_826 = arith.subf %add3A_825, %gather3A_434 : vector<16xf32>
          %mul3A_827 = arith.mulf %sub3A_826, %div3A_819 : vector<16xf32>
          %add3A_828 = arith.addf %mul3A_804, %mul3A_827 : vector<16xf32>
          %add3A_829 = arith.constant 5.000000e-01 : f32
          %add3A_830 = vector.broadcast %add3A_829 : f32 to vector<16xf32>
          %add3A_831 = arith.addf %add3A_830, %select_n3A_535 : vector<16xf32>
          %add3A_832 = arith.addf %add3A_831, %gather3A_542 : vector<16xf32>
          %mul3A_833 = arith.mulf %add3A_832, %div3A_819 : vector<16xf32>
          %sub3A_834 = arith.subf %mul3A_808, %mul3A_833 : vector<16xf32>
          %add3A_835 = arith.constant 5.000000e-01 : f32
          %add3A_836 = vector.broadcast %add3A_835 : f32 to vector<16xf32>
          %add3A_837 = arith.addf %add3A_836, %select_n3A_645 : vector<16xf32>
          %sub3A_838 = arith.subf %add3A_837, %gather3A_652 : vector<16xf32>
          %mul3A_839 = arith.mulf %sub3A_838, %div3A_822 : vector<16xf32>
          %add3A_840 = arith.addf %mul3A_812, %mul3A_839 : vector<16xf32>
          %add3A_841 = arith.constant 5.000000e-01 : f32
          %add3A_842 = vector.broadcast %add3A_841 : f32 to vector<16xf32>
          %add3A_843 = arith.addf %add3A_842, %select_n3A_755 : vector<16xf32>
          %add3A_844 = arith.addf %add3A_843, %gather3A_762 : vector<16xf32>
          %mul3A_845 = arith.mulf %add3A_844, %div3A_822 : vector<16xf32>
          %sub3A_846 = arith.subf %mul3A_816, %mul3A_845 : vector<16xf32>
          %broadcast_in_dim3A_847 = arith.constant 0 : i32
          %broadcast_in_dim3A_848 = vector.broadcast %broadcast_in_dim3A_847 : i32 to vector<16xi32>
          %broadcast_in_dim3A_849 = arith.constant 1 : i32
          %broadcast_in_dim3A_850 = vector.broadcast %broadcast_in_dim3A_849 : i32 to vector<16xi32>
          %broadcast_in_dim3A_851 = arith.constant 2 : i32
          %broadcast_in_dim3A_852 = vector.broadcast %broadcast_in_dim3A_851 : i32 to vector<16xi32>
          %broadcast_in_dim3A_853 = arith.constant 3 : i32
          %broadcast_in_dim3A_854 = vector.broadcast %broadcast_in_dim3A_853 : i32 to vector<16xi32>
          %add3A_855 = arith.constant 0 : i32
          %add3A_856 = arith.addi %add3A_855, %add3A_222 : i32
          %add3A_857 = vector.broadcast %add3A_856 : i32 to vector<16xi32>
          %add3A_858 = arith.addi %add3A_857, %iota3A : vector<16xi32>
          tpu.vector_store_idx %arg13[%broadcast_in_dim3A, %broadcast_in_dim3A_848, %add3A_858], %add3A_828 : memref<8x4x128xf32, #tpu.memory_space<vmem>>[vector<16xi32>, vector<16xi32>, vector<16xi32>], vector<16xf32>,
          tpu.vector_store_idx %arg13[%broadcast_in_dim3A, %broadcast_in_dim3A_850, %add3A_858], %add3A_840 : memref<8x4x128xf32, #tpu.memory_space<vmem>>[vector<16xi32>, vector<16xi32>, vector<16xi32>], vector<16xf32>,
          tpu.vector_store_idx %arg13[%broadcast_in_dim3A, %broadcast_in_dim3A_852, %add3A_858], %sub3A_834 : memref<8x4x128xf32, #tpu.memory_space<vmem>>[vector<16xi32>, vector<16xi32>, vector<16xi32>], vector<16xf32>,
          tpu.vector_store_idx %arg13[%broadcast_in_dim3A, %broadcast_in_dim3A_854, %add3A_858], %sub3A_846 : memref<8x4x128xf32, #tpu.memory_space<vmem>>[vector<16xi32>, vector<16xi32>, vector<16xi32>], vector<16xf32>,
          %mul3A_859 = arith.constant 2.500000e-01 : f32
          %mul3A_860 = vector.broadcast %mul3A_859 : f32 to vector<16xf32>
          %mul3A_861 = arith.mulf %add3A_775, %mul3A_860 : vector<16xf32>
          %mul3A_862 = arith.constant 672 : i32
          %mul3A_863 = arith.muli %select_n3A_169, %mul3A_862 : i32
          %add3A_864 = arith.addi %mul3A_863, %add3A_215 : i32
          %add3A_865 = arith.addi %add3A_864, %add3A_222 : i32
          %swap3A = arith.index_cast %add3A_865 : i32 to index
          %swap3A_866 = tpu.vector_load %arg14[%swap3A] {strides = array<i32>} : memref<5376xf32, #tpu.memory_space<vmem>>, vector<16xf32>,
          tpu.vector_store %arg14[%swap3A], %mul3A_861 {strides = array<i32>} : memref<5376xf32, #tpu.memory_space<vmem>>, vector<16xf32>,
        }
        %scan3A_122 = arith.constant 32 : i32
        %add3A_123 = arith.constant 2 : i32
        %add3A_124 = arith.addi %while3A_72, %add3A_123 : i32
        %lt3A_125 = arith.cmpi slt, %add3A_124, %mul3A_11 : i32
        %convert_element_type3A_126 = arith.extui %lt3A_125 : i1 to i32
        %cond3A_127 = arith.constant 0 : i32
        %cond3A_128 = arith.cmpi ne, %convert_element_type3A_126, %cond3A_127 : i32
        scf.if %cond3A_128 {
          %add3A_129 = arith.constant 2 : i32
          %add3A_130 = arith.addi %while3A_72, %add3A_129 : i32
          %mul3A_131 = arith.constant 3584 : i32
          %mul3A_132 = arith.muli %select_n3A, %mul3A_131 : i32
          %mul3A_133 = arith.constant 1792 : i32
          %mul3A_134 = arith.muli %add3A_130, %mul3A_133 : i32
          %add3A_135 = arith.addi %mul3A_132, %mul3A_134 : i32
          %dma_start3A_136 = arith.constant 0 : i32
          %dma_start3A_137 = tpu.memref_slice %arg2[%dma_start3A_136, %add3A_135] : memref<8x560000xf32, #tpu.memory_space<hbm>> -> memref<8x1792xf32, #tpu.memory_space<hbm>>
          %dma_start3A_138 = arith.constant 0 : i32
          %dma_start3A_139 = tpu.memref_slice %arg2[%dma_start3A_138, %add3A_135] : memref<8x560000xf32, #tpu.memory_space<hbm>> -> memref<8x1792xf32, #tpu.memory_space<hbm>>
          tpu.enqueue_dma source(%dma_start3A_139 : memref<8x1792xf32, #tpu.memory_space<hbm>>) target(%arg8 : memref<8x1792xf32, #tpu.memory_space<vmem>>) target_semaphore(%arg16 : memref<!tpu.dma_semaphore, #tpu.memory_space<semaphore_mem>>)
          %dma_start3A_140 = arith.constant 0 : i32
          %dma_start3A_141 = tpu.memref_slice %arg3[%dma_start3A_140, %add3A_135] : memref<8x560000xf32, #tpu.memory_space<hbm>> -> memref<8x1792xf32, #tpu.memory_space<hbm>>
          %dma_start3A_142 = arith.constant 0 : i32
          %dma_start3A_143 = tpu.memref_slice %arg3[%dma_start3A_142, %add3A_135] : memref<8x560000xf32, #tpu.memory_space<hbm>> -> memref<8x1792xf32, #tpu.memory_space<hbm>>
          tpu.enqueue_dma source(%dma_start3A_143 : memref<8x1792xf32, #tpu.memory_space<hbm>>) target(%arg10 : memref<8x1792xf32, #tpu.memory_space<vmem>>) target_semaphore(%arg16 : memref<!tpu.dma_semaphore, #tpu.memory_space<semaphore_mem>>)
        } else {
        }
      } else {
      }
      %and3A_80 = arith.constant 1 : i32
      %and3A_81 = arith.andi %while3A_72, %and3A_80 : i32
      %eq3A_82 = arith.constant 1 : i32
      %eq3A_83 = arith.cmpi eq, %and3A_81, %eq3A_82 : i32
      %convert_element_type3A_84 = arith.extui %eq3A_83 : i1 to i32
      %cond3A_85 = arith.constant 0 : i32
      %cond3A_86 = arith.cmpi ne, %convert_element_type3A_84, %cond3A_85 : i32
      scf.if %cond3A_86 {
        %jit3A_87 = arith.constant 2 : i32
        %div3A = arith.divsi %while3A_72, %jit3A_87 : i32
        %sign3A = arith.constant 0 : i32
        %sign3A_88 = arith.cmpi sgt, %while3A_72, %sign3A : i32
        %sign3A_89 = arith.extui %sign3A_88 : i1 to i32
        %sign3A_90 = arith.constant 0 : i32
        %sign3A_91 = arith.cmpi slt, %while3A_72, %sign3A_90 : i32
        %sign3A_92 = arith.extui %sign3A_91 : i1 to i32
        %sign3A_93 = arith.subi %sign3A_89, %sign3A_92 : i32
        %sign3A_94 = arith.constant 0 : i32
        %sign3A_95 = arith.cmpi sgt, %jit3A_87, %sign3A_94 : i32
        %sign3A_96 = arith.extui %sign3A_95 : i1 to i32
        %sign3A_97 = arith.constant 0 : i32
        %sign3A_98 = arith.cmpi slt, %jit3A_87, %sign3A_97 : i32
        %sign3A_99 = arith.extui %sign3A_98 : i1 to i32
        %sign3A_100 = arith.subi %sign3A_96, %sign3A_99 : i32
        %ne3A = arith.cmpi ne, %sign3A_93, %sign3A_100 : i32
        %rem3A = arith.remsi %while3A_72, %jit3A_87 : i32
        %ne3A_101 = arith.constant 0 : i32
        %ne3A_102 = arith.cmpi ne, %rem3A, %ne3A_101 : i32
        %and3A_103 = arith.andi %ne3A, %ne3A_102 : i1
        %sub3A = arith.constant 1 : i32
        %sub3A_104 = arith.subi %div3A, %sub3A : i32
        %select_n3A_105 = arith.select %and3A_103, %sub3A_104, %div3A : i32
        %add3A_106 = arith.addi %select_n3A, %select_n3A_105 : i32
        %mul3A_107 = arith.constant 3584 : i32
        %mul3A_108 = arith.muli %select_n3A, %mul3A_107 : i32
        %mul3A_109 = arith.constant 1792 : i32
        %mul3A_110 = arith.muli %while3A_72, %mul3A_109 : i32
        %add3A_111 = arith.addi %mul3A_108, %mul3A_110 : i32
        %dma_wait3A = arith.constant 0 : i32
        %dma_wait3A_112 = tpu.memref_slice %arg2[%dma_wait3A, %add3A_111] : memref<8x560000xf32, #tpu.memory_space<hbm>> -> memref<8x1792xf32, #tpu.memory_space<hbm>>
        %dma_wait3A_113 = arith.constant 0 : i32
        %dma_wait3A_114 = tpu.memref_slice %arg2[%dma_wait3A_113, %add3A_111] : memref<8x560000xf32, #tpu.memory_space<hbm>> -> memref<8x1792xf32, #tpu.memory_space<hbm>>
        tpu.wait_dma2 semaphore(%arg17 : memref<!tpu.dma_semaphore, #tpu.memory_space<semaphore_mem>>) src(%dma_wait3A_114 : memref<8x1792xf32, #tpu.memory_space<hbm>>) dst(%arg9 : memref<8x1792xf32, #tpu.memory_space<vmem>>)
        %dma_wait3A_115 = arith.constant 0 : i32
        %dma_wait3A_116 = tpu.memref_slice %arg3[%dma_wait3A_115, %add3A_111] : memref<8x560000xf32, #tpu.memory_space<hbm>> -> memref<8x1792xf32, #tpu.memory_space<hbm>>
        %dma_wait3A_117 = arith.constant 0 : i32
        %dma_wait3A_118 = tpu.memref_slice %arg3[%dma_wait3A_117, %add3A_111] : memref<8x560000xf32, #tpu.memory_space<hbm>> -> memref<8x1792xf32, #tpu.memory_space<hbm>>
        tpu.wait_dma2 semaphore(%arg17 : memref<!tpu.dma_semaphore, #tpu.memory_space<semaphore_mem>>) src(%dma_wait3A_118 : memref<8x1792xf32, #tpu.memory_space<hbm>>) dst(%arg11 : memref<8x1792xf32, #tpu.memory_space<vmem>>)
        %scan3A = arith.constant 0 : i32
        %scan3A_119 = arith.constant 32 : i32
        %scan3A_120 = arith.addi %scan3A, %scan3A_119 : i32
        %scan3A_121 = arith.constant 1 : i32
        scf.for %scan3A_131 = %scan3A to %scan3A_120 step %scan3A_121  : i32 {
          %jit3A_132 = arith.constant 2 : i32
          %div3A_133 = arith.divsi %scan3A_131, %jit3A_132 : i32
          %sign3A_134 = arith.constant 0 : i32
          %sign3A_135 = arith.cmpi sgt, %scan3A_131, %sign3A_134 : i32
          %sign3A_136 = arith.extui %sign3A_135 : i1 to i32
          %sign3A_137 = arith.constant 0 : i32
          %sign3A_138 = arith.cmpi slt, %scan3A_131, %sign3A_137 : i32
          %sign3A_139 = arith.extui %sign3A_138 : i1 to i32
          %sign3A_140 = arith.subi %sign3A_136, %sign3A_139 : i32
          %sign3A_141 = arith.constant 0 : i32
          %sign3A_142 = arith.cmpi sgt, %jit3A_132, %sign3A_141 : i32
          %sign3A_143 = arith.extui %sign3A_142 : i1 to i32
          %sign3A_144 = arith.constant 0 : i32
          %sign3A_145 = arith.cmpi slt, %jit3A_132, %sign3A_144 : i32
          %sign3A_146 = arith.extui %sign3A_145 : i1 to i32
          %sign3A_147 = arith.subi %sign3A_143, %sign3A_146 : i32
          %ne3A_148 = arith.cmpi ne, %sign3A_140, %sign3A_147 : i32
          %rem3A_149 = arith.remsi %scan3A_131, %jit3A_132 : i32
          %ne3A_150 = arith.constant 0 : i32
          %ne3A_151 = arith.cmpi ne, %rem3A_149, %ne3A_150 : i32
          %and3A_152 = arith.andi %ne3A_148, %ne3A_151 : i1
          %sub3A_153 = arith.constant 1 : i32
          %sub3A_154 = arith.subi %div3A_133, %sub3A_153 : i32
          %select_n3A_155 = arith.select %and3A_152, %sub3A_154, %div3A_133 : i32
          %jit3A_156 = arith.constant 8 : i32
          %eq3A_157 = arith.constant 0 : i32
          %eq3A_158 = arith.cmpi eq, %jit3A_156, %eq3A_157 : i32
          %jit3A_159 = arith.constant 1 : i32
          %select_n3A_160 = arith.select %eq3A_158, %jit3A_159, %jit3A_156 : i32
          %rem3A_161 = arith.remsi %select_n3A_155, %select_n3A_160 : i32
          %ne3A_162 = arith.constant 0 : i32
          %ne3A_163 = arith.cmpi ne, %rem3A_161, %ne3A_162 : i32
          %lt3A_164 = arith.constant 0 : i32
          %lt3A_165 = arith.cmpi slt, %rem3A_161, %lt3A_164 : i32
          %lt3A_166 = arith.constant 0 : i32
          %lt3A_167 = arith.cmpi slt, %select_n3A_160, %lt3A_166 : i32
          %ne3A_168 = arith.xori %lt3A_165, %lt3A_167 : i1
          %and3A_169 = arith.andi %ne3A_168, %ne3A_163 : i1
          %add3A_170 = arith.addi %rem3A_161, %select_n3A_160 : i32
          %select_n3A_171 = arith.select %and3A_169, %add3A_170, %rem3A_161 : i32
          %jit3A_172 = arith.constant 16 : i32
          %div3A_173 = arith.divsi %scan3A_131, %jit3A_172 : i32
          %sign3A_174 = arith.constant 0 : i32
          %sign3A_175 = arith.cmpi sgt, %scan3A_131, %sign3A_174 : i32
          %sign3A_176 = arith.extui %sign3A_175 : i1 to i32
          %sign3A_177 = arith.constant 0 : i32
          %sign3A_178 = arith.cmpi slt, %scan3A_131, %sign3A_177 : i32
          %sign3A_179 = arith.extui %sign3A_178 : i1 to i32
          %sign3A_180 = arith.subi %sign3A_176, %sign3A_179 : i32
          %sign3A_181 = arith.constant 0 : i32
          %sign3A_182 = arith.cmpi sgt, %jit3A_172, %sign3A_181 : i32
          %sign3A_183 = arith.extui %sign3A_182 : i1 to i32
          %sign3A_184 = arith.constant 0 : i32
          %sign3A_185 = arith.cmpi slt, %jit3A_172, %sign3A_184 : i32
          %sign3A_186 = arith.extui %sign3A_185 : i1 to i32
          %sign3A_187 = arith.subi %sign3A_183, %sign3A_186 : i32
          %ne3A_188 = arith.cmpi ne, %sign3A_180, %sign3A_187 : i32
          %rem3A_189 = arith.remsi %scan3A_131, %jit3A_172 : i32
          %ne3A_190 = arith.constant 0 : i32
          %ne3A_191 = arith.cmpi ne, %rem3A_189, %ne3A_190 : i32
          %and3A_192 = arith.andi %ne3A_188, %ne3A_191 : i1
          %sub3A_193 = arith.constant 1 : i32
          %sub3A_194 = arith.subi %div3A_173, %sub3A_193 : i32
          %select_n3A_195 = arith.select %and3A_192, %sub3A_194, %div3A_173 : i32
          %jit3A_196 = arith.constant 2 : i32
          %eq3A_197 = arith.constant 0 : i32
          %eq3A_198 = arith.cmpi eq, %jit3A_196, %eq3A_197 : i32
          %jit3A_199 = arith.constant 1 : i32
          %select_n3A_200 = arith.select %eq3A_198, %jit3A_199, %jit3A_196 : i32
          %rem3A_201 = arith.remsi %scan3A_131, %select_n3A_200 : i32
          %ne3A_202 = arith.constant 0 : i32
          %ne3A_203 = arith.cmpi ne, %rem3A_201, %ne3A_202 : i32
          %lt3A_204 = arith.constant 0 : i32
          %lt3A_205 = arith.cmpi slt, %rem3A_201, %lt3A_204 : i32
          %lt3A_206 = arith.constant 0 : i32
          %lt3A_207 = arith.cmpi slt, %select_n3A_200, %lt3A_206 : i32
          %ne3A_208 = arith.xori %lt3A_205, %lt3A_207 : i1
          %and3A_209 = arith.andi %ne3A_208, %ne3A_203 : i1
          %add3A_210 = arith.addi %rem3A_201, %select_n3A_200 : i32
          %select_n3A_211 = arith.select %and3A_209, %add3A_210, %rem3A_201 : i32
          %mul3A_212 = arith.constant 16 : i32
          %mul3A_213 = arith.muli %select_n3A_211, %mul3A_212 : i32
          %mul3A_214 = arith.constant 128 : i32
          %mul3A_215 = arith.muli %select_n3A_105, %mul3A_214 : i32
          %add3A_216 = arith.constant 64 : i32
          %add3A_217 = arith.addi %mul3A_215, %add3A_216 : i32
          %mul3A_218 = arith.constant 128 : i32
          %mul3A_219 = arith.muli %select_n3A_105, %mul3A_218 : i32
          %add3A_220 = arith.constant 64 : i32
          %add3A_221 = arith.addi %mul3A_219, %add3A_220 : i32
          %iota3A = tpu.iota {dimensions = array<i32: 0>} : vector<16xi32>
          %broadcast_in_dim3A = vector.broadcast %select_n3A_171 : i32 to vector<16xi32>
          %mul3A_222 = arith.constant 32 : i32
          %mul3A_223 = arith.muli %select_n3A_195, %mul3A_222 : i32
          %add3A_224 = arith.addi %mul3A_223, %mul3A_213 : i32
          %mul3A_225 = arith.constant 28 : i32
          %mul3A_226 = arith.muli %add3A_224, %mul3A_225 : i32
          %mul3A_227 = arith.constant 28 : i32
          %mul3A_228 = vector.broadcast %mul3A_227 : i32 to vector<16xi32>
          %mul3A_229 = arith.muli %iota3A, %mul3A_228 : vector<16xi32>
          %add3A_230 = vector.broadcast %mul3A_226 : i32 to vector<16xi32>
          %add3A_231 = arith.addi %add3A_230, %mul3A_229 : vector<16xi32>
          %add3A_232 = arith.constant 0 : i32
          %add3A_233 = vector.broadcast %add3A_232 : i32 to vector<16xi32>
          %add3A_234 = arith.addi %add3A_231, %add3A_233 : vector<16xi32>
          %gather3A = tpu.vector_load_idx %arg9[%broadcast_in_dim3A, %add3A_234] : memref<8x1792xf32, #tpu.memory_space<vmem>>[vector<16xi32>, vector<16xi32>], vector<16xf32>,
          %add3A_235 = arith.constant 1 : i32
          %add3A_236 = vector.broadcast %add3A_235 : i32 to vector<16xi32>
          %add3A_237 = arith.addi %add3A_231, %add3A_236 : vector<16xi32>
          %gather3A_238 = tpu.vector_load_idx %arg9[%broadcast_in_dim3A, %add3A_237] : memref<8x1792xf32, #tpu.memory_space<vmem>>[vector<16xi32>, vector<16xi32>], vector<16xf32>,
          %add3A_239 = arith.constant 2 : i32
          %add3A_240 = vector.broadcast %add3A_239 : i32 to vector<16xi32>
          %add3A_241 = arith.addi %add3A_231, %add3A_240 : vector<16xi32>
          %gather3A_242 = tpu.vector_load_idx %arg9[%broadcast_in_dim3A, %add3A_241] : memref<8x1792xf32, #tpu.memory_space<vmem>>[vector<16xi32>, vector<16xi32>], vector<16xf32>,
          %add3A_243 = arith.constant 3 : i32
          %add3A_244 = vector.broadcast %add3A_243 : i32 to vector<16xi32>
          %add3A_245 = arith.addi %add3A_231, %add3A_244 : vector<16xi32>
          %gather3A_246 = tpu.vector_load_idx %arg9[%broadcast_in_dim3A, %add3A_245] : memref<8x1792xf32, #tpu.memory_space<vmem>>[vector<16xi32>, vector<16xi32>], vector<16xf32>,
          %add3A_247 = arith.constant 4 : i32
          %add3A_248 = vector.broadcast %add3A_247 : i32 to vector<16xi32>
          %add3A_249 = arith.addi %add3A_231, %add3A_248 : vector<16xi32>
          %gather3A_250 = tpu.vector_load_idx %arg9[%broadcast_in_dim3A, %add3A_249] : memref<8x1792xf32, #tpu.memory_space<vmem>>[vector<16xi32>, vector<16xi32>], vector<16xf32>,
          %add3A_251 = arith.constant 5 : i32
          %add3A_252 = vector.broadcast %add3A_251 : i32 to vector<16xi32>
          %add3A_253 = arith.addi %add3A_231, %add3A_252 : vector<16xi32>
          %gather3A_254 = tpu.vector_load_idx %arg9[%broadcast_in_dim3A, %add3A_253] : memref<8x1792xf32, #tpu.memory_space<vmem>>[vector<16xi32>, vector<16xi32>], vector<16xf32>,
          %add3A_255 = arith.constant 6 : i32
          %add3A_256 = vector.broadcast %add3A_255 : i32 to vector<16xi32>
          %add3A_257 = arith.addi %add3A_231, %add3A_256 : vector<16xi32>
          %gather3A_258 = tpu.vector_load_idx %arg9[%broadcast_in_dim3A, %add3A_257] : memref<8x1792xf32, #tpu.memory_space<vmem>>[vector<16xi32>, vector<16xi32>], vector<16xf32>,
          %add3A_259 = arith.constant 7 : i32
          %add3A_260 = vector.broadcast %add3A_259 : i32 to vector<16xi32>
          %add3A_261 = arith.addi %add3A_231, %add3A_260 : vector<16xi32>
          %gather3A_262 = tpu.vector_load_idx %arg9[%broadcast_in_dim3A, %add3A_261] : memref<8x1792xf32, #tpu.memory_space<vmem>>[vector<16xi32>, vector<16xi32>], vector<16xf32>,
          %add3A_263 = arith.constant 8 : i32
          %add3A_264 = vector.broadcast %add3A_263 : i32 to vector<16xi32>
          %add3A_265 = arith.addi %add3A_231, %add3A_264 : vector<16xi32>
          %gather3A_266 = tpu.vector_load_idx %arg9[%broadcast_in_dim3A, %add3A_265] : memref<8x1792xf32, #tpu.memory_space<vmem>>[vector<16xi32>, vector<16xi32>], vector<16xf32>,
          %add3A_267 = arith.constant 9 : i32
          %add3A_268 = vector.broadcast %add3A_267 : i32 to vector<16xi32>
          %add3A_269 = arith.addi %add3A_231, %add3A_268 : vector<16xi32>
          %gather3A_270 = tpu.vector_load_idx %arg9[%broadcast_in_dim3A, %add3A_269] : memref<8x1792xf32, #tpu.memory_space<vmem>>[vector<16xi32>, vector<16xi32>], vector<16xf32>,
          %add3A_271 = arith.constant 10 : i32
          %add3A_272 = vector.broadcast %add3A_271 : i32 to vector<16xi32>
          %add3A_273 = arith.addi %add3A_231, %add3A_272 : vector<16xi32>
          %gather3A_274 = tpu.vector_load_idx %arg9[%broadcast_in_dim3A, %add3A_273] : memref<8x1792xf32, #tpu.memory_space<vmem>>[vector<16xi32>, vector<16xi32>], vector<16xf32>,
          %add3A_275 = arith.constant 11 : i32
          %add3A_276 = vector.broadcast %add3A_275 : i32 to vector<16xi32>
          %add3A_277 = arith.addi %add3A_231, %add3A_276 : vector<16xi32>
          %gather3A_278 = tpu.vector_load_idx %arg9[%broadcast_in_dim3A, %add3A_277] : memref<8x1792xf32, #tpu.memory_space<vmem>>[vector<16xi32>, vector<16xi32>], vector<16xf32>,
          %add3A_279 = arith.constant 12 : i32
          %add3A_280 = vector.broadcast %add3A_279 : i32 to vector<16xi32>
          %add3A_281 = arith.addi %add3A_231, %add3A_280 : vector<16xi32>
          %gather3A_282 = tpu.vector_load_idx %arg9[%broadcast_in_dim3A, %add3A_281] : memref<8x1792xf32, #tpu.memory_space<vmem>>[vector<16xi32>, vector<16xi32>], vector<16xf32>,
          %add3A_283 = arith.constant 13 : i32
          %add3A_284 = vector.broadcast %add3A_283 : i32 to vector<16xi32>
          %add3A_285 = arith.addi %add3A_231, %add3A_284 : vector<16xi32>
          %gather3A_286 = tpu.vector_load_idx %arg9[%broadcast_in_dim3A, %add3A_285] : memref<8x1792xf32, #tpu.memory_space<vmem>>[vector<16xi32>, vector<16xi32>], vector<16xf32>,
          %add3A_287 = arith.constant 14 : i32
          %add3A_288 = vector.broadcast %add3A_287 : i32 to vector<16xi32>
          %add3A_289 = arith.addi %add3A_231, %add3A_288 : vector<16xi32>
          %gather3A_290 = tpu.vector_load_idx %arg9[%broadcast_in_dim3A, %add3A_289] : memref<8x1792xf32, #tpu.memory_space<vmem>>[vector<16xi32>, vector<16xi32>], vector<16xf32>,
          %add3A_291 = arith.constant 15 : i32
          %add3A_292 = vector.broadcast %add3A_291 : i32 to vector<16xi32>
          %add3A_293 = arith.addi %add3A_231, %add3A_292 : vector<16xi32>
          %gather3A_294 = tpu.vector_load_idx %arg9[%broadcast_in_dim3A, %add3A_293] : memref<8x1792xf32, #tpu.memory_space<vmem>>[vector<16xi32>, vector<16xi32>], vector<16xf32>,
          %add3A_295 = arith.constant 16 : i32
          %add3A_296 = vector.broadcast %add3A_295 : i32 to vector<16xi32>
          %add3A_297 = arith.addi %add3A_231, %add3A_296 : vector<16xi32>
          %gather3A_298 = tpu.vector_load_idx %arg9[%broadcast_in_dim3A, %add3A_297] : memref<8x1792xf32, #tpu.memory_space<vmem>>[vector<16xi32>, vector<16xi32>], vector<16xf32>,
          %add3A_299 = arith.constant 17 : i32
          %add3A_300 = vector.broadcast %add3A_299 : i32 to vector<16xi32>
          %add3A_301 = arith.addi %add3A_231, %add3A_300 : vector<16xi32>
          %gather3A_302 = tpu.vector_load_idx %arg9[%broadcast_in_dim3A, %add3A_301] : memref<8x1792xf32, #tpu.memory_space<vmem>>[vector<16xi32>, vector<16xi32>], vector<16xf32>,
          %add3A_303 = arith.constant 18 : i32
          %add3A_304 = vector.broadcast %add3A_303 : i32 to vector<16xi32>
          %add3A_305 = arith.addi %add3A_231, %add3A_304 : vector<16xi32>
          %gather3A_306 = tpu.vector_load_idx %arg9[%broadcast_in_dim3A, %add3A_305] : memref<8x1792xf32, #tpu.memory_space<vmem>>[vector<16xi32>, vector<16xi32>], vector<16xf32>,
          %add3A_307 = arith.constant 19 : i32
          %add3A_308 = vector.broadcast %add3A_307 : i32 to vector<16xi32>
          %add3A_309 = arith.addi %add3A_231, %add3A_308 : vector<16xi32>
          %gather3A_310 = tpu.vector_load_idx %arg9[%broadcast_in_dim3A, %add3A_309] : memref<8x1792xf32, #tpu.memory_space<vmem>>[vector<16xi32>, vector<16xi32>], vector<16xf32>,
          %add3A_311 = arith.constant 20 : i32
          %add3A_312 = vector.broadcast %add3A_311 : i32 to vector<16xi32>
          %add3A_313 = arith.addi %add3A_231, %add3A_312 : vector<16xi32>
          %gather3A_314 = tpu.vector_load_idx %arg9[%broadcast_in_dim3A, %add3A_313] : memref<8x1792xf32, #tpu.memory_space<vmem>>[vector<16xi32>, vector<16xi32>], vector<16xf32>,
          %add3A_315 = arith.constant 21 : i32
          %add3A_316 = vector.broadcast %add3A_315 : i32 to vector<16xi32>
          %add3A_317 = arith.addi %add3A_231, %add3A_316 : vector<16xi32>
          %gather3A_318 = tpu.vector_load_idx %arg9[%broadcast_in_dim3A, %add3A_317] : memref<8x1792xf32, #tpu.memory_space<vmem>>[vector<16xi32>, vector<16xi32>], vector<16xf32>,
          %add3A_319 = arith.constant 22 : i32
          %add3A_320 = vector.broadcast %add3A_319 : i32 to vector<16xi32>
          %add3A_321 = arith.addi %add3A_231, %add3A_320 : vector<16xi32>
          %gather3A_322 = tpu.vector_load_idx %arg9[%broadcast_in_dim3A, %add3A_321] : memref<8x1792xf32, #tpu.memory_space<vmem>>[vector<16xi32>, vector<16xi32>], vector<16xf32>,
          %add3A_323 = arith.constant 23 : i32
          %add3A_324 = vector.broadcast %add3A_323 : i32 to vector<16xi32>
          %add3A_325 = arith.addi %add3A_231, %add3A_324 : vector<16xi32>
          %gather3A_326 = tpu.vector_load_idx %arg9[%broadcast_in_dim3A, %add3A_325] : memref<8x1792xf32, #tpu.memory_space<vmem>>[vector<16xi32>, vector<16xi32>], vector<16xf32>,
          %add3A_327 = arith.constant 24 : i32
          %add3A_328 = vector.broadcast %add3A_327 : i32 to vector<16xi32>
          %add3A_329 = arith.addi %add3A_231, %add3A_328 : vector<16xi32>
          %gather3A_330 = tpu.vector_load_idx %arg9[%broadcast_in_dim3A, %add3A_329] : memref<8x1792xf32, #tpu.memory_space<vmem>>[vector<16xi32>, vector<16xi32>], vector<16xf32>,
          %add3A_331 = arith.constant 25 : i32
          %add3A_332 = vector.broadcast %add3A_331 : i32 to vector<16xi32>
          %add3A_333 = arith.addi %add3A_231, %add3A_332 : vector<16xi32>
          %gather3A_334 = tpu.vector_load_idx %arg9[%broadcast_in_dim3A, %add3A_333] : memref<8x1792xf32, #tpu.memory_space<vmem>>[vector<16xi32>, vector<16xi32>], vector<16xf32>,
          %add3A_335 = arith.constant 26 : i32
          %add3A_336 = vector.broadcast %add3A_335 : i32 to vector<16xi32>
          %add3A_337 = arith.addi %add3A_231, %add3A_336 : vector<16xi32>
          %gather3A_338 = tpu.vector_load_idx %arg9[%broadcast_in_dim3A, %add3A_337] : memref<8x1792xf32, #tpu.memory_space<vmem>>[vector<16xi32>, vector<16xi32>], vector<16xf32>,
          %add3A_339 = arith.constant 27 : i32
          %add3A_340 = vector.broadcast %add3A_339 : i32 to vector<16xi32>
          %add3A_341 = arith.addi %add3A_231, %add3A_340 : vector<16xi32>
          %gather3A_342 = tpu.vector_load_idx %arg9[%broadcast_in_dim3A, %add3A_341] : memref<8x1792xf32, #tpu.memory_space<vmem>>[vector<16xi32>, vector<16xi32>], vector<16xf32>,
          %exp3A = math.exp %gather3A : vector<16xf32>
          %exp3A_343 = math.exp %gather3A_238 : vector<16xf32>
          %exp3A_344 = math.exp %gather3A_242 : vector<16xf32>
          %exp3A_345 = math.exp %gather3A_246 : vector<16xf32>
          %exp3A_346 = math.exp %gather3A_250 : vector<16xf32>
          %exp3A_347 = math.exp %gather3A_254 : vector<16xf32>
          %exp3A_348 = math.exp %gather3A_258 : vector<16xf32>
          %broadcast_in_dim3A_349 = arith.constant 0.000000e+00 : f32
          %broadcast_in_dim3A_350 = vector.broadcast %broadcast_in_dim3A_349 : f32 to vector<16xf32>
          %broadcast_in_dim3A_351 = arith.constant 0.000000e+00 : f32
          %broadcast_in_dim3A_352 = vector.broadcast %broadcast_in_dim3A_351 : f32 to vector<16xf32>
          %broadcast_in_dim3A_353 = arith.constant 0.000000e+00 : f32
          %broadcast_in_dim3A_354 = vector.broadcast %broadcast_in_dim3A_353 : f32 to vector<16xf32>
          %gt3A = arith.cmpf ogt, %exp3A_343, %exp3A : vector<16xf32>
          %gt3A_355 = arith.cmpf ogt, %exp3A_343, %broadcast_in_dim3A_352 : vector<16xf32>
          %select_n3A_356 = arith.select %gt3A_355, %exp3A_343, %broadcast_in_dim3A_352 : vector<16xi1>, vector<16xf32>
          %select_n3A_357 = arith.select %gt3A, %exp3A, %select_n3A_356 : vector<16xi1>, vector<16xf32>
          %jit3A_358 = arith.constant 1.000000e+00 : f32
          %broadcast_in_dim3A_359 = vector.broadcast %jit3A_358 : f32 to vector<16xf32>
          %select_n3A_360 = arith.select %gt3A_355, %broadcast_in_dim3A_359, %broadcast_in_dim3A_354 : vector<16xi1>, vector<16xf32>
          %select_n3A_361 = arith.select %gt3A, %broadcast_in_dim3A_350, %select_n3A_360 : vector<16xi1>, vector<16xf32>
          %max3A = arith.maximumf %exp3A_343, %exp3A : vector<16xf32>
          %jit3A_362 = arith.constant 1.000000e+00 : f32
          %broadcast_in_dim3A_363 = vector.broadcast %jit3A_362 : f32 to vector<16xf32>
          %select_n3A_364 = arith.select %gt3A, %broadcast_in_dim3A_363, %broadcast_in_dim3A_350 : vector<16xi1>, vector<16xf32>
          %add3A_365 = arith.addf %exp3A, %exp3A_343 : vector<16xf32>
          %gt3A_366 = arith.cmpf ogt, %exp3A_344, %max3A : vector<16xf32>
          %gt3A_367 = arith.cmpf ogt, %exp3A_344, %select_n3A_357 : vector<16xf32>
          %select_n3A_368 = arith.select %gt3A_367, %exp3A_344, %select_n3A_357 : vector<16xi1>, vector<16xf32>
          %select_n3A_369 = arith.select %gt3A_366, %max3A, %select_n3A_368 : vector<16xi1>, vector<16xf32>
          %jit3A_370 = arith.constant 2.000000e+00 : f32
          %broadcast_in_dim3A_371 = vector.broadcast %jit3A_370 : f32 to vector<16xf32>
          %select_n3A_372 = arith.select %gt3A_367, %broadcast_in_dim3A_371, %select_n3A_361 : vector<16xi1>, vector<16xf32>
          %select_n3A_373 = arith.select %gt3A_366, %select_n3A_364, %select_n3A_372 : vector<16xi1>, vector<16xf32>
          %max3A_374 = arith.maximumf %exp3A_344, %max3A : vector<16xf32>
          %jit3A_375 = arith.constant 2.000000e+00 : f32
          %broadcast_in_dim3A_376 = vector.broadcast %jit3A_375 : f32 to vector<16xf32>
          %select_n3A_377 = arith.select %gt3A_366, %broadcast_in_dim3A_376, %select_n3A_364 : vector<16xi1>, vector<16xf32>
          %add3A_378 = arith.addf %add3A_365, %exp3A_344 : vector<16xf32>
          %gt3A_379 = arith.cmpf ogt, %exp3A_345, %max3A_374 : vector<16xf32>
          %gt3A_380 = arith.cmpf ogt, %exp3A_345, %select_n3A_369 : vector<16xf32>
          %select_n3A_381 = arith.select %gt3A_380, %exp3A_345, %select_n3A_369 : vector<16xi1>, vector<16xf32>
          %select_n3A_382 = arith.select %gt3A_379, %max3A_374, %select_n3A_381 : vector<16xi1>, vector<16xf32>
          %jit3A_383 = arith.constant 3.000000e+00 : f32
          %broadcast_in_dim3A_384 = vector.broadcast %jit3A_383 : f32 to vector<16xf32>
          %select_n3A_385 = arith.select %gt3A_380, %broadcast_in_dim3A_384, %select_n3A_373 : vector<16xi1>, vector<16xf32>
          %select_n3A_386 = arith.select %gt3A_379, %select_n3A_377, %select_n3A_385 : vector<16xi1>, vector<16xf32>
          %max3A_387 = arith.maximumf %exp3A_345, %max3A_374 : vector<16xf32>
          %jit3A_388 = arith.constant 3.000000e+00 : f32
          %broadcast_in_dim3A_389 = vector.broadcast %jit3A_388 : f32 to vector<16xf32>
          %select_n3A_390 = arith.select %gt3A_379, %broadcast_in_dim3A_389, %select_n3A_377 : vector<16xi1>, vector<16xf32>
          %add3A_391 = arith.addf %add3A_378, %exp3A_345 : vector<16xf32>
          %gt3A_392 = arith.cmpf ogt, %exp3A_346, %max3A_387 : vector<16xf32>
          %gt3A_393 = arith.cmpf ogt, %exp3A_346, %select_n3A_382 : vector<16xf32>
          %select_n3A_394 = arith.select %gt3A_393, %exp3A_346, %select_n3A_382 : vector<16xi1>, vector<16xf32>
          %select_n3A_395 = arith.select %gt3A_392, %max3A_387, %select_n3A_394 : vector<16xi1>, vector<16xf32>
          %jit3A_396 = arith.constant 4.000000e+00 : f32
          %broadcast_in_dim3A_397 = vector.broadcast %jit3A_396 : f32 to vector<16xf32>
          %select_n3A_398 = arith.select %gt3A_393, %broadcast_in_dim3A_397, %select_n3A_386 : vector<16xi1>, vector<16xf32>
          %select_n3A_399 = arith.select %gt3A_392, %select_n3A_390, %select_n3A_398 : vector<16xi1>, vector<16xf32>
          %max3A_400 = arith.maximumf %exp3A_346, %max3A_387 : vector<16xf32>
          %jit3A_401 = arith.constant 4.000000e+00 : f32
          %broadcast_in_dim3A_402 = vector.broadcast %jit3A_401 : f32 to vector<16xf32>
          %select_n3A_403 = arith.select %gt3A_392, %broadcast_in_dim3A_402, %select_n3A_390 : vector<16xi1>, vector<16xf32>
          %add3A_404 = arith.addf %add3A_391, %exp3A_346 : vector<16xf32>
          %gt3A_405 = arith.cmpf ogt, %exp3A_347, %max3A_400 : vector<16xf32>
          %gt3A_406 = arith.cmpf ogt, %exp3A_347, %select_n3A_395 : vector<16xf32>
          %select_n3A_407 = arith.select %gt3A_406, %exp3A_347, %select_n3A_395 : vector<16xi1>, vector<16xf32>
          %select_n3A_408 = arith.select %gt3A_405, %max3A_400, %select_n3A_407 : vector<16xi1>, vector<16xf32>
          %jit3A_409 = arith.constant 5.000000e+00 : f32
          %broadcast_in_dim3A_410 = vector.broadcast %jit3A_409 : f32 to vector<16xf32>
          %select_n3A_411 = arith.select %gt3A_406, %broadcast_in_dim3A_410, %select_n3A_399 : vector<16xi1>, vector<16xf32>
          %select_n3A_412 = arith.select %gt3A_405, %select_n3A_403, %select_n3A_411 : vector<16xi1>, vector<16xf32>
          %max3A_413 = arith.maximumf %exp3A_347, %max3A_400 : vector<16xf32>
          %jit3A_414 = arith.constant 5.000000e+00 : f32
          %broadcast_in_dim3A_415 = vector.broadcast %jit3A_414 : f32 to vector<16xf32>
          %select_n3A_416 = arith.select %gt3A_405, %broadcast_in_dim3A_415, %select_n3A_403 : vector<16xi1>, vector<16xf32>
          %add3A_417 = arith.addf %add3A_404, %exp3A_347 : vector<16xf32>
          %gt3A_418 = arith.cmpf ogt, %exp3A_348, %max3A_413 : vector<16xf32>
          %gt3A_419 = arith.cmpf ogt, %exp3A_348, %select_n3A_408 : vector<16xf32>
          %select_n3A_420 = arith.select %gt3A_419, %exp3A_348, %select_n3A_408 : vector<16xi1>, vector<16xf32>
          %select_n3A_421 = arith.select %gt3A_418, %max3A_413, %select_n3A_420 : vector<16xi1>, vector<16xf32>
          %jit3A_422 = arith.constant 6.000000e+00 : f32
          %broadcast_in_dim3A_423 = vector.broadcast %jit3A_422 : f32 to vector<16xf32>
          %select_n3A_424 = arith.select %gt3A_419, %broadcast_in_dim3A_423, %select_n3A_412 : vector<16xi1>, vector<16xf32>
          %select_n3A_425 = arith.select %gt3A_418, %select_n3A_416, %select_n3A_424 : vector<16xi1>, vector<16xf32>
          %max3A_426 = arith.maximumf %exp3A_348, %max3A_413 : vector<16xf32>
          %jit3A_427 = arith.constant 6.000000e+00 : f32
          %broadcast_in_dim3A_428 = vector.broadcast %jit3A_427 : f32 to vector<16xf32>
          %select_n3A_429 = arith.select %gt3A_418, %broadcast_in_dim3A_428, %select_n3A_416 : vector<16xi1>, vector<16xf32>
          %add3A_430 = arith.addf %add3A_417, %exp3A_348 : vector<16xf32>
          %convert_element_type3A_431 = arith.fptosi %select_n3A_429 : vector<16xf32> to vector<16xi32>
          %add3A_432 = arith.constant 0 : i32
          %add3A_433 = vector.broadcast %add3A_432 : i32 to vector<16xi32>
          %add3A_434 = arith.addi %add3A_231, %add3A_433 : vector<16xi32>
          %add3A_435 = arith.addi %add3A_434, %convert_element_type3A_431 : vector<16xi32>
          %gather3A_436 = tpu.vector_load_idx %arg11[%broadcast_in_dim3A, %add3A_435] : memref<8x1792xf32, #tpu.memory_space<vmem>>[vector<16xi32>, vector<16xi32>], vector<16xf32>,
          %div3A_437 = arith.constant 1.000000e+00 : f32
          %div3A_438 = vector.broadcast %div3A_437 : f32 to vector<16xf32>
          %div3A_439 = arith.divf %div3A_438, %add3A_430 : vector<16xf32>
          %mul3A_440 = arith.mulf %max3A_426, %div3A_439 : vector<16xf32>
          %mul3A_441 = arith.mulf %select_n3A_421, %div3A_439 : vector<16xf32>
          %sub3A_442 = arith.subf %select_n3A_429, %select_n3A_425 : vector<16xf32>
          %abs3A = math.absf %sub3A_442 : vector<16xf32>
          %sub3A_443 = arith.constant 1.000000e+00 : f32
          %sub3A_444 = vector.broadcast %sub3A_443 : f32 to vector<16xf32>
          %sub3A_445 = arith.subf %abs3A, %sub3A_444 : vector<16xf32>
          %mul3A_446 = arith.mulf %mul3A_441, %sub3A_445 : vector<16xf32>
          %add3A_447 = arith.addf %mul3A_440, %mul3A_446 : vector<16xf32>
          %exp3A_448 = math.exp %gather3A_262 : vector<16xf32>
          %exp3A_449 = math.exp %gather3A_266 : vector<16xf32>
          %exp3A_450 = math.exp %gather3A_270 : vector<16xf32>
          %exp3A_451 = math.exp %gather3A_274 : vector<16xf32>
          %exp3A_452 = math.exp %gather3A_278 : vector<16xf32>
          %exp3A_453 = math.exp %gather3A_282 : vector<16xf32>
          %exp3A_454 = math.exp %gather3A_286 : vector<16xf32>
          %broadcast_in_dim3A_455 = arith.constant 0.000000e+00 : f32
          %broadcast_in_dim3A_456 = vector.broadcast %broadcast_in_dim3A_455 : f32 to vector<16xf32>
          %broadcast_in_dim3A_457 = arith.constant 0.000000e+00 : f32
          %broadcast_in_dim3A_458 = vector.broadcast %broadcast_in_dim3A_457 : f32 to vector<16xf32>
          %broadcast_in_dim3A_459 = arith.constant 0.000000e+00 : f32
          %broadcast_in_dim3A_460 = vector.broadcast %broadcast_in_dim3A_459 : f32 to vector<16xf32>
          %gt3A_461 = arith.cmpf ogt, %exp3A_449, %exp3A_448 : vector<16xf32>
          %gt3A_462 = arith.cmpf ogt, %exp3A_449, %broadcast_in_dim3A_458 : vector<16xf32>
          %select_n3A_463 = arith.select %gt3A_462, %exp3A_449, %broadcast_in_dim3A_458 : vector<16xi1>, vector<16xf32>
          %select_n3A_464 = arith.select %gt3A_461, %exp3A_448, %select_n3A_463 : vector<16xi1>, vector<16xf32>
          %jit3A_465 = arith.constant 1.000000e+00 : f32
          %broadcast_in_dim3A_466 = vector.broadcast %jit3A_465 : f32 to vector<16xf32>
          %select_n3A_467 = arith.select %gt3A_462, %broadcast_in_dim3A_466, %broadcast_in_dim3A_460 : vector<16xi1>, vector<16xf32>
          %select_n3A_468 = arith.select %gt3A_461, %broadcast_in_dim3A_456, %select_n3A_467 : vector<16xi1>, vector<16xf32>
          %max3A_469 = arith.maximumf %exp3A_449, %exp3A_448 : vector<16xf32>
          %jit3A_470 = arith.constant 1.000000e+00 : f32
          %broadcast_in_dim3A_471 = vector.broadcast %jit3A_470 : f32 to vector<16xf32>
          %select_n3A_472 = arith.select %gt3A_461, %broadcast_in_dim3A_471, %broadcast_in_dim3A_456 : vector<16xi1>, vector<16xf32>
          %add3A_473 = arith.addf %exp3A_448, %exp3A_449 : vector<16xf32>
          %gt3A_474 = arith.cmpf ogt, %exp3A_450, %max3A_469 : vector<16xf32>
          %gt3A_475 = arith.cmpf ogt, %exp3A_450, %select_n3A_464 : vector<16xf32>
          %select_n3A_476 = arith.select %gt3A_475, %exp3A_450, %select_n3A_464 : vector<16xi1>, vector<16xf32>
          %select_n3A_477 = arith.select %gt3A_474, %max3A_469, %select_n3A_476 : vector<16xi1>, vector<16xf32>
          %jit3A_478 = arith.constant 2.000000e+00 : f32
          %broadcast_in_dim3A_479 = vector.broadcast %jit3A_478 : f32 to vector<16xf32>
          %select_n3A_480 = arith.select %gt3A_475, %broadcast_in_dim3A_479, %select_n3A_468 : vector<16xi1>, vector<16xf32>
          %select_n3A_481 = arith.select %gt3A_474, %select_n3A_472, %select_n3A_480 : vector<16xi1>, vector<16xf32>
          %max3A_482 = arith.maximumf %exp3A_450, %max3A_469 : vector<16xf32>
          %jit3A_483 = arith.constant 2.000000e+00 : f32
          %broadcast_in_dim3A_484 = vector.broadcast %jit3A_483 : f32 to vector<16xf32>
          %select_n3A_485 = arith.select %gt3A_474, %broadcast_in_dim3A_484, %select_n3A_472 : vector<16xi1>, vector<16xf32>
          %add3A_486 = arith.addf %add3A_473, %exp3A_450 : vector<16xf32>
          %gt3A_487 = arith.cmpf ogt, %exp3A_451, %max3A_482 : vector<16xf32>
          %gt3A_488 = arith.cmpf ogt, %exp3A_451, %select_n3A_477 : vector<16xf32>
          %select_n3A_489 = arith.select %gt3A_488, %exp3A_451, %select_n3A_477 : vector<16xi1>, vector<16xf32>
          %select_n3A_490 = arith.select %gt3A_487, %max3A_482, %select_n3A_489 : vector<16xi1>, vector<16xf32>
          %jit3A_491 = arith.constant 3.000000e+00 : f32
          %broadcast_in_dim3A_492 = vector.broadcast %jit3A_491 : f32 to vector<16xf32>
          %select_n3A_493 = arith.select %gt3A_488, %broadcast_in_dim3A_492, %select_n3A_481 : vector<16xi1>, vector<16xf32>
          %select_n3A_494 = arith.select %gt3A_487, %select_n3A_485, %select_n3A_493 : vector<16xi1>, vector<16xf32>
          %max3A_495 = arith.maximumf %exp3A_451, %max3A_482 : vector<16xf32>
          %jit3A_496 = arith.constant 3.000000e+00 : f32
          %broadcast_in_dim3A_497 = vector.broadcast %jit3A_496 : f32 to vector<16xf32>
          %select_n3A_498 = arith.select %gt3A_487, %broadcast_in_dim3A_497, %select_n3A_485 : vector<16xi1>, vector<16xf32>
          %add3A_499 = arith.addf %add3A_486, %exp3A_451 : vector<16xf32>
          %gt3A_500 = arith.cmpf ogt, %exp3A_452, %max3A_495 : vector<16xf32>
          %gt3A_501 = arith.cmpf ogt, %exp3A_452, %select_n3A_490 : vector<16xf32>
          %select_n3A_502 = arith.select %gt3A_501, %exp3A_452, %select_n3A_490 : vector<16xi1>, vector<16xf32>
          %select_n3A_503 = arith.select %gt3A_500, %max3A_495, %select_n3A_502 : vector<16xi1>, vector<16xf32>
          %jit3A_504 = arith.constant 4.000000e+00 : f32
          %broadcast_in_dim3A_505 = vector.broadcast %jit3A_504 : f32 to vector<16xf32>
          %select_n3A_506 = arith.select %gt3A_501, %broadcast_in_dim3A_505, %select_n3A_494 : vector<16xi1>, vector<16xf32>
          %select_n3A_507 = arith.select %gt3A_500, %select_n3A_498, %select_n3A_506 : vector<16xi1>, vector<16xf32>
          %max3A_508 = arith.maximumf %exp3A_452, %max3A_495 : vector<16xf32>
          %jit3A_509 = arith.constant 4.000000e+00 : f32
          %broadcast_in_dim3A_510 = vector.broadcast %jit3A_509 : f32 to vector<16xf32>
          %select_n3A_511 = arith.select %gt3A_500, %broadcast_in_dim3A_510, %select_n3A_498 : vector<16xi1>, vector<16xf32>
          %add3A_512 = arith.addf %add3A_499, %exp3A_452 : vector<16xf32>
          %gt3A_513 = arith.cmpf ogt, %exp3A_453, %max3A_508 : vector<16xf32>
          %gt3A_514 = arith.cmpf ogt, %exp3A_453, %select_n3A_503 : vector<16xf32>
          %select_n3A_515 = arith.select %gt3A_514, %exp3A_453, %select_n3A_503 : vector<16xi1>, vector<16xf32>
          %select_n3A_516 = arith.select %gt3A_513, %max3A_508, %select_n3A_515 : vector<16xi1>, vector<16xf32>
          %jit3A_517 = arith.constant 5.000000e+00 : f32
          %broadcast_in_dim3A_518 = vector.broadcast %jit3A_517 : f32 to vector<16xf32>
          %select_n3A_519 = arith.select %gt3A_514, %broadcast_in_dim3A_518, %select_n3A_507 : vector<16xi1>, vector<16xf32>
          %select_n3A_520 = arith.select %gt3A_513, %select_n3A_511, %select_n3A_519 : vector<16xi1>, vector<16xf32>
          %max3A_521 = arith.maximumf %exp3A_453, %max3A_508 : vector<16xf32>
          %jit3A_522 = arith.constant 5.000000e+00 : f32
          %broadcast_in_dim3A_523 = vector.broadcast %jit3A_522 : f32 to vector<16xf32>
          %select_n3A_524 = arith.select %gt3A_513, %broadcast_in_dim3A_523, %select_n3A_511 : vector<16xi1>, vector<16xf32>
          %add3A_525 = arith.addf %add3A_512, %exp3A_453 : vector<16xf32>
          %gt3A_526 = arith.cmpf ogt, %exp3A_454, %max3A_521 : vector<16xf32>
          %gt3A_527 = arith.cmpf ogt, %exp3A_454, %select_n3A_516 : vector<16xf32>
          %select_n3A_528 = arith.select %gt3A_527, %exp3A_454, %select_n3A_516 : vector<16xi1>, vector<16xf32>
          %select_n3A_529 = arith.select %gt3A_526, %max3A_521, %select_n3A_528 : vector<16xi1>, vector<16xf32>
          %jit3A_530 = arith.constant 6.000000e+00 : f32
          %broadcast_in_dim3A_531 = vector.broadcast %jit3A_530 : f32 to vector<16xf32>
          %select_n3A_532 = arith.select %gt3A_527, %broadcast_in_dim3A_531, %select_n3A_520 : vector<16xi1>, vector<16xf32>
          %select_n3A_533 = arith.select %gt3A_526, %select_n3A_524, %select_n3A_532 : vector<16xi1>, vector<16xf32>
          %max3A_534 = arith.maximumf %exp3A_454, %max3A_521 : vector<16xf32>
          %jit3A_535 = arith.constant 6.000000e+00 : f32
          %broadcast_in_dim3A_536 = vector.broadcast %jit3A_535 : f32 to vector<16xf32>
          %select_n3A_537 = arith.select %gt3A_526, %broadcast_in_dim3A_536, %select_n3A_524 : vector<16xi1>, vector<16xf32>
          %add3A_538 = arith.addf %add3A_525, %exp3A_454 : vector<16xf32>
          %convert_element_type3A_539 = arith.fptosi %select_n3A_537 : vector<16xf32> to vector<16xi32>
          %add3A_540 = arith.constant 7 : i32
          %add3A_541 = vector.broadcast %add3A_540 : i32 to vector<16xi32>
          %add3A_542 = arith.addi %add3A_231, %add3A_541 : vector<16xi32>
          %add3A_543 = arith.addi %add3A_542, %convert_element_type3A_539 : vector<16xi32>
          %gather3A_544 = tpu.vector_load_idx %arg11[%broadcast_in_dim3A, %add3A_543] : memref<8x1792xf32, #tpu.memory_space<vmem>>[vector<16xi32>, vector<16xi32>], vector<16xf32>,
          %div3A_545 = arith.constant 1.000000e+00 : f32
          %div3A_546 = vector.broadcast %div3A_545 : f32 to vector<16xf32>
          %div3A_547 = arith.divf %div3A_546, %add3A_538 : vector<16xf32>
          %mul3A_548 = arith.mulf %max3A_534, %div3A_547 : vector<16xf32>
          %mul3A_549 = arith.mulf %select_n3A_529, %div3A_547 : vector<16xf32>
          %sub3A_550 = arith.subf %select_n3A_537, %select_n3A_533 : vector<16xf32>
          %abs3A_551 = math.absf %sub3A_550 : vector<16xf32>
          %sub3A_552 = arith.constant 1.000000e+00 : f32
          %sub3A_553 = vector.broadcast %sub3A_552 : f32 to vector<16xf32>
          %sub3A_554 = arith.subf %abs3A_551, %sub3A_553 : vector<16xf32>
          %mul3A_555 = arith.mulf %mul3A_549, %sub3A_554 : vector<16xf32>
          %add3A_556 = arith.addf %mul3A_548, %mul3A_555 : vector<16xf32>
          %add3A_557 = arith.addf %add3A_447, %add3A_556 : vector<16xf32>
          %exp3A_558 = math.exp %gather3A_290 : vector<16xf32>
          %exp3A_559 = math.exp %gather3A_294 : vector<16xf32>
          %exp3A_560 = math.exp %gather3A_298 : vector<16xf32>
          %exp3A_561 = math.exp %gather3A_302 : vector<16xf32>
          %exp3A_562 = math.exp %gather3A_306 : vector<16xf32>
          %exp3A_563 = math.exp %gather3A_310 : vector<16xf32>
          %exp3A_564 = math.exp %gather3A_314 : vector<16xf32>
          %broadcast_in_dim3A_565 = arith.constant 0.000000e+00 : f32
          %broadcast_in_dim3A_566 = vector.broadcast %broadcast_in_dim3A_565 : f32 to vector<16xf32>
          %broadcast_in_dim3A_567 = arith.constant 0.000000e+00 : f32
          %broadcast_in_dim3A_568 = vector.broadcast %broadcast_in_dim3A_567 : f32 to vector<16xf32>
          %broadcast_in_dim3A_569 = arith.constant 0.000000e+00 : f32
          %broadcast_in_dim3A_570 = vector.broadcast %broadcast_in_dim3A_569 : f32 to vector<16xf32>
          %gt3A_571 = arith.cmpf ogt, %exp3A_559, %exp3A_558 : vector<16xf32>
          %gt3A_572 = arith.cmpf ogt, %exp3A_559, %broadcast_in_dim3A_568 : vector<16xf32>
          %select_n3A_573 = arith.select %gt3A_572, %exp3A_559, %broadcast_in_dim3A_568 : vector<16xi1>, vector<16xf32>
          %select_n3A_574 = arith.select %gt3A_571, %exp3A_558, %select_n3A_573 : vector<16xi1>, vector<16xf32>
          %jit3A_575 = arith.constant 1.000000e+00 : f32
          %broadcast_in_dim3A_576 = vector.broadcast %jit3A_575 : f32 to vector<16xf32>
          %select_n3A_577 = arith.select %gt3A_572, %broadcast_in_dim3A_576, %broadcast_in_dim3A_570 : vector<16xi1>, vector<16xf32>
          %select_n3A_578 = arith.select %gt3A_571, %broadcast_in_dim3A_566, %select_n3A_577 : vector<16xi1>, vector<16xf32>
          %max3A_579 = arith.maximumf %exp3A_559, %exp3A_558 : vector<16xf32>
          %jit3A_580 = arith.constant 1.000000e+00 : f32
          %broadcast_in_dim3A_581 = vector.broadcast %jit3A_580 : f32 to vector<16xf32>
          %select_n3A_582 = arith.select %gt3A_571, %broadcast_in_dim3A_581, %broadcast_in_dim3A_566 : vector<16xi1>, vector<16xf32>
          %add3A_583 = arith.addf %exp3A_558, %exp3A_559 : vector<16xf32>
          %gt3A_584 = arith.cmpf ogt, %exp3A_560, %max3A_579 : vector<16xf32>
          %gt3A_585 = arith.cmpf ogt, %exp3A_560, %select_n3A_574 : vector<16xf32>
          %select_n3A_586 = arith.select %gt3A_585, %exp3A_560, %select_n3A_574 : vector<16xi1>, vector<16xf32>
          %select_n3A_587 = arith.select %gt3A_584, %max3A_579, %select_n3A_586 : vector<16xi1>, vector<16xf32>
          %jit3A_588 = arith.constant 2.000000e+00 : f32
          %broadcast_in_dim3A_589 = vector.broadcast %jit3A_588 : f32 to vector<16xf32>
          %select_n3A_590 = arith.select %gt3A_585, %broadcast_in_dim3A_589, %select_n3A_578 : vector<16xi1>, vector<16xf32>
          %select_n3A_591 = arith.select %gt3A_584, %select_n3A_582, %select_n3A_590 : vector<16xi1>, vector<16xf32>
          %max3A_592 = arith.maximumf %exp3A_560, %max3A_579 : vector<16xf32>
          %jit3A_593 = arith.constant 2.000000e+00 : f32
          %broadcast_in_dim3A_594 = vector.broadcast %jit3A_593 : f32 to vector<16xf32>
          %select_n3A_595 = arith.select %gt3A_584, %broadcast_in_dim3A_594, %select_n3A_582 : vector<16xi1>, vector<16xf32>
          %add3A_596 = arith.addf %add3A_583, %exp3A_560 : vector<16xf32>
          %gt3A_597 = arith.cmpf ogt, %exp3A_561, %max3A_592 : vector<16xf32>
          %gt3A_598 = arith.cmpf ogt, %exp3A_561, %select_n3A_587 : vector<16xf32>
          %select_n3A_599 = arith.select %gt3A_598, %exp3A_561, %select_n3A_587 : vector<16xi1>, vector<16xf32>
          %select_n3A_600 = arith.select %gt3A_597, %max3A_592, %select_n3A_599 : vector<16xi1>, vector<16xf32>
          %jit3A_601 = arith.constant 3.000000e+00 : f32
          %broadcast_in_dim3A_602 = vector.broadcast %jit3A_601 : f32 to vector<16xf32>
          %select_n3A_603 = arith.select %gt3A_598, %broadcast_in_dim3A_602, %select_n3A_591 : vector<16xi1>, vector<16xf32>
          %select_n3A_604 = arith.select %gt3A_597, %select_n3A_595, %select_n3A_603 : vector<16xi1>, vector<16xf32>
          %max3A_605 = arith.maximumf %exp3A_561, %max3A_592 : vector<16xf32>
          %jit3A_606 = arith.constant 3.000000e+00 : f32
          %broadcast_in_dim3A_607 = vector.broadcast %jit3A_606 : f32 to vector<16xf32>
          %select_n3A_608 = arith.select %gt3A_597, %broadcast_in_dim3A_607, %select_n3A_595 : vector<16xi1>, vector<16xf32>
          %add3A_609 = arith.addf %add3A_596, %exp3A_561 : vector<16xf32>
          %gt3A_610 = arith.cmpf ogt, %exp3A_562, %max3A_605 : vector<16xf32>
          %gt3A_611 = arith.cmpf ogt, %exp3A_562, %select_n3A_600 : vector<16xf32>
          %select_n3A_612 = arith.select %gt3A_611, %exp3A_562, %select_n3A_600 : vector<16xi1>, vector<16xf32>
          %select_n3A_613 = arith.select %gt3A_610, %max3A_605, %select_n3A_612 : vector<16xi1>, vector<16xf32>
          %jit3A_614 = arith.constant 4.000000e+00 : f32
          %broadcast_in_dim3A_615 = vector.broadcast %jit3A_614 : f32 to vector<16xf32>
          %select_n3A_616 = arith.select %gt3A_611, %broadcast_in_dim3A_615, %select_n3A_604 : vector<16xi1>, vector<16xf32>
          %select_n3A_617 = arith.select %gt3A_610, %select_n3A_608, %select_n3A_616 : vector<16xi1>, vector<16xf32>
          %max3A_618 = arith.maximumf %exp3A_562, %max3A_605 : vector<16xf32>
          %jit3A_619 = arith.constant 4.000000e+00 : f32
          %broadcast_in_dim3A_620 = vector.broadcast %jit3A_619 : f32 to vector<16xf32>
          %select_n3A_621 = arith.select %gt3A_610, %broadcast_in_dim3A_620, %select_n3A_608 : vector<16xi1>, vector<16xf32>
          %add3A_622 = arith.addf %add3A_609, %exp3A_562 : vector<16xf32>
          %gt3A_623 = arith.cmpf ogt, %exp3A_563, %max3A_618 : vector<16xf32>
          %gt3A_624 = arith.cmpf ogt, %exp3A_563, %select_n3A_613 : vector<16xf32>
          %select_n3A_625 = arith.select %gt3A_624, %exp3A_563, %select_n3A_613 : vector<16xi1>, vector<16xf32>
          %select_n3A_626 = arith.select %gt3A_623, %max3A_618, %select_n3A_625 : vector<16xi1>, vector<16xf32>
          %jit3A_627 = arith.constant 5.000000e+00 : f32
          %broadcast_in_dim3A_628 = vector.broadcast %jit3A_627 : f32 to vector<16xf32>
          %select_n3A_629 = arith.select %gt3A_624, %broadcast_in_dim3A_628, %select_n3A_617 : vector<16xi1>, vector<16xf32>
          %select_n3A_630 = arith.select %gt3A_623, %select_n3A_621, %select_n3A_629 : vector<16xi1>, vector<16xf32>
          %max3A_631 = arith.maximumf %exp3A_563, %max3A_618 : vector<16xf32>
          %jit3A_632 = arith.constant 5.000000e+00 : f32
          %broadcast_in_dim3A_633 = vector.broadcast %jit3A_632 : f32 to vector<16xf32>
          %select_n3A_634 = arith.select %gt3A_623, %broadcast_in_dim3A_633, %select_n3A_621 : vector<16xi1>, vector<16xf32>
          %add3A_635 = arith.addf %add3A_622, %exp3A_563 : vector<16xf32>
          %gt3A_636 = arith.cmpf ogt, %exp3A_564, %max3A_631 : vector<16xf32>
          %gt3A_637 = arith.cmpf ogt, %exp3A_564, %select_n3A_626 : vector<16xf32>
          %select_n3A_638 = arith.select %gt3A_637, %exp3A_564, %select_n3A_626 : vector<16xi1>, vector<16xf32>
          %select_n3A_639 = arith.select %gt3A_636, %max3A_631, %select_n3A_638 : vector<16xi1>, vector<16xf32>
          %jit3A_640 = arith.constant 6.000000e+00 : f32
          %broadcast_in_dim3A_641 = vector.broadcast %jit3A_640 : f32 to vector<16xf32>
          %select_n3A_642 = arith.select %gt3A_637, %broadcast_in_dim3A_641, %select_n3A_630 : vector<16xi1>, vector<16xf32>
          %select_n3A_643 = arith.select %gt3A_636, %select_n3A_634, %select_n3A_642 : vector<16xi1>, vector<16xf32>
          %max3A_644 = arith.maximumf %exp3A_564, %max3A_631 : vector<16xf32>
          %jit3A_645 = arith.constant 6.000000e+00 : f32
          %broadcast_in_dim3A_646 = vector.broadcast %jit3A_645 : f32 to vector<16xf32>
          %select_n3A_647 = arith.select %gt3A_636, %broadcast_in_dim3A_646, %select_n3A_634 : vector<16xi1>, vector<16xf32>
          %add3A_648 = arith.addf %add3A_635, %exp3A_564 : vector<16xf32>
          %convert_element_type3A_649 = arith.fptosi %select_n3A_647 : vector<16xf32> to vector<16xi32>
          %add3A_650 = arith.constant 14 : i32
          %add3A_651 = vector.broadcast %add3A_650 : i32 to vector<16xi32>
          %add3A_652 = arith.addi %add3A_231, %add3A_651 : vector<16xi32>
          %add3A_653 = arith.addi %add3A_652, %convert_element_type3A_649 : vector<16xi32>
          %gather3A_654 = tpu.vector_load_idx %arg11[%broadcast_in_dim3A, %add3A_653] : memref<8x1792xf32, #tpu.memory_space<vmem>>[vector<16xi32>, vector<16xi32>], vector<16xf32>,
          %div3A_655 = arith.constant 1.000000e+00 : f32
          %div3A_656 = vector.broadcast %div3A_655 : f32 to vector<16xf32>
          %div3A_657 = arith.divf %div3A_656, %add3A_648 : vector<16xf32>
          %mul3A_658 = arith.mulf %max3A_644, %div3A_657 : vector<16xf32>
          %mul3A_659 = arith.mulf %select_n3A_639, %div3A_657 : vector<16xf32>
          %sub3A_660 = arith.subf %select_n3A_647, %select_n3A_643 : vector<16xf32>
          %abs3A_661 = math.absf %sub3A_660 : vector<16xf32>
          %sub3A_662 = arith.constant 1.000000e+00 : f32
          %sub3A_663 = vector.broadcast %sub3A_662 : f32 to vector<16xf32>
          %sub3A_664 = arith.subf %abs3A_661, %sub3A_663 : vector<16xf32>
          %mul3A_665 = arith.mulf %mul3A_659, %sub3A_664 : vector<16xf32>
          %add3A_666 = arith.addf %mul3A_658, %mul3A_665 : vector<16xf32>
          %add3A_667 = arith.addf %add3A_557, %add3A_666 : vector<16xf32>
          %exp3A_668 = math.exp %gather3A_318 : vector<16xf32>
          %exp3A_669 = math.exp %gather3A_322 : vector<16xf32>
          %exp3A_670 = math.exp %gather3A_326 : vector<16xf32>
          %exp3A_671 = math.exp %gather3A_330 : vector<16xf32>
          %exp3A_672 = math.exp %gather3A_334 : vector<16xf32>
          %exp3A_673 = math.exp %gather3A_338 : vector<16xf32>
          %exp3A_674 = math.exp %gather3A_342 : vector<16xf32>
          %broadcast_in_dim3A_675 = arith.constant 0.000000e+00 : f32
          %broadcast_in_dim3A_676 = vector.broadcast %broadcast_in_dim3A_675 : f32 to vector<16xf32>
          %broadcast_in_dim3A_677 = arith.constant 0.000000e+00 : f32
          %broadcast_in_dim3A_678 = vector.broadcast %broadcast_in_dim3A_677 : f32 to vector<16xf32>
          %broadcast_in_dim3A_679 = arith.constant 0.000000e+00 : f32
          %broadcast_in_dim3A_680 = vector.broadcast %broadcast_in_dim3A_679 : f32 to vector<16xf32>
          %gt3A_681 = arith.cmpf ogt, %exp3A_669, %exp3A_668 : vector<16xf32>
          %gt3A_682 = arith.cmpf ogt, %exp3A_669, %broadcast_in_dim3A_678 : vector<16xf32>
          %select_n3A_683 = arith.select %gt3A_682, %exp3A_669, %broadcast_in_dim3A_678 : vector<16xi1>, vector<16xf32>
          %select_n3A_684 = arith.select %gt3A_681, %exp3A_668, %select_n3A_683 : vector<16xi1>, vector<16xf32>
          %jit3A_685 = arith.constant 1.000000e+00 : f32
          %broadcast_in_dim3A_686 = vector.broadcast %jit3A_685 : f32 to vector<16xf32>
          %select_n3A_687 = arith.select %gt3A_682, %broadcast_in_dim3A_686, %broadcast_in_dim3A_680 : vector<16xi1>, vector<16xf32>
          %select_n3A_688 = arith.select %gt3A_681, %broadcast_in_dim3A_676, %select_n3A_687 : vector<16xi1>, vector<16xf32>
          %max3A_689 = arith.maximumf %exp3A_669, %exp3A_668 : vector<16xf32>
          %jit3A_690 = arith.constant 1.000000e+00 : f32
          %broadcast_in_dim3A_691 = vector.broadcast %jit3A_690 : f32 to vector<16xf32>
          %select_n3A_692 = arith.select %gt3A_681, %broadcast_in_dim3A_691, %broadcast_in_dim3A_676 : vector<16xi1>, vector<16xf32>
          %add3A_693 = arith.addf %exp3A_668, %exp3A_669 : vector<16xf32>
          %gt3A_694 = arith.cmpf ogt, %exp3A_670, %max3A_689 : vector<16xf32>
          %gt3A_695 = arith.cmpf ogt, %exp3A_670, %select_n3A_684 : vector<16xf32>
          %select_n3A_696 = arith.select %gt3A_695, %exp3A_670, %select_n3A_684 : vector<16xi1>, vector<16xf32>
          %select_n3A_697 = arith.select %gt3A_694, %max3A_689, %select_n3A_696 : vector<16xi1>, vector<16xf32>
          %jit3A_698 = arith.constant 2.000000e+00 : f32
          %broadcast_in_dim3A_699 = vector.broadcast %jit3A_698 : f32 to vector<16xf32>
          %select_n3A_700 = arith.select %gt3A_695, %broadcast_in_dim3A_699, %select_n3A_688 : vector<16xi1>, vector<16xf32>
          %select_n3A_701 = arith.select %gt3A_694, %select_n3A_692, %select_n3A_700 : vector<16xi1>, vector<16xf32>
          %max3A_702 = arith.maximumf %exp3A_670, %max3A_689 : vector<16xf32>
          %jit3A_703 = arith.constant 2.000000e+00 : f32
          %broadcast_in_dim3A_704 = vector.broadcast %jit3A_703 : f32 to vector<16xf32>
          %select_n3A_705 = arith.select %gt3A_694, %broadcast_in_dim3A_704, %select_n3A_692 : vector<16xi1>, vector<16xf32>
          %add3A_706 = arith.addf %add3A_693, %exp3A_670 : vector<16xf32>
          %gt3A_707 = arith.cmpf ogt, %exp3A_671, %max3A_702 : vector<16xf32>
          %gt3A_708 = arith.cmpf ogt, %exp3A_671, %select_n3A_697 : vector<16xf32>
          %select_n3A_709 = arith.select %gt3A_708, %exp3A_671, %select_n3A_697 : vector<16xi1>, vector<16xf32>
          %select_n3A_710 = arith.select %gt3A_707, %max3A_702, %select_n3A_709 : vector<16xi1>, vector<16xf32>
          %jit3A_711 = arith.constant 3.000000e+00 : f32
          %broadcast_in_dim3A_712 = vector.broadcast %jit3A_711 : f32 to vector<16xf32>
          %select_n3A_713 = arith.select %gt3A_708, %broadcast_in_dim3A_712, %select_n3A_701 : vector<16xi1>, vector<16xf32>
          %select_n3A_714 = arith.select %gt3A_707, %select_n3A_705, %select_n3A_713 : vector<16xi1>, vector<16xf32>
          %max3A_715 = arith.maximumf %exp3A_671, %max3A_702 : vector<16xf32>
          %jit3A_716 = arith.constant 3.000000e+00 : f32
          %broadcast_in_dim3A_717 = vector.broadcast %jit3A_716 : f32 to vector<16xf32>
          %select_n3A_718 = arith.select %gt3A_707, %broadcast_in_dim3A_717, %select_n3A_705 : vector<16xi1>, vector<16xf32>
          %add3A_719 = arith.addf %add3A_706, %exp3A_671 : vector<16xf32>
          %gt3A_720 = arith.cmpf ogt, %exp3A_672, %max3A_715 : vector<16xf32>
          %gt3A_721 = arith.cmpf ogt, %exp3A_672, %select_n3A_710 : vector<16xf32>
          %select_n3A_722 = arith.select %gt3A_721, %exp3A_672, %select_n3A_710 : vector<16xi1>, vector<16xf32>
          %select_n3A_723 = arith.select %gt3A_720, %max3A_715, %select_n3A_722 : vector<16xi1>, vector<16xf32>
          %jit3A_724 = arith.constant 4.000000e+00 : f32
          %broadcast_in_dim3A_725 = vector.broadcast %jit3A_724 : f32 to vector<16xf32>
          %select_n3A_726 = arith.select %gt3A_721, %broadcast_in_dim3A_725, %select_n3A_714 : vector<16xi1>, vector<16xf32>
          %select_n3A_727 = arith.select %gt3A_720, %select_n3A_718, %select_n3A_726 : vector<16xi1>, vector<16xf32>
          %max3A_728 = arith.maximumf %exp3A_672, %max3A_715 : vector<16xf32>
          %jit3A_729 = arith.constant 4.000000e+00 : f32
          %broadcast_in_dim3A_730 = vector.broadcast %jit3A_729 : f32 to vector<16xf32>
          %select_n3A_731 = arith.select %gt3A_720, %broadcast_in_dim3A_730, %select_n3A_718 : vector<16xi1>, vector<16xf32>
          %add3A_732 = arith.addf %add3A_719, %exp3A_672 : vector<16xf32>
          %gt3A_733 = arith.cmpf ogt, %exp3A_673, %max3A_728 : vector<16xf32>
          %gt3A_734 = arith.cmpf ogt, %exp3A_673, %select_n3A_723 : vector<16xf32>
          %select_n3A_735 = arith.select %gt3A_734, %exp3A_673, %select_n3A_723 : vector<16xi1>, vector<16xf32>
          %select_n3A_736 = arith.select %gt3A_733, %max3A_728, %select_n3A_735 : vector<16xi1>, vector<16xf32>
          %jit3A_737 = arith.constant 5.000000e+00 : f32
          %broadcast_in_dim3A_738 = vector.broadcast %jit3A_737 : f32 to vector<16xf32>
          %select_n3A_739 = arith.select %gt3A_734, %broadcast_in_dim3A_738, %select_n3A_727 : vector<16xi1>, vector<16xf32>
          %select_n3A_740 = arith.select %gt3A_733, %select_n3A_731, %select_n3A_739 : vector<16xi1>, vector<16xf32>
          %max3A_741 = arith.maximumf %exp3A_673, %max3A_728 : vector<16xf32>
          %jit3A_742 = arith.constant 5.000000e+00 : f32
          %broadcast_in_dim3A_743 = vector.broadcast %jit3A_742 : f32 to vector<16xf32>
          %select_n3A_744 = arith.select %gt3A_733, %broadcast_in_dim3A_743, %select_n3A_731 : vector<16xi1>, vector<16xf32>
          %add3A_745 = arith.addf %add3A_732, %exp3A_673 : vector<16xf32>
          %gt3A_746 = arith.cmpf ogt, %exp3A_674, %max3A_741 : vector<16xf32>
          %gt3A_747 = arith.cmpf ogt, %exp3A_674, %select_n3A_736 : vector<16xf32>
          %select_n3A_748 = arith.select %gt3A_747, %exp3A_674, %select_n3A_736 : vector<16xi1>, vector<16xf32>
          %select_n3A_749 = arith.select %gt3A_746, %max3A_741, %select_n3A_748 : vector<16xi1>, vector<16xf32>
          %jit3A_750 = arith.constant 6.000000e+00 : f32
          %broadcast_in_dim3A_751 = vector.broadcast %jit3A_750 : f32 to vector<16xf32>
          %select_n3A_752 = arith.select %gt3A_747, %broadcast_in_dim3A_751, %select_n3A_740 : vector<16xi1>, vector<16xf32>
          %select_n3A_753 = arith.select %gt3A_746, %select_n3A_744, %select_n3A_752 : vector<16xi1>, vector<16xf32>
          %max3A_754 = arith.maximumf %exp3A_674, %max3A_741 : vector<16xf32>
          %jit3A_755 = arith.constant 6.000000e+00 : f32
          %broadcast_in_dim3A_756 = vector.broadcast %jit3A_755 : f32 to vector<16xf32>
          %select_n3A_757 = arith.select %gt3A_746, %broadcast_in_dim3A_756, %select_n3A_744 : vector<16xi1>, vector<16xf32>
          %add3A_758 = arith.addf %add3A_745, %exp3A_674 : vector<16xf32>
          %convert_element_type3A_759 = arith.fptosi %select_n3A_757 : vector<16xf32> to vector<16xi32>
          %add3A_760 = arith.constant 21 : i32
          %add3A_761 = vector.broadcast %add3A_760 : i32 to vector<16xi32>
          %add3A_762 = arith.addi %add3A_231, %add3A_761 : vector<16xi32>
          %add3A_763 = arith.addi %add3A_762, %convert_element_type3A_759 : vector<16xi32>
          %gather3A_764 = tpu.vector_load_idx %arg11[%broadcast_in_dim3A, %add3A_763] : memref<8x1792xf32, #tpu.memory_space<vmem>>[vector<16xi32>, vector<16xi32>], vector<16xf32>,
          %div3A_765 = arith.constant 1.000000e+00 : f32
          %div3A_766 = vector.broadcast %div3A_765 : f32 to vector<16xf32>
          %div3A_767 = arith.divf %div3A_766, %add3A_758 : vector<16xf32>
          %mul3A_768 = arith.mulf %max3A_754, %div3A_767 : vector<16xf32>
          %mul3A_769 = arith.mulf %select_n3A_749, %div3A_767 : vector<16xf32>
          %sub3A_770 = arith.subf %select_n3A_757, %select_n3A_753 : vector<16xf32>
          %abs3A_771 = math.absf %sub3A_770 : vector<16xf32>
          %sub3A_772 = arith.constant 1.000000e+00 : f32
          %sub3A_773 = vector.broadcast %sub3A_772 : f32 to vector<16xf32>
          %sub3A_774 = arith.subf %abs3A_771, %sub3A_773 : vector<16xf32>
          %mul3A_775 = arith.mulf %mul3A_769, %sub3A_774 : vector<16xf32>
          %add3A_776 = arith.addf %mul3A_768, %mul3A_775 : vector<16xf32>
          %add3A_777 = arith.addf %add3A_667, %add3A_776 : vector<16xf32>
          %broadcast_in_dim3A_778 = arith.constant 0 : i32
          %broadcast_in_dim3A_779 = vector.broadcast %broadcast_in_dim3A_778 : i32 to vector<16xi32>
          %broadcast_in_dim3A_780 = arith.constant 1 : i32
          %broadcast_in_dim3A_781 = vector.broadcast %broadcast_in_dim3A_780 : i32 to vector<16xi32>
          %broadcast_in_dim3A_782 = arith.constant 2 : i32
          %broadcast_in_dim3A_783 = vector.broadcast %broadcast_in_dim3A_782 : i32 to vector<16xi32>
          %broadcast_in_dim3A_784 = arith.constant 3 : i32
          %broadcast_in_dim3A_785 = vector.broadcast %broadcast_in_dim3A_784 : i32 to vector<16xi32>
          %add3A_786 = arith.addi %add3A_221, %add3A_224 : i32
          %add3A_787 = vector.broadcast %add3A_786 : i32 to vector<16xi32>
          %add3A_788 = arith.addi %add3A_787, %iota3A : vector<16xi32>
          %gather3A_789 = tpu.vector_load_idx %arg12[%broadcast_in_dim3A, %broadcast_in_dim3A_779, %add3A_788] : memref<8x4x640xf32, #tpu.memory_space<vmem>>[vector<16xi32>, vector<16xi32>, vector<16xi32>], vector<16xf32>,
          %gather3A_790 = tpu.vector_load_idx %arg12[%broadcast_in_dim3A, %broadcast_in_dim3A_781, %add3A_788] : memref<8x4x640xf32, #tpu.memory_space<vmem>>[vector<16xi32>, vector<16xi32>, vector<16xi32>], vector<16xf32>,
          %gather3A_791 = tpu.vector_load_idx %arg12[%broadcast_in_dim3A, %broadcast_in_dim3A_783, %add3A_788] : memref<8x4x640xf32, #tpu.memory_space<vmem>>[vector<16xi32>, vector<16xi32>, vector<16xi32>], vector<16xf32>,
          %gather3A_792 = tpu.vector_load_idx %arg12[%broadcast_in_dim3A, %broadcast_in_dim3A_785, %add3A_788] : memref<8x4x640xf32, #tpu.memory_space<vmem>>[vector<16xi32>, vector<16xi32>, vector<16xi32>], vector<16xf32>,
          %add3A_793 = arith.addf %gather3A_789, %gather3A_791 : vector<16xf32>
          %add3A_794 = arith.addf %gather3A_790, %gather3A_792 : vector<16xf32>
          %sub3A_795 = arith.subf %gather3A_791, %gather3A_789 : vector<16xf32>
          %mul3A_796 = arith.constant 1.700000e+00 : f32
          %mul3A_797 = vector.broadcast %mul3A_796 : f32 to vector<16xf32>
          %mul3A_798 = arith.mulf %sub3A_795, %mul3A_797 : vector<16xf32>
          %sub3A_799 = arith.subf %gather3A_792, %gather3A_790 : vector<16xf32>
          %mul3A_800 = arith.constant 1.700000e+00 : f32
          %mul3A_801 = vector.broadcast %mul3A_800 : f32 to vector<16xf32>
          %mul3A_802 = arith.mulf %sub3A_799, %mul3A_801 : vector<16xf32>
          %sub3A_803 = arith.subf %add3A_793, %mul3A_798 : vector<16xf32>
          %mul3A_804 = arith.constant 5.000000e-01 : f32
          %mul3A_805 = vector.broadcast %mul3A_804 : f32 to vector<16xf32>
          %mul3A_806 = arith.mulf %sub3A_803, %mul3A_805 : vector<16xf32>
          %add3A_807 = arith.addf %add3A_793, %mul3A_798 : vector<16xf32>
          %mul3A_808 = arith.constant 5.000000e-01 : f32
          %mul3A_809 = vector.broadcast %mul3A_808 : f32 to vector<16xf32>
          %mul3A_810 = arith.mulf %add3A_807, %mul3A_809 : vector<16xf32>
          %sub3A_811 = arith.subf %add3A_794, %mul3A_802 : vector<16xf32>
          %mul3A_812 = arith.constant 5.000000e-01 : f32
          %mul3A_813 = vector.broadcast %mul3A_812 : f32 to vector<16xf32>
          %mul3A_814 = arith.mulf %sub3A_811, %mul3A_813 : vector<16xf32>
          %add3A_815 = arith.addf %add3A_794, %mul3A_802 : vector<16xf32>
          %mul3A_816 = arith.constant 5.000000e-01 : f32
          %mul3A_817 = vector.broadcast %mul3A_816 : f32 to vector<16xf32>
          %mul3A_818 = arith.mulf %add3A_815, %mul3A_817 : vector<16xf32>
          %div3A_819 = arith.constant 1.400000e+01 : f32
          %div3A_820 = vector.broadcast %div3A_819 : f32 to vector<16xf32>
          %div3A_821 = arith.divf %mul3A_798, %div3A_820 : vector<16xf32>
          %div3A_822 = arith.constant 1.400000e+01 : f32
          %div3A_823 = vector.broadcast %div3A_822 : f32 to vector<16xf32>
          %div3A_824 = arith.divf %mul3A_802, %div3A_823 : vector<16xf32>
          %add3A_825 = arith.constant 5.000000e-01 : f32
          %add3A_826 = vector.broadcast %add3A_825 : f32 to vector<16xf32>
          %add3A_827 = arith.addf %add3A_826, %select_n3A_429 : vector<16xf32>
          %sub3A_828 = arith.subf %add3A_827, %gather3A_436 : vector<16xf32>
          %mul3A_829 = arith.mulf %sub3A_828, %div3A_821 : vector<16xf32>
          %add3A_830 = arith.addf %mul3A_806, %mul3A_829 : vector<16xf32>
          %add3A_831 = arith.constant 5.000000e-01 : f32
          %add3A_832 = vector.broadcast %add3A_831 : f32 to vector<16xf32>
          %add3A_833 = arith.addf %add3A_832, %select_n3A_537 : vector<16xf32>
          %add3A_834 = arith.addf %add3A_833, %gather3A_544 : vector<16xf32>
          %mul3A_835 = arith.mulf %add3A_834, %div3A_821 : vector<16xf32>
          %sub3A_836 = arith.subf %mul3A_810, %mul3A_835 : vector<16xf32>
          %add3A_837 = arith.constant 5.000000e-01 : f32
          %add3A_838 = vector.broadcast %add3A_837 : f32 to vector<16xf32>
          %add3A_839 = arith.addf %add3A_838, %select_n3A_647 : vector<16xf32>
          %sub3A_840 = arith.subf %add3A_839, %gather3A_654 : vector<16xf32>
          %mul3A_841 = arith.mulf %sub3A_840, %div3A_824 : vector<16xf32>
          %add3A_842 = arith.addf %mul3A_814, %mul3A_841 : vector<16xf32>
          %add3A_843 = arith.constant 5.000000e-01 : f32
          %add3A_844 = vector.broadcast %add3A_843 : f32 to vector<16xf32>
          %add3A_845 = arith.addf %add3A_844, %select_n3A_757 : vector<16xf32>
          %add3A_846 = arith.addf %add3A_845, %gather3A_764 : vector<16xf32>
          %mul3A_847 = arith.mulf %add3A_846, %div3A_824 : vector<16xf32>
          %sub3A_848 = arith.subf %mul3A_818, %mul3A_847 : vector<16xf32>
          %broadcast_in_dim3A_849 = arith.constant 0 : i32
          %broadcast_in_dim3A_850 = vector.broadcast %broadcast_in_dim3A_849 : i32 to vector<16xi32>
          %broadcast_in_dim3A_851 = arith.constant 1 : i32
          %broadcast_in_dim3A_852 = vector.broadcast %broadcast_in_dim3A_851 : i32 to vector<16xi32>
          %broadcast_in_dim3A_853 = arith.constant 2 : i32
          %broadcast_in_dim3A_854 = vector.broadcast %broadcast_in_dim3A_853 : i32 to vector<16xi32>
          %broadcast_in_dim3A_855 = arith.constant 3 : i32
          %broadcast_in_dim3A_856 = vector.broadcast %broadcast_in_dim3A_855 : i32 to vector<16xi32>
          %add3A_857 = arith.constant 64 : i32
          %add3A_858 = arith.addi %add3A_857, %add3A_224 : i32
          %add3A_859 = vector.broadcast %add3A_858 : i32 to vector<16xi32>
          %add3A_860 = arith.addi %add3A_859, %iota3A : vector<16xi32>
          tpu.vector_store_idx %arg13[%broadcast_in_dim3A, %broadcast_in_dim3A_850, %add3A_860], %add3A_830 : memref<8x4x128xf32, #tpu.memory_space<vmem>>[vector<16xi32>, vector<16xi32>, vector<16xi32>], vector<16xf32>,
          tpu.vector_store_idx %arg13[%broadcast_in_dim3A, %broadcast_in_dim3A_852, %add3A_860], %add3A_842 : memref<8x4x128xf32, #tpu.memory_space<vmem>>[vector<16xi32>, vector<16xi32>, vector<16xi32>], vector<16xf32>,
          tpu.vector_store_idx %arg13[%broadcast_in_dim3A, %broadcast_in_dim3A_854, %add3A_860], %sub3A_836 : memref<8x4x128xf32, #tpu.memory_space<vmem>>[vector<16xi32>, vector<16xi32>, vector<16xi32>], vector<16xf32>,
          tpu.vector_store_idx %arg13[%broadcast_in_dim3A, %broadcast_in_dim3A_856, %add3A_860], %sub3A_848 : memref<8x4x128xf32, #tpu.memory_space<vmem>>[vector<16xi32>, vector<16xi32>, vector<16xi32>], vector<16xf32>,
          %mul3A_861 = arith.constant 2.500000e-01 : f32
          %mul3A_862 = vector.broadcast %mul3A_861 : f32 to vector<16xf32>
          %mul3A_863 = arith.mulf %add3A_777, %mul3A_862 : vector<16xf32>
          %mul3A_864 = arith.constant 672 : i32
          %mul3A_865 = arith.muli %select_n3A_171, %mul3A_864 : i32
          %add3A_866 = arith.addi %mul3A_865, %add3A_217 : i32
          %add3A_867 = arith.addi %add3A_866, %add3A_224 : i32
          %swap3A = arith.index_cast %add3A_867 : i32 to index
          %swap3A_868 = tpu.vector_load %arg14[%swap3A] {strides = array<i32>} : memref<5376xf32, #tpu.memory_space<vmem>>, vector<16xf32>,
          tpu.vector_store %arg14[%swap3A], %mul3A_863 {strides = array<i32>} : memref<5376xf32, #tpu.memory_space<vmem>>, vector<16xf32>,
        }
        %scan3A_122 = arith.constant 32 : i32
        %mul3A_123 = arith.constant 128 : i32
        %mul3A_124 = arith.muli %add3A_106, %mul3A_123 : i32
        "tpu.region"() ({
          %run_scoped3A = tpu.sem_alloc : memref<!tpu.dma_semaphore, #tpu.memory_space<semaphore_mem>>
          %dma_start3A_131 = arith.constant 0 : i32
          %dma_start3A_132 = arith.constant 0 : i32
          %dma_start3A_133 = tpu.memref_slice %arg6[%dma_start3A_131, %dma_start3A_132, %mul3A_124] : memref<8x4x20096xf32, #tpu.memory_space<hbm>> -> memref<8x4x128xf32, #tpu.memory_space<hbm>>
          %dma_start3A_134 = arith.constant 0 : i32
          %dma_start3A_135 = arith.constant 0 : i32
          %dma_start3A_136 = tpu.memref_slice %arg6[%dma_start3A_134, %dma_start3A_135, %mul3A_124] : memref<8x4x20096xf32, #tpu.memory_space<hbm>> -> memref<8x4x128xf32, #tpu.memory_space<hbm>>
          tpu.enqueue_dma source(%arg13 : memref<8x4x128xf32, #tpu.memory_space<vmem>>) target(%dma_start3A_136 : memref<8x4x128xf32, #tpu.memory_space<hbm>>) target_semaphore(%run_scoped3A : memref<!tpu.dma_semaphore, #tpu.memory_space<semaphore_mem>>)
          %dma_wait3A_137 = arith.constant 0 : i32
          %dma_wait3A_138 = arith.constant 0 : i32
          %dma_wait3A_139 = tpu.memref_slice %arg6[%dma_wait3A_137, %dma_wait3A_138, %mul3A_124] : memref<8x4x20096xf32, #tpu.memory_space<hbm>> -> memref<8x4x128xf32, #tpu.memory_space<hbm>>
          %dma_wait3A_140 = arith.constant 0 : i32
          %dma_wait3A_141 = arith.constant 0 : i32
          %dma_wait3A_142 = tpu.memref_slice %arg6[%dma_wait3A_140, %dma_wait3A_141, %mul3A_124] : memref<8x4x20096xf32, #tpu.memory_space<hbm>> -> memref<8x4x128xf32, #tpu.memory_space<hbm>>
          tpu.wait_dma2 semaphore(%run_scoped3A : memref<!tpu.dma_semaphore, #tpu.memory_space<semaphore_mem>>) src(%arg13 : memref<8x4x128xf32, #tpu.memory_space<vmem>>) dst(%dma_wait3A_142 : memref<8x4x128xf32, #tpu.memory_space<hbm>>)
          tpu.yield
        }) : () -> ()
        %add3A_125 = arith.constant 2 : i32
        %add3A_126 = arith.addi %while3A_72, %add3A_125 : i32
        %lt3A_127 = arith.cmpi slt, %add3A_126, %mul3A_11 : i32
        %convert_element_type3A_128 = arith.extui %lt3A_127 : i1 to i32
        %cond3A_129 = arith.constant 0 : i32
        %cond3A_130 = arith.cmpi ne, %convert_element_type3A_128, %cond3A_129 : i32
        scf.if %cond3A_130 {
          %add3A_131 = arith.constant 2 : i32
          %add3A_132 = arith.addi %while3A_72, %add3A_131 : i32
          %mul3A_133 = arith.constant 3584 : i32
          %mul3A_134 = arith.muli %select_n3A, %mul3A_133 : i32
          %mul3A_135 = arith.constant 1792 : i32
          %mul3A_136 = arith.muli %add3A_132, %mul3A_135 : i32
          %add3A_137 = arith.addi %mul3A_134, %mul3A_136 : i32
          %dma_start3A_138 = arith.constant 0 : i32
          %dma_start3A_139 = tpu.memref_slice %arg2[%dma_start3A_138, %add3A_137] : memref<8x560000xf32, #tpu.memory_space<hbm>> -> memref<8x1792xf32, #tpu.memory_space<hbm>>
          %dma_start3A_140 = arith.constant 0 : i32
          %dma_start3A_141 = tpu.memref_slice %arg2[%dma_start3A_140, %add3A_137] : memref<8x560000xf32, #tpu.memory_space<hbm>> -> memref<8x1792xf32, #tpu.memory_space<hbm>>
          tpu.enqueue_dma source(%dma_start3A_141 : memref<8x1792xf32, #tpu.memory_space<hbm>>) target(%arg9 : memref<8x1792xf32, #tpu.memory_space<vmem>>) target_semaphore(%arg17 : memref<!tpu.dma_semaphore, #tpu.memory_space<semaphore_mem>>)
          %dma_start3A_142 = arith.constant 0 : i32
          %dma_start3A_143 = tpu.memref_slice %arg3[%dma_start3A_142, %add3A_137] : memref<8x560000xf32, #tpu.memory_space<hbm>> -> memref<8x1792xf32, #tpu.memory_space<hbm>>
          %dma_start3A_144 = arith.constant 0 : i32
          %dma_start3A_145 = tpu.memref_slice %arg3[%dma_start3A_144, %add3A_137] : memref<8x560000xf32, #tpu.memory_space<hbm>> -> memref<8x1792xf32, #tpu.memory_space<hbm>>
          tpu.enqueue_dma source(%dma_start3A_145 : memref<8x1792xf32, #tpu.memory_space<hbm>>) target(%arg11 : memref<8x1792xf32, #tpu.memory_space<vmem>>) target_semaphore(%arg17 : memref<!tpu.dma_semaphore, #tpu.memory_space<semaphore_mem>>)
        } else {
        }
      } else {
      }
    }
    %convert_element_type3A_56 = arith.extui %eq3A_12 : i1 to i32
    %cond3A_57 = arith.constant 0 : i32
    %cond3A_58 = arith.cmpi ne, %convert_element_type3A_56, %cond3A_57 : i32
    scf.if %cond3A_58 {
      "tpu.region"() ({
        %run_scoped3A = tpu.sem_alloc : memref<!tpu.dma_semaphore, #tpu.memory_space<semaphore_mem>>
        %dma_start3A_76 = arith.constant 0 : i32
        %dma_start3A_77 = arith.constant 0 : i32
        %dma_start3A_78 = tpu.memref_slice %arg8[%dma_start3A_76, %dma_start3A_77] : memref<8x1792xf32, #tpu.memory_space<vmem>> -> memref<8x896xf32, #tpu.memory_space<vmem>>
        %dma_start3A_79 = arith.constant 0 : i32
        %dma_start3A_80 = arith.constant 559104 : i32
        %dma_start3A_81 = tpu.memref_slice %arg2[%dma_start3A_79, %dma_start3A_80] : memref<8x560000xf32, #tpu.memory_space<hbm>> -> memref<8x896xf32, #tpu.memory_space<hbm>>
        %dma_start3A_82 = arith.constant 0 : i32
        %dma_start3A_83 = arith.constant 0 : i32
        %dma_start3A_84 = tpu.memref_slice %arg8[%dma_start3A_82, %dma_start3A_83] : memref<8x1792xf32, #tpu.memory_space<vmem>> -> memref<8x896xf32, #tpu.memory_space<vmem>>
        %dma_start3A_85 = arith.constant 0 : i32
        %dma_start3A_86 = arith.constant 559104 : i32
        %dma_start3A_87 = tpu.memref_slice %arg2[%dma_start3A_85, %dma_start3A_86] : memref<8x560000xf32, #tpu.memory_space<hbm>> -> memref<8x896xf32, #tpu.memory_space<hbm>>
        tpu.enqueue_dma source(%dma_start3A_87 : memref<8x896xf32, #tpu.memory_space<hbm>>) target(%dma_start3A_84 : memref<8x896xf32, #tpu.memory_space<vmem>>) target_semaphore(%run_scoped3A : memref<!tpu.dma_semaphore, #tpu.memory_space<semaphore_mem>>)
        %dma_wait3A = arith.constant 0 : i32
        %dma_wait3A_88 = arith.constant 0 : i32
        %dma_wait3A_89 = tpu.memref_slice %arg8[%dma_wait3A, %dma_wait3A_88] : memref<8x1792xf32, #tpu.memory_space<vmem>> -> memref<8x896xf32, #tpu.memory_space<vmem>>
        %dma_wait3A_90 = arith.constant 0 : i32
        %dma_wait3A_91 = arith.constant 559104 : i32
        %dma_wait3A_92 = tpu.memref_slice %arg2[%dma_wait3A_90, %dma_wait3A_91] : memref<8x560000xf32, #tpu.memory_space<hbm>> -> memref<8x896xf32, #tpu.memory_space<hbm>>
        %dma_wait3A_93 = arith.constant 0 : i32
        %dma_wait3A_94 = arith.constant 0 : i32
        %dma_wait3A_95 = tpu.memref_slice %arg8[%dma_wait3A_93, %dma_wait3A_94] : memref<8x1792xf32, #tpu.memory_space<vmem>> -> memref<8x896xf32, #tpu.memory_space<vmem>>
        %dma_wait3A_96 = arith.constant 0 : i32
        %dma_wait3A_97 = arith.constant 559104 : i32
        %dma_wait3A_98 = tpu.memref_slice %arg2[%dma_wait3A_96, %dma_wait3A_97] : memref<8x560000xf32, #tpu.memory_space<hbm>> -> memref<8x896xf32, #tpu.memory_space<hbm>>
        tpu.wait_dma2 semaphore(%run_scoped3A : memref<!tpu.dma_semaphore, #tpu.memory_space<semaphore_mem>>) src(%dma_wait3A_98 : memref<8x896xf32, #tpu.memory_space<hbm>>) dst(%dma_wait3A_95 : memref<8x896xf32, #tpu.memory_space<vmem>>)
        tpu.yield
      }) : () -> ()
      "tpu.region"() ({
        %run_scoped3A = tpu.sem_alloc : memref<!tpu.dma_semaphore, #tpu.memory_space<semaphore_mem>>
        %dma_start3A_76 = arith.constant 0 : i32
        %dma_start3A_77 = arith.constant 0 : i32
        %dma_start3A_78 = tpu.memref_slice %arg10[%dma_start3A_76, %dma_start3A_77] : memref<8x1792xf32, #tpu.memory_space<vmem>> -> memref<8x896xf32, #tpu.memory_space<vmem>>
        %dma_start3A_79 = arith.constant 0 : i32
        %dma_start3A_80 = arith.constant 559104 : i32
        %dma_start3A_81 = tpu.memref_slice %arg3[%dma_start3A_79, %dma_start3A_80] : memref<8x560000xf32, #tpu.memory_space<hbm>> -> memref<8x896xf32, #tpu.memory_space<hbm>>
        %dma_start3A_82 = arith.constant 0 : i32
        %dma_start3A_83 = arith.constant 0 : i32
        %dma_start3A_84 = tpu.memref_slice %arg10[%dma_start3A_82, %dma_start3A_83] : memref<8x1792xf32, #tpu.memory_space<vmem>> -> memref<8x896xf32, #tpu.memory_space<vmem>>
        %dma_start3A_85 = arith.constant 0 : i32
        %dma_start3A_86 = arith.constant 559104 : i32
        %dma_start3A_87 = tpu.memref_slice %arg3[%dma_start3A_85, %dma_start3A_86] : memref<8x560000xf32, #tpu.memory_space<hbm>> -> memref<8x896xf32, #tpu.memory_space<hbm>>
        tpu.enqueue_dma source(%dma_start3A_87 : memref<8x896xf32, #tpu.memory_space<hbm>>) target(%dma_start3A_84 : memref<8x896xf32, #tpu.memory_space<vmem>>) target_semaphore(%run_scoped3A : memref<!tpu.dma_semaphore, #tpu.memory_space<semaphore_mem>>)
        %dma_wait3A = arith.constant 0 : i32
        %dma_wait3A_88 = arith.constant 0 : i32
        %dma_wait3A_89 = tpu.memref_slice %arg10[%dma_wait3A, %dma_wait3A_88] : memref<8x1792xf32, #tpu.memory_space<vmem>> -> memref<8x896xf32, #tpu.memory_space<vmem>>
        %dma_wait3A_90 = arith.constant 0 : i32
        %dma_wait3A_91 = arith.constant 559104 : i32
        %dma_wait3A_92 = tpu.memref_slice %arg3[%dma_wait3A_90, %dma_wait3A_91] : memref<8x560000xf32, #tpu.memory_space<hbm>> -> memref<8x896xf32, #tpu.memory_space<hbm>>
        %dma_wait3A_93 = arith.constant 0 : i32
        %dma_wait3A_94 = arith.constant 0 : i32
        %dma_wait3A_95 = tpu.memref_slice %arg10[%dma_wait3A_93, %dma_wait3A_94] : memref<8x1792xf32, #tpu.memory_space<vmem>> -> memref<8x896xf32, #tpu.memory_space<vmem>>
        %dma_wait3A_96 = arith.constant 0 : i32
        %dma_wait3A_97 = arith.constant 559104 : i32
        %dma_wait3A_98 = tpu.memref_slice %arg3[%dma_wait3A_96, %dma_wait3A_97] : memref<8x560000xf32, #tpu.memory_space<hbm>> -> memref<8x896xf32, #tpu.memory_space<hbm>>
        tpu.wait_dma2 semaphore(%run_scoped3A : memref<!tpu.dma_semaphore, #tpu.memory_space<semaphore_mem>>) src(%dma_wait3A_98 : memref<8x896xf32, #tpu.memory_space<hbm>>) dst(%dma_wait3A_95 : memref<8x896xf32, #tpu.memory_space<vmem>>)
        tpu.yield
      }) : () -> ()
      %scan3A = arith.constant 0 : i32
      %scan3A_72 = arith.constant 16 : i32
      %scan3A_73 = arith.addi %scan3A, %scan3A_72 : i32
      %scan3A_74 = arith.constant 1 : i32
      scf.for %scan3A_76 = %scan3A to %scan3A_73 step %scan3A_74  : i32 {
        %jit3A_77 = arith.constant 2 : i32
        %div3A = arith.divsi %scan3A_76, %jit3A_77 : i32
        %sign3A = arith.constant 0 : i32
        %sign3A_78 = arith.cmpi sgt, %scan3A_76, %sign3A : i32
        %sign3A_79 = arith.extui %sign3A_78 : i1 to i32
        %sign3A_80 = arith.constant 0 : i32
        %sign3A_81 = arith.cmpi slt, %scan3A_76, %sign3A_80 : i32
        %sign3A_82 = arith.extui %sign3A_81 : i1 to i32
        %sign3A_83 = arith.subi %sign3A_79, %sign3A_82 : i32
        %sign3A_84 = arith.constant 0 : i32
        %sign3A_85 = arith.cmpi sgt, %jit3A_77, %sign3A_84 : i32
        %sign3A_86 = arith.extui %sign3A_85 : i1 to i32
        %sign3A_87 = arith.constant 0 : i32
        %sign3A_88 = arith.cmpi slt, %jit3A_77, %sign3A_87 : i32
        %sign3A_89 = arith.extui %sign3A_88 : i1 to i32
        %sign3A_90 = arith.subi %sign3A_86, %sign3A_89 : i32
        %ne3A = arith.cmpi ne, %sign3A_83, %sign3A_90 : i32
        %rem3A = arith.remsi %scan3A_76, %jit3A_77 : i32
        %ne3A_91 = arith.constant 0 : i32
        %ne3A_92 = arith.cmpi ne, %rem3A, %ne3A_91 : i32
        %and3A_93 = arith.andi %ne3A, %ne3A_92 : i1
        %sub3A = arith.constant 1 : i32
        %sub3A_94 = arith.subi %div3A, %sub3A : i32
        %select_n3A_95 = arith.select %and3A_93, %sub3A_94, %div3A : i32
        %jit3A_96 = arith.constant 2 : i32
        %eq3A_97 = arith.constant 0 : i32
        %eq3A_98 = arith.cmpi eq, %jit3A_96, %eq3A_97 : i32
        %jit3A_99 = arith.constant 1 : i32
        %select_n3A_100 = arith.select %eq3A_98, %jit3A_99, %jit3A_96 : i32
        %rem3A_101 = arith.remsi %scan3A_76, %select_n3A_100 : i32
        %ne3A_102 = arith.constant 0 : i32
        %ne3A_103 = arith.cmpi ne, %rem3A_101, %ne3A_102 : i32
        %lt3A_104 = arith.constant 0 : i32
        %lt3A_105 = arith.cmpi slt, %rem3A_101, %lt3A_104 : i32
        %lt3A_106 = arith.constant 0 : i32
        %lt3A_107 = arith.cmpi slt, %select_n3A_100, %lt3A_106 : i32
        %ne3A_108 = arith.xori %lt3A_105, %lt3A_107 : i1
        %and3A_109 = arith.andi %ne3A_108, %ne3A_103 : i1
        %add3A_110 = arith.addi %rem3A_101, %select_n3A_100 : i32
        %select_n3A_111 = arith.select %and3A_109, %add3A_110, %rem3A_101 : i32
        %mul3A_112 = arith.constant 16 : i32
        %mul3A_113 = arith.muli %select_n3A_111, %mul3A_112 : i32
        %iota3A = tpu.iota {dimensions = array<i32: 0>} : vector<16xi32>
        %broadcast_in_dim3A = vector.broadcast %select_n3A_95 : i32 to vector<16xi32>
        %add3A_114 = arith.constant 0 : i32
        %add3A_115 = arith.addi %add3A_114, %mul3A_113 : i32
        %mul3A_116 = arith.constant 28 : i32
        %mul3A_117 = arith.muli %add3A_115, %mul3A_116 : i32
        %mul3A_118 = arith.constant 28 : i32
        %mul3A_119 = vector.broadcast %mul3A_118 : i32 to vector<16xi32>
        %mul3A_120 = arith.muli %iota3A, %mul3A_119 : vector<16xi32>
        %add3A_121 = vector.broadcast %mul3A_117 : i32 to vector<16xi32>
        %add3A_122 = arith.addi %add3A_121, %mul3A_120 : vector<16xi32>
        %add3A_123 = arith.constant 0 : i32
        %add3A_124 = vector.broadcast %add3A_123 : i32 to vector<16xi32>
        %add3A_125 = arith.addi %add3A_122, %add3A_124 : vector<16xi32>
        %gather3A = tpu.vector_load_idx %arg8[%broadcast_in_dim3A, %add3A_125] : memref<8x1792xf32, #tpu.memory_space<vmem>>[vector<16xi32>, vector<16xi32>], vector<16xf32>,
        %add3A_126 = arith.constant 1 : i32
        %add3A_127 = vector.broadcast %add3A_126 : i32 to vector<16xi32>
        %add3A_128 = arith.addi %add3A_122, %add3A_127 : vector<16xi32>
        %gather3A_129 = tpu.vector_load_idx %arg8[%broadcast_in_dim3A, %add3A_128] : memref<8x1792xf32, #tpu.memory_space<vmem>>[vector<16xi32>, vector<16xi32>], vector<16xf32>,
        %add3A_130 = arith.constant 2 : i32
        %add3A_131 = vector.broadcast %add3A_130 : i32 to vector<16xi32>
        %add3A_132 = arith.addi %add3A_122, %add3A_131 : vector<16xi32>
        %gather3A_133 = tpu.vector_load_idx %arg8[%broadcast_in_dim3A, %add3A_132] : memref<8x1792xf32, #tpu.memory_space<vmem>>[vector<16xi32>, vector<16xi32>], vector<16xf32>,
        %add3A_134 = arith.constant 3 : i32
        %add3A_135 = vector.broadcast %add3A_134 : i32 to vector<16xi32>
        %add3A_136 = arith.addi %add3A_122, %add3A_135 : vector<16xi32>
        %gather3A_137 = tpu.vector_load_idx %arg8[%broadcast_in_dim3A, %add3A_136] : memref<8x1792xf32, #tpu.memory_space<vmem>>[vector<16xi32>, vector<16xi32>], vector<16xf32>,
        %add3A_138 = arith.constant 4 : i32
        %add3A_139 = vector.broadcast %add3A_138 : i32 to vector<16xi32>
        %add3A_140 = arith.addi %add3A_122, %add3A_139 : vector<16xi32>
        %gather3A_141 = tpu.vector_load_idx %arg8[%broadcast_in_dim3A, %add3A_140] : memref<8x1792xf32, #tpu.memory_space<vmem>>[vector<16xi32>, vector<16xi32>], vector<16xf32>,
        %add3A_142 = arith.constant 5 : i32
        %add3A_143 = vector.broadcast %add3A_142 : i32 to vector<16xi32>
        %add3A_144 = arith.addi %add3A_122, %add3A_143 : vector<16xi32>
        %gather3A_145 = tpu.vector_load_idx %arg8[%broadcast_in_dim3A, %add3A_144] : memref<8x1792xf32, #tpu.memory_space<vmem>>[vector<16xi32>, vector<16xi32>], vector<16xf32>,
        %add3A_146 = arith.constant 6 : i32
        %add3A_147 = vector.broadcast %add3A_146 : i32 to vector<16xi32>
        %add3A_148 = arith.addi %add3A_122, %add3A_147 : vector<16xi32>
        %gather3A_149 = tpu.vector_load_idx %arg8[%broadcast_in_dim3A, %add3A_148] : memref<8x1792xf32, #tpu.memory_space<vmem>>[vector<16xi32>, vector<16xi32>], vector<16xf32>,
        %add3A_150 = arith.constant 7 : i32
        %add3A_151 = vector.broadcast %add3A_150 : i32 to vector<16xi32>
        %add3A_152 = arith.addi %add3A_122, %add3A_151 : vector<16xi32>
        %gather3A_153 = tpu.vector_load_idx %arg8[%broadcast_in_dim3A, %add3A_152] : memref<8x1792xf32, #tpu.memory_space<vmem>>[vector<16xi32>, vector<16xi32>], vector<16xf32>,
        %add3A_154 = arith.constant 8 : i32
        %add3A_155 = vector.broadcast %add3A_154 : i32 to vector<16xi32>
        %add3A_156 = arith.addi %add3A_122, %add3A_155 : vector<16xi32>
        %gather3A_157 = tpu.vector_load_idx %arg8[%broadcast_in_dim3A, %add3A_156] : memref<8x1792xf32, #tpu.memory_space<vmem>>[vector<16xi32>, vector<16xi32>], vector<16xf32>,
        %add3A_158 = arith.constant 9 : i32
        %add3A_159 = vector.broadcast %add3A_158 : i32 to vector<16xi32>
        %add3A_160 = arith.addi %add3A_122, %add3A_159 : vector<16xi32>
        %gather3A_161 = tpu.vector_load_idx %arg8[%broadcast_in_dim3A, %add3A_160] : memref<8x1792xf32, #tpu.memory_space<vmem>>[vector<16xi32>, vector<16xi32>], vector<16xf32>,
        %add3A_162 = arith.constant 10 : i32
        %add3A_163 = vector.broadcast %add3A_162 : i32 to vector<16xi32>
        %add3A_164 = arith.addi %add3A_122, %add3A_163 : vector<16xi32>
        %gather3A_165 = tpu.vector_load_idx %arg8[%broadcast_in_dim3A, %add3A_164] : memref<8x1792xf32, #tpu.memory_space<vmem>>[vector<16xi32>, vector<16xi32>], vector<16xf32>,
        %add3A_166 = arith.constant 11 : i32
        %add3A_167 = vector.broadcast %add3A_166 : i32 to vector<16xi32>
        %add3A_168 = arith.addi %add3A_122, %add3A_167 : vector<16xi32>
        %gather3A_169 = tpu.vector_load_idx %arg8[%broadcast_in_dim3A, %add3A_168] : memref<8x1792xf32, #tpu.memory_space<vmem>>[vector<16xi32>, vector<16xi32>], vector<16xf32>,
        %add3A_170 = arith.constant 12 : i32
        %add3A_171 = vector.broadcast %add3A_170 : i32 to vector<16xi32>
        %add3A_172 = arith.addi %add3A_122, %add3A_171 : vector<16xi32>
        %gather3A_173 = tpu.vector_load_idx %arg8[%broadcast_in_dim3A, %add3A_172] : memref<8x1792xf32, #tpu.memory_space<vmem>>[vector<16xi32>, vector<16xi32>], vector<16xf32>,
        %add3A_174 = arith.constant 13 : i32
        %add3A_175 = vector.broadcast %add3A_174 : i32 to vector<16xi32>
        %add3A_176 = arith.addi %add3A_122, %add3A_175 : vector<16xi32>
        %gather3A_177 = tpu.vector_load_idx %arg8[%broadcast_in_dim3A, %add3A_176] : memref<8x1792xf32, #tpu.memory_space<vmem>>[vector<16xi32>, vector<16xi32>], vector<16xf32>,
        %add3A_178 = arith.constant 14 : i32
        %add3A_179 = vector.broadcast %add3A_178 : i32 to vector<16xi32>
        %add3A_180 = arith.addi %add3A_122, %add3A_179 : vector<16xi32>
        %gather3A_181 = tpu.vector_load_idx %arg8[%broadcast_in_dim3A, %add3A_180] : memref<8x1792xf32, #tpu.memory_space<vmem>>[vector<16xi32>, vector<16xi32>], vector<16xf32>,
        %add3A_182 = arith.constant 15 : i32
        %add3A_183 = vector.broadcast %add3A_182 : i32 to vector<16xi32>
        %add3A_184 = arith.addi %add3A_122, %add3A_183 : vector<16xi32>
        %gather3A_185 = tpu.vector_load_idx %arg8[%broadcast_in_dim3A, %add3A_184] : memref<8x1792xf32, #tpu.memory_space<vmem>>[vector<16xi32>, vector<16xi32>], vector<16xf32>,
        %add3A_186 = arith.constant 16 : i32
        %add3A_187 = vector.broadcast %add3A_186 : i32 to vector<16xi32>
        %add3A_188 = arith.addi %add3A_122, %add3A_187 : vector<16xi32>
        %gather3A_189 = tpu.vector_load_idx %arg8[%broadcast_in_dim3A, %add3A_188] : memref<8x1792xf32, #tpu.memory_space<vmem>>[vector<16xi32>, vector<16xi32>], vector<16xf32>,
        %add3A_190 = arith.constant 17 : i32
        %add3A_191 = vector.broadcast %add3A_190 : i32 to vector<16xi32>
        %add3A_192 = arith.addi %add3A_122, %add3A_191 : vector<16xi32>
        %gather3A_193 = tpu.vector_load_idx %arg8[%broadcast_in_dim3A, %add3A_192] : memref<8x1792xf32, #tpu.memory_space<vmem>>[vector<16xi32>, vector<16xi32>], vector<16xf32>,
        %add3A_194 = arith.constant 18 : i32
        %add3A_195 = vector.broadcast %add3A_194 : i32 to vector<16xi32>
        %add3A_196 = arith.addi %add3A_122, %add3A_195 : vector<16xi32>
        %gather3A_197 = tpu.vector_load_idx %arg8[%broadcast_in_dim3A, %add3A_196] : memref<8x1792xf32, #tpu.memory_space<vmem>>[vector<16xi32>, vector<16xi32>], vector<16xf32>,
        %add3A_198 = arith.constant 19 : i32
        %add3A_199 = vector.broadcast %add3A_198 : i32 to vector<16xi32>
        %add3A_200 = arith.addi %add3A_122, %add3A_199 : vector<16xi32>
        %gather3A_201 = tpu.vector_load_idx %arg8[%broadcast_in_dim3A, %add3A_200] : memref<8x1792xf32, #tpu.memory_space<vmem>>[vector<16xi32>, vector<16xi32>], vector<16xf32>,
        %add3A_202 = arith.constant 20 : i32
        %add3A_203 = vector.broadcast %add3A_202 : i32 to vector<16xi32>
        %add3A_204 = arith.addi %add3A_122, %add3A_203 : vector<16xi32>
        %gather3A_205 = tpu.vector_load_idx %arg8[%broadcast_in_dim3A, %add3A_204] : memref<8x1792xf32, #tpu.memory_space<vmem>>[vector<16xi32>, vector<16xi32>], vector<16xf32>,
        %add3A_206 = arith.constant 21 : i32
        %add3A_207 = vector.broadcast %add3A_206 : i32 to vector<16xi32>
        %add3A_208 = arith.addi %add3A_122, %add3A_207 : vector<16xi32>
        %gather3A_209 = tpu.vector_load_idx %arg8[%broadcast_in_dim3A, %add3A_208] : memref<8x1792xf32, #tpu.memory_space<vmem>>[vector<16xi32>, vector<16xi32>], vector<16xf32>,
        %add3A_210 = arith.constant 22 : i32
        %add3A_211 = vector.broadcast %add3A_210 : i32 to vector<16xi32>
        %add3A_212 = arith.addi %add3A_122, %add3A_211 : vector<16xi32>
        %gather3A_213 = tpu.vector_load_idx %arg8[%broadcast_in_dim3A, %add3A_212] : memref<8x1792xf32, #tpu.memory_space<vmem>>[vector<16xi32>, vector<16xi32>], vector<16xf32>,
        %add3A_214 = arith.constant 23 : i32
        %add3A_215 = vector.broadcast %add3A_214 : i32 to vector<16xi32>
        %add3A_216 = arith.addi %add3A_122, %add3A_215 : vector<16xi32>
        %gather3A_217 = tpu.vector_load_idx %arg8[%broadcast_in_dim3A, %add3A_216] : memref<8x1792xf32, #tpu.memory_space<vmem>>[vector<16xi32>, vector<16xi32>], vector<16xf32>,
        %add3A_218 = arith.constant 24 : i32
        %add3A_219 = vector.broadcast %add3A_218 : i32 to vector<16xi32>
        %add3A_220 = arith.addi %add3A_122, %add3A_219 : vector<16xi32>
        %gather3A_221 = tpu.vector_load_idx %arg8[%broadcast_in_dim3A, %add3A_220] : memref<8x1792xf32, #tpu.memory_space<vmem>>[vector<16xi32>, vector<16xi32>], vector<16xf32>,
        %add3A_222 = arith.constant 25 : i32
        %add3A_223 = vector.broadcast %add3A_222 : i32 to vector<16xi32>
        %add3A_224 = arith.addi %add3A_122, %add3A_223 : vector<16xi32>
        %gather3A_225 = tpu.vector_load_idx %arg8[%broadcast_in_dim3A, %add3A_224] : memref<8x1792xf32, #tpu.memory_space<vmem>>[vector<16xi32>, vector<16xi32>], vector<16xf32>,
        %add3A_226 = arith.constant 26 : i32
        %add3A_227 = vector.broadcast %add3A_226 : i32 to vector<16xi32>
        %add3A_228 = arith.addi %add3A_122, %add3A_227 : vector<16xi32>
        %gather3A_229 = tpu.vector_load_idx %arg8[%broadcast_in_dim3A, %add3A_228] : memref<8x1792xf32, #tpu.memory_space<vmem>>[vector<16xi32>, vector<16xi32>], vector<16xf32>,
        %add3A_230 = arith.constant 27 : i32
        %add3A_231 = vector.broadcast %add3A_230 : i32 to vector<16xi32>
        %add3A_232 = arith.addi %add3A_122, %add3A_231 : vector<16xi32>
        %gather3A_233 = tpu.vector_load_idx %arg8[%broadcast_in_dim3A, %add3A_232] : memref<8x1792xf32, #tpu.memory_space<vmem>>[vector<16xi32>, vector<16xi32>], vector<16xf32>,
        %exp3A = math.exp %gather3A : vector<16xf32>
        %exp3A_234 = math.exp %gather3A_129 : vector<16xf32>
        %exp3A_235 = math.exp %gather3A_133 : vector<16xf32>
        %exp3A_236 = math.exp %gather3A_137 : vector<16xf32>
        %exp3A_237 = math.exp %gather3A_141 : vector<16xf32>
        %exp3A_238 = math.exp %gather3A_145 : vector<16xf32>
        %exp3A_239 = math.exp %gather3A_149 : vector<16xf32>
        %broadcast_in_dim3A_240 = arith.constant 0.000000e+00 : f32
        %broadcast_in_dim3A_241 = vector.broadcast %broadcast_in_dim3A_240 : f32 to vector<16xf32>
        %broadcast_in_dim3A_242 = arith.constant 0.000000e+00 : f32
        %broadcast_in_dim3A_243 = vector.broadcast %broadcast_in_dim3A_242 : f32 to vector<16xf32>
        %broadcast_in_dim3A_244 = arith.constant 0.000000e+00 : f32
        %broadcast_in_dim3A_245 = vector.broadcast %broadcast_in_dim3A_244 : f32 to vector<16xf32>
        %gt3A = arith.cmpf ogt, %exp3A_234, %exp3A : vector<16xf32>
        %gt3A_246 = arith.cmpf ogt, %exp3A_234, %broadcast_in_dim3A_243 : vector<16xf32>
        %select_n3A_247 = arith.select %gt3A_246, %exp3A_234, %broadcast_in_dim3A_243 : vector<16xi1>, vector<16xf32>
        %select_n3A_248 = arith.select %gt3A, %exp3A, %select_n3A_247 : vector<16xi1>, vector<16xf32>
        %jit3A_249 = arith.constant 1.000000e+00 : f32
        %broadcast_in_dim3A_250 = vector.broadcast %jit3A_249 : f32 to vector<16xf32>
        %select_n3A_251 = arith.select %gt3A_246, %broadcast_in_dim3A_250, %broadcast_in_dim3A_245 : vector<16xi1>, vector<16xf32>
        %select_n3A_252 = arith.select %gt3A, %broadcast_in_dim3A_241, %select_n3A_251 : vector<16xi1>, vector<16xf32>
        %max3A = arith.maximumf %exp3A_234, %exp3A : vector<16xf32>
        %jit3A_253 = arith.constant 1.000000e+00 : f32
        %broadcast_in_dim3A_254 = vector.broadcast %jit3A_253 : f32 to vector<16xf32>
        %select_n3A_255 = arith.select %gt3A, %broadcast_in_dim3A_254, %broadcast_in_dim3A_241 : vector<16xi1>, vector<16xf32>
        %add3A_256 = arith.addf %exp3A, %exp3A_234 : vector<16xf32>
        %gt3A_257 = arith.cmpf ogt, %exp3A_235, %max3A : vector<16xf32>
        %gt3A_258 = arith.cmpf ogt, %exp3A_235, %select_n3A_248 : vector<16xf32>
        %select_n3A_259 = arith.select %gt3A_258, %exp3A_235, %select_n3A_248 : vector<16xi1>, vector<16xf32>
        %select_n3A_260 = arith.select %gt3A_257, %max3A, %select_n3A_259 : vector<16xi1>, vector<16xf32>
        %jit3A_261 = arith.constant 2.000000e+00 : f32
        %broadcast_in_dim3A_262 = vector.broadcast %jit3A_261 : f32 to vector<16xf32>
        %select_n3A_263 = arith.select %gt3A_258, %broadcast_in_dim3A_262, %select_n3A_252 : vector<16xi1>, vector<16xf32>
        %select_n3A_264 = arith.select %gt3A_257, %select_n3A_255, %select_n3A_263 : vector<16xi1>, vector<16xf32>
        %max3A_265 = arith.maximumf %exp3A_235, %max3A : vector<16xf32>
        %jit3A_266 = arith.constant 2.000000e+00 : f32
        %broadcast_in_dim3A_267 = vector.broadcast %jit3A_266 : f32 to vector<16xf32>
        %select_n3A_268 = arith.select %gt3A_257, %broadcast_in_dim3A_267, %select_n3A_255 : vector<16xi1>, vector<16xf32>
        %add3A_269 = arith.addf %add3A_256, %exp3A_235 : vector<16xf32>
        %gt3A_270 = arith.cmpf ogt, %exp3A_236, %max3A_265 : vector<16xf32>
        %gt3A_271 = arith.cmpf ogt, %exp3A_236, %select_n3A_260 : vector<16xf32>
        %select_n3A_272 = arith.select %gt3A_271, %exp3A_236, %select_n3A_260 : vector<16xi1>, vector<16xf32>
        %select_n3A_273 = arith.select %gt3A_270, %max3A_265, %select_n3A_272 : vector<16xi1>, vector<16xf32>
        %jit3A_274 = arith.constant 3.000000e+00 : f32
        %broadcast_in_dim3A_275 = vector.broadcast %jit3A_274 : f32 to vector<16xf32>
        %select_n3A_276 = arith.select %gt3A_271, %broadcast_in_dim3A_275, %select_n3A_264 : vector<16xi1>, vector<16xf32>
        %select_n3A_277 = arith.select %gt3A_270, %select_n3A_268, %select_n3A_276 : vector<16xi1>, vector<16xf32>
        %max3A_278 = arith.maximumf %exp3A_236, %max3A_265 : vector<16xf32>
        %jit3A_279 = arith.constant 3.000000e+00 : f32
        %broadcast_in_dim3A_280 = vector.broadcast %jit3A_279 : f32 to vector<16xf32>
        %select_n3A_281 = arith.select %gt3A_270, %broadcast_in_dim3A_280, %select_n3A_268 : vector<16xi1>, vector<16xf32>
        %add3A_282 = arith.addf %add3A_269, %exp3A_236 : vector<16xf32>
        %gt3A_283 = arith.cmpf ogt, %exp3A_237, %max3A_278 : vector<16xf32>
        %gt3A_284 = arith.cmpf ogt, %exp3A_237, %select_n3A_273 : vector<16xf32>
        %select_n3A_285 = arith.select %gt3A_284, %exp3A_237, %select_n3A_273 : vector<16xi1>, vector<16xf32>
        %select_n3A_286 = arith.select %gt3A_283, %max3A_278, %select_n3A_285 : vector<16xi1>, vector<16xf32>
        %jit3A_287 = arith.constant 4.000000e+00 : f32
        %broadcast_in_dim3A_288 = vector.broadcast %jit3A_287 : f32 to vector<16xf32>
        %select_n3A_289 = arith.select %gt3A_284, %broadcast_in_dim3A_288, %select_n3A_277 : vector<16xi1>, vector<16xf32>
        %select_n3A_290 = arith.select %gt3A_283, %select_n3A_281, %select_n3A_289 : vector<16xi1>, vector<16xf32>
        %max3A_291 = arith.maximumf %exp3A_237, %max3A_278 : vector<16xf32>
        %jit3A_292 = arith.constant 4.000000e+00 : f32
        %broadcast_in_dim3A_293 = vector.broadcast %jit3A_292 : f32 to vector<16xf32>
        %select_n3A_294 = arith.select %gt3A_283, %broadcast_in_dim3A_293, %select_n3A_281 : vector<16xi1>, vector<16xf32>
        %add3A_295 = arith.addf %add3A_282, %exp3A_237 : vector<16xf32>
        %gt3A_296 = arith.cmpf ogt, %exp3A_238, %max3A_291 : vector<16xf32>
        %gt3A_297 = arith.cmpf ogt, %exp3A_238, %select_n3A_286 : vector<16xf32>
        %select_n3A_298 = arith.select %gt3A_297, %exp3A_238, %select_n3A_286 : vector<16xi1>, vector<16xf32>
        %select_n3A_299 = arith.select %gt3A_296, %max3A_291, %select_n3A_298 : vector<16xi1>, vector<16xf32>
        %jit3A_300 = arith.constant 5.000000e+00 : f32
        %broadcast_in_dim3A_301 = vector.broadcast %jit3A_300 : f32 to vector<16xf32>
        %select_n3A_302 = arith.select %gt3A_297, %broadcast_in_dim3A_301, %select_n3A_290 : vector<16xi1>, vector<16xf32>
        %select_n3A_303 = arith.select %gt3A_296, %select_n3A_294, %select_n3A_302 : vector<16xi1>, vector<16xf32>
        %max3A_304 = arith.maximumf %exp3A_238, %max3A_291 : vector<16xf32>
        %jit3A_305 = arith.constant 5.000000e+00 : f32
        %broadcast_in_dim3A_306 = vector.broadcast %jit3A_305 : f32 to vector<16xf32>
        %select_n3A_307 = arith.select %gt3A_296, %broadcast_in_dim3A_306, %select_n3A_294 : vector<16xi1>, vector<16xf32>
        %add3A_308 = arith.addf %add3A_295, %exp3A_238 : vector<16xf32>
        %gt3A_309 = arith.cmpf ogt, %exp3A_239, %max3A_304 : vector<16xf32>
        %gt3A_310 = arith.cmpf ogt, %exp3A_239, %select_n3A_299 : vector<16xf32>
        %select_n3A_311 = arith.select %gt3A_310, %exp3A_239, %select_n3A_299 : vector<16xi1>, vector<16xf32>
        %select_n3A_312 = arith.select %gt3A_309, %max3A_304, %select_n3A_311 : vector<16xi1>, vector<16xf32>
        %jit3A_313 = arith.constant 6.000000e+00 : f32
        %broadcast_in_dim3A_314 = vector.broadcast %jit3A_313 : f32 to vector<16xf32>
        %select_n3A_315 = arith.select %gt3A_310, %broadcast_in_dim3A_314, %select_n3A_303 : vector<16xi1>, vector<16xf32>
        %select_n3A_316 = arith.select %gt3A_309, %select_n3A_307, %select_n3A_315 : vector<16xi1>, vector<16xf32>
        %max3A_317 = arith.maximumf %exp3A_239, %max3A_304 : vector<16xf32>
        %jit3A_318 = arith.constant 6.000000e+00 : f32
        %broadcast_in_dim3A_319 = vector.broadcast %jit3A_318 : f32 to vector<16xf32>
        %select_n3A_320 = arith.select %gt3A_309, %broadcast_in_dim3A_319, %select_n3A_307 : vector<16xi1>, vector<16xf32>
        %add3A_321 = arith.addf %add3A_308, %exp3A_239 : vector<16xf32>
        %convert_element_type3A_322 = arith.fptosi %select_n3A_320 : vector<16xf32> to vector<16xi32>
        %add3A_323 = arith.constant 0 : i32
        %add3A_324 = vector.broadcast %add3A_323 : i32 to vector<16xi32>
        %add3A_325 = arith.addi %add3A_122, %add3A_324 : vector<16xi32>
        %add3A_326 = arith.addi %add3A_325, %convert_element_type3A_322 : vector<16xi32>
        %gather3A_327 = tpu.vector_load_idx %arg10[%broadcast_in_dim3A, %add3A_326] : memref<8x1792xf32, #tpu.memory_space<vmem>>[vector<16xi32>, vector<16xi32>], vector<16xf32>,
        %div3A_328 = arith.constant 1.000000e+00 : f32
        %div3A_329 = vector.broadcast %div3A_328 : f32 to vector<16xf32>
        %div3A_330 = arith.divf %div3A_329, %add3A_321 : vector<16xf32>
        %mul3A_331 = arith.mulf %max3A_317, %div3A_330 : vector<16xf32>
        %mul3A_332 = arith.mulf %select_n3A_312, %div3A_330 : vector<16xf32>
        %sub3A_333 = arith.subf %select_n3A_320, %select_n3A_316 : vector<16xf32>
        %abs3A = math.absf %sub3A_333 : vector<16xf32>
        %sub3A_334 = arith.constant 1.000000e+00 : f32
        %sub3A_335 = vector.broadcast %sub3A_334 : f32 to vector<16xf32>
        %sub3A_336 = arith.subf %abs3A, %sub3A_335 : vector<16xf32>
        %mul3A_337 = arith.mulf %mul3A_332, %sub3A_336 : vector<16xf32>
        %add3A_338 = arith.addf %mul3A_331, %mul3A_337 : vector<16xf32>
        %exp3A_339 = math.exp %gather3A_153 : vector<16xf32>
        %exp3A_340 = math.exp %gather3A_157 : vector<16xf32>
        %exp3A_341 = math.exp %gather3A_161 : vector<16xf32>
        %exp3A_342 = math.exp %gather3A_165 : vector<16xf32>
        %exp3A_343 = math.exp %gather3A_169 : vector<16xf32>
        %exp3A_344 = math.exp %gather3A_173 : vector<16xf32>
        %exp3A_345 = math.exp %gather3A_177 : vector<16xf32>
        %broadcast_in_dim3A_346 = arith.constant 0.000000e+00 : f32
        %broadcast_in_dim3A_347 = vector.broadcast %broadcast_in_dim3A_346 : f32 to vector<16xf32>
        %broadcast_in_dim3A_348 = arith.constant 0.000000e+00 : f32
        %broadcast_in_dim3A_349 = vector.broadcast %broadcast_in_dim3A_348 : f32 to vector<16xf32>
        %broadcast_in_dim3A_350 = arith.constant 0.000000e+00 : f32
        %broadcast_in_dim3A_351 = vector.broadcast %broadcast_in_dim3A_350 : f32 to vector<16xf32>
        %gt3A_352 = arith.cmpf ogt, %exp3A_340, %exp3A_339 : vector<16xf32>
        %gt3A_353 = arith.cmpf ogt, %exp3A_340, %broadcast_in_dim3A_349 : vector<16xf32>
        %select_n3A_354 = arith.select %gt3A_353, %exp3A_340, %broadcast_in_dim3A_349 : vector<16xi1>, vector<16xf32>
        %select_n3A_355 = arith.select %gt3A_352, %exp3A_339, %select_n3A_354 : vector<16xi1>, vector<16xf32>
        %jit3A_356 = arith.constant 1.000000e+00 : f32
        %broadcast_in_dim3A_357 = vector.broadcast %jit3A_356 : f32 to vector<16xf32>
        %select_n3A_358 = arith.select %gt3A_353, %broadcast_in_dim3A_357, %broadcast_in_dim3A_351 : vector<16xi1>, vector<16xf32>
        %select_n3A_359 = arith.select %gt3A_352, %broadcast_in_dim3A_347, %select_n3A_358 : vector<16xi1>, vector<16xf32>
        %max3A_360 = arith.maximumf %exp3A_340, %exp3A_339 : vector<16xf32>
        %jit3A_361 = arith.constant 1.000000e+00 : f32
        %broadcast_in_dim3A_362 = vector.broadcast %jit3A_361 : f32 to vector<16xf32>
        %select_n3A_363 = arith.select %gt3A_352, %broadcast_in_dim3A_362, %broadcast_in_dim3A_347 : vector<16xi1>, vector<16xf32>
        %add3A_364 = arith.addf %exp3A_339, %exp3A_340 : vector<16xf32>
        %gt3A_365 = arith.cmpf ogt, %exp3A_341, %max3A_360 : vector<16xf32>
        %gt3A_366 = arith.cmpf ogt, %exp3A_341, %select_n3A_355 : vector<16xf32>
        %select_n3A_367 = arith.select %gt3A_366, %exp3A_341, %select_n3A_355 : vector<16xi1>, vector<16xf32>
        %select_n3A_368 = arith.select %gt3A_365, %max3A_360, %select_n3A_367 : vector<16xi1>, vector<16xf32>
        %jit3A_369 = arith.constant 2.000000e+00 : f32
        %broadcast_in_dim3A_370 = vector.broadcast %jit3A_369 : f32 to vector<16xf32>
        %select_n3A_371 = arith.select %gt3A_366, %broadcast_in_dim3A_370, %select_n3A_359 : vector<16xi1>, vector<16xf32>
        %select_n3A_372 = arith.select %gt3A_365, %select_n3A_363, %select_n3A_371 : vector<16xi1>, vector<16xf32>
        %max3A_373 = arith.maximumf %exp3A_341, %max3A_360 : vector<16xf32>
        %jit3A_374 = arith.constant 2.000000e+00 : f32
        %broadcast_in_dim3A_375 = vector.broadcast %jit3A_374 : f32 to vector<16xf32>
        %select_n3A_376 = arith.select %gt3A_365, %broadcast_in_dim3A_375, %select_n3A_363 : vector<16xi1>, vector<16xf32>
        %add3A_377 = arith.addf %add3A_364, %exp3A_341 : vector<16xf32>
        %gt3A_378 = arith.cmpf ogt, %exp3A_342, %max3A_373 : vector<16xf32>
        %gt3A_379 = arith.cmpf ogt, %exp3A_342, %select_n3A_368 : vector<16xf32>
        %select_n3A_380 = arith.select %gt3A_379, %exp3A_342, %select_n3A_368 : vector<16xi1>, vector<16xf32>
        %select_n3A_381 = arith.select %gt3A_378, %max3A_373, %select_n3A_380 : vector<16xi1>, vector<16xf32>
        %jit3A_382 = arith.constant 3.000000e+00 : f32
        %broadcast_in_dim3A_383 = vector.broadcast %jit3A_382 : f32 to vector<16xf32>
        %select_n3A_384 = arith.select %gt3A_379, %broadcast_in_dim3A_383, %select_n3A_372 : vector<16xi1>, vector<16xf32>
        %select_n3A_385 = arith.select %gt3A_378, %select_n3A_376, %select_n3A_384 : vector<16xi1>, vector<16xf32>
        %max3A_386 = arith.maximumf %exp3A_342, %max3A_373 : vector<16xf32>
        %jit3A_387 = arith.constant 3.000000e+00 : f32
        %broadcast_in_dim3A_388 = vector.broadcast %jit3A_387 : f32 to vector<16xf32>
        %select_n3A_389 = arith.select %gt3A_378, %broadcast_in_dim3A_388, %select_n3A_376 : vector<16xi1>, vector<16xf32>
        %add3A_390 = arith.addf %add3A_377, %exp3A_342 : vector<16xf32>
        %gt3A_391 = arith.cmpf ogt, %exp3A_343, %max3A_386 : vector<16xf32>
        %gt3A_392 = arith.cmpf ogt, %exp3A_343, %select_n3A_381 : vector<16xf32>
        %select_n3A_393 = arith.select %gt3A_392, %exp3A_343, %select_n3A_381 : vector<16xi1>, vector<16xf32>
        %select_n3A_394 = arith.select %gt3A_391, %max3A_386, %select_n3A_393 : vector<16xi1>, vector<16xf32>
        %jit3A_395 = arith.constant 4.000000e+00 : f32
        %broadcast_in_dim3A_396 = vector.broadcast %jit3A_395 : f32 to vector<16xf32>
        %select_n3A_397 = arith.select %gt3A_392, %broadcast_in_dim3A_396, %select_n3A_385 : vector<16xi1>, vector<16xf32>
        %select_n3A_398 = arith.select %gt3A_391, %select_n3A_389, %select_n3A_397 : vector<16xi1>, vector<16xf32>
        %max3A_399 = arith.maximumf %exp3A_343, %max3A_386 : vector<16xf32>
        %jit3A_400 = arith.constant 4.000000e+00 : f32
        %broadcast_in_dim3A_401 = vector.broadcast %jit3A_400 : f32 to vector<16xf32>
        %select_n3A_402 = arith.select %gt3A_391, %broadcast_in_dim3A_401, %select_n3A_389 : vector<16xi1>, vector<16xf32>
        %add3A_403 = arith.addf %add3A_390, %exp3A_343 : vector<16xf32>
        %gt3A_404 = arith.cmpf ogt, %exp3A_344, %max3A_399 : vector<16xf32>
        %gt3A_405 = arith.cmpf ogt, %exp3A_344, %select_n3A_394 : vector<16xf32>
        %select_n3A_406 = arith.select %gt3A_405, %exp3A_344, %select_n3A_394 : vector<16xi1>, vector<16xf32>
        %select_n3A_407 = arith.select %gt3A_404, %max3A_399, %select_n3A_406 : vector<16xi1>, vector<16xf32>
        %jit3A_408 = arith.constant 5.000000e+00 : f32
        %broadcast_in_dim3A_409 = vector.broadcast %jit3A_408 : f32 to vector<16xf32>
        %select_n3A_410 = arith.select %gt3A_405, %broadcast_in_dim3A_409, %select_n3A_398 : vector<16xi1>, vector<16xf32>
        %select_n3A_411 = arith.select %gt3A_404, %select_n3A_402, %select_n3A_410 : vector<16xi1>, vector<16xf32>
        %max3A_412 = arith.maximumf %exp3A_344, %max3A_399 : vector<16xf32>
        %jit3A_413 = arith.constant 5.000000e+00 : f32
        %broadcast_in_dim3A_414 = vector.broadcast %jit3A_413 : f32 to vector<16xf32>
        %select_n3A_415 = arith.select %gt3A_404, %broadcast_in_dim3A_414, %select_n3A_402 : vector<16xi1>, vector<16xf32>
        %add3A_416 = arith.addf %add3A_403, %exp3A_344 : vector<16xf32>
        %gt3A_417 = arith.cmpf ogt, %exp3A_345, %max3A_412 : vector<16xf32>
        %gt3A_418 = arith.cmpf ogt, %exp3A_345, %select_n3A_407 : vector<16xf32>
        %select_n3A_419 = arith.select %gt3A_418, %exp3A_345, %select_n3A_407 : vector<16xi1>, vector<16xf32>
        %select_n3A_420 = arith.select %gt3A_417, %max3A_412, %select_n3A_419 : vector<16xi1>, vector<16xf32>
        %jit3A_421 = arith.constant 6.000000e+00 : f32
        %broadcast_in_dim3A_422 = vector.broadcast %jit3A_421 : f32 to vector<16xf32>
        %select_n3A_423 = arith.select %gt3A_418, %broadcast_in_dim3A_422, %select_n3A_411 : vector<16xi1>, vector<16xf32>
        %select_n3A_424 = arith.select %gt3A_417, %select_n3A_415, %select_n3A_423 : vector<16xi1>, vector<16xf32>
        %max3A_425 = arith.maximumf %exp3A_345, %max3A_412 : vector<16xf32>
        %jit3A_426 = arith.constant 6.000000e+00 : f32
        %broadcast_in_dim3A_427 = vector.broadcast %jit3A_426 : f32 to vector<16xf32>
        %select_n3A_428 = arith.select %gt3A_417, %broadcast_in_dim3A_427, %select_n3A_415 : vector<16xi1>, vector<16xf32>
        %add3A_429 = arith.addf %add3A_416, %exp3A_345 : vector<16xf32>
        %convert_element_type3A_430 = arith.fptosi %select_n3A_428 : vector<16xf32> to vector<16xi32>
        %add3A_431 = arith.constant 7 : i32
        %add3A_432 = vector.broadcast %add3A_431 : i32 to vector<16xi32>
        %add3A_433 = arith.addi %add3A_122, %add3A_432 : vector<16xi32>
        %add3A_434 = arith.addi %add3A_433, %convert_element_type3A_430 : vector<16xi32>
        %gather3A_435 = tpu.vector_load_idx %arg10[%broadcast_in_dim3A, %add3A_434] : memref<8x1792xf32, #tpu.memory_space<vmem>>[vector<16xi32>, vector<16xi32>], vector<16xf32>,
        %div3A_436 = arith.constant 1.000000e+00 : f32
        %div3A_437 = vector.broadcast %div3A_436 : f32 to vector<16xf32>
        %div3A_438 = arith.divf %div3A_437, %add3A_429 : vector<16xf32>
        %mul3A_439 = arith.mulf %max3A_425, %div3A_438 : vector<16xf32>
        %mul3A_440 = arith.mulf %select_n3A_420, %div3A_438 : vector<16xf32>
        %sub3A_441 = arith.subf %select_n3A_428, %select_n3A_424 : vector<16xf32>
        %abs3A_442 = math.absf %sub3A_441 : vector<16xf32>
        %sub3A_443 = arith.constant 1.000000e+00 : f32
        %sub3A_444 = vector.broadcast %sub3A_443 : f32 to vector<16xf32>
        %sub3A_445 = arith.subf %abs3A_442, %sub3A_444 : vector<16xf32>
        %mul3A_446 = arith.mulf %mul3A_440, %sub3A_445 : vector<16xf32>
        %add3A_447 = arith.addf %mul3A_439, %mul3A_446 : vector<16xf32>
        %add3A_448 = arith.addf %add3A_338, %add3A_447 : vector<16xf32>
        %exp3A_449 = math.exp %gather3A_181 : vector<16xf32>
        %exp3A_450 = math.exp %gather3A_185 : vector<16xf32>
        %exp3A_451 = math.exp %gather3A_189 : vector<16xf32>
        %exp3A_452 = math.exp %gather3A_193 : vector<16xf32>
        %exp3A_453 = math.exp %gather3A_197 : vector<16xf32>
        %exp3A_454 = math.exp %gather3A_201 : vector<16xf32>
        %exp3A_455 = math.exp %gather3A_205 : vector<16xf32>
        %broadcast_in_dim3A_456 = arith.constant 0.000000e+00 : f32
        %broadcast_in_dim3A_457 = vector.broadcast %broadcast_in_dim3A_456 : f32 to vector<16xf32>
        %broadcast_in_dim3A_458 = arith.constant 0.000000e+00 : f32
        %broadcast_in_dim3A_459 = vector.broadcast %broadcast_in_dim3A_458 : f32 to vector<16xf32>
        %broadcast_in_dim3A_460 = arith.constant 0.000000e+00 : f32
        %broadcast_in_dim3A_461 = vector.broadcast %broadcast_in_dim3A_460 : f32 to vector<16xf32>
        %gt3A_462 = arith.cmpf ogt, %exp3A_450, %exp3A_449 : vector<16xf32>
        %gt3A_463 = arith.cmpf ogt, %exp3A_450, %broadcast_in_dim3A_459 : vector<16xf32>
        %select_n3A_464 = arith.select %gt3A_463, %exp3A_450, %broadcast_in_dim3A_459 : vector<16xi1>, vector<16xf32>
        %select_n3A_465 = arith.select %gt3A_462, %exp3A_449, %select_n3A_464 : vector<16xi1>, vector<16xf32>
        %jit3A_466 = arith.constant 1.000000e+00 : f32
        %broadcast_in_dim3A_467 = vector.broadcast %jit3A_466 : f32 to vector<16xf32>
        %select_n3A_468 = arith.select %gt3A_463, %broadcast_in_dim3A_467, %broadcast_in_dim3A_461 : vector<16xi1>, vector<16xf32>
        %select_n3A_469 = arith.select %gt3A_462, %broadcast_in_dim3A_457, %select_n3A_468 : vector<16xi1>, vector<16xf32>
        %max3A_470 = arith.maximumf %exp3A_450, %exp3A_449 : vector<16xf32>
        %jit3A_471 = arith.constant 1.000000e+00 : f32
        %broadcast_in_dim3A_472 = vector.broadcast %jit3A_471 : f32 to vector<16xf32>
        %select_n3A_473 = arith.select %gt3A_462, %broadcast_in_dim3A_472, %broadcast_in_dim3A_457 : vector<16xi1>, vector<16xf32>
        %add3A_474 = arith.addf %exp3A_449, %exp3A_450 : vector<16xf32>
        %gt3A_475 = arith.cmpf ogt, %exp3A_451, %max3A_470 : vector<16xf32>
        %gt3A_476 = arith.cmpf ogt, %exp3A_451, %select_n3A_465 : vector<16xf32>
        %select_n3A_477 = arith.select %gt3A_476, %exp3A_451, %select_n3A_465 : vector<16xi1>, vector<16xf32>
        %select_n3A_478 = arith.select %gt3A_475, %max3A_470, %select_n3A_477 : vector<16xi1>, vector<16xf32>
        %jit3A_479 = arith.constant 2.000000e+00 : f32
        %broadcast_in_dim3A_480 = vector.broadcast %jit3A_479 : f32 to vector<16xf32>
        %select_n3A_481 = arith.select %gt3A_476, %broadcast_in_dim3A_480, %select_n3A_469 : vector<16xi1>, vector<16xf32>
        %select_n3A_482 = arith.select %gt3A_475, %select_n3A_473, %select_n3A_481 : vector<16xi1>, vector<16xf32>
        %max3A_483 = arith.maximumf %exp3A_451, %max3A_470 : vector<16xf32>
        %jit3A_484 = arith.constant 2.000000e+00 : f32
        %broadcast_in_dim3A_485 = vector.broadcast %jit3A_484 : f32 to vector<16xf32>
        %select_n3A_486 = arith.select %gt3A_475, %broadcast_in_dim3A_485, %select_n3A_473 : vector<16xi1>, vector<16xf32>
        %add3A_487 = arith.addf %add3A_474, %exp3A_451 : vector<16xf32>
        %gt3A_488 = arith.cmpf ogt, %exp3A_452, %max3A_483 : vector<16xf32>
        %gt3A_489 = arith.cmpf ogt, %exp3A_452, %select_n3A_478 : vector<16xf32>
        %select_n3A_490 = arith.select %gt3A_489, %exp3A_452, %select_n3A_478 : vector<16xi1>, vector<16xf32>
        %select_n3A_491 = arith.select %gt3A_488, %max3A_483, %select_n3A_490 : vector<16xi1>, vector<16xf32>
        %jit3A_492 = arith.constant 3.000000e+00 : f32
        %broadcast_in_dim3A_493 = vector.broadcast %jit3A_492 : f32 to vector<16xf32>
        %select_n3A_494 = arith.select %gt3A_489, %broadcast_in_dim3A_493, %select_n3A_482 : vector<16xi1>, vector<16xf32>
        %select_n3A_495 = arith.select %gt3A_488, %select_n3A_486, %select_n3A_494 : vector<16xi1>, vector<16xf32>
        %max3A_496 = arith.maximumf %exp3A_452, %max3A_483 : vector<16xf32>
        %jit3A_497 = arith.constant 3.000000e+00 : f32
        %broadcast_in_dim3A_498 = vector.broadcast %jit3A_497 : f32 to vector<16xf32>
        %select_n3A_499 = arith.select %gt3A_488, %broadcast_in_dim3A_498, %select_n3A_486 : vector<16xi1>, vector<16xf32>
        %add3A_500 = arith.addf %add3A_487, %exp3A_452 : vector<16xf32>
        %gt3A_501 = arith.cmpf ogt, %exp3A_453, %max3A_496 : vector<16xf32>
        %gt3A_502 = arith.cmpf ogt, %exp3A_453, %select_n3A_491 : vector<16xf32>
        %select_n3A_503 = arith.select %gt3A_502, %exp3A_453, %select_n3A_491 : vector<16xi1>, vector<16xf32>
        %select_n3A_504 = arith.select %gt3A_501, %max3A_496, %select_n3A_503 : vector<16xi1>, vector<16xf32>
        %jit3A_505 = arith.constant 4.000000e+00 : f32
        %broadcast_in_dim3A_506 = vector.broadcast %jit3A_505 : f32 to vector<16xf32>
        %select_n3A_507 = arith.select %gt3A_502, %broadcast_in_dim3A_506, %select_n3A_495 : vector<16xi1>, vector<16xf32>
        %select_n3A_508 = arith.select %gt3A_501, %select_n3A_499, %select_n3A_507 : vector<16xi1>, vector<16xf32>
        %max3A_509 = arith.maximumf %exp3A_453, %max3A_496 : vector<16xf32>
        %jit3A_510 = arith.constant 4.000000e+00 : f32
        %broadcast_in_dim3A_511 = vector.broadcast %jit3A_510 : f32 to vector<16xf32>
        %select_n3A_512 = arith.select %gt3A_501, %broadcast_in_dim3A_511, %select_n3A_499 : vector<16xi1>, vector<16xf32>
        %add3A_513 = arith.addf %add3A_500, %exp3A_453 : vector<16xf32>
        %gt3A_514 = arith.cmpf ogt, %exp3A_454, %max3A_509 : vector<16xf32>
        %gt3A_515 = arith.cmpf ogt, %exp3A_454, %select_n3A_504 : vector<16xf32>
        %select_n3A_516 = arith.select %gt3A_515, %exp3A_454, %select_n3A_504 : vector<16xi1>, vector<16xf32>
        %select_n3A_517 = arith.select %gt3A_514, %max3A_509, %select_n3A_516 : vector<16xi1>, vector<16xf32>
        %jit3A_518 = arith.constant 5.000000e+00 : f32
        %broadcast_in_dim3A_519 = vector.broadcast %jit3A_518 : f32 to vector<16xf32>
        %select_n3A_520 = arith.select %gt3A_515, %broadcast_in_dim3A_519, %select_n3A_508 : vector<16xi1>, vector<16xf32>
        %select_n3A_521 = arith.select %gt3A_514, %select_n3A_512, %select_n3A_520 : vector<16xi1>, vector<16xf32>
        %max3A_522 = arith.maximumf %exp3A_454, %max3A_509 : vector<16xf32>
        %jit3A_523 = arith.constant 5.000000e+00 : f32
        %broadcast_in_dim3A_524 = vector.broadcast %jit3A_523 : f32 to vector<16xf32>
        %select_n3A_525 = arith.select %gt3A_514, %broadcast_in_dim3A_524, %select_n3A_512 : vector<16xi1>, vector<16xf32>
        %add3A_526 = arith.addf %add3A_513, %exp3A_454 : vector<16xf32>
        %gt3A_527 = arith.cmpf ogt, %exp3A_455, %max3A_522 : vector<16xf32>
        %gt3A_528 = arith.cmpf ogt, %exp3A_455, %select_n3A_517 : vector<16xf32>
        %select_n3A_529 = arith.select %gt3A_528, %exp3A_455, %select_n3A_517 : vector<16xi1>, vector<16xf32>
        %select_n3A_530 = arith.select %gt3A_527, %max3A_522, %select_n3A_529 : vector<16xi1>, vector<16xf32>
        %jit3A_531 = arith.constant 6.000000e+00 : f32
        %broadcast_in_dim3A_532 = vector.broadcast %jit3A_531 : f32 to vector<16xf32>
        %select_n3A_533 = arith.select %gt3A_528, %broadcast_in_dim3A_532, %select_n3A_521 : vector<16xi1>, vector<16xf32>
        %select_n3A_534 = arith.select %gt3A_527, %select_n3A_525, %select_n3A_533 : vector<16xi1>, vector<16xf32>
        %max3A_535 = arith.maximumf %exp3A_455, %max3A_522 : vector<16xf32>
        %jit3A_536 = arith.constant 6.000000e+00 : f32
        %broadcast_in_dim3A_537 = vector.broadcast %jit3A_536 : f32 to vector<16xf32>
        %select_n3A_538 = arith.select %gt3A_527, %broadcast_in_dim3A_537, %select_n3A_525 : vector<16xi1>, vector<16xf32>
        %add3A_539 = arith.addf %add3A_526, %exp3A_455 : vector<16xf32>
        %convert_element_type3A_540 = arith.fptosi %select_n3A_538 : vector<16xf32> to vector<16xi32>
        %add3A_541 = arith.constant 14 : i32
        %add3A_542 = vector.broadcast %add3A_541 : i32 to vector<16xi32>
        %add3A_543 = arith.addi %add3A_122, %add3A_542 : vector<16xi32>
        %add3A_544 = arith.addi %add3A_543, %convert_element_type3A_540 : vector<16xi32>
        %gather3A_545 = tpu.vector_load_idx %arg10[%broadcast_in_dim3A, %add3A_544] : memref<8x1792xf32, #tpu.memory_space<vmem>>[vector<16xi32>, vector<16xi32>], vector<16xf32>,
        %div3A_546 = arith.constant 1.000000e+00 : f32
        %div3A_547 = vector.broadcast %div3A_546 : f32 to vector<16xf32>
        %div3A_548 = arith.divf %div3A_547, %add3A_539 : vector<16xf32>
        %mul3A_549 = arith.mulf %max3A_535, %div3A_548 : vector<16xf32>
        %mul3A_550 = arith.mulf %select_n3A_530, %div3A_548 : vector<16xf32>
        %sub3A_551 = arith.subf %select_n3A_538, %select_n3A_534 : vector<16xf32>
        %abs3A_552 = math.absf %sub3A_551 : vector<16xf32>
        %sub3A_553 = arith.constant 1.000000e+00 : f32
        %sub3A_554 = vector.broadcast %sub3A_553 : f32 to vector<16xf32>
        %sub3A_555 = arith.subf %abs3A_552, %sub3A_554 : vector<16xf32>
        %mul3A_556 = arith.mulf %mul3A_550, %sub3A_555 : vector<16xf32>
        %add3A_557 = arith.addf %mul3A_549, %mul3A_556 : vector<16xf32>
        %add3A_558 = arith.addf %add3A_448, %add3A_557 : vector<16xf32>
        %exp3A_559 = math.exp %gather3A_209 : vector<16xf32>
        %exp3A_560 = math.exp %gather3A_213 : vector<16xf32>
        %exp3A_561 = math.exp %gather3A_217 : vector<16xf32>
        %exp3A_562 = math.exp %gather3A_221 : vector<16xf32>
        %exp3A_563 = math.exp %gather3A_225 : vector<16xf32>
        %exp3A_564 = math.exp %gather3A_229 : vector<16xf32>
        %exp3A_565 = math.exp %gather3A_233 : vector<16xf32>
        %broadcast_in_dim3A_566 = arith.constant 0.000000e+00 : f32
        %broadcast_in_dim3A_567 = vector.broadcast %broadcast_in_dim3A_566 : f32 to vector<16xf32>
        %broadcast_in_dim3A_568 = arith.constant 0.000000e+00 : f32
        %broadcast_in_dim3A_569 = vector.broadcast %broadcast_in_dim3A_568 : f32 to vector<16xf32>
        %broadcast_in_dim3A_570 = arith.constant 0.000000e+00 : f32
        %broadcast_in_dim3A_571 = vector.broadcast %broadcast_in_dim3A_570 : f32 to vector<16xf32>
        %gt3A_572 = arith.cmpf ogt, %exp3A_560, %exp3A_559 : vector<16xf32>
        %gt3A_573 = arith.cmpf ogt, %exp3A_560, %broadcast_in_dim3A_569 : vector<16xf32>
        %select_n3A_574 = arith.select %gt3A_573, %exp3A_560, %broadcast_in_dim3A_569 : vector<16xi1>, vector<16xf32>
        %select_n3A_575 = arith.select %gt3A_572, %exp3A_559, %select_n3A_574 : vector<16xi1>, vector<16xf32>
        %jit3A_576 = arith.constant 1.000000e+00 : f32
        %broadcast_in_dim3A_577 = vector.broadcast %jit3A_576 : f32 to vector<16xf32>
        %select_n3A_578 = arith.select %gt3A_573, %broadcast_in_dim3A_577, %broadcast_in_dim3A_571 : vector<16xi1>, vector<16xf32>
        %select_n3A_579 = arith.select %gt3A_572, %broadcast_in_dim3A_567, %select_n3A_578 : vector<16xi1>, vector<16xf32>
        %max3A_580 = arith.maximumf %exp3A_560, %exp3A_559 : vector<16xf32>
        %jit3A_581 = arith.constant 1.000000e+00 : f32
        %broadcast_in_dim3A_582 = vector.broadcast %jit3A_581 : f32 to vector<16xf32>
        %select_n3A_583 = arith.select %gt3A_572, %broadcast_in_dim3A_582, %broadcast_in_dim3A_567 : vector<16xi1>, vector<16xf32>
        %add3A_584 = arith.addf %exp3A_559, %exp3A_560 : vector<16xf32>
        %gt3A_585 = arith.cmpf ogt, %exp3A_561, %max3A_580 : vector<16xf32>
        %gt3A_586 = arith.cmpf ogt, %exp3A_561, %select_n3A_575 : vector<16xf32>
        %select_n3A_587 = arith.select %gt3A_586, %exp3A_561, %select_n3A_575 : vector<16xi1>, vector<16xf32>
        %select_n3A_588 = arith.select %gt3A_585, %max3A_580, %select_n3A_587 : vector<16xi1>, vector<16xf32>
        %jit3A_589 = arith.constant 2.000000e+00 : f32
        %broadcast_in_dim3A_590 = vector.broadcast %jit3A_589 : f32 to vector<16xf32>
        %select_n3A_591 = arith.select %gt3A_586, %broadcast_in_dim3A_590, %select_n3A_579 : vector<16xi1>, vector<16xf32>
        %select_n3A_592 = arith.select %gt3A_585, %select_n3A_583, %select_n3A_591 : vector<16xi1>, vector<16xf32>
        %max3A_593 = arith.maximumf %exp3A_561, %max3A_580 : vector<16xf32>
        %jit3A_594 = arith.constant 2.000000e+00 : f32
        %broadcast_in_dim3A_595 = vector.broadcast %jit3A_594 : f32 to vector<16xf32>
        %select_n3A_596 = arith.select %gt3A_585, %broadcast_in_dim3A_595, %select_n3A_583 : vector<16xi1>, vector<16xf32>
        %add3A_597 = arith.addf %add3A_584, %exp3A_561 : vector<16xf32>
        %gt3A_598 = arith.cmpf ogt, %exp3A_562, %max3A_593 : vector<16xf32>
        %gt3A_599 = arith.cmpf ogt, %exp3A_562, %select_n3A_588 : vector<16xf32>
        %select_n3A_600 = arith.select %gt3A_599, %exp3A_562, %select_n3A_588 : vector<16xi1>, vector<16xf32>
        %select_n3A_601 = arith.select %gt3A_598, %max3A_593, %select_n3A_600 : vector<16xi1>, vector<16xf32>
        %jit3A_602 = arith.constant 3.000000e+00 : f32
        %broadcast_in_dim3A_603 = vector.broadcast %jit3A_602 : f32 to vector<16xf32>
        %select_n3A_604 = arith.select %gt3A_599, %broadcast_in_dim3A_603, %select_n3A_592 : vector<16xi1>, vector<16xf32>
        %select_n3A_605 = arith.select %gt3A_598, %select_n3A_596, %select_n3A_604 : vector<16xi1>, vector<16xf32>
        %max3A_606 = arith.maximumf %exp3A_562, %max3A_593 : vector<16xf32>
        %jit3A_607 = arith.constant 3.000000e+00 : f32
        %broadcast_in_dim3A_608 = vector.broadcast %jit3A_607 : f32 to vector<16xf32>
        %select_n3A_609 = arith.select %gt3A_598, %broadcast_in_dim3A_608, %select_n3A_596 : vector<16xi1>, vector<16xf32>
        %add3A_610 = arith.addf %add3A_597, %exp3A_562 : vector<16xf32>
        %gt3A_611 = arith.cmpf ogt, %exp3A_563, %max3A_606 : vector<16xf32>
        %gt3A_612 = arith.cmpf ogt, %exp3A_563, %select_n3A_601 : vector<16xf32>
        %select_n3A_613 = arith.select %gt3A_612, %exp3A_563, %select_n3A_601 : vector<16xi1>, vector<16xf32>
        %select_n3A_614 = arith.select %gt3A_611, %max3A_606, %select_n3A_613 : vector<16xi1>, vector<16xf32>
        %jit3A_615 = arith.constant 4.000000e+00 : f32
        %broadcast_in_dim3A_616 = vector.broadcast %jit3A_615 : f32 to vector<16xf32>
        %select_n3A_617 = arith.select %gt3A_612, %broadcast_in_dim3A_616, %select_n3A_605 : vector<16xi1>, vector<16xf32>
        %select_n3A_618 = arith.select %gt3A_611, %select_n3A_609, %select_n3A_617 : vector<16xi1>, vector<16xf32>
        %max3A_619 = arith.maximumf %exp3A_563, %max3A_606 : vector<16xf32>
        %jit3A_620 = arith.constant 4.000000e+00 : f32
        %broadcast_in_dim3A_621 = vector.broadcast %jit3A_620 : f32 to vector<16xf32>
        %select_n3A_622 = arith.select %gt3A_611, %broadcast_in_dim3A_621, %select_n3A_609 : vector<16xi1>, vector<16xf32>
        %add3A_623 = arith.addf %add3A_610, %exp3A_563 : vector<16xf32>
        %gt3A_624 = arith.cmpf ogt, %exp3A_564, %max3A_619 : vector<16xf32>
        %gt3A_625 = arith.cmpf ogt, %exp3A_564, %select_n3A_614 : vector<16xf32>
        %select_n3A_626 = arith.select %gt3A_625, %exp3A_564, %select_n3A_614 : vector<16xi1>, vector<16xf32>
        %select_n3A_627 = arith.select %gt3A_624, %max3A_619, %select_n3A_626 : vector<16xi1>, vector<16xf32>
        %jit3A_628 = arith.constant 5.000000e+00 : f32
        %broadcast_in_dim3A_629 = vector.broadcast %jit3A_628 : f32 to vector<16xf32>
        %select_n3A_630 = arith.select %gt3A_625, %broadcast_in_dim3A_629, %select_n3A_618 : vector<16xi1>, vector<16xf32>
        %select_n3A_631 = arith.select %gt3A_624, %select_n3A_622, %select_n3A_630 : vector<16xi1>, vector<16xf32>
        %max3A_632 = arith.maximumf %exp3A_564, %max3A_619 : vector<16xf32>
        %jit3A_633 = arith.constant 5.000000e+00 : f32
        %broadcast_in_dim3A_634 = vector.broadcast %jit3A_633 : f32 to vector<16xf32>
        %select_n3A_635 = arith.select %gt3A_624, %broadcast_in_dim3A_634, %select_n3A_622 : vector<16xi1>, vector<16xf32>
        %add3A_636 = arith.addf %add3A_623, %exp3A_564 : vector<16xf32>
        %gt3A_637 = arith.cmpf ogt, %exp3A_565, %max3A_632 : vector<16xf32>
        %gt3A_638 = arith.cmpf ogt, %exp3A_565, %select_n3A_627 : vector<16xf32>
        %select_n3A_639 = arith.select %gt3A_638, %exp3A_565, %select_n3A_627 : vector<16xi1>, vector<16xf32>
        %select_n3A_640 = arith.select %gt3A_637, %max3A_632, %select_n3A_639 : vector<16xi1>, vector<16xf32>
        %jit3A_641 = arith.constant 6.000000e+00 : f32
        %broadcast_in_dim3A_642 = vector.broadcast %jit3A_641 : f32 to vector<16xf32>
        %select_n3A_643 = arith.select %gt3A_638, %broadcast_in_dim3A_642, %select_n3A_631 : vector<16xi1>, vector<16xf32>
        %select_n3A_644 = arith.select %gt3A_637, %select_n3A_635, %select_n3A_643 : vector<16xi1>, vector<16xf32>
        %max3A_645 = arith.maximumf %exp3A_565, %max3A_632 : vector<16xf32>
        %jit3A_646 = arith.constant 6.000000e+00 : f32
        %broadcast_in_dim3A_647 = vector.broadcast %jit3A_646 : f32 to vector<16xf32>
        %select_n3A_648 = arith.select %gt3A_637, %broadcast_in_dim3A_647, %select_n3A_635 : vector<16xi1>, vector<16xf32>
        %add3A_649 = arith.addf %add3A_636, %exp3A_565 : vector<16xf32>
        %convert_element_type3A_650 = arith.fptosi %select_n3A_648 : vector<16xf32> to vector<16xi32>
        %add3A_651 = arith.constant 21 : i32
        %add3A_652 = vector.broadcast %add3A_651 : i32 to vector<16xi32>
        %add3A_653 = arith.addi %add3A_122, %add3A_652 : vector<16xi32>
        %add3A_654 = arith.addi %add3A_653, %convert_element_type3A_650 : vector<16xi32>
        %gather3A_655 = tpu.vector_load_idx %arg10[%broadcast_in_dim3A, %add3A_654] : memref<8x1792xf32, #tpu.memory_space<vmem>>[vector<16xi32>, vector<16xi32>], vector<16xf32>,
        %div3A_656 = arith.constant 1.000000e+00 : f32
        %div3A_657 = vector.broadcast %div3A_656 : f32 to vector<16xf32>
        %div3A_658 = arith.divf %div3A_657, %add3A_649 : vector<16xf32>
        %mul3A_659 = arith.mulf %max3A_645, %div3A_658 : vector<16xf32>
        %mul3A_660 = arith.mulf %select_n3A_640, %div3A_658 : vector<16xf32>
        %sub3A_661 = arith.subf %select_n3A_648, %select_n3A_644 : vector<16xf32>
        %abs3A_662 = math.absf %sub3A_661 : vector<16xf32>
        %sub3A_663 = arith.constant 1.000000e+00 : f32
        %sub3A_664 = vector.broadcast %sub3A_663 : f32 to vector<16xf32>
        %sub3A_665 = arith.subf %abs3A_662, %sub3A_664 : vector<16xf32>
        %mul3A_666 = arith.mulf %mul3A_660, %sub3A_665 : vector<16xf32>
        %add3A_667 = arith.addf %mul3A_659, %mul3A_666 : vector<16xf32>
        %add3A_668 = arith.addf %add3A_558, %add3A_667 : vector<16xf32>
        %mul3A_669 = arith.constant 128 : i32
        %mul3A_670 = arith.muli %select_n3A_95, %mul3A_669 : i32
        %add3A_671 = vector.broadcast %mul3A_113 : i32 to vector<16xi32>
        %add3A_672 = arith.addi %add3A_671, %iota3A : vector<16xi32>
        %mul3A_673 = arith.constant 4 : i32
        %mul3A_674 = vector.broadcast %mul3A_673 : i32 to vector<16xi32>
        %mul3A_675 = arith.muli %add3A_672, %mul3A_674 : vector<16xi32>
        %add3A_676 = vector.broadcast %mul3A_670 : i32 to vector<16xi32>
        %add3A_677 = arith.addi %add3A_676, %mul3A_675 : vector<16xi32>
        %gather3A_678 = tpu.vector_load_idx %arg15[%add3A_677] : memref<1024xf32, #tpu.memory_space<vmem>>[vector<16xi32>], vector<16xf32>,
        %add3A_679 = arith.constant 1 : i32
        %add3A_680 = vector.broadcast %add3A_679 : i32 to vector<16xi32>
        %add3A_681 = arith.addi %add3A_677, %add3A_680 : vector<16xi32>
        %gather3A_682 = tpu.vector_load_idx %arg15[%add3A_681] : memref<1024xf32, #tpu.memory_space<vmem>>[vector<16xi32>], vector<16xf32>,
        %add3A_683 = arith.constant 2 : i32
        %add3A_684 = vector.broadcast %add3A_683 : i32 to vector<16xi32>
        %add3A_685 = arith.addi %add3A_677, %add3A_684 : vector<16xi32>
        %gather3A_686 = tpu.vector_load_idx %arg15[%add3A_685] : memref<1024xf32, #tpu.memory_space<vmem>>[vector<16xi32>], vector<16xf32>,
        %add3A_687 = arith.constant 3 : i32
        %add3A_688 = vector.broadcast %add3A_687 : i32 to vector<16xi32>
        %add3A_689 = arith.addi %add3A_677, %add3A_688 : vector<16xi32>
        %gather3A_690 = tpu.vector_load_idx %arg15[%add3A_689] : memref<1024xf32, #tpu.memory_space<vmem>>[vector<16xi32>], vector<16xf32>,
        %add3A_691 = arith.addf %gather3A_678, %gather3A_686 : vector<16xf32>
        %add3A_692 = arith.addf %gather3A_682, %gather3A_690 : vector<16xf32>
        %sub3A_693 = arith.subf %gather3A_686, %gather3A_678 : vector<16xf32>
        %mul3A_694 = arith.constant 1.700000e+00 : f32
        %mul3A_695 = vector.broadcast %mul3A_694 : f32 to vector<16xf32>
        %mul3A_696 = arith.mulf %sub3A_693, %mul3A_695 : vector<16xf32>
        %sub3A_697 = arith.subf %gather3A_690, %gather3A_682 : vector<16xf32>
        %mul3A_698 = arith.constant 1.700000e+00 : f32
        %mul3A_699 = vector.broadcast %mul3A_698 : f32 to vector<16xf32>
        %mul3A_700 = arith.mulf %sub3A_697, %mul3A_699 : vector<16xf32>
        %sub3A_701 = arith.subf %add3A_691, %mul3A_696 : vector<16xf32>
        %mul3A_702 = arith.constant 5.000000e-01 : f32
        %mul3A_703 = vector.broadcast %mul3A_702 : f32 to vector<16xf32>
        %mul3A_704 = arith.mulf %sub3A_701, %mul3A_703 : vector<16xf32>
        %add3A_705 = arith.addf %add3A_691, %mul3A_696 : vector<16xf32>
        %mul3A_706 = arith.constant 5.000000e-01 : f32
        %mul3A_707 = vector.broadcast %mul3A_706 : f32 to vector<16xf32>
        %mul3A_708 = arith.mulf %add3A_705, %mul3A_707 : vector<16xf32>
        %sub3A_709 = arith.subf %add3A_692, %mul3A_700 : vector<16xf32>
        %mul3A_710 = arith.constant 5.000000e-01 : f32
        %mul3A_711 = vector.broadcast %mul3A_710 : f32 to vector<16xf32>
        %mul3A_712 = arith.mulf %sub3A_709, %mul3A_711 : vector<16xf32>
        %add3A_713 = arith.addf %add3A_692, %mul3A_700 : vector<16xf32>
        %mul3A_714 = arith.constant 5.000000e-01 : f32
        %mul3A_715 = vector.broadcast %mul3A_714 : f32 to vector<16xf32>
        %mul3A_716 = arith.mulf %add3A_713, %mul3A_715 : vector<16xf32>
        %div3A_717 = arith.constant 1.400000e+01 : f32
        %div3A_718 = vector.broadcast %div3A_717 : f32 to vector<16xf32>
        %div3A_719 = arith.divf %mul3A_696, %div3A_718 : vector<16xf32>
        %div3A_720 = arith.constant 1.400000e+01 : f32
        %div3A_721 = vector.broadcast %div3A_720 : f32 to vector<16xf32>
        %div3A_722 = arith.divf %mul3A_700, %div3A_721 : vector<16xf32>
        %add3A_723 = arith.constant 5.000000e-01 : f32
        %add3A_724 = vector.broadcast %add3A_723 : f32 to vector<16xf32>
        %add3A_725 = arith.addf %add3A_724, %select_n3A_320 : vector<16xf32>
        %sub3A_726 = arith.subf %add3A_725, %gather3A_327 : vector<16xf32>
        %mul3A_727 = arith.mulf %sub3A_726, %div3A_719 : vector<16xf32>
        %add3A_728 = arith.addf %mul3A_704, %mul3A_727 : vector<16xf32>
        %add3A_729 = arith.constant 5.000000e-01 : f32
        %add3A_730 = vector.broadcast %add3A_729 : f32 to vector<16xf32>
        %add3A_731 = arith.addf %add3A_730, %select_n3A_428 : vector<16xf32>
        %add3A_732 = arith.addf %add3A_731, %gather3A_435 : vector<16xf32>
        %mul3A_733 = arith.mulf %add3A_732, %div3A_719 : vector<16xf32>
        %sub3A_734 = arith.subf %mul3A_708, %mul3A_733 : vector<16xf32>
        %add3A_735 = arith.constant 5.000000e-01 : f32
        %add3A_736 = vector.broadcast %add3A_735 : f32 to vector<16xf32>
        %add3A_737 = arith.addf %add3A_736, %select_n3A_538 : vector<16xf32>
        %sub3A_738 = arith.subf %add3A_737, %gather3A_545 : vector<16xf32>
        %mul3A_739 = arith.mulf %sub3A_738, %div3A_722 : vector<16xf32>
        %add3A_740 = arith.addf %mul3A_712, %mul3A_739 : vector<16xf32>
        %add3A_741 = arith.constant 5.000000e-01 : f32
        %add3A_742 = vector.broadcast %add3A_741 : f32 to vector<16xf32>
        %add3A_743 = arith.addf %add3A_742, %select_n3A_648 : vector<16xf32>
        %add3A_744 = arith.addf %add3A_743, %gather3A_655 : vector<16xf32>
        %mul3A_745 = arith.mulf %add3A_744, %div3A_722 : vector<16xf32>
        %sub3A_746 = arith.subf %mul3A_716, %mul3A_745 : vector<16xf32>
        %broadcast_in_dim3A_747 = arith.constant 0 : i32
        %broadcast_in_dim3A_748 = vector.broadcast %broadcast_in_dim3A_747 : i32 to vector<16xi32>
        %broadcast_in_dim3A_749 = arith.constant 1 : i32
        %broadcast_in_dim3A_750 = vector.broadcast %broadcast_in_dim3A_749 : i32 to vector<16xi32>
        %broadcast_in_dim3A_751 = arith.constant 2 : i32
        %broadcast_in_dim3A_752 = vector.broadcast %broadcast_in_dim3A_751 : i32 to vector<16xi32>
        %broadcast_in_dim3A_753 = arith.constant 3 : i32
        %broadcast_in_dim3A_754 = vector.broadcast %broadcast_in_dim3A_753 : i32 to vector<16xi32>
        %add3A_755 = arith.constant 0 : i32
        %add3A_756 = arith.addi %add3A_755, %add3A_115 : i32
        %add3A_757 = vector.broadcast %add3A_756 : i32 to vector<16xi32>
        %add3A_758 = arith.addi %add3A_757, %iota3A : vector<16xi32>
        tpu.vector_store_idx %arg13[%broadcast_in_dim3A, %broadcast_in_dim3A_748, %add3A_758], %add3A_728 : memref<8x4x128xf32, #tpu.memory_space<vmem>>[vector<16xi32>, vector<16xi32>, vector<16xi32>], vector<16xf32>,
        tpu.vector_store_idx %arg13[%broadcast_in_dim3A, %broadcast_in_dim3A_750, %add3A_758], %add3A_740 : memref<8x4x128xf32, #tpu.memory_space<vmem>>[vector<16xi32>, vector<16xi32>, vector<16xi32>], vector<16xf32>,
        tpu.vector_store_idx %arg13[%broadcast_in_dim3A, %broadcast_in_dim3A_752, %add3A_758], %sub3A_734 : memref<8x4x128xf32, #tpu.memory_space<vmem>>[vector<16xi32>, vector<16xi32>, vector<16xi32>], vector<16xf32>,
        tpu.vector_store_idx %arg13[%broadcast_in_dim3A, %broadcast_in_dim3A_754, %add3A_758], %sub3A_746 : memref<8x4x128xf32, #tpu.memory_space<vmem>>[vector<16xi32>, vector<16xi32>, vector<16xi32>], vector<16xf32>,
        %mul3A_759 = arith.constant 2.500000e-01 : f32
        %mul3A_760 = vector.broadcast %mul3A_759 : f32 to vector<16xf32>
        %mul3A_761 = arith.mulf %add3A_668, %mul3A_760 : vector<16xf32>
        %mul3A_762 = arith.constant 672 : i32
        %mul3A_763 = arith.muli %select_n3A_95, %mul3A_762 : i32
        %add3A_764 = arith.constant 512 : i32
        %add3A_765 = arith.addi %mul3A_763, %add3A_764 : i32
        %add3A_766 = arith.addi %add3A_765, %add3A_115 : i32
        %swap3A = arith.index_cast %add3A_766 : i32 to index
        %swap3A_767 = tpu.vector_load %arg14[%swap3A] {strides = array<i32>} : memref<5376xf32, #tpu.memory_space<vmem>>, vector<16xf32>,
        tpu.vector_store %arg14[%swap3A], %mul3A_761 {strides = array<i32>} : memref<5376xf32, #tpu.memory_space<vmem>>, vector<16xf32>,
      }
      %scan3A_75 = arith.constant 16 : i32
      "tpu.region"() ({
        %run_scoped3A = tpu.sem_alloc : memref<!tpu.dma_semaphore, #tpu.memory_space<semaphore_mem>>
        %dma_start3A_76 = arith.constant 0 : i32
        %dma_start3A_77 = arith.constant 0 : i32
        %dma_start3A_78 = arith.constant 19968 : i32
        %dma_start3A_79 = tpu.memref_slice %arg6[%dma_start3A_76, %dma_start3A_77, %dma_start3A_78] : memref<8x4x20096xf32, #tpu.memory_space<hbm>> -> memref<8x4x128xf32, #tpu.memory_space<hbm>>
        %dma_start3A_80 = arith.constant 0 : i32
        %dma_start3A_81 = arith.constant 0 : i32
        %dma_start3A_82 = arith.constant 19968 : i32
        %dma_start3A_83 = tpu.memref_slice %arg6[%dma_start3A_80, %dma_start3A_81, %dma_start3A_82] : memref<8x4x20096xf32, #tpu.memory_space<hbm>> -> memref<8x4x128xf32, #tpu.memory_space<hbm>>
        tpu.enqueue_dma source(%arg13 : memref<8x4x128xf32, #tpu.memory_space<vmem>>) target(%dma_start3A_83 : memref<8x4x128xf32, #tpu.memory_space<hbm>>) target_semaphore(%run_scoped3A : memref<!tpu.dma_semaphore, #tpu.memory_space<semaphore_mem>>)
        %dma_wait3A = arith.constant 0 : i32
        %dma_wait3A_84 = arith.constant 0 : i32
        %dma_wait3A_85 = arith.constant 19968 : i32
        %dma_wait3A_86 = tpu.memref_slice %arg6[%dma_wait3A, %dma_wait3A_84, %dma_wait3A_85] : memref<8x4x20096xf32, #tpu.memory_space<hbm>> -> memref<8x4x128xf32, #tpu.memory_space<hbm>>
        %dma_wait3A_87 = arith.constant 0 : i32
        %dma_wait3A_88 = arith.constant 0 : i32
        %dma_wait3A_89 = arith.constant 19968 : i32
        %dma_wait3A_90 = tpu.memref_slice %arg6[%dma_wait3A_87, %dma_wait3A_88, %dma_wait3A_89] : memref<8x4x20096xf32, #tpu.memory_space<hbm>> -> memref<8x4x128xf32, #tpu.memory_space<hbm>>
        tpu.wait_dma2 semaphore(%run_scoped3A : memref<!tpu.dma_semaphore, #tpu.memory_space<semaphore_mem>>) src(%arg13 : memref<8x4x128xf32, #tpu.memory_space<vmem>>) dst(%dma_wait3A_90 : memref<8x4x128xf32, #tpu.memory_space<hbm>>)
        tpu.yield
      }) : () -> ()
    } else {
    }
    %convert_element_type3A_59 = arith.extui %lt3A_1 : i1 to i32
    %cond3A_60 = arith.constant 0 : i32
    %cond3A_61 = arith.cmpi ne, %convert_element_type3A_59, %cond3A_60 : i32
    scf.if %cond3A_61 {
      %mul3A_72 = arith.constant 128 : i32
      %mul3A_73 = arith.muli %select_n3A, %mul3A_72 : i32
      %add3A_74 = arith.constant 0 : i32
      %add3A_75 = arith.addi %add3A_74, %mul3A_73 : i32
      "tpu.region"() ({
        %run_scoped3A = tpu.sem_alloc : memref<!tpu.dma_semaphore, #tpu.memory_space<semaphore_mem>>
        %dma_start3A_104 = arith.constant 0 : i32
        %dma_start3A_105 = tpu.memref_slice %arg14[%dma_start3A_104] : memref<5376xf32, #tpu.memory_space<vmem>> -> memref<640xf32, #tpu.memory_space<vmem>>
        %dma_start3A_106 = tpu.memref_slice %arg7[%add3A_75] : memref<160000xf32, #tpu.memory_space<hbm>> -> memref<640xf32, #tpu.memory_space<hbm>>
        %dma_start3A_107 = tpu.memref_slice %arg7[%add3A_75] : memref<160000xf32, #tpu.memory_space<hbm>> -> memref<640xf32, #tpu.memory_space<hbm>>
        %dma_start3A_108 = arith.constant 0 : i32
        %dma_start3A_109 = tpu.memref_slice %arg14[%dma_start3A_108] : memref<5376xf32, #tpu.memory_space<vmem>> -> memref<640xf32, #tpu.memory_space<vmem>>
        tpu.enqueue_dma source(%dma_start3A_109 : memref<640xf32, #tpu.memory_space<vmem>>) target(%dma_start3A_107 : memref<640xf32, #tpu.memory_space<hbm>>) target_semaphore(%run_scoped3A : memref<!tpu.dma_semaphore, #tpu.memory_space<semaphore_mem>>)
        %dma_wait3A = arith.constant 0 : i32
        %dma_wait3A_110 = tpu.memref_slice %arg14[%dma_wait3A] : memref<5376xf32, #tpu.memory_space<vmem>> -> memref<640xf32, #tpu.memory_space<vmem>>
        %dma_wait3A_111 = tpu.memref_slice %arg7[%add3A_75] : memref<160000xf32, #tpu.memory_space<hbm>> -> memref<640xf32, #tpu.memory_space<hbm>>
        %dma_wait3A_112 = tpu.memref_slice %arg7[%add3A_75] : memref<160000xf32, #tpu.memory_space<hbm>> -> memref<640xf32, #tpu.memory_space<hbm>>
        %dma_wait3A_113 = arith.constant 0 : i32
        %dma_wait3A_114 = tpu.memref_slice %arg14[%dma_wait3A_113] : memref<5376xf32, #tpu.memory_space<vmem>> -> memref<640xf32, #tpu.memory_space<vmem>>
        tpu.wait_dma2 semaphore(%run_scoped3A : memref<!tpu.dma_semaphore, #tpu.memory_space<semaphore_mem>>) src(%dma_wait3A_114 : memref<640xf32, #tpu.memory_space<vmem>>) dst(%dma_wait3A_112 : memref<640xf32, #tpu.memory_space<hbm>>)
        tpu.yield
      }) : () -> ()
      %mul3A_76 = arith.constant 128 : i32
      %mul3A_77 = arith.muli %select_n3A, %mul3A_76 : i32
      %add3A_78 = arith.constant 20000 : i32
      %add3A_79 = arith.addi %add3A_78, %mul3A_77 : i32
      "tpu.region"() ({
        %run_scoped3A = tpu.sem_alloc : memref<!tpu.dma_semaphore, #tpu.memory_space<semaphore_mem>>
        %dma_start3A_104 = arith.constant 672 : i32
        %dma_start3A_105 = tpu.memref_slice %arg14[%dma_start3A_104] : memref<5376xf32, #tpu.memory_space<vmem>> -> memref<640xf32, #tpu.memory_space<vmem>>
        %dma_start3A_106 = tpu.memref_slice %arg7[%add3A_79] : memref<160000xf32, #tpu.memory_space<hbm>> -> memref<640xf32, #tpu.memory_space<hbm>>
        %dma_start3A_107 = tpu.memref_slice %arg7[%add3A_79] : memref<160000xf32, #tpu.memory_space<hbm>> -> memref<640xf32, #tpu.memory_space<hbm>>
        %dma_start3A_108 = arith.constant 672 : i32
        %dma_start3A_109 = tpu.memref_slice %arg14[%dma_start3A_108] : memref<5376xf32, #tpu.memory_space<vmem>> -> memref<640xf32, #tpu.memory_space<vmem>>
        tpu.enqueue_dma source(%dma_start3A_109 : memref<640xf32, #tpu.memory_space<vmem>>) target(%dma_start3A_107 : memref<640xf32, #tpu.memory_space<hbm>>) target_semaphore(%run_scoped3A : memref<!tpu.dma_semaphore, #tpu.memory_space<semaphore_mem>>)
        %dma_wait3A = arith.constant 672 : i32
        %dma_wait3A_110 = tpu.memref_slice %arg14[%dma_wait3A] : memref<5376xf32, #tpu.memory_space<vmem>> -> memref<640xf32, #tpu.memory_space<vmem>>
        %dma_wait3A_111 = tpu.memref_slice %arg7[%add3A_79] : memref<160000xf32, #tpu.memory_space<hbm>> -> memref<640xf32, #tpu.memory_space<hbm>>
        %dma_wait3A_112 = tpu.memref_slice %arg7[%add3A_79] : memref<160000xf32, #tpu.memory_space<hbm>> -> memref<640xf32, #tpu.memory_space<hbm>>
        %dma_wait3A_113 = arith.constant 672 : i32
        %dma_wait3A_114 = tpu.memref_slice %arg14[%dma_wait3A_113] : memref<5376xf32, #tpu.memory_space<vmem>> -> memref<640xf32, #tpu.memory_space<vmem>>
        tpu.wait_dma2 semaphore(%run_scoped3A : memref<!tpu.dma_semaphore, #tpu.memory_space<semaphore_mem>>) src(%dma_wait3A_114 : memref<640xf32, #tpu.memory_space<vmem>>) dst(%dma_wait3A_112 : memref<640xf32, #tpu.memory_space<hbm>>)
        tpu.yield
      }) : () -> ()
      %mul3A_80 = arith.constant 128 : i32
      %mul3A_81 = arith.muli %select_n3A, %mul3A_80 : i32
      %add3A_82 = arith.constant 40000 : i32
      %add3A_83 = arith.addi %add3A_82, %mul3A_81 : i32
      "tpu.region"() ({
        %run_scoped3A = tpu.sem_alloc : memref<!tpu.dma_semaphore, #tpu.memory_space<semaphore_mem>>
        %dma_start3A_104 = arith.constant 1344 : i32
        %dma_start3A_105 = tpu.memref_slice %arg14[%dma_start3A_104] : memref<5376xf32, #tpu.memory_space<vmem>> -> memref<640xf32, #tpu.memory_space<vmem>>
        %dma_start3A_106 = tpu.memref_slice %arg7[%add3A_83] : memref<160000xf32, #tpu.memory_space<hbm>> -> memref<640xf32, #tpu.memory_space<hbm>>
        %dma_start3A_107 = tpu.memref_slice %arg7[%add3A_83] : memref<160000xf32, #tpu.memory_space<hbm>> -> memref<640xf32, #tpu.memory_space<hbm>>
        %dma_start3A_108 = arith.constant 1344 : i32
        %dma_start3A_109 = tpu.memref_slice %arg14[%dma_start3A_108] : memref<5376xf32, #tpu.memory_space<vmem>> -> memref<640xf32, #tpu.memory_space<vmem>>
        tpu.enqueue_dma source(%dma_start3A_109 : memref<640xf32, #tpu.memory_space<vmem>>) target(%dma_start3A_107 : memref<640xf32, #tpu.memory_space<hbm>>) target_semaphore(%run_scoped3A : memref<!tpu.dma_semaphore, #tpu.memory_space<semaphore_mem>>)
        %dma_wait3A = arith.constant 1344 : i32
        %dma_wait3A_110 = tpu.memref_slice %arg14[%dma_wait3A] : memref<5376xf32, #tpu.memory_space<vmem>> -> memref<640xf32, #tpu.memory_space<vmem>>
        %dma_wait3A_111 = tpu.memref_slice %arg7[%add3A_83] : memref<160000xf32, #tpu.memory_space<hbm>> -> memref<640xf32, #tpu.memory_space<hbm>>
        %dma_wait3A_112 = tpu.memref_slice %arg7[%add3A_83] : memref<160000xf32, #tpu.memory_space<hbm>> -> memref<640xf32, #tpu.memory_space<hbm>>
        %dma_wait3A_113 = arith.constant 1344 : i32
        %dma_wait3A_114 = tpu.memref_slice %arg14[%dma_wait3A_113] : memref<5376xf32, #tpu.memory_space<vmem>> -> memref<640xf32, #tpu.memory_space<vmem>>
        tpu.wait_dma2 semaphore(%run_scoped3A : memref<!tpu.dma_semaphore, #tpu.memory_space<semaphore_mem>>) src(%dma_wait3A_114 : memref<640xf32, #tpu.memory_space<vmem>>) dst(%dma_wait3A_112 : memref<640xf32, #tpu.memory_space<hbm>>)
        tpu.yield
      }) : () -> ()
      %mul3A_84 = arith.constant 128 : i32
      %mul3A_85 = arith.muli %select_n3A, %mul3A_84 : i32
      %add3A_86 = arith.constant 60000 : i32
      %add3A_87 = arith.addi %add3A_86, %mul3A_85 : i32
      "tpu.region"() ({
        %run_scoped3A = tpu.sem_alloc : memref<!tpu.dma_semaphore, #tpu.memory_space<semaphore_mem>>
        %dma_start3A_104 = arith.constant 2016 : i32
        %dma_start3A_105 = tpu.memref_slice %arg14[%dma_start3A_104] : memref<5376xf32, #tpu.memory_space<vmem>> -> memref<640xf32, #tpu.memory_space<vmem>>
        %dma_start3A_106 = tpu.memref_slice %arg7[%add3A_87] : memref<160000xf32, #tpu.memory_space<hbm>> -> memref<640xf32, #tpu.memory_space<hbm>>
        %dma_start3A_107 = tpu.memref_slice %arg7[%add3A_87] : memref<160000xf32, #tpu.memory_space<hbm>> -> memref<640xf32, #tpu.memory_space<hbm>>
        %dma_start3A_108 = arith.constant 2016 : i32
        %dma_start3A_109 = tpu.memref_slice %arg14[%dma_start3A_108] : memref<5376xf32, #tpu.memory_space<vmem>> -> memref<640xf32, #tpu.memory_space<vmem>>
        tpu.enqueue_dma source(%dma_start3A_109 : memref<640xf32, #tpu.memory_space<vmem>>) target(%dma_start3A_107 : memref<640xf32, #tpu.memory_space<hbm>>) target_semaphore(%run_scoped3A : memref<!tpu.dma_semaphore, #tpu.memory_space<semaphore_mem>>)
        %dma_wait3A = arith.constant 2016 : i32
        %dma_wait3A_110 = tpu.memref_slice %arg14[%dma_wait3A] : memref<5376xf32, #tpu.memory_space<vmem>> -> memref<640xf32, #tpu.memory_space<vmem>>
        %dma_wait3A_111 = tpu.memref_slice %arg7[%add3A_87] : memref<160000xf32, #tpu.memory_space<hbm>> -> memref<640xf32, #tpu.memory_space<hbm>>
        %dma_wait3A_112 = tpu.memref_slice %arg7[%add3A_87] : memref<160000xf32, #tpu.memory_space<hbm>> -> memref<640xf32, #tpu.memory_space<hbm>>
        %dma_wait3A_113 = arith.constant 2016 : i32
        %dma_wait3A_114 = tpu.memref_slice %arg14[%dma_wait3A_113] : memref<5376xf32, #tpu.memory_space<vmem>> -> memref<640xf32, #tpu.memory_space<vmem>>
        tpu.wait_dma2 semaphore(%run_scoped3A : memref<!tpu.dma_semaphore, #tpu.memory_space<semaphore_mem>>) src(%dma_wait3A_114 : memref<640xf32, #tpu.memory_space<vmem>>) dst(%dma_wait3A_112 : memref<640xf32, #tpu.memory_space<hbm>>)
        tpu.yield
      }) : () -> ()
      %mul3A_88 = arith.constant 128 : i32
      %mul3A_89 = arith.muli %select_n3A, %mul3A_88 : i32
      %add3A_90 = arith.constant 80000 : i32
      %add3A_91 = arith.addi %add3A_90, %mul3A_89 : i32
      "tpu.region"() ({
        %run_scoped3A = tpu.sem_alloc : memref<!tpu.dma_semaphore, #tpu.memory_space<semaphore_mem>>
        %dma_start3A_104 = arith.constant 2688 : i32
        %dma_start3A_105 = tpu.memref_slice %arg14[%dma_start3A_104] : memref<5376xf32, #tpu.memory_space<vmem>> -> memref<640xf32, #tpu.memory_space<vmem>>
        %dma_start3A_106 = tpu.memref_slice %arg7[%add3A_91] : memref<160000xf32, #tpu.memory_space<hbm>> -> memref<640xf32, #tpu.memory_space<hbm>>
        %dma_start3A_107 = tpu.memref_slice %arg7[%add3A_91] : memref<160000xf32, #tpu.memory_space<hbm>> -> memref<640xf32, #tpu.memory_space<hbm>>
        %dma_start3A_108 = arith.constant 2688 : i32
        %dma_start3A_109 = tpu.memref_slice %arg14[%dma_start3A_108] : memref<5376xf32, #tpu.memory_space<vmem>> -> memref<640xf32, #tpu.memory_space<vmem>>
        tpu.enqueue_dma source(%dma_start3A_109 : memref<640xf32, #tpu.memory_space<vmem>>) target(%dma_start3A_107 : memref<640xf32, #tpu.memory_space<hbm>>) target_semaphore(%run_scoped3A : memref<!tpu.dma_semaphore, #tpu.memory_space<semaphore_mem>>)
        %dma_wait3A = arith.constant 2688 : i32
        %dma_wait3A_110 = tpu.memref_slice %arg14[%dma_wait3A] : memref<5376xf32, #tpu.memory_space<vmem>> -> memref<640xf32, #tpu.memory_space<vmem>>
        %dma_wait3A_111 = tpu.memref_slice %arg7[%add3A_91] : memref<160000xf32, #tpu.memory_space<hbm>> -> memref<640xf32, #tpu.memory_space<hbm>>
        %dma_wait3A_112 = tpu.memref_slice %arg7[%add3A_91] : memref<160000xf32, #tpu.memory_space<hbm>> -> memref<640xf32, #tpu.memory_space<hbm>>
        %dma_wait3A_113 = arith.constant 2688 : i32
        %dma_wait3A_114 = tpu.memref_slice %arg14[%dma_wait3A_113] : memref<5376xf32, #tpu.memory_space<vmem>> -> memref<640xf32, #tpu.memory_space<vmem>>
        tpu.wait_dma2 semaphore(%run_scoped3A : memref<!tpu.dma_semaphore, #tpu.memory_space<semaphore_mem>>) src(%dma_wait3A_114 : memref<640xf32, #tpu.memory_space<vmem>>) dst(%dma_wait3A_112 : memref<640xf32, #tpu.memory_space<hbm>>)
        tpu.yield
      }) : () -> ()
      %mul3A_92 = arith.constant 128 : i32
      %mul3A_93 = arith.muli %select_n3A, %mul3A_92 : i32
      %add3A_94 = arith.constant 100000 : i32
      %add3A_95 = arith.addi %add3A_94, %mul3A_93 : i32
      "tpu.region"() ({
        %run_scoped3A = tpu.sem_alloc : memref<!tpu.dma_semaphore, #tpu.memory_space<semaphore_mem>>
        %dma_start3A_104 = arith.constant 3360 : i32
        %dma_start3A_105 = tpu.memref_slice %arg14[%dma_start3A_104] : memref<5376xf32, #tpu.memory_space<vmem>> -> memref<640xf32, #tpu.memory_space<vmem>>
        %dma_start3A_106 = tpu.memref_slice %arg7[%add3A_95] : memref<160000xf32, #tpu.memory_space<hbm>> -> memref<640xf32, #tpu.memory_space<hbm>>
        %dma_start3A_107 = tpu.memref_slice %arg7[%add3A_95] : memref<160000xf32, #tpu.memory_space<hbm>> -> memref<640xf32, #tpu.memory_space<hbm>>
        %dma_start3A_108 = arith.constant 3360 : i32
        %dma_start3A_109 = tpu.memref_slice %arg14[%dma_start3A_108] : memref<5376xf32, #tpu.memory_space<vmem>> -> memref<640xf32, #tpu.memory_space<vmem>>
        tpu.enqueue_dma source(%dma_start3A_109 : memref<640xf32, #tpu.memory_space<vmem>>) target(%dma_start3A_107 : memref<640xf32, #tpu.memory_space<hbm>>) target_semaphore(%run_scoped3A : memref<!tpu.dma_semaphore, #tpu.memory_space<semaphore_mem>>)
        %dma_wait3A = arith.constant 3360 : i32
        %dma_wait3A_110 = tpu.memref_slice %arg14[%dma_wait3A] : memref<5376xf32, #tpu.memory_space<vmem>> -> memref<640xf32, #tpu.memory_space<vmem>>
        %dma_wait3A_111 = tpu.memref_slice %arg7[%add3A_95] : memref<160000xf32, #tpu.memory_space<hbm>> -> memref<640xf32, #tpu.memory_space<hbm>>
        %dma_wait3A_112 = tpu.memref_slice %arg7[%add3A_95] : memref<160000xf32, #tpu.memory_space<hbm>> -> memref<640xf32, #tpu.memory_space<hbm>>
        %dma_wait3A_113 = arith.constant 3360 : i32
        %dma_wait3A_114 = tpu.memref_slice %arg14[%dma_wait3A_113] : memref<5376xf32, #tpu.memory_space<vmem>> -> memref<640xf32, #tpu.memory_space<vmem>>
        tpu.wait_dma2 semaphore(%run_scoped3A : memref<!tpu.dma_semaphore, #tpu.memory_space<semaphore_mem>>) src(%dma_wait3A_114 : memref<640xf32, #tpu.memory_space<vmem>>) dst(%dma_wait3A_112 : memref<640xf32, #tpu.memory_space<hbm>>)
        tpu.yield
      }) : () -> ()
      %mul3A_96 = arith.constant 128 : i32
      %mul3A_97 = arith.muli %select_n3A, %mul3A_96 : i32
      %add3A_98 = arith.constant 120000 : i32
      %add3A_99 = arith.addi %add3A_98, %mul3A_97 : i32
      "tpu.region"() ({
        %run_scoped3A = tpu.sem_alloc : memref<!tpu.dma_semaphore, #tpu.memory_space<semaphore_mem>>
        %dma_start3A_104 = arith.constant 4032 : i32
        %dma_start3A_105 = tpu.memref_slice %arg14[%dma_start3A_104] : memref<5376xf32, #tpu.memory_space<vmem>> -> memref<640xf32, #tpu.memory_space<vmem>>
        %dma_start3A_106 = tpu.memref_slice %arg7[%add3A_99] : memref<160000xf32, #tpu.memory_space<hbm>> -> memref<640xf32, #tpu.memory_space<hbm>>
        %dma_start3A_107 = tpu.memref_slice %arg7[%add3A_99] : memref<160000xf32, #tpu.memory_space<hbm>> -> memref<640xf32, #tpu.memory_space<hbm>>
        %dma_start3A_108 = arith.constant 4032 : i32
        %dma_start3A_109 = tpu.memref_slice %arg14[%dma_start3A_108] : memref<5376xf32, #tpu.memory_space<vmem>> -> memref<640xf32, #tpu.memory_space<vmem>>
        tpu.enqueue_dma source(%dma_start3A_109 : memref<640xf32, #tpu.memory_space<vmem>>) target(%dma_start3A_107 : memref<640xf32, #tpu.memory_space<hbm>>) target_semaphore(%run_scoped3A : memref<!tpu.dma_semaphore, #tpu.memory_space<semaphore_mem>>)
        %dma_wait3A = arith.constant 4032 : i32
        %dma_wait3A_110 = tpu.memref_slice %arg14[%dma_wait3A] : memref<5376xf32, #tpu.memory_space<vmem>> -> memref<640xf32, #tpu.memory_space<vmem>>
        %dma_wait3A_111 = tpu.memref_slice %arg7[%add3A_99] : memref<160000xf32, #tpu.memory_space<hbm>> -> memref<640xf32, #tpu.memory_space<hbm>>
        %dma_wait3A_112 = tpu.memref_slice %arg7[%add3A_99] : memref<160000xf32, #tpu.memory_space<hbm>> -> memref<640xf32, #tpu.memory_space<hbm>>
        %dma_wait3A_113 = arith.constant 4032 : i32
        %dma_wait3A_114 = tpu.memref_slice %arg14[%dma_wait3A_113] : memref<5376xf32, #tpu.memory_space<vmem>> -> memref<640xf32, #tpu.memory_space<vmem>>
        tpu.wait_dma2 semaphore(%run_scoped3A : memref<!tpu.dma_semaphore, #tpu.memory_space<semaphore_mem>>) src(%dma_wait3A_114 : memref<640xf32, #tpu.memory_space<vmem>>) dst(%dma_wait3A_112 : memref<640xf32, #tpu.memory_space<hbm>>)
        tpu.yield
      }) : () -> ()
      %mul3A_100 = arith.constant 128 : i32
      %mul3A_101 = arith.muli %select_n3A, %mul3A_100 : i32
      %add3A_102 = arith.constant 140000 : i32
      %add3A_103 = arith.addi %add3A_102, %mul3A_101 : i32
      "tpu.region"() ({
        %run_scoped3A = tpu.sem_alloc : memref<!tpu.dma_semaphore, #tpu.memory_space<semaphore_mem>>
        %dma_start3A_104 = arith.constant 4704 : i32
        %dma_start3A_105 = tpu.memref_slice %arg14[%dma_start3A_104] : memref<5376xf32, #tpu.memory_space<vmem>> -> memref<640xf32, #tpu.memory_space<vmem>>
        %dma_start3A_106 = tpu.memref_slice %arg7[%add3A_103] : memref<160000xf32, #tpu.memory_space<hbm>> -> memref<640xf32, #tpu.memory_space<hbm>>
        %dma_start3A_107 = tpu.memref_slice %arg7[%add3A_103] : memref<160000xf32, #tpu.memory_space<hbm>> -> memref<640xf32, #tpu.memory_space<hbm>>
        %dma_start3A_108 = arith.constant 4704 : i32
        %dma_start3A_109 = tpu.memref_slice %arg14[%dma_start3A_108] : memref<5376xf32, #tpu.memory_space<vmem>> -> memref<640xf32, #tpu.memory_space<vmem>>
        tpu.enqueue_dma source(%dma_start3A_109 : memref<640xf32, #tpu.memory_space<vmem>>) target(%dma_start3A_107 : memref<640xf32, #tpu.memory_space<hbm>>) target_semaphore(%run_scoped3A : memref<!tpu.dma_semaphore, #tpu.memory_space<semaphore_mem>>)
        %dma_wait3A = arith.constant 4704 : i32
        %dma_wait3A_110 = tpu.memref_slice %arg14[%dma_wait3A] : memref<5376xf32, #tpu.memory_space<vmem>> -> memref<640xf32, #tpu.memory_space<vmem>>
        %dma_wait3A_111 = tpu.memref_slice %arg7[%add3A_103] : memref<160000xf32, #tpu.memory_space<hbm>> -> memref<640xf32, #tpu.memory_space<hbm>>
        %dma_wait3A_112 = tpu.memref_slice %arg7[%add3A_103] : memref<160000xf32, #tpu.memory_space<hbm>> -> memref<640xf32, #tpu.memory_space<hbm>>
        %dma_wait3A_113 = arith.constant 4704 : i32
        %dma_wait3A_114 = tpu.memref_slice %arg14[%dma_wait3A_113] : memref<5376xf32, #tpu.memory_space<vmem>> -> memref<640xf32, #tpu.memory_space<vmem>>
        tpu.wait_dma2 semaphore(%run_scoped3A : memref<!tpu.dma_semaphore, #tpu.memory_space<semaphore_mem>>) src(%dma_wait3A_114 : memref<640xf32, #tpu.memory_space<vmem>>) dst(%dma_wait3A_112 : memref<640xf32, #tpu.memory_space<hbm>>)
        tpu.yield
      }) : () -> ()
    } else {
    }
    %not3A_62 = arith.constant true
    %not3A_63 = arith.xori %lt3A_1, %not3A_62 : i1
    %not3A_64 = arith.constant true
    %not3A_65 = arith.xori %eq3A_12, %not3A_64 : i1
    %and3A = arith.andi %not3A_63, %not3A_65 : i1
    %convert_element_type3A_66 = arith.extui %and3A : i1 to i32
    %cond3A_67 = arith.constant 0 : i32
    %cond3A_68 = arith.cmpi ne, %convert_element_type3A_66, %cond3A_67 : i32
    scf.if %cond3A_68 {
      %mul3A_72 = arith.constant 128 : i32
      %mul3A_73 = arith.muli %select_n3A, %mul3A_72 : i32
      %add3A_74 = arith.constant 0 : i32
      %add3A_75 = arith.addi %add3A_74, %mul3A_73 : i32
      "tpu.region"() ({
        %run_scoped3A = tpu.sem_alloc : memref<!tpu.dma_semaphore, #tpu.memory_space<semaphore_mem>>
        %dma_start3A_104 = arith.constant 0 : i32
        %dma_start3A_105 = tpu.memref_slice %arg14[%dma_start3A_104] : memref<5376xf32, #tpu.memory_space<vmem>> -> memref<512xf32, #tpu.memory_space<vmem>>
        %dma_start3A_106 = tpu.memref_slice %arg7[%add3A_75] : memref<160000xf32, #tpu.memory_space<hbm>> -> memref<512xf32, #tpu.memory_space<hbm>>
        %dma_start3A_107 = tpu.memref_slice %arg7[%add3A_75] : memref<160000xf32, #tpu.memory_space<hbm>> -> memref<512xf32, #tpu.memory_space<hbm>>
        %dma_start3A_108 = arith.constant 0 : i32
        %dma_start3A_109 = tpu.memref_slice %arg14[%dma_start3A_108] : memref<5376xf32, #tpu.memory_space<vmem>> -> memref<512xf32, #tpu.memory_space<vmem>>
        tpu.enqueue_dma source(%dma_start3A_109 : memref<512xf32, #tpu.memory_space<vmem>>) target(%dma_start3A_107 : memref<512xf32, #tpu.memory_space<hbm>>) target_semaphore(%run_scoped3A : memref<!tpu.dma_semaphore, #tpu.memory_space<semaphore_mem>>)
        %dma_wait3A = arith.constant 0 : i32
        %dma_wait3A_110 = tpu.memref_slice %arg14[%dma_wait3A] : memref<5376xf32, #tpu.memory_space<vmem>> -> memref<512xf32, #tpu.memory_space<vmem>>
        %dma_wait3A_111 = tpu.memref_slice %arg7[%add3A_75] : memref<160000xf32, #tpu.memory_space<hbm>> -> memref<512xf32, #tpu.memory_space<hbm>>
        %dma_wait3A_112 = tpu.memref_slice %arg7[%add3A_75] : memref<160000xf32, #tpu.memory_space<hbm>> -> memref<512xf32, #tpu.memory_space<hbm>>
        %dma_wait3A_113 = arith.constant 0 : i32
        %dma_wait3A_114 = tpu.memref_slice %arg14[%dma_wait3A_113] : memref<5376xf32, #tpu.memory_space<vmem>> -> memref<512xf32, #tpu.memory_space<vmem>>
        tpu.wait_dma2 semaphore(%run_scoped3A : memref<!tpu.dma_semaphore, #tpu.memory_space<semaphore_mem>>) src(%dma_wait3A_114 : memref<512xf32, #tpu.memory_space<vmem>>) dst(%dma_wait3A_112 : memref<512xf32, #tpu.memory_space<hbm>>)
        tpu.yield
      }) : () -> ()
      %mul3A_76 = arith.constant 128 : i32
      %mul3A_77 = arith.muli %select_n3A, %mul3A_76 : i32
      %add3A_78 = arith.constant 20000 : i32
      %add3A_79 = arith.addi %add3A_78, %mul3A_77 : i32
      "tpu.region"() ({
        %run_scoped3A = tpu.sem_alloc : memref<!tpu.dma_semaphore, #tpu.memory_space<semaphore_mem>>
        %dma_start3A_104 = arith.constant 672 : i32
        %dma_start3A_105 = tpu.memref_slice %arg14[%dma_start3A_104] : memref<5376xf32, #tpu.memory_space<vmem>> -> memref<512xf32, #tpu.memory_space<vmem>>
        %dma_start3A_106 = tpu.memref_slice %arg7[%add3A_79] : memref<160000xf32, #tpu.memory_space<hbm>> -> memref<512xf32, #tpu.memory_space<hbm>>
        %dma_start3A_107 = tpu.memref_slice %arg7[%add3A_79] : memref<160000xf32, #tpu.memory_space<hbm>> -> memref<512xf32, #tpu.memory_space<hbm>>
        %dma_start3A_108 = arith.constant 672 : i32
        %dma_start3A_109 = tpu.memref_slice %arg14[%dma_start3A_108] : memref<5376xf32, #tpu.memory_space<vmem>> -> memref<512xf32, #tpu.memory_space<vmem>>
        tpu.enqueue_dma source(%dma_start3A_109 : memref<512xf32, #tpu.memory_space<vmem>>) target(%dma_start3A_107 : memref<512xf32, #tpu.memory_space<hbm>>) target_semaphore(%run_scoped3A : memref<!tpu.dma_semaphore, #tpu.memory_space<semaphore_mem>>)
        %dma_wait3A = arith.constant 672 : i32
        %dma_wait3A_110 = tpu.memref_slice %arg14[%dma_wait3A] : memref<5376xf32, #tpu.memory_space<vmem>> -> memref<512xf32, #tpu.memory_space<vmem>>
        %dma_wait3A_111 = tpu.memref_slice %arg7[%add3A_79] : memref<160000xf32, #tpu.memory_space<hbm>> -> memref<512xf32, #tpu.memory_space<hbm>>
        %dma_wait3A_112 = tpu.memref_slice %arg7[%add3A_79] : memref<160000xf32, #tpu.memory_space<hbm>> -> memref<512xf32, #tpu.memory_space<hbm>>
        %dma_wait3A_113 = arith.constant 672 : i32
        %dma_wait3A_114 = tpu.memref_slice %arg14[%dma_wait3A_113] : memref<5376xf32, #tpu.memory_space<vmem>> -> memref<512xf32, #tpu.memory_space<vmem>>
        tpu.wait_dma2 semaphore(%run_scoped3A : memref<!tpu.dma_semaphore, #tpu.memory_space<semaphore_mem>>) src(%dma_wait3A_114 : memref<512xf32, #tpu.memory_space<vmem>>) dst(%dma_wait3A_112 : memref<512xf32, #tpu.memory_space<hbm>>)
        tpu.yield
      }) : () -> ()
      %mul3A_80 = arith.constant 128 : i32
      %mul3A_81 = arith.muli %select_n3A, %mul3A_80 : i32
      %add3A_82 = arith.constant 40000 : i32
      %add3A_83 = arith.addi %add3A_82, %mul3A_81 : i32
      "tpu.region"() ({
        %run_scoped3A = tpu.sem_alloc : memref<!tpu.dma_semaphore, #tpu.memory_space<semaphore_mem>>
        %dma_start3A_104 = arith.constant 1344 : i32
        %dma_start3A_105 = tpu.memref_slice %arg14[%dma_start3A_104] : memref<5376xf32, #tpu.memory_space<vmem>> -> memref<512xf32, #tpu.memory_space<vmem>>
        %dma_start3A_106 = tpu.memref_slice %arg7[%add3A_83] : memref<160000xf32, #tpu.memory_space<hbm>> -> memref<512xf32, #tpu.memory_space<hbm>>
        %dma_start3A_107 = tpu.memref_slice %arg7[%add3A_83] : memref<160000xf32, #tpu.memory_space<hbm>> -> memref<512xf32, #tpu.memory_space<hbm>>
        %dma_start3A_108 = arith.constant 1344 : i32
        %dma_start3A_109 = tpu.memref_slice %arg14[%dma_start3A_108] : memref<5376xf32, #tpu.memory_space<vmem>> -> memref<512xf32, #tpu.memory_space<vmem>>
        tpu.enqueue_dma source(%dma_start3A_109 : memref<512xf32, #tpu.memory_space<vmem>>) target(%dma_start3A_107 : memref<512xf32, #tpu.memory_space<hbm>>) target_semaphore(%run_scoped3A : memref<!tpu.dma_semaphore, #tpu.memory_space<semaphore_mem>>)
        %dma_wait3A = arith.constant 1344 : i32
        %dma_wait3A_110 = tpu.memref_slice %arg14[%dma_wait3A] : memref<5376xf32, #tpu.memory_space<vmem>> -> memref<512xf32, #tpu.memory_space<vmem>>
        %dma_wait3A_111 = tpu.memref_slice %arg7[%add3A_83] : memref<160000xf32, #tpu.memory_space<hbm>> -> memref<512xf32, #tpu.memory_space<hbm>>
        %dma_wait3A_112 = tpu.memref_slice %arg7[%add3A_83] : memref<160000xf32, #tpu.memory_space<hbm>> -> memref<512xf32, #tpu.memory_space<hbm>>
        %dma_wait3A_113 = arith.constant 1344 : i32
        %dma_wait3A_114 = tpu.memref_slice %arg14[%dma_wait3A_113] : memref<5376xf32, #tpu.memory_space<vmem>> -> memref<512xf32, #tpu.memory_space<vmem>>
        tpu.wait_dma2 semaphore(%run_scoped3A : memref<!tpu.dma_semaphore, #tpu.memory_space<semaphore_mem>>) src(%dma_wait3A_114 : memref<512xf32, #tpu.memory_space<vmem>>) dst(%dma_wait3A_112 : memref<512xf32, #tpu.memory_space<hbm>>)
        tpu.yield
      }) : () -> ()
      %mul3A_84 = arith.constant 128 : i32
      %mul3A_85 = arith.muli %select_n3A, %mul3A_84 : i32
      %add3A_86 = arith.constant 60000 : i32
      %add3A_87 = arith.addi %add3A_86, %mul3A_85 : i32
      "tpu.region"() ({
        %run_scoped3A = tpu.sem_alloc : memref<!tpu.dma_semaphore, #tpu.memory_space<semaphore_mem>>
        %dma_start3A_104 = arith.constant 2016 : i32
        %dma_start3A_105 = tpu.memref_slice %arg14[%dma_start3A_104] : memref<5376xf32, #tpu.memory_space<vmem>> -> memref<512xf32, #tpu.memory_space<vmem>>
        %dma_start3A_106 = tpu.memref_slice %arg7[%add3A_87] : memref<160000xf32, #tpu.memory_space<hbm>> -> memref<512xf32, #tpu.memory_space<hbm>>
        %dma_start3A_107 = tpu.memref_slice %arg7[%add3A_87] : memref<160000xf32, #tpu.memory_space<hbm>> -> memref<512xf32, #tpu.memory_space<hbm>>
        %dma_start3A_108 = arith.constant 2016 : i32
        %dma_start3A_109 = tpu.memref_slice %arg14[%dma_start3A_108] : memref<5376xf32, #tpu.memory_space<vmem>> -> memref<512xf32, #tpu.memory_space<vmem>>
        tpu.enqueue_dma source(%dma_start3A_109 : memref<512xf32, #tpu.memory_space<vmem>>) target(%dma_start3A_107 : memref<512xf32, #tpu.memory_space<hbm>>) target_semaphore(%run_scoped3A : memref<!tpu.dma_semaphore, #tpu.memory_space<semaphore_mem>>)
        %dma_wait3A = arith.constant 2016 : i32
        %dma_wait3A_110 = tpu.memref_slice %arg14[%dma_wait3A] : memref<5376xf32, #tpu.memory_space<vmem>> -> memref<512xf32, #tpu.memory_space<vmem>>
        %dma_wait3A_111 = tpu.memref_slice %arg7[%add3A_87] : memref<160000xf32, #tpu.memory_space<hbm>> -> memref<512xf32, #tpu.memory_space<hbm>>
        %dma_wait3A_112 = tpu.memref_slice %arg7[%add3A_87] : memref<160000xf32, #tpu.memory_space<hbm>> -> memref<512xf32, #tpu.memory_space<hbm>>
        %dma_wait3A_113 = arith.constant 2016 : i32
        %dma_wait3A_114 = tpu.memref_slice %arg14[%dma_wait3A_113] : memref<5376xf32, #tpu.memory_space<vmem>> -> memref<512xf32, #tpu.memory_space<vmem>>
        tpu.wait_dma2 semaphore(%run_scoped3A : memref<!tpu.dma_semaphore, #tpu.memory_space<semaphore_mem>>) src(%dma_wait3A_114 : memref<512xf32, #tpu.memory_space<vmem>>) dst(%dma_wait3A_112 : memref<512xf32, #tpu.memory_space<hbm>>)
        tpu.yield
      }) : () -> ()
      %mul3A_88 = arith.constant 128 : i32
      %mul3A_89 = arith.muli %select_n3A, %mul3A_88 : i32
      %add3A_90 = arith.constant 80000 : i32
      %add3A_91 = arith.addi %add3A_90, %mul3A_89 : i32
      "tpu.region"() ({
        %run_scoped3A = tpu.sem_alloc : memref<!tpu.dma_semaphore, #tpu.memory_space<semaphore_mem>>
        %dma_start3A_104 = arith.constant 2688 : i32
        %dma_start3A_105 = tpu.memref_slice %arg14[%dma_start3A_104] : memref<5376xf32, #tpu.memory_space<vmem>> -> memref<512xf32, #tpu.memory_space<vmem>>
        %dma_start3A_106 = tpu.memref_slice %arg7[%add3A_91] : memref<160000xf32, #tpu.memory_space<hbm>> -> memref<512xf32, #tpu.memory_space<hbm>>
        %dma_start3A_107 = tpu.memref_slice %arg7[%add3A_91] : memref<160000xf32, #tpu.memory_space<hbm>> -> memref<512xf32, #tpu.memory_space<hbm>>
        %dma_start3A_108 = arith.constant 2688 : i32
        %dma_start3A_109 = tpu.memref_slice %arg14[%dma_start3A_108] : memref<5376xf32, #tpu.memory_space<vmem>> -> memref<512xf32, #tpu.memory_space<vmem>>
        tpu.enqueue_dma source(%dma_start3A_109 : memref<512xf32, #tpu.memory_space<vmem>>) target(%dma_start3A_107 : memref<512xf32, #tpu.memory_space<hbm>>) target_semaphore(%run_scoped3A : memref<!tpu.dma_semaphore, #tpu.memory_space<semaphore_mem>>)
        %dma_wait3A = arith.constant 2688 : i32
        %dma_wait3A_110 = tpu.memref_slice %arg14[%dma_wait3A] : memref<5376xf32, #tpu.memory_space<vmem>> -> memref<512xf32, #tpu.memory_space<vmem>>
        %dma_wait3A_111 = tpu.memref_slice %arg7[%add3A_91] : memref<160000xf32, #tpu.memory_space<hbm>> -> memref<512xf32, #tpu.memory_space<hbm>>
        %dma_wait3A_112 = tpu.memref_slice %arg7[%add3A_91] : memref<160000xf32, #tpu.memory_space<hbm>> -> memref<512xf32, #tpu.memory_space<hbm>>
        %dma_wait3A_113 = arith.constant 2688 : i32
        %dma_wait3A_114 = tpu.memref_slice %arg14[%dma_wait3A_113] : memref<5376xf32, #tpu.memory_space<vmem>> -> memref<512xf32, #tpu.memory_space<vmem>>
        tpu.wait_dma2 semaphore(%run_scoped3A : memref<!tpu.dma_semaphore, #tpu.memory_space<semaphore_mem>>) src(%dma_wait3A_114 : memref<512xf32, #tpu.memory_space<vmem>>) dst(%dma_wait3A_112 : memref<512xf32, #tpu.memory_space<hbm>>)
        tpu.yield
      }) : () -> ()
      %mul3A_92 = arith.constant 128 : i32
      %mul3A_93 = arith.muli %select_n3A, %mul3A_92 : i32
      %add3A_94 = arith.constant 100000 : i32
      %add3A_95 = arith.addi %add3A_94, %mul3A_93 : i32
      "tpu.region"() ({
        %run_scoped3A = tpu.sem_alloc : memref<!tpu.dma_semaphore, #tpu.memory_space<semaphore_mem>>
        %dma_start3A_104 = arith.constant 3360 : i32
        %dma_start3A_105 = tpu.memref_slice %arg14[%dma_start3A_104] : memref<5376xf32, #tpu.memory_space<vmem>> -> memref<512xf32, #tpu.memory_space<vmem>>
        %dma_start3A_106 = tpu.memref_slice %arg7[%add3A_95] : memref<160000xf32, #tpu.memory_space<hbm>> -> memref<512xf32, #tpu.memory_space<hbm>>
        %dma_start3A_107 = tpu.memref_slice %arg7[%add3A_95] : memref<160000xf32, #tpu.memory_space<hbm>> -> memref<512xf32, #tpu.memory_space<hbm>>
        %dma_start3A_108 = arith.constant 3360 : i32
        %dma_start3A_109 = tpu.memref_slice %arg14[%dma_start3A_108] : memref<5376xf32, #tpu.memory_space<vmem>> -> memref<512xf32, #tpu.memory_space<vmem>>
        tpu.enqueue_dma source(%dma_start3A_109 : memref<512xf32, #tpu.memory_space<vmem>>) target(%dma_start3A_107 : memref<512xf32, #tpu.memory_space<hbm>>) target_semaphore(%run_scoped3A : memref<!tpu.dma_semaphore, #tpu.memory_space<semaphore_mem>>)
        %dma_wait3A = arith.constant 3360 : i32
        %dma_wait3A_110 = tpu.memref_slice %arg14[%dma_wait3A] : memref<5376xf32, #tpu.memory_space<vmem>> -> memref<512xf32, #tpu.memory_space<vmem>>
        %dma_wait3A_111 = tpu.memref_slice %arg7[%add3A_95] : memref<160000xf32, #tpu.memory_space<hbm>> -> memref<512xf32, #tpu.memory_space<hbm>>
        %dma_wait3A_112 = tpu.memref_slice %arg7[%add3A_95] : memref<160000xf32, #tpu.memory_space<hbm>> -> memref<512xf32, #tpu.memory_space<hbm>>
        %dma_wait3A_113 = arith.constant 3360 : i32
        %dma_wait3A_114 = tpu.memref_slice %arg14[%dma_wait3A_113] : memref<5376xf32, #tpu.memory_space<vmem>> -> memref<512xf32, #tpu.memory_space<vmem>>
        tpu.wait_dma2 semaphore(%run_scoped3A : memref<!tpu.dma_semaphore, #tpu.memory_space<semaphore_mem>>) src(%dma_wait3A_114 : memref<512xf32, #tpu.memory_space<vmem>>) dst(%dma_wait3A_112 : memref<512xf32, #tpu.memory_space<hbm>>)
        tpu.yield
      }) : () -> ()
      %mul3A_96 = arith.constant 128 : i32
      %mul3A_97 = arith.muli %select_n3A, %mul3A_96 : i32
      %add3A_98 = arith.constant 120000 : i32
      %add3A_99 = arith.addi %add3A_98, %mul3A_97 : i32
      "tpu.region"() ({
        %run_scoped3A = tpu.sem_alloc : memref<!tpu.dma_semaphore, #tpu.memory_space<semaphore_mem>>
        %dma_start3A_104 = arith.constant 4032 : i32
        %dma_start3A_105 = tpu.memref_slice %arg14[%dma_start3A_104] : memref<5376xf32, #tpu.memory_space<vmem>> -> memref<512xf32, #tpu.memory_space<vmem>>
        %dma_start3A_106 = tpu.memref_slice %arg7[%add3A_99] : memref<160000xf32, #tpu.memory_space<hbm>> -> memref<512xf32, #tpu.memory_space<hbm>>
        %dma_start3A_107 = tpu.memref_slice %arg7[%add3A_99] : memref<160000xf32, #tpu.memory_space<hbm>> -> memref<512xf32, #tpu.memory_space<hbm>>
        %dma_start3A_108 = arith.constant 4032 : i32
        %dma_start3A_109 = tpu.memref_slice %arg14[%dma_start3A_108] : memref<5376xf32, #tpu.memory_space<vmem>> -> memref<512xf32, #tpu.memory_space<vmem>>
        tpu.enqueue_dma source(%dma_start3A_109 : memref<512xf32, #tpu.memory_space<vmem>>) target(%dma_start3A_107 : memref<512xf32, #tpu.memory_space<hbm>>) target_semaphore(%run_scoped3A : memref<!tpu.dma_semaphore, #tpu.memory_space<semaphore_mem>>)
        %dma_wait3A = arith.constant 4032 : i32
        %dma_wait3A_110 = tpu.memref_slice %arg14[%dma_wait3A] : memref<5376xf32, #tpu.memory_space<vmem>> -> memref<512xf32, #tpu.memory_space<vmem>>
        %dma_wait3A_111 = tpu.memref_slice %arg7[%add3A_99] : memref<160000xf32, #tpu.memory_space<hbm>> -> memref<512xf32, #tpu.memory_space<hbm>>
        %dma_wait3A_112 = tpu.memref_slice %arg7[%add3A_99] : memref<160000xf32, #tpu.memory_space<hbm>> -> memref<512xf32, #tpu.memory_space<hbm>>
        %dma_wait3A_113 = arith.constant 4032 : i32
        %dma_wait3A_114 = tpu.memref_slice %arg14[%dma_wait3A_113] : memref<5376xf32, #tpu.memory_space<vmem>> -> memref<512xf32, #tpu.memory_space<vmem>>
        tpu.wait_dma2 semaphore(%run_scoped3A : memref<!tpu.dma_semaphore, #tpu.memory_space<semaphore_mem>>) src(%dma_wait3A_114 : memref<512xf32, #tpu.memory_space<vmem>>) dst(%dma_wait3A_112 : memref<512xf32, #tpu.memory_space<hbm>>)
        tpu.yield
      }) : () -> ()
      %mul3A_100 = arith.constant 128 : i32
      %mul3A_101 = arith.muli %select_n3A, %mul3A_100 : i32
      %add3A_102 = arith.constant 140000 : i32
      %add3A_103 = arith.addi %add3A_102, %mul3A_101 : i32
      "tpu.region"() ({
        %run_scoped3A = tpu.sem_alloc : memref<!tpu.dma_semaphore, #tpu.memory_space<semaphore_mem>>
        %dma_start3A_104 = arith.constant 4704 : i32
        %dma_start3A_105 = tpu.memref_slice %arg14[%dma_start3A_104] : memref<5376xf32, #tpu.memory_space<vmem>> -> memref<512xf32, #tpu.memory_space<vmem>>
        %dma_start3A_106 = tpu.memref_slice %arg7[%add3A_103] : memref<160000xf32, #tpu.memory_space<hbm>> -> memref<512xf32, #tpu.memory_space<hbm>>
        %dma_start3A_107 = tpu.memref_slice %arg7[%add3A_103] : memref<160000xf32, #tpu.memory_space<hbm>> -> memref<512xf32, #tpu.memory_space<hbm>>
        %dma_start3A_108 = arith.constant 4704 : i32
        %dma_start3A_109 = tpu.memref_slice %arg14[%dma_start3A_108] : memref<5376xf32, #tpu.memory_space<vmem>> -> memref<512xf32, #tpu.memory_space<vmem>>
        tpu.enqueue_dma source(%dma_start3A_109 : memref<512xf32, #tpu.memory_space<vmem>>) target(%dma_start3A_107 : memref<512xf32, #tpu.memory_space<hbm>>) target_semaphore(%run_scoped3A : memref<!tpu.dma_semaphore, #tpu.memory_space<semaphore_mem>>)
        %dma_wait3A = arith.constant 4704 : i32
        %dma_wait3A_110 = tpu.memref_slice %arg14[%dma_wait3A] : memref<5376xf32, #tpu.memory_space<vmem>> -> memref<512xf32, #tpu.memory_space<vmem>>
        %dma_wait3A_111 = tpu.memref_slice %arg7[%add3A_103] : memref<160000xf32, #tpu.memory_space<hbm>> -> memref<512xf32, #tpu.memory_space<hbm>>
        %dma_wait3A_112 = tpu.memref_slice %arg7[%add3A_103] : memref<160000xf32, #tpu.memory_space<hbm>> -> memref<512xf32, #tpu.memory_space<hbm>>
        %dma_wait3A_113 = arith.constant 4704 : i32
        %dma_wait3A_114 = tpu.memref_slice %arg14[%dma_wait3A_113] : memref<5376xf32, #tpu.memory_space<vmem>> -> memref<512xf32, #tpu.memory_space<vmem>>
        tpu.wait_dma2 semaphore(%run_scoped3A : memref<!tpu.dma_semaphore, #tpu.memory_space<semaphore_mem>>) src(%dma_wait3A_114 : memref<512xf32, #tpu.memory_space<vmem>>) dst(%dma_wait3A_112 : memref<512xf32, #tpu.memory_space<hbm>>)
        tpu.yield
      }) : () -> ()
    } else {
    }
    %convert_element_type3A_69 = arith.extui %eq3A_12 : i1 to i32
    %cond3A_70 = arith.constant 0 : i32
    %cond3A_71 = arith.cmpi ne, %convert_element_type3A_69, %cond3A_70 : i32
    scf.if %cond3A_71 {
      %mul3A_72 = arith.constant 128 : i32
      %mul3A_73 = arith.muli %select_n3A, %mul3A_72 : i32
      %add3A_74 = arith.constant 0 : i32
      %add3A_75 = arith.addi %add3A_74, %mul3A_73 : i32
      "tpu.region"() ({
        %run_scoped3A = tpu.sem_alloc : memref<!tpu.dma_semaphore, #tpu.memory_space<semaphore_mem>>
        %dma_start3A_104 = arith.constant 0 : i32
        %dma_start3A_105 = tpu.memref_slice %arg14[%dma_start3A_104] : memref<5376xf32, #tpu.memory_space<vmem>> -> memref<544xf32, #tpu.memory_space<vmem>>
        %dma_start3A_106 = tpu.memref_slice %arg7[%add3A_75] : memref<160000xf32, #tpu.memory_space<hbm>> -> memref<544xf32, #tpu.memory_space<hbm>>
        %dma_start3A_107 = tpu.memref_slice %arg7[%add3A_75] : memref<160000xf32, #tpu.memory_space<hbm>> -> memref<544xf32, #tpu.memory_space<hbm>>
        %dma_start3A_108 = arith.constant 0 : i32
        %dma_start3A_109 = tpu.memref_slice %arg14[%dma_start3A_108] : memref<5376xf32, #tpu.memory_space<vmem>> -> memref<544xf32, #tpu.memory_space<vmem>>
        tpu.enqueue_dma source(%dma_start3A_109 : memref<544xf32, #tpu.memory_space<vmem>>) target(%dma_start3A_107 : memref<544xf32, #tpu.memory_space<hbm>>) target_semaphore(%run_scoped3A : memref<!tpu.dma_semaphore, #tpu.memory_space<semaphore_mem>>)
        %dma_wait3A = arith.constant 0 : i32
        %dma_wait3A_110 = tpu.memref_slice %arg14[%dma_wait3A] : memref<5376xf32, #tpu.memory_space<vmem>> -> memref<544xf32, #tpu.memory_space<vmem>>
        %dma_wait3A_111 = tpu.memref_slice %arg7[%add3A_75] : memref<160000xf32, #tpu.memory_space<hbm>> -> memref<544xf32, #tpu.memory_space<hbm>>
        %dma_wait3A_112 = tpu.memref_slice %arg7[%add3A_75] : memref<160000xf32, #tpu.memory_space<hbm>> -> memref<544xf32, #tpu.memory_space<hbm>>
        %dma_wait3A_113 = arith.constant 0 : i32
        %dma_wait3A_114 = tpu.memref_slice %arg14[%dma_wait3A_113] : memref<5376xf32, #tpu.memory_space<vmem>> -> memref<544xf32, #tpu.memory_space<vmem>>
        tpu.wait_dma2 semaphore(%run_scoped3A : memref<!tpu.dma_semaphore, #tpu.memory_space<semaphore_mem>>) src(%dma_wait3A_114 : memref<544xf32, #tpu.memory_space<vmem>>) dst(%dma_wait3A_112 : memref<544xf32, #tpu.memory_space<hbm>>)
        tpu.yield
      }) : () -> ()
      %mul3A_76 = arith.constant 128 : i32
      %mul3A_77 = arith.muli %select_n3A, %mul3A_76 : i32
      %add3A_78 = arith.constant 20000 : i32
      %add3A_79 = arith.addi %add3A_78, %mul3A_77 : i32
      "tpu.region"() ({
        %run_scoped3A = tpu.sem_alloc : memref<!tpu.dma_semaphore, #tpu.memory_space<semaphore_mem>>
        %dma_start3A_104 = arith.constant 672 : i32
        %dma_start3A_105 = tpu.memref_slice %arg14[%dma_start3A_104] : memref<5376xf32, #tpu.memory_space<vmem>> -> memref<544xf32, #tpu.memory_space<vmem>>
        %dma_start3A_106 = tpu.memref_slice %arg7[%add3A_79] : memref<160000xf32, #tpu.memory_space<hbm>> -> memref<544xf32, #tpu.memory_space<hbm>>
        %dma_start3A_107 = tpu.memref_slice %arg7[%add3A_79] : memref<160000xf32, #tpu.memory_space<hbm>> -> memref<544xf32, #tpu.memory_space<hbm>>
        %dma_start3A_108 = arith.constant 672 : i32
        %dma_start3A_109 = tpu.memref_slice %arg14[%dma_start3A_108] : memref<5376xf32, #tpu.memory_space<vmem>> -> memref<544xf32, #tpu.memory_space<vmem>>
        tpu.enqueue_dma source(%dma_start3A_109 : memref<544xf32, #tpu.memory_space<vmem>>) target(%dma_start3A_107 : memref<544xf32, #tpu.memory_space<hbm>>) target_semaphore(%run_scoped3A : memref<!tpu.dma_semaphore, #tpu.memory_space<semaphore_mem>>)
        %dma_wait3A = arith.constant 672 : i32
        %dma_wait3A_110 = tpu.memref_slice %arg14[%dma_wait3A] : memref<5376xf32, #tpu.memory_space<vmem>> -> memref<544xf32, #tpu.memory_space<vmem>>
        %dma_wait3A_111 = tpu.memref_slice %arg7[%add3A_79] : memref<160000xf32, #tpu.memory_space<hbm>> -> memref<544xf32, #tpu.memory_space<hbm>>
        %dma_wait3A_112 = tpu.memref_slice %arg7[%add3A_79] : memref<160000xf32, #tpu.memory_space<hbm>> -> memref<544xf32, #tpu.memory_space<hbm>>
        %dma_wait3A_113 = arith.constant 672 : i32
        %dma_wait3A_114 = tpu.memref_slice %arg14[%dma_wait3A_113] : memref<5376xf32, #tpu.memory_space<vmem>> -> memref<544xf32, #tpu.memory_space<vmem>>
        tpu.wait_dma2 semaphore(%run_scoped3A : memref<!tpu.dma_semaphore, #tpu.memory_space<semaphore_mem>>) src(%dma_wait3A_114 : memref<544xf32, #tpu.memory_space<vmem>>) dst(%dma_wait3A_112 : memref<544xf32, #tpu.memory_space<hbm>>)
        tpu.yield
      }) : () -> ()
      %mul3A_80 = arith.constant 128 : i32
      %mul3A_81 = arith.muli %select_n3A, %mul3A_80 : i32
      %add3A_82 = arith.constant 40000 : i32
      %add3A_83 = arith.addi %add3A_82, %mul3A_81 : i32
      "tpu.region"() ({
        %run_scoped3A = tpu.sem_alloc : memref<!tpu.dma_semaphore, #tpu.memory_space<semaphore_mem>>
        %dma_start3A_104 = arith.constant 1344 : i32
        %dma_start3A_105 = tpu.memref_slice %arg14[%dma_start3A_104] : memref<5376xf32, #tpu.memory_space<vmem>> -> memref<544xf32, #tpu.memory_space<vmem>>
        %dma_start3A_106 = tpu.memref_slice %arg7[%add3A_83] : memref<160000xf32, #tpu.memory_space<hbm>> -> memref<544xf32, #tpu.memory_space<hbm>>
        %dma_start3A_107 = tpu.memref_slice %arg7[%add3A_83] : memref<160000xf32, #tpu.memory_space<hbm>> -> memref<544xf32, #tpu.memory_space<hbm>>
        %dma_start3A_108 = arith.constant 1344 : i32
        %dma_start3A_109 = tpu.memref_slice %arg14[%dma_start3A_108] : memref<5376xf32, #tpu.memory_space<vmem>> -> memref<544xf32, #tpu.memory_space<vmem>>
        tpu.enqueue_dma source(%dma_start3A_109 : memref<544xf32, #tpu.memory_space<vmem>>) target(%dma_start3A_107 : memref<544xf32, #tpu.memory_space<hbm>>) target_semaphore(%run_scoped3A : memref<!tpu.dma_semaphore, #tpu.memory_space<semaphore_mem>>)
        %dma_wait3A = arith.constant 1344 : i32
        %dma_wait3A_110 = tpu.memref_slice %arg14[%dma_wait3A] : memref<5376xf32, #tpu.memory_space<vmem>> -> memref<544xf32, #tpu.memory_space<vmem>>
        %dma_wait3A_111 = tpu.memref_slice %arg7[%add3A_83] : memref<160000xf32, #tpu.memory_space<hbm>> -> memref<544xf32, #tpu.memory_space<hbm>>
        %dma_wait3A_112 = tpu.memref_slice %arg7[%add3A_83] : memref<160000xf32, #tpu.memory_space<hbm>> -> memref<544xf32, #tpu.memory_space<hbm>>
        %dma_wait3A_113 = arith.constant 1344 : i32
        %dma_wait3A_114 = tpu.memref_slice %arg14[%dma_wait3A_113] : memref<5376xf32, #tpu.memory_space<vmem>> -> memref<544xf32, #tpu.memory_space<vmem>>
        tpu.wait_dma2 semaphore(%run_scoped3A : memref<!tpu.dma_semaphore, #tpu.memory_space<semaphore_mem>>) src(%dma_wait3A_114 : memref<544xf32, #tpu.memory_space<vmem>>) dst(%dma_wait3A_112 : memref<544xf32, #tpu.memory_space<hbm>>)
        tpu.yield
      }) : () -> ()
      %mul3A_84 = arith.constant 128 : i32
      %mul3A_85 = arith.muli %select_n3A, %mul3A_84 : i32
      %add3A_86 = arith.constant 60000 : i32
      %add3A_87 = arith.addi %add3A_86, %mul3A_85 : i32
      "tpu.region"() ({
        %run_scoped3A = tpu.sem_alloc : memref<!tpu.dma_semaphore, #tpu.memory_space<semaphore_mem>>
        %dma_start3A_104 = arith.constant 2016 : i32
        %dma_start3A_105 = tpu.memref_slice %arg14[%dma_start3A_104] : memref<5376xf32, #tpu.memory_space<vmem>> -> memref<544xf32, #tpu.memory_space<vmem>>
        %dma_start3A_106 = tpu.memref_slice %arg7[%add3A_87] : memref<160000xf32, #tpu.memory_space<hbm>> -> memref<544xf32, #tpu.memory_space<hbm>>
        %dma_start3A_107 = tpu.memref_slice %arg7[%add3A_87] : memref<160000xf32, #tpu.memory_space<hbm>> -> memref<544xf32, #tpu.memory_space<hbm>>
        %dma_start3A_108 = arith.constant 2016 : i32
        %dma_start3A_109 = tpu.memref_slice %arg14[%dma_start3A_108] : memref<5376xf32, #tpu.memory_space<vmem>> -> memref<544xf32, #tpu.memory_space<vmem>>
        tpu.enqueue_dma source(%dma_start3A_109 : memref<544xf32, #tpu.memory_space<vmem>>) target(%dma_start3A_107 : memref<544xf32, #tpu.memory_space<hbm>>) target_semaphore(%run_scoped3A : memref<!tpu.dma_semaphore, #tpu.memory_space<semaphore_mem>>)
        %dma_wait3A = arith.constant 2016 : i32
        %dma_wait3A_110 = tpu.memref_slice %arg14[%dma_wait3A] : memref<5376xf32, #tpu.memory_space<vmem>> -> memref<544xf32, #tpu.memory_space<vmem>>
        %dma_wait3A_111 = tpu.memref_slice %arg7[%add3A_87] : memref<160000xf32, #tpu.memory_space<hbm>> -> memref<544xf32, #tpu.memory_space<hbm>>
        %dma_wait3A_112 = tpu.memref_slice %arg7[%add3A_87] : memref<160000xf32, #tpu.memory_space<hbm>> -> memref<544xf32, #tpu.memory_space<hbm>>
        %dma_wait3A_113 = arith.constant 2016 : i32
        %dma_wait3A_114 = tpu.memref_slice %arg14[%dma_wait3A_113] : memref<5376xf32, #tpu.memory_space<vmem>> -> memref<544xf32, #tpu.memory_space<vmem>>
        tpu.wait_dma2 semaphore(%run_scoped3A : memref<!tpu.dma_semaphore, #tpu.memory_space<semaphore_mem>>) src(%dma_wait3A_114 : memref<544xf32, #tpu.memory_space<vmem>>) dst(%dma_wait3A_112 : memref<544xf32, #tpu.memory_space<hbm>>)
        tpu.yield
      }) : () -> ()
      %mul3A_88 = arith.constant 128 : i32
      %mul3A_89 = arith.muli %select_n3A, %mul3A_88 : i32
      %add3A_90 = arith.constant 80000 : i32
      %add3A_91 = arith.addi %add3A_90, %mul3A_89 : i32
      "tpu.region"() ({
        %run_scoped3A = tpu.sem_alloc : memref<!tpu.dma_semaphore, #tpu.memory_space<semaphore_mem>>
        %dma_start3A_104 = arith.constant 2688 : i32
        %dma_start3A_105 = tpu.memref_slice %arg14[%dma_start3A_104] : memref<5376xf32, #tpu.memory_space<vmem>> -> memref<544xf32, #tpu.memory_space<vmem>>
        %dma_start3A_106 = tpu.memref_slice %arg7[%add3A_91] : memref<160000xf32, #tpu.memory_space<hbm>> -> memref<544xf32, #tpu.memory_space<hbm>>
        %dma_start3A_107 = tpu.memref_slice %arg7[%add3A_91] : memref<160000xf32, #tpu.memory_space<hbm>> -> memref<544xf32, #tpu.memory_space<hbm>>
        %dma_start3A_108 = arith.constant 2688 : i32
        %dma_start3A_109 = tpu.memref_slice %arg14[%dma_start3A_108] : memref<5376xf32, #tpu.memory_space<vmem>> -> memref<544xf32, #tpu.memory_space<vmem>>
        tpu.enqueue_dma source(%dma_start3A_109 : memref<544xf32, #tpu.memory_space<vmem>>) target(%dma_start3A_107 : memref<544xf32, #tpu.memory_space<hbm>>) target_semaphore(%run_scoped3A : memref<!tpu.dma_semaphore, #tpu.memory_space<semaphore_mem>>)
        %dma_wait3A = arith.constant 2688 : i32
        %dma_wait3A_110 = tpu.memref_slice %arg14[%dma_wait3A] : memref<5376xf32, #tpu.memory_space<vmem>> -> memref<544xf32, #tpu.memory_space<vmem>>
        %dma_wait3A_111 = tpu.memref_slice %arg7[%add3A_91] : memref<160000xf32, #tpu.memory_space<hbm>> -> memref<544xf32, #tpu.memory_space<hbm>>
        %dma_wait3A_112 = tpu.memref_slice %arg7[%add3A_91] : memref<160000xf32, #tpu.memory_space<hbm>> -> memref<544xf32, #tpu.memory_space<hbm>>
        %dma_wait3A_113 = arith.constant 2688 : i32
        %dma_wait3A_114 = tpu.memref_slice %arg14[%dma_wait3A_113] : memref<5376xf32, #tpu.memory_space<vmem>> -> memref<544xf32, #tpu.memory_space<vmem>>
        tpu.wait_dma2 semaphore(%run_scoped3A : memref<!tpu.dma_semaphore, #tpu.memory_space<semaphore_mem>>) src(%dma_wait3A_114 : memref<544xf32, #tpu.memory_space<vmem>>) dst(%dma_wait3A_112 : memref<544xf32, #tpu.memory_space<hbm>>)
        tpu.yield
      }) : () -> ()
      %mul3A_92 = arith.constant 128 : i32
      %mul3A_93 = arith.muli %select_n3A, %mul3A_92 : i32
      %add3A_94 = arith.constant 100000 : i32
      %add3A_95 = arith.addi %add3A_94, %mul3A_93 : i32
      "tpu.region"() ({
        %run_scoped3A = tpu.sem_alloc : memref<!tpu.dma_semaphore, #tpu.memory_space<semaphore_mem>>
        %dma_start3A_104 = arith.constant 3360 : i32
        %dma_start3A_105 = tpu.memref_slice %arg14[%dma_start3A_104] : memref<5376xf32, #tpu.memory_space<vmem>> -> memref<544xf32, #tpu.memory_space<vmem>>
        %dma_start3A_106 = tpu.memref_slice %arg7[%add3A_95] : memref<160000xf32, #tpu.memory_space<hbm>> -> memref<544xf32, #tpu.memory_space<hbm>>
        %dma_start3A_107 = tpu.memref_slice %arg7[%add3A_95] : memref<160000xf32, #tpu.memory_space<hbm>> -> memref<544xf32, #tpu.memory_space<hbm>>
        %dma_start3A_108 = arith.constant 3360 : i32
        %dma_start3A_109 = tpu.memref_slice %arg14[%dma_start3A_108] : memref<5376xf32, #tpu.memory_space<vmem>> -> memref<544xf32, #tpu.memory_space<vmem>>
        tpu.enqueue_dma source(%dma_start3A_109 : memref<544xf32, #tpu.memory_space<vmem>>) target(%dma_start3A_107 : memref<544xf32, #tpu.memory_space<hbm>>) target_semaphore(%run_scoped3A : memref<!tpu.dma_semaphore, #tpu.memory_space<semaphore_mem>>)
        %dma_wait3A = arith.constant 3360 : i32
        %dma_wait3A_110 = tpu.memref_slice %arg14[%dma_wait3A] : memref<5376xf32, #tpu.memory_space<vmem>> -> memref<544xf32, #tpu.memory_space<vmem>>
        %dma_wait3A_111 = tpu.memref_slice %arg7[%add3A_95] : memref<160000xf32, #tpu.memory_space<hbm>> -> memref<544xf32, #tpu.memory_space<hbm>>
        %dma_wait3A_112 = tpu.memref_slice %arg7[%add3A_95] : memref<160000xf32, #tpu.memory_space<hbm>> -> memref<544xf32, #tpu.memory_space<hbm>>
        %dma_wait3A_113 = arith.constant 3360 : i32
        %dma_wait3A_114 = tpu.memref_slice %arg14[%dma_wait3A_113] : memref<5376xf32, #tpu.memory_space<vmem>> -> memref<544xf32, #tpu.memory_space<vmem>>
        tpu.wait_dma2 semaphore(%run_scoped3A : memref<!tpu.dma_semaphore, #tpu.memory_space<semaphore_mem>>) src(%dma_wait3A_114 : memref<544xf32, #tpu.memory_space<vmem>>) dst(%dma_wait3A_112 : memref<544xf32, #tpu.memory_space<hbm>>)
        tpu.yield
      }) : () -> ()
      %mul3A_96 = arith.constant 128 : i32
      %mul3A_97 = arith.muli %select_n3A, %mul3A_96 : i32
      %add3A_98 = arith.constant 120000 : i32
      %add3A_99 = arith.addi %add3A_98, %mul3A_97 : i32
      "tpu.region"() ({
        %run_scoped3A = tpu.sem_alloc : memref<!tpu.dma_semaphore, #tpu.memory_space<semaphore_mem>>
        %dma_start3A_104 = arith.constant 4032 : i32
        %dma_start3A_105 = tpu.memref_slice %arg14[%dma_start3A_104] : memref<5376xf32, #tpu.memory_space<vmem>> -> memref<544xf32, #tpu.memory_space<vmem>>
        %dma_start3A_106 = tpu.memref_slice %arg7[%add3A_99] : memref<160000xf32, #tpu.memory_space<hbm>> -> memref<544xf32, #tpu.memory_space<hbm>>
        %dma_start3A_107 = tpu.memref_slice %arg7[%add3A_99] : memref<160000xf32, #tpu.memory_space<hbm>> -> memref<544xf32, #tpu.memory_space<hbm>>
        %dma_start3A_108 = arith.constant 4032 : i32
        %dma_start3A_109 = tpu.memref_slice %arg14[%dma_start3A_108] : memref<5376xf32, #tpu.memory_space<vmem>> -> memref<544xf32, #tpu.memory_space<vmem>>
        tpu.enqueue_dma source(%dma_start3A_109 : memref<544xf32, #tpu.memory_space<vmem>>) target(%dma_start3A_107 : memref<544xf32, #tpu.memory_space<hbm>>) target_semaphore(%run_scoped3A : memref<!tpu.dma_semaphore, #tpu.memory_space<semaphore_mem>>)
        %dma_wait3A = arith.constant 4032 : i32
        %dma_wait3A_110 = tpu.memref_slice %arg14[%dma_wait3A] : memref<5376xf32, #tpu.memory_space<vmem>> -> memref<544xf32, #tpu.memory_space<vmem>>
        %dma_wait3A_111 = tpu.memref_slice %arg7[%add3A_99] : memref<160000xf32, #tpu.memory_space<hbm>> -> memref<544xf32, #tpu.memory_space<hbm>>
        %dma_wait3A_112 = tpu.memref_slice %arg7[%add3A_99] : memref<160000xf32, #tpu.memory_space<hbm>> -> memref<544xf32, #tpu.memory_space<hbm>>
        %dma_wait3A_113 = arith.constant 4032 : i32
        %dma_wait3A_114 = tpu.memref_slice %arg14[%dma_wait3A_113] : memref<5376xf32, #tpu.memory_space<vmem>> -> memref<544xf32, #tpu.memory_space<vmem>>
        tpu.wait_dma2 semaphore(%run_scoped3A : memref<!tpu.dma_semaphore, #tpu.memory_space<semaphore_mem>>) src(%dma_wait3A_114 : memref<544xf32, #tpu.memory_space<vmem>>) dst(%dma_wait3A_112 : memref<544xf32, #tpu.memory_space<hbm>>)
        tpu.yield
      }) : () -> ()
      %mul3A_100 = arith.constant 128 : i32
      %mul3A_101 = arith.muli %select_n3A, %mul3A_100 : i32
      %add3A_102 = arith.constant 140000 : i32
      %add3A_103 = arith.addi %add3A_102, %mul3A_101 : i32
      "tpu.region"() ({
        %run_scoped3A = tpu.sem_alloc : memref<!tpu.dma_semaphore, #tpu.memory_space<semaphore_mem>>
        %dma_start3A_104 = arith.constant 4704 : i32
        %dma_start3A_105 = tpu.memref_slice %arg14[%dma_start3A_104] : memref<5376xf32, #tpu.memory_space<vmem>> -> memref<544xf32, #tpu.memory_space<vmem>>
        %dma_start3A_106 = tpu.memref_slice %arg7[%add3A_103] : memref<160000xf32, #tpu.memory_space<hbm>> -> memref<544xf32, #tpu.memory_space<hbm>>
        %dma_start3A_107 = tpu.memref_slice %arg7[%add3A_103] : memref<160000xf32, #tpu.memory_space<hbm>> -> memref<544xf32, #tpu.memory_space<hbm>>
        %dma_start3A_108 = arith.constant 4704 : i32
        %dma_start3A_109 = tpu.memref_slice %arg14[%dma_start3A_108] : memref<5376xf32, #tpu.memory_space<vmem>> -> memref<544xf32, #tpu.memory_space<vmem>>
        tpu.enqueue_dma source(%dma_start3A_109 : memref<544xf32, #tpu.memory_space<vmem>>) target(%dma_start3A_107 : memref<544xf32, #tpu.memory_space<hbm>>) target_semaphore(%run_scoped3A : memref<!tpu.dma_semaphore, #tpu.memory_space<semaphore_mem>>)
        %dma_wait3A = arith.constant 4704 : i32
        %dma_wait3A_110 = tpu.memref_slice %arg14[%dma_wait3A] : memref<5376xf32, #tpu.memory_space<vmem>> -> memref<544xf32, #tpu.memory_space<vmem>>
        %dma_wait3A_111 = tpu.memref_slice %arg7[%add3A_103] : memref<160000xf32, #tpu.memory_space<hbm>> -> memref<544xf32, #tpu.memory_space<hbm>>
        %dma_wait3A_112 = tpu.memref_slice %arg7[%add3A_103] : memref<160000xf32, #tpu.memory_space<hbm>> -> memref<544xf32, #tpu.memory_space<hbm>>
        %dma_wait3A_113 = arith.constant 4704 : i32
        %dma_wait3A_114 = tpu.memref_slice %arg14[%dma_wait3A_113] : memref<5376xf32, #tpu.memory_space<vmem>> -> memref<544xf32, #tpu.memory_space<vmem>>
        tpu.wait_dma2 semaphore(%run_scoped3A : memref<!tpu.dma_semaphore, #tpu.memory_space<semaphore_mem>>) src(%dma_wait3A_114 : memref<544xf32, #tpu.memory_space<vmem>>) dst(%dma_wait3A_112 : memref<544xf32, #tpu.memory_space<hbm>>)
        tpu.yield
      }) : () -> ()
    } else {
    }
    return
  }
}

</mosaic_0001>

<sc_bundles>
// kernel: kernel.3.cloned.1.call-start
scs
__scs_entry_jumppad:
0x0: {  	(pc) =	sbr.rel $0x88, $3  }
0x1: {  	(tag) =	ssettag $0x0;
	lr =	simm.s32 $0x1  }
0x2: {  	[smem:$0x3F9E] =	sst lr;
	_ =	strace $0xD0000000  }
0x3: {  	_ = 	snop  }
0x4: {  	_ = 	snop  }
0x5: {  	_ = 	snop  }
0x6: {  	_ = 	snop  }
0x7: {  	_ = 	snop  }
__scs_overlays_trampoline_lowered:
0x8: {  	[smem:$0x3FAD] =	sst s0  }
0x9: {  	[smem:$0x3FAE] =	sst s1  }
0xa: {  	[smem:$0x3FAF] =	sst s2  }
0xb: {  	[smem:$0x3FB0] =	sst s3  }
0xc: {  	[smem:$0x3FB1] =	sst s4  }
0xd: {  	[smem:$0x3FB2] =	sst s5  }
0xe: {  	[smem:$0x3FB3] =	sst s6  }
0xf: {  	[smem:$0x3FB4] =	sst s7  }
0x10: {  	[smem:$0x3FB5] =	sst s8  }
0x11: {  	[smem:$0x3FB6] =	sst s9;
	s0 =	simm.s32 @!p0 $0x0  }
0x12: {  	s1 =	sld [smem:$0x3F9C];
	s0 =	simm.s32 @p0 $0x1  }
0x13: {  	[smem:$0x3FB7] =	sst s0;
	s0 =	simm.s32 @!p1 $0x0  }
0x14: {  	s2 =	sld [smem:$0x3F9B];
	s0 =	simm.s32 @p1 $0x1  }
0x15: {  	[smem:$0x3FB8] =	sst s0;
	s0 =	simm.s32 @!p2 $0x0  }
0x16: {  	s3 =	sld [smem:$0x3FDB];
	s0 =	simm.s32 @p2 $0x1  }
0x17: {  	s4 =	simm.s32 $0x1BF5;
	[smem:$0x3FBA] =	sst s0  }
0x18: {  	s0 =	sld [smem:$0x3F9D];
	_ =	swait.ge [sflag:s4], $0x0  }
0x19: {  	s7 =	sld [smem:$0x3F9E]  }
0x1a: {  	s8 =	sadd.s32 $0xFFFFE003, lr  }
0x1b: {  	s9 =	sadd.s32 $0xFFFFFEF7, lr;
	s5 =	simm.s32 $0xFFFFFFFF;
	p2 =	slt.u32 s8, $0xFFFFF086  }
0x1c: {  	p1 =	slt.u32 s9, $0xF7A;
	s5 =	simm.s32 @!p2 $0x0  }
0x1d: {  	s5 =	simm.s32 @p1 $0x1;
	p0 =	seq.s32 s7, s2  }
0x1e: {  	s7 =	smul.u32 @!p0 $0xF7A, s2;
	p2 =	seq.s32 @!p0 s5, $0x0  }
0x1f: {  	s9 =	smul.u32 $0xF7A, s1;
	s8 =	simm.s32 @!p0 $0x1BF5;
	p2 =	por !p2, p0  }
0x20: {  	[sflag:s8] =	ssyncset.s32 @!p0 $0xFFFFF086;
	s6 =	sadd.s32 @!p0 s3, s7;
	s7 =	simm.s32 @!p0 $0x108  }
0x21: {  	s3 =	sadd.s32 s3, s9;
	s6 =	sadd.s32 @!p0 $0x88, s6;
	s7 =	simm.s32 @p2 $0x1082  }
0x22: {  	[simem:s7], [sflag:s8] =	dma.local @!p0 [hbm:s6], $0xF7A  }
0x23: {  	s9 =	sor.u32 $0xD0000000, s2;
	s6 =	simm.s32 $0x108;
	_ =	swait.ge @!p0 [sflag:s8], $0x0  }
0x24: {  	s3 =	sadd.s32 $0x88, s3;
	s6 =	simm.s32 @!p1 $0x1082;
	[sflag:s4] =	ssyncset.s32 $0xFFFFF086  }
0x25: {  	[simem:s6], [sflag:s4] =	dma.local [hbm:s3], $0xF7A  }
0x26: {  	[smem:$0x3F9E] =	sst s1;
	(tag) =	ssettag s2;
	_ =	strace s9  }
0x27: {  	s1 =	sld [smem:$0x3FAE]  }
0x28: {  	s2 =	sld [smem:$0x3FAF]  }
0x29: {  	s4 =	sld [smem:$0x3FB1]  }
0x2a: {  	p0 =	seq.s32 s5, $0x0;
	s5 =	sld [smem:$0x3FB2]  }
0x2b: {  	s6 =	sld [smem:$0x3FB3]  }
0x2c: {  	s7 =	sld [smem:$0x3FB4]  }
0x2d: {  	s3 =	simm.s32 $0x108;
	s8 =	sld [smem:$0x3FB5]  }
0x2e: {  	s3 =	simm.s32 @!p0 $0x1082;
	s9 =	sld [smem:$0x3FB6]  }
0x2f: {  	lr =	sadd.s32 s0, s3;
	s0 =	sld [smem:$0x3FAD]  }
0x30: {  	s3 =	sld [smem:$0x3FB0]  }
0x31: {  	[smem:$0x3FB9] =	sst s10  }
0x32: {  	s10 =	sld [smem:$0x3FB7];
	_ =	sdelay $0x3  }
0x33: {  	p0 =	seq.s32 s10, $0x1;
	s10 =	sld [smem:$0x3FB9];
	_ =	sdelay $0x3  }
0x34: {  	[smem:$0x3FB9] =	sst s10  }
0x35: {  	s10 =	sld [smem:$0x3FB8];
	_ =	sdelay $0x3  }
0x36: {  	p1 =	seq.s32 s10, $0x1;
	s10 =	sld [smem:$0x3FB9];
	_ =	sdelay $0x3  }
0x37: {  	[smem:$0x3FB9] =	sst s10  }
0x38: {  	s10 =	sld [smem:$0x3FBA]  }
0x39: {  	_ = 	snop;
	(pc) =	sbr.ind lr, $3  }
0x3a: {  	_ = 	snop  }
0x3b: {  	_ = 	snop  }
0x3c: {  	p2 =	seq.s32 s10, $0x1;
	s10 =	sld [smem:$0x3FB9]  }
0x3d: {  	_ =	shalt  }
0x3e: {  	_ =	shalt  }
0x3f: {  	_ =	shalt  }
0x40: {  	_ =	shalt  }
0x41: {  	_ =	shalt  }
0x42: {  	_ =	shalt  }
0x43: {  	_ =	shalt  }
0x44: {  	_ =	shalt  }
0x45: {  	_ =	shalt  }
0x46: {  	_ =	shalt  }
0x47: {  	_ =	shalt  }
0x48: {  	_ =	shalt  }
0x49: {  	_ =	shalt  }
0x4a: {  	_ =	shalt  }
0x4b: {  	_ =	shalt  }
0x4c: {  	_ =	shalt  }
0x4d: {  	_ =	shalt  }
0x4e: {  	_ =	shalt  }
0x4f: {  	_ =	shalt  }
0x50: {  	_ =	shalt  }
0x51: {  	_ =	shalt  }
0x52: {  	_ =	shalt  }
0x53: {  	_ =	shalt  }
0x54: {  	_ =	shalt  }
0x55: {  	_ =	shalt  }
0x56: {  	_ =	shalt  }
0x57: {  	_ =	shalt  }
0x58: {  	_ =	shalt  }
0x59: {  	_ =	shalt  }
0x5a: {  	_ =	shalt  }
0x5b: {  	_ =	shalt  }
0x5c: {  	_ =	shalt  }
0x5d: {  	_ =	shalt  }
0x5e: {  	_ =	shalt  }
0x5f: {  	_ =	shalt  }
0x60: {  	_ =	shalt  }
0x61: {  	_ =	shalt  }
0x62: {  	_ =	shalt  }
0x63: {  	_ =	shalt  }
0x64: {  	_ =	shalt  }
0x65: {  	_ =	shalt  }
0x66: {  	_ =	shalt  }
0x67: {  	_ =	shalt  }
0x68: {  	_ =	shalt  }
0x69: {  	_ =	shalt  }
0x6a: {  	_ =	shalt  }
0x6b: {  	_ =	shalt  }
0x6c: {  	_ =	shalt  }
0x6d: {  	_ =	shalt  }
0x6e: {  	_ =	shalt  }
0x6f: {  	_ =	shalt  }
0x70: {  	_ =	shalt  }
0x71: {  	_ =	shalt  }
0x72: {  	_ =	shalt  }
0x73: {  	_ =	shalt  }
0x74: {  	_ =	shalt  }
0x75: {  	_ =	shalt  }
0x76: {  	_ =	shalt  }
0x77: {  	_ =	shalt  }
0x78: {  	_ =	shalt  }
0x79: {  	_ =	shalt  }
0x7a: {  	_ =	shalt  }
0x7b: {  	_ =	shalt  }
0x7c: {  	_ =	shalt  }
0x7d: {  	_ =	shalt  }
0x7e: {  	_ =	shalt  }
0x7f: {  	_ =	shalt  }
0x80: {  	_ =	shalt  }
0x81: {  	_ =	shalt  }
0x82: {  	_ =	shalt  }
0x83: {  	_ =	shalt  }
0x84: {  	_ =	shalt  }
0x85: {  	_ =	shalt  }
0x86: {  	_ =	shalt  }
0x87: {  	_ =	shalt  }
.Lfunc_end0:
.L_simem_size_0:
called_computation_lowered:
.L_overlay_start_0:
0x88: {  	s2 =	sld [smem:$0x3FD9]  }
0x89: {  	s3 =	sld [smem:$0x3FFE];
	_ =	sdelay $0x1  }
0x8a: {  	s1 =	srdreg.scid  }
0x8b: {  	s0 =	sand.u32 $0x1, s1  }
0x8c: {  	s14 =	sshll.u32 s0, $0xA;
	s2 =	sadd.s32 s3, s2  }
0x8d: {  	s2 =	sadd.s32 s2, s14  }
0x8e: {  	[smem:$0x3FC5] =	sst s2  }
0x8f: {  	_ = 	snop  }
0x90: {  	s2 =	sld [smem:$0x3FD0]  }
0x91: {  	s15 =	sld [smem:$0x3FC9]  }
0x92: {  	s4 =	sld [smem:$0x3FC8]  }
0x93: {  	s6 =	simm.s32 $0xA;
	s7 =	simm.s32 $0x10;
	s5 =	sld [smem:$0x3FC7]  }
0x94: {  	[smem:s7], [sflag:s6] =	dma.local [hbm:s2], $0x1  }
0x95: {  	_ =	swait.eq [sflag:s6], $0x1  }
0x96: {  	[sflag:s6] =	ssyncset.done $0x0  }
0x97: {  	s16 =	sld [smem:$0x10];
	[sflag:s6] =	ssyncadd.s32 $0xFFFFFFFF  }
0x98: {  	s17 =	sld [smem:$0x11];
	(tm) =	ssettm $0x1  }
0x99: {  	s18 =	sld [smem:$0x3FFB];
	_ =	sdelay $0x3  }
0x9a: {  	_ =	strace s18  }
0x9b: {  	s7 =	sld [smem:$0x3FFC];
	_ =	sdelay $0x3  }
0x9c: {  	_ =	strace s7  }
0x9d: {  	s7 =	sld [smem:$0x3FFD];
	_ =	sdelay $0x3  }
0x9e: {  	_ =	strace s7  }
0x9f: {  	_ =	strace $0x8FFFFFFF  }
0xa0: {  	s19 =	sld [smem:$0x3FDB];
	_ =	sdelay $0x1  }
0xa1: {  	s8 =	simm.s32 $_scs_section_size  }
0xa2: {  	s9 =	simm.s32 $_size__tile_overlayer_lowered;
	s10 =	simm.s32 $_tile_overlayer_lowered  }
0xa3: {  	s22 =	simm.s32 $0x1BFF;
	s21 =	sshll.u32 s10, $0x1;
	s7 =	sadd.s32 s8, s19  }
0xa4: {  	s11 =	simm.s32 $0x0;
	s20 =	sshll.u32 s9, $0x1;
	s9 =	sadd.s32 s21, s7  }
0xa5: {  	[timem:s11], [sflag:s22] =	dma.local [hbm:s9], s20  }
0xa6: {  	_ =	swait.ge [sflag:s22], s20  }
0xa7: {  	s8 =	ssub.s32 $0x0, s20;
	[sflag:s22] =	ssyncset.done $0x0  }
0xa8: {  	[sflag:s22] =	ssyncadd.s32 s8;
	_ =	sdelay $0x1  }
0xa9: {  	s23 =	simm.s32 $0x1B8B  }
0xaa: {  	_ =	swait.ge [sflag:s23], $0x1  }
0xab: {  	[sflag:s23] =	ssyncset.done $0x0  }
0xac: {  	s25 =	simm.s32 $0x1B8E;
	s24 =	sld [smem:$0x3FFE];
	[sflag:s23] =	ssyncadd.s32 $0xFFFFFFFF  }
0xad: {  	s26 =	simm.s32 $execute0_lowered;
	[smem:$0x3FD2] =	sst s25  }
0xae: {  	s9 =	sshll.u32 s26, $0x1;
	_ =	strace $0x80000046;
	[dreg:$0x1] =	wrdreg $0xFFFFFFFF  }
0xaf: {  	s28 =	simm.s32 $_size_execute0_lowered;
	s7 =	sadd.s32 s7, s9;
	[dreg:$0x0] =	wrdreg $0x0  }
0xb0: {  	s9 =	sshll.u32 s28, $0x1;
	[dreg:$0x2] =	wrdreg s7  }
0xb1: {  	[dreg:$0x3] =	wrdreg s9  }
0xb2: {  	[dreg:$0x4] =	wrdreg $0xC0  }
0xb3: {  	_ =	task [dreg:s11], $0x5FFFF  }
0xb4: {  	[dreg:$0x1] =	wrdreg $0xFFFFFFFF  }
0xb5: {  	[dreg:$0x0] =	wrdreg $0x60  }
0xb6: {  	[dreg:$0x2] =	wrdreg s4  }
0xb7: {  	[dreg:$0x3] =	wrdreg s5  }
0xb8: {  	[dreg:$0x4] =	wrdreg s15  }
0xb9: {  	[dreg:$0x5] =	wrdreg s17  }
0xba: {  	[dreg:$0x6] =	wrdreg s16  }
0xbb: {  	[dreg:$0x7] =	wrdreg s24  }
0xbc: {  	[dreg:$0x8] =	wrdreg $0x9  }
0xbd: {  	_ =	task.clear_ibuf [dreg:s11], $0x9FFFF;
	_ =	strace $0x90000046  }
0xbe: {  	s29 =	simm.s32 $0x9;
	_ =	strace $0x80000048  }
0xbf: {  	_ =	swait.ge [sflag:s29], $0x1  }
0xc0: {  	[sflag:s29] =	ssyncadd.s32 $0xFFFFFFFF  }
0xc1: {  	_ =	strace $0x90000048  }
0xc2: {  	_ =	sfence  }
0xc3: {  	s30 =	sld [smem:$0x0];
	_ =	sdelay $0x2  }
0xc4: {  	s31 =	sshll.u32 s1, $0xD;
	s1 =	sshrl.u32 s1, $0x2  }
0xc5: {  	s3 =	sand.u32 $0x4000, s31;
	s1 =	sadd.s32 s1, s30  }
0xc6: {  	s0 =	sor.u32 s3, s0;
	s1 =	sshll.u32 s1, $0x11  }
0xc7: {  	s0 =	sor.u32 s1, s0  }
0xc8: {  	s0 =	sadd.s32 $0x8F2B, s0  }
0xc9: {  	[sflag:s0] =	ssyncadd.remote.s32 $0x1  }
0xca: {  	_ =	sfence.sel $0xFFFF  }
0xcb: {  	[dreg:$0x0] =	wrdreg $0xFFFFFFFF;
	(pc) =	sbr.abs _section_cstart, $3  }
0xcc: {  	[dreg:$0x1] =	wrdreg $0xFFFFFFFF  }
0xcd: {  	_ =	task.clear_ibuf [dreg:s11], $0x2FFFF;
	_ =	strace $0x9FFFFFFF  }
0xce: {  	(tm) =	ssettm $0x7FFFFFFF  }
0xcf: {  	_ =	shalt  }
tec
execute0_lowered:
.L_overlay_start_1:
0x0: {  	(tag) =	ssettag $0x1  }
0x1: {  	s0 =	rddreg [dreg:$0x0];
	s2 =	srdreg.scid  }
0x2: {  	s1 =	rddreg [dreg:$0x1];
	s2 =	sand.u32 $0x1, s2  }
0x3: {  	s3 =	rddreg [dreg:$0x2];
	s6 =	stileid.u32;
	s4 =	sshll.u32 s2, $0x4  }
0x4: {  	s10 =	rddreg [dreg:$0x5];
	s4 =	sor.u32 s6, s4  }
0x5: {  	s5 =	rddreg [dreg:$0x4];
	s14 =	sadd.s32 $0x800, s10;
	s6 =	smul.u32 $0x5, s4  }
0x6: {  	s23 =	sadd.s32 $0x1180, s10;
	s2 =	ssub.s32 $0x2, s2;
	s13 =	smul.u32 $0x280, s4  }
0x7: {  	s8 =	sshrl.u32 s2, $0x1;
	s7 =	sshll.u32 s4, $0x2;
	s24 =	smul.u32 $0x140, s4  }
0x8: {  	p0 =	sgt.u32 s4, $0x1B;
	s2 =	ssub.s32 s2, s8;
	s25 =	smul.u32 $0x50, s4  }
0x9: {  	p1 =	sne.s32 s4, $0x1F;
	s11 =	sadd.s32 $0x1C, s7;
	s7 =	simm.s32 $0x0  }
0xa: {  	p3 =	sne.s32 @p0 s4, $0x1F;
	s4 =	sadd.s32 $0x3890, s10;
	[smem:$0x7FF] =	sst s7  }
0xb: {  	s16 =	sshrl.u32 s13, $0x3;
	_ =	strace $0x80000047;
	[dreg:$0x13] =	wrdreg s23  }
0xc: {  	s2 =	smax.u32 s2, $0x1;
	s26 =	sadd.s32 s14, s16;
	[dreg:$0x17] =	wrdreg s4  }
0xd: {  	[dreg:$0x1b] =	wrdreg s2;
	s16 =	sadd.s32 $0x9C4, s26  }
0xe: {  	s17 =	sadd.s32 $0x1388, s26;
	[dreg:$0xb] =	wrdreg s16  }
0xf: {  	s18 =	sadd.s32 $0x1D4C, s26;
	[dreg:$0xc] =	wrdreg s17  }
0x10: {  	s6 =	smov.u32 @p0 s11;
	s19 =	sadd.s32 $0x2710, s26;
	[dreg:$0xd] =	wrdreg s18  }
0x11: {  	s9 =	smul.u32 $0xE00, s6;
	s21 =	sadd.s32 $0x30D4, s26;
	[dreg:$0xe] =	wrdreg s19  }
0x12: {  	s22 =	sadd.s32 $0x3A98, s26;
	[dreg:$0xf] =	wrdreg s21  }
0x13: {  	s11 =	sshll.u32 s11, $0x6;
	[dreg:$0x11] =	wrdreg s22;
	s16 =	sadd.s32 s0, s9  }
0x14: {  	s13 =	sadd.s32 s3, s11;
	s17 =	sadd.s32 $0x88800, s0;
	[dreg:$0x1c] =	wrdreg s16  }
0x15: {  	s20 =	sshll.u32 s6, $0x4;
	s18 =	sadd.s32 $0x88800, s1;
	[dreg:$0x1d] =	wrdreg s17  }
0x16: {  	s11 =	sand.u32 $0x1FFFFFF0, s20;
	s19 =	sadd.s32 $0x2700, s5;
	[dreg:$0x1e] =	wrdreg s18  }
0x17: {  	s11 =	sadd.s32 s14, s11;
	[dreg:$0x1f] =	wrdreg s19  }
0x18: {  	s12 =	smul.u32 $0x7000, s6;
	s20 =	sadd.s32 $0x9C4, s11;
	[dreg:$0x10] =	wrdreg s11  }
0x19: {  	s21 =	sadd.s32 $0x1388, s11;
	[smem:$0x7F7] =	sst s20  }
0x1a: {  	s12 =	sshrl.u32 s12, $0x3;
	s22 =	sadd.s32 $0x1D4C, s11;
	[smem:$0x7F8] =	sst s21  }
0x1b: {  	v0 =	vlaneseq.u32;
	s12 =	sadd.s32 $0x700, s12;
	s23 =	sadd.s32 $0x2710, s11;
	[smem:$0x7F9] =	sst s22  }
0x1c: {  	s28 =	simm.s32 $0x3800;
	v1 =	vmul.u32 $0x1C, v0;
	s15 =	sadd.s32 s0, s12;
	[smem:$0x7FA] =	sst s23  }
0x1d: {  	s29 =	simm.s32 $0xA800;
	v3 =	vor.u32 $0x80, v0;
	s12 =	sadd.s32 s1, s12;
	[dreg:$0x7] =	wrdreg s15  }
0x1e: {  	v2 =	vimm.f32 $1.400000000e+01;
	s30 =	simm.s32 $0x2;
	v29 =	vimm.f32 $0.0e+00;
	v59 =	vadd.s32 $0x11, v1;
	[tilespmem:$0x1FF20] =	vst v3;
	[dreg:$0x8] =	wrdreg s12;
	s12 =	sadd.s32 s3, s24  }
0x1f: {  	s31 =	simm.s32 $0xE000;
	v30 =	vimm.f32 $1.000000000e+00;
	v4 =	vor.u32 $0x2, v1;
	v20 =	vadd.s32 $0x12, v1;
	[tilespmem:$0x1FF50] =	vst v59;
	s15 =	sadd.s32 s14, s25;
	[dreg:$0x9] =	wrdreg s12  }
0x20: {  	v37 =	vor.u32 $0x3, v1;
	v44 =	vadd.s32 $0x4, v1;
	v21 =	vadd.s32 $0x13, v1;
	s8 =	simm.s32 $0x8;
	[tilespmem:$0x1FF60] =	vst v20;
	s3 =	sadd.s32 $0x445C, s26;
	[dreg:$0xa] =	wrdreg s15  }
0x21: {  	v46 =	vadd.s32 $0x5, v1;
	v47 =	vadd.s32 $0x6, v1;
	v22 =	vadd.s32 $0x14, v1;
	s8 =	simm.s32 @!p0 $0xA;
	[tilespmem:$0x1FF70] =	vst v21;
	s24 =	sadd.s32 $0x1B44, s10;
	[dreg:$0x12] =	wrdreg s3  }
0x22: {  	v49 =	vadd.s32 $0x7, v1;
	v23 =	vadd.s32 $0x15, v1;
	p2 =	por !p0, !p1;
	[tilespmem:$0x1FF80] =	vst v22;
	(erf) = vrcp.f32 v2;
	s25 =	sadd.s32 $0x2508, s10;
	[dreg:$0x14] =	wrdreg s24  }
0x23: {  	v50 =	vadd.s32 $0x8, v1;
	v51 =	vadd.s32 $0x9, v1;
	v24 =	vadd.s32 $0x16, v1;
	p2 =	por !p2, !p2;
	[tilespmem:$0x1FF90] =	vst v23;
	s26 =	sadd.s32 $0x2ECC, s10;
	[dreg:$0x15] =	wrdreg s25  }
0x24: {  	v52 =	vadd.s32 $0xA, v1;
	v53 =	vadd.s32 $0xB, v1;
	v25 =	vadd.s32 $0x17, v1;
	p3 =	por p3, !p0;
	[tilespmem:$0x1FFA0] =	vst v24;
	s14 =	sadd.s32 $0x4C18, s10;
	[dreg:$0x16] =	wrdreg s26  }
0x25: {  	v54 =	vadd.s32 $0xC, v1;
	v60 =	vadd.s32 $0xD, v1;
	v26 =	vadd.s32 $0x18, v1;
	[tilespmem:$0x1FFB0] =	vst v25;
	s18 =	simm.s32 $0x13000;
	s12 =	sadd.s32 $0x4254, s10;
	[dreg:$0x19] =	wrdreg s14  }
0x26: {  	v61 =	vadd.s32 $0xE, v1;
	v62 =	vadd.s32 $0xF, v1;
	v27 =	vadd.s32 $0x19, v1;
	[tilespmem:$0x1FFC0] =	vst v26;
	s19 =	simm.s32 $0x200;
	s15 =	sadd.s32 $0x55DC, s10;
	[dreg:$0x18] =	wrdreg s12  }
.Ltmp0:
0x27: {  	v63 =	vadd.s32 $0x10, v1;
	v28 =	vadd.s32 $0x1A, v1;
	v19 =	vadd.s32 $0x1B, v1;
	v5 =	vmovc v1;
	v7 =	vmovc v4;
	[tilespmem:$0x1FFD0] =	vst v27;
	s24 =	sadd.s32 $0x30D4, s11;
	[dreg:$0x1a] =	wrdreg s15;
	(pc) =	sbr.rel .LBB2_1-.Ltmp0, $4  }
0x28: {  	v8 =	vmovc v37;
	v9 =	vmovc v44;
	v10 =	vmov v46;
	v11 =	vmov v47;
	v12 =	vmov v49;
	[tilespmem:$0x1FFE0] =	vst v28;
	s21 =	simm.s32 $0x13A00;
	s25 =	sadd.s32 $0x3A98, s11;
	[smem:$0x7FB] =	sst s24  }
0x29: {  	v13 =	vmovc v50;
	v14 =	vmovc v51;
	v15 =	vmov v52;
	v16 =	vmov v53;
	v3 =	vor.u32 $0x100, v0;
	[tilespmem:$0x1FFF0] =	vst v19;
	s22 =	simm.s32 $0x3;
	s26 =	sadd.s32 $0x445C, s11;
	[smem:$0x7FC] =	sst s25  }
0x2a: {  	v17 =	vmovc v54;
	v18 =	vmovc v60;
	v32 =	vmov v61;
	v0 =	vor.u32 $0x180, v0;
	v2 =	vor.u32 $0x1, v1;
	[tilespmem:$0x1FF30] =	vst v3;
	s23 =	simm.s32 $0x15500;
	s14 =	sadd.s32 s1, s9;
	[smem:$0x7FD] =	sst s26  }
0x2b: {  	v33 =	vmov v62;
	v34 =	vmov v63;
	[tilespmem:$0x1FF40] =	vst v0;
	v6 =	vmov v2;
	s26 =	simm.s32 $0x7000;
	s24 =	simm.s32 $0x1;
	s25 =	simm.s32 $0x0;
	v31 =	vpop (erf)  }
.LBB2_18:
0x2c: {  	s2 =	rddreg [dreg:$0x10];
	s3 =	simm.s32 $0x14000  }
0x2d: {  	[hbm4b:s2+s7] =	stream.linear.scatter [tilespmem:s3], [sflag:$0x3], $0x200, $0x38;
	[tilespmem:$0x15900] =	vst v63  }
0x2e: {  	_ =	swait.ge [sflag:s22], $0x200  }
0x2f: {  	s11 =	sld [smem:$0x7F7]  }
0x30: {  	[sflag:s22] =	ssyncset.done $0x0  }
0x31: {  	s12 =	simm.s32 $0x142A0;
	[sflag:s22] =	ssyncadd.s32 $0xFFFFFE00  }
0x32: {  	[hbm4b:s11+s7] =	stream.linear.scatter [tilespmem:s12], [sflag:$0x3], $0x200, $0x38;
	[tilespmem:$0x15900] =	vst v63  }
0x33: {  	_ =	swait.ge [sflag:s22], $0x200  }
0x34: {  	s15 =	sld [smem:$0x7F8]  }
0x35: {  	[sflag:s22] =	ssyncset.done $0x0  }
0x36: {  	s16 =	simm.s32 $0x14540;
	[sflag:s22] =	ssyncadd.s32 $0xFFFFFE00  }
0x37: {  	[hbm4b:s15+s7] =	stream.linear.scatter [tilespmem:s16], [sflag:$0x3], $0x200, $0x38;
	[tilespmem:$0x15900] =	vst v63  }
0x38: {  	_ =	swait.ge [sflag:s22], $0x200  }
0x39: {  	s17 =	sld [smem:$0x7F9]  }
0x3a: {  	[sflag:s22] =	ssyncset.done $0x0  }
0x3b: {  	s20 =	simm.s32 $0x147E0;
	[sflag:s22] =	ssyncadd.s32 $0xFFFFFE00  }
0x3c: {  	[hbm4b:s17+s7] =	stream.linear.scatter [tilespmem:s20], [sflag:$0x3], $0x200, $0x38;
	[tilespmem:$0x15900] =	vst v63  }
0x3d: {  	_ =	swait.ge [sflag:s22], $0x200  }
0x3e: {  	s4 =	sld [smem:$0x7FA]  }
0x3f: {  	[sflag:s22] =	ssyncset.done $0x0  }
0x40: {  	s10 =	simm.s32 $0x14A80;
	[sflag:s22] =	ssyncadd.s32 $0xFFFFFE00  }
0x41: {  	[hbm4b:s4+s7] =	stream.linear.scatter [tilespmem:s10], [sflag:$0x3], $0x200, $0x38;
	[tilespmem:$0x15900] =	vst v63  }
0x42: {  	_ =	swait.ge [sflag:s22], $0x200  }
0x43: {  	s11 =	sld [smem:$0x7FB]  }
0x44: {  	[sflag:s22] =	ssyncset.done $0x0  }
0x45: {  	s12 =	simm.s32 $0x14D20;
	[sflag:s22] =	ssyncadd.s32 $0xFFFFFE00  }
0x46: {  	[hbm4b:s11+s7] =	stream.linear.scatter [tilespmem:s12], [sflag:$0x3], $0x200, $0x38;
	[tilespmem:$0x15900] =	vst v63  }
0x47: {  	_ =	swait.ge [sflag:s22], $0x200  }
0x48: {  	s15 =	sld [smem:$0x7FC]  }
0x49: {  	[sflag:s22] =	ssyncset.done $0x0  }
0x4a: {  	s16 =	simm.s32 $0x14FC0;
	[sflag:s22] =	ssyncadd.s32 $0xFFFFFE00  }
0x4b: {  	[hbm4b:s15+s7] =	stream.linear.scatter [tilespmem:s16], [sflag:$0x3], $0x200, $0x38;
	[tilespmem:$0x15900] =	vst v63  }
0x4c: {  	_ =	swait.ge [sflag:s22], $0x200  }
0x4d: {  	s17 =	sld [smem:$0x7FD]  }
0x4e: {  	[sflag:s22] =	ssyncset.done $0x0  }
0x4f: {  	s20 =	simm.s32 $0x15260;
	[sflag:s22] =	ssyncadd.s32 $0xFFFFFE00  }
0x50: {  	[hbm4b:s17+s7] =	stream.linear.scatter [tilespmem:s20], [sflag:$0x3], $0x200, $0x38;
	[tilespmem:$0x15900] =	vst v63  }
0x51: {  	_ =	swait.ge [sflag:s22], $0x200  }
0x52: {  	[sflag:s22] =	ssyncset.done $0x0  }
0x53: {  	[sflag:s22] =	ssyncadd.s32 $0xFFFFFE00  }
.LBB2_19:
0x54: {  	s25 =	sadd.s32 $0x1, s25;
	s2 =	rddreg [dreg:$0x1b]  }
0x55: {  	p4 =	sne.s32 s25, s2  }
.Ltmp1:
0x56: {  	_ = 	snop;
	(pc) =	sbr.rel @!p4 .LBB2_20-.Ltmp1, $1  }
0x57: {  	_ =	sdelay $0x3  }
.LBB2_1:
0x58: {  	s2 =	rddreg [dreg:$0x1c]  }
0x59: {  	[tilespmem:s7], [sflag:$0x1] =	stream.linear.gather [hbm4b:s2+s7], $0x3800, $0x38;
	[tilespmem:$0x15900] =	vst v63  }
0x5a: {  	_ = 	snop  }
0x5b: {  	[tilespmem:s26], [sflag:$0x1] =	stream.linear.gather [hbm4b:s14+s7], $0x3800, $0x38;
	[tilespmem:$0x15900] =	vst v63  }
0x5c: {  	s17 =	rddreg [dreg:$0x7]  }
0x5d: {  	[tilespmem:s28], [sflag:$0x2] =	stream.linear.gather [hbm4b:s17+s7], $0x3800, $0x38;
	[tilespmem:$0x15900] =	vst v63  }
0x5e: {  	s20 =	rddreg [dreg:$0x8]  }
0x5f: {  	[tilespmem:s29], [sflag:$0x2] =	stream.linear.gather [hbm4b:s20+s7], $0x3800, $0x38;
	[tilespmem:$0x15900] =	vst v63  }
0x60: {  	s3 =	simm.s32 @p0 $0xE000;
	s2 =	simm.s32 @p0 $0x0  }
0x61: {  	[tilespmem:s3], [sflag:$0x3] =	stream.linear.gather @p0 [hbm4b:s13+s2], $0x800, $0x38;
	[tilespmem:$0x15900] =	vst v63  }
0x62: {  	s4 =	simm.s32 @p0 $0xEA00;
	s3 =	sadd.s32 @p0 $0x2740, s13  }
0x63: {  	[tilespmem:s4], [sflag:$0x3] =	stream.linear.gather @p0 [hbm4b:s3+s2], $0x800, $0x38;
	[tilespmem:$0x15900] =	vst v63  }
0x64: {  	s3 =	sadd.s32 @p0 $0x4E80, s13;
	s4 =	simm.s32 @p0 $0xF400  }
0x65: {  	[tilespmem:s4], [sflag:$0x3] =	stream.linear.gather @p0 [hbm4b:s3+s2], $0x800, $0x38;
	[tilespmem:$0x15900] =	vst v63  }
0x66: {  	s3 =	sadd.s32 @p0 $0x75C0, s13;
	s4 =	simm.s32 @p0 $0xFE00  }
0x67: {  	[tilespmem:s4], [sflag:$0x3] =	stream.linear.gather @p0 [hbm4b:s3+s2], $0x800, $0x38;
	[tilespmem:$0x15900] =	vst v63  }
0x68: {  	s3 =	sadd.s32 @p0 $0x9D00, s13;
	s4 =	simm.s32 @p0 $0x10800  }
0x69: {  	[tilespmem:s4], [sflag:$0x3] =	stream.linear.gather @p0 [hbm4b:s3+s2], $0x800, $0x38;
	[tilespmem:$0x15900] =	vst v63  }
0x6a: {  	s3 =	sadd.s32 @p0 $0xC440, s13;
	s4 =	simm.s32 @p0 $0x11200  }
0x6b: {  	[tilespmem:s4], [sflag:$0x3] =	stream.linear.gather @p0 [hbm4b:s3+s2], $0x800, $0x38;
	[tilespmem:$0x15900] =	vst v63  }
0x6c: {  	s3 =	sadd.s32 @p0 $0xEB80, s13;
	s4 =	simm.s32 @p0 $0x11C00  }
0x6d: {  	[tilespmem:s4], [sflag:$0x3] =	stream.linear.gather @p0 [hbm4b:s3+s2], $0x800, $0x38;
	[tilespmem:$0x15900] =	vst v63  }
0x6e: {  	s3 =	sadd.s32 @p0 $0x112C0, s13;
	s4 =	simm.s32 @p0 $0x12600  }
0x6f: {  	[tilespmem:s4], [sflag:$0x3] =	stream.linear.gather @p0 [hbm4b:s3+s2], $0x800, $0x38;
	[tilespmem:$0x15900] =	vst v63  }
0x70: {  	s2 =	simm.s32 @p0 $0x3  }
0x71: {  	_ =	swait.ge @p0 [sflag:s2], $0x4000  }
0x72: {  	[sflag:s2] =	ssyncset.done @p0 $0x0  }
0x73: {  	[sflag:s2] =	ssyncadd.s32 @p0 $0xFFFFC000  }
0x74: {  	s3 =	simm.s32 @!p3 $0x15500;
	s2 =	simm.s32 @!p3 $0x0;
	s4 =	rddreg [dreg:$0x3]  }
0x75: {  	[tilespmem:s3], [sflag:$0x3] =	stream.linear.gather @!p3 [hbm4b:s4+s2], $0x400, $0x38;
	[tilespmem:$0x15900] =	vst v63  }
0x76: {  	s2 =	simm.s32 @!p3 $0x3  }
0x77: {  	_ =	swait.ge @!p3 [sflag:s2], $0x400  }
0x78: {  	s3 =	simm.s32 @!p0 $0x13A00;
	s4 =	simm.s32 @!p0 $0xE000;
	[sflag:s2] =	ssyncset.done @!p3 $0x0  }
0x79: {  	s10 =	rddreg [dreg:$0x9];
	[sflag:s2] =	ssyncadd.s32 @!p3 $0xFFFFFC00;
	s2 =	simm.s32 @!p0 $0xA00  }
0x7a: {  	[tilespmem:s4], [sflag:$0x3] =	stream.strided.gather @!p0 [hbm4b:s10+s2], $0x5000, s3, s2, $0x38;
	[tilespmem:$0x15900] =	vst v63  }
.Ltmp2:
0x7b: {  	_ = 	snop;
	(pc) =	sbr.rel .LBB2_2-.Ltmp2, $4  }
0x7c: {  	s2 =	simm.s32 @!p0 $0x3  }
0x7d: {  	_ =	swait.ge @!p0 [sflag:s2], $0x5000  }
0x7e: {  	[sflag:s2] =	ssyncset.done @!p0 $0x0  }
0x7f: {  	s3 =	simm.s32 $0x0;
	[sflag:s2] =	ssyncadd.s32 @!p0 $0xFFFFB000  }
.LBB2_9:
0x80: {  	s3 =	sadd.s32 $0x1, s3  }
0x81: {  	p4 =	sne.s32 s3, s8  }
.Ltmp3:
0x82: {  	_ = 	snop;
	(pc) =	sbr.rel @!p4 .LBB2_10-.Ltmp3, $1  }
0x83: {  	_ =	sdelay $0x3  }
.LBB2_2:
0x84: {  	s15 =	sand.u32 $0x1, s3  }
0x85: {  	p4 =	seq.s32 s15, $0x1  }
.Ltmp4:
0x86: {  	_ = 	snop;
	(pc) =	sbr.rel @p4 .LBB2_6-.Ltmp4, $1  }
0x87: {  	_ =	sdelay $0x3  }
0x88: {  	_ =	swait.ge [sflag:s24], $0x3800  }
0x89: {  	[sflag:s24] =	ssyncset.done $0x0  }
0x8a: {  	[sflag:s24] =	ssyncadd.s32 $0xFFFFC800  }
0x8b: {  	_ =	swait.ge [sflag:s24], $0x3800  }
0x8c: {  	v20 =	vld [tilespmem:$0x1FF60]  }
0x8d: {  	v21 =	vld [tilespmem:$0x1FF70]  }
0x8e: {  	v22 =	vld [tilespmem:$0x1FF80]  }
0x8f: {  	v23 =	vld [tilespmem:$0x1FF90]  }
0x90: {  	v24 =	vld [tilespmem:$0x1FFA0]  }
0x91: {  	v25 =	vld [tilespmem:$0x1FFB0]  }
0x92: {  	v26 =	vld [tilespmem:$0x1FFC0]  }
0x93: {  	s16 =	sshll.u32 s3, $0x6;
	v27 =	vld [tilespmem:$0x1FFD0]  }
0x94: {  	s20 =	simm.s32 $0x0;
	s10 =	simm.s32 $0x0;
	[sflag:s24] =	ssyncset.done $0x0;
	v28 =	vld [tilespmem:$0x1FFE0]  }
0x95: {  	s11 =	simm.s32 $0x0;
	s17 =	sadd.s32 $0x14000, s16;
	v19 =	vld [tilespmem:$0x1FFF0];
	[sflag:s24] =	ssyncadd.s32 $0xFFFFC800  }
.LBB2_4:
0x96: {  	s2 =	sand.u32 $0x10, s10;
	s4 =	sand.u32 $0x20, s20  }
0x97: {  	s12 =	sor.u32 s2, s4  }
0x98: {  	s4 =	sshrl.u32 s11, $0x1;
	s2 =	smul.u32 $0x1C, s12  }
0x99: {  	s4 =	sand.u32 $0x7, s4  }
0x9a: {  	v35 =	vmov s4;
	v41 =	vadd.s32 s2, v1  }
0x9b: {  	v39 =	vadd.s32 s2, v2;
	v40 =	vadd.s32 s2, v4;
	v42 =	vadd.s32 s2, v8  }
0x9c: {  	v58 =	vadd.s32 s2, v44;
	v0 =	vadd.s32 s2, v24;
	v2 =	vadd.s32 s2, v27  }
0x9d: {  	v36 =	vshll.u32 v41, $0x3;
	v37 =	vand.u32 $0x7C, v41;
	v45 =	vshll.u32 v39, $0x3  }
0x9e: {  	v39 =	vand.u32 $0x7D, v39;
	v48 =	vshll.u32 v40, $0x3;
	v40 =	vand.u32 $0x7E, v40  }
0x9f: {  	v56 =	vshll.u32 v42, $0x3;
	v57 =	vand.u32 $0x7F, v42;
	v38 =	vand.u32 $0x7FFFFC00, v36  }
0xa0: {  	v36 =	vshll.u32 v35, $0x7;
	v37 =	vor.u32 v38, v37;
	v38 =	vand.u32 $0x7FFFFC00, v45  }
0xa1: {  	v37 =	vor.u32 v36, v37;
	v38 =	vor.u32 v38, v39;
	v39 =	vand.u32 $0x7FFFFC00, v48  }
0xa2: {  	v43 =	vor.u32 v36, v38;
	v55 =	vor.u32 v39, v40;
	v39 =	vand.u32 $0x7FFFFC00, v56  }
0xa3: {  	v56 =	vand.u32 $0x7C, v58;
	v40 =	vadd.s32 s2, v49;
	v45 =	vor.u32 v36, v55  }
0xa4: {  	v48 =	vor.u32 v39, v57;
	v55 =	vshll.u32 v58, $0x3;
	v57 =	vadd.s32 s2, v46  }
0xa5: {  	v49 =	vshll.u32 v40, $0x3;
	v39 =	vand.u32 $0x7FFFFC00, v55;
	v46 =	vor.u32 v36, v48  }
0xa6: {  	v44 =	vshll.u32 v57, $0x3;
	v48 =	vand.u32 $0x7D, v57;
	v55 =	vadd.s32 s2, v47  }
0xa7: {  	v58 =	vor.u32 v39, v56;
	v39 =	vand.u32 $0x7FFFFC00, v44;
	v57 =	vshll.u32 v55, $0x3  }
0xa8: {  	v42 =	vand.u32 $0x7E, v55;
	v55 =	vand.u32 $0x7F, v40;
	v56 =	vor.u32 v39, v48  }
0xa9: {  	v47 =	vor.u32 v36, v58;
	v39 =	vand.u32 $0x7FFFFC00, v57;
	v48 =	vor.u32 v36, v56  }
0xaa: {  	v58 =	vor.u32 v39, v42;
	v39 =	vand.u32 $0x7FFFFC00, v49;
	v56 =	vadd.s32 s2, v50  }
0xab: {  	v49 =	vor.u32 v36, v58;
	v57 =	vor.u32 v39, v55;
	v58 =	vshll.u32 v56, $0x3  }
0xac: {  	v50 =	vand.u32 $0x7C, v56;
	v55 =	vadd.s32 s2, v51;
	v51 =	vadd.s32 s2, v52  }
0xad: {  	v39 =	vand.u32 $0x7FFFFC00, v58;
	v57 =	vor.u32 v36, v57;
	v58 =	vshll.u32 v55, $0x3  }
0xae: {  	v52 =	vshll.u32 v51, $0x3;
	v56 =	vor.u32 v39, v50;
	v50 =	vand.u32 $0x7D, v55  }
0xaf: {  	v39 =	vand.u32 $0x7FFFFC00, v58;
	v55 =	vand.u32 $0x7E, v51;
	v58 =	vor.u32 v36, v56  }
0xb0: {  	v1 =	vld.idx.msk [tilespmem:v46+s7+$0x0], $0xffff;
	v38 =	vor.u32 v39, v50;
	v56 =	vand.u32 $0x7FFFFC00, v52;
	v52 =	vadd.s32 s2, v53  }
0xb1: {  	v39 =	vor.u32 v36, v38;
	v53 =	vor.u32 v56, v55;
	v55 =	vshll.u32 v52, $0x3  }
0xb2: {  	v44 =	vand.u32 $0x7F, v52;
	v56 =	vadd.s32 s2, v54;
	v42 =	vand.u32 $0x7FFFFC00, v55  }
0xb3: {  	v53 =	vor.u32 v36, v53;
	v55 =	vshll.u32 v56, $0x3;
	v56 =	vand.u32 $0x7C, v56  }
0xb4: {  	v38 =	vor.u32 v42, v44;
	v54 =	vand.u32 $0x7FFFFC00, v55;
	v55 =	vadd.s32 s2, v60  }
0xb5: {  	v1 =	vmul.f32 $1.442695020e+00, v1;
	v42 =	vor.u32 v36, v38;
	v44 =	vor.u32 v54, v56  }
0xb6: {  	v56 =	vshll.u32 v55, $0x3;
	v60 =	vand.u32 $0x7D, v55;
	v38 =	vadd.s32 s2, v61  }
0xb7: {  	v55 =	vadd.s32 s2, v62;
	v56 =	vand.u32 $0x7FFFFC00, v56;
	v51 =	vor.u32 v36, v44  }
0xb8: {  	v61 =	vand.u32 $0x7E, v38;
	v44 =	vor.u32 v56, v60;
	v60 =	vshll.u32 v38, $0x3  }
0xb9: {  	v58 =	vld.idx.msk [tilespmem:v58+s7+$0x0], $0xffff;
	v56 =	vshll.u32 v55, $0x3;
	v50 =	vand.u32 $0x7FFFFC00, v60;
	v52 =	vor.u32 v36, v44  }
0xba: {  	v60 =	vand.u32 $0x7F, v55;
	v44 =	vand.u32 $0x7FFFFC00, v56;
	v54 =	vor.u32 v50, v61  }
0xbb: {  	v61 =	vadd.s32 s2, v63;
	v56 =	vor.u32 v44, v60;
	v63 =	vadd.s32 s2, v59  }
0xbc: {  	v4 =	vld.idx.msk [tilespmem:v39+s7+$0x0], $0xffff;
	v62 =	vshll.u32 v61, $0x3;
	v55 =	vand.u32 $0x7C, v61;
	v59 =	vshll.u32 v63, $0x3  }
0xbd: {  	v53 =	vld.idx.msk [tilespmem:v53+s7+$0x0], $0xffff;
	v50 =	vand.u32 $0x7D, v63;
	v61 =	vadd.s32 s2, v20;
	v63 =	vadd.s32 s2, v21  }
0xbe: {  	v42 =	vld.idx.msk [tilespmem:v42+s7+$0x0], $0xffff;
	v44 =	vand.u32 $0x7FFFFC00, v62;
	v60 =	vand.u32 $0x7FFFFC00, v59;
	v58 =	vmul.f32 $1.442695020e+00, v58  }
0xbf: {  	v62 =	vld.idx.msk [tilespmem:v37+s7+$0x0], $0xffff;
	v59 =	vor.u32 v44, v55;
	v60 =	vor.u32 v60, v50;
	v55 =	vshll.u32 v61, $0x3  }
0xc0: {  	v50 =	vld.idx.msk [tilespmem:v43+s7+$0x0], $0xffff;
	v61 =	vand.u32 $0x7E, v61;
	v43 =	vadd.s32 s2, v22;
	v37 =	vand.u32 $0x7FFFFC00, v55  }
0xc1: {  	v44 =	vand.u32 $0x7F, v63;
	v55 =	vor.u32 v37, v61;
	v61 =	vshll.u32 v63, $0x3  }
0xc2: {  	v4 =	vmul.f32 $1.442695020e+00, v4;
	v53 =	vmul.f32 $1.442695020e+00, v53;
	v37 =	vand.u32 $0x7FFFFC00, v61  }
0xc3: {  	v61 =	vshll.u32 v43, $0x3;
	v55 =	vor.u32 v36, v55;
	v42 =	vmul.f32 $1.442695020e+00, v42  }
0xc4: {  	v44 =	vor.u32 v37, v44;
	v37 =	vand.u32 $0x7C, v43;
	v43 =	vand.u32 $0x7FFFFC00, v61  }
0xc5: {  	v61 =	vld.idx.msk [tilespmem:v45+s7+$0x0], $0xffff;
	v45 =	vmul.f32 $1.442695020e+00, v62;
	v43 =	vor.u32 v43, v37;
	v37 =	vadd.s32 s2, v23  }
0xc6: {  	v50 =	vmul.f32 $1.442695020e+00, v50;
	v44 =	vor.u32 v36, v44;
	v62 =	vand.u32 $0x7D, v37  }
0xc7: {  	v63 =	vshll.u32 v37, $0x3;
	(erf) = vpow2.f32 v45;
	v43 =	vor.u32 v36, v43  }
0xc8: {  	v63 =	vand.u32 $0x7FFFFC00, v63;
	(erf) = vpow2.f32 v50;
	v50 =	vadd.s32 s2, v25  }
0xc9: {  	v45 =	vor.u32 v63, v62;
	v63 =	vshll.u32 v0, $0x3;
	v0 =	vand.u32 $0x7E, v0  }
0xca: {  	v62 =	vld.idx.msk [tilespmem:v47+s7+$0x0], $0xffff;
	v47 =	vand.u32 $0x7F, v50;
	v46 =	vand.u32 $0x7FFFFC00, v63;
	v61 =	vmul.f32 $1.442695020e+00, v61  }
0xcb: {  	v46 =	vor.u32 v46, v0;
	v0 =	vshll.u32 v50, $0x3;
	v50 =	vadd.s32 s2, v26  }
0xcc: {  	v45 =	vor.u32 v36, v45;
	v0 =	vand.u32 $0x7FFFFC00, v0;
	v63 =	vand.u32 $0x7C, v50  }
0xcd: {  	v50 =	vshll.u32 v50, $0x3;
	(erf) = vpow2.f32 v61;
	v46 =	vor.u32 v36, v46  }
0xce: {  	v61 =	vld.idx.msk [tilespmem:v48+s7+$0x0], $0xffff;
	v50 =	vand.u32 $0x7FFFFC00, v50;
	v48 =	vor.u32 v0, v47;
	v0 =	vand.u32 $0x7D, v2  }
0xcf: {  	v3 =	vld.idx.msk [tilespmem:v49+s7+$0x0], $0xffff;
	v2 =	vshll.u32 v2, $0x3;
	v47 =	vor.u32 v50, v63;
	v50 =	vadd.s32 s2, v28  }
0xd0: {  	(erf) = vpow2.f32 v1;
	v1 =	vand.u32 $0x7FFFFC00, v2;
	v2 =	vshll.u32 v50, $0x3  }
0xd1: {  	v62 =	vmul.f32 $1.442695020e+00, v62;
	v48 =	vor.u32 v36, v48;
	v49 =	vor.u32 v1, v0  }
0xd2: {  	v0 =	vand.u32 $0x7E, v50;
	v47 =	vor.u32 v36, v47;
	v63 =	vpop (erf);
	v1 =	vand.u32 $0x7FFFFC00, v2  }
0xd3: {  	v44 =	vld.idx.msk [tilespmem:v44+s7+$0x0], $0xffff;
	(erf) = vpow2.f32 v62;
	v49 =	vor.u32 v36, v49;
	v61 =	vmul.f32 $1.442695020e+00, v61;
	v2 =	vpop (erf)  }
0xd4: {  	v50 =	vor.u32 v1, v0;
	v0 =	vmul.f32 $1.442695020e+00, v3;
	vm0 =	vgt.f32 v2, $0.0e+00  }
0xd5: {  	(erf) = vpow2.f32 v61;
	vm1 =	vgt.f32 v2, v63;
	vm0 =	vmneg vm0  }
0xd6: {  	v61 =	vmax.f32 v2, v63;
	(erf) = vpow2.f32 v0;
	v1 =	vsel vm0, $0x0, v2  }
0xd7: {  	v3 =	vpop (erf);
	vm0 =	vmor vm1, vm0;
	v2 =	vadd.f32 v2, v63;
	v0 =	vsel vm1, v63, v1  }
0xd8: {  	v44 =	vmul.f32 $1.442695020e+00, v44;
	v1 =	vsel vm0, $0x0, v30;
	vm7 =	vgt.f32 v3, v0  }
0xd9: {  	vm2 =	vgt.f32 v3, v61;
	v2 =	vadd.f32 v3, v2;
	v0 =	vsel vm7, v3, v0  }
0xda: {  	v62 =	vpop (erf);
	v63 =	vsel vm1, $0x3F800000, v29;
	v1 =	vsel vm7, $0x40000000, v1;
	v0 =	vsel vm2, v61, v0  }
0xdb: {  	v61 =	vmax.f32 v3, v61;
	v1 =	vsel vm2, v63, v1;
	v2 =	vadd.f32 v62, v2  }
0xdc: {  	v3 =	vpop (erf);
	v63 =	vsel vm2, $0x40000000, v63;
	vm8 =	vgt.f32 v62, v0;
	vm9 =	vgt.f32 v62, v61  }
0xdd: {  	v0 =	vsel vm8, v62, v0;
	v1 =	vsel vm8, $0x40400000, v1;
	v2 =	vadd.f32 v3, v2  }
0xde: {  	v0 =	vsel vm9, v61, v0;
	v61 =	vmax.f32 v62, v61;
	v1 =	vsel vm9, v63, v1  }
0xdf: {  	v62 =	vpop (erf);
	v63 =	vsel vm9, $0x40400000, v63;
	vm10 =	vgt.f32 v3, v0;
	vm11 =	vgt.f32 v3, v61  }
0xe0: {  	v57 =	vld.idx.msk [tilespmem:v57+s7+$0x0], $0xffff;
	v2 =	vadd.f32 v62, v2;
	v0 =	vsel vm10, v3, v0;
	v3 =	vmax.f32 v3, v61  }
0xe1: {  	v1 =	vsel vm10, $0x40800000, v1;
	v0 =	vsel vm11, v61, v0;
	vm13 =	vgt.f32 v62, v3  }
0xe2: {  	v61 =	vpop (erf);
	v1 =	vsel vm11, v63, v1;
	v63 =	vsel vm11, $0x40800000, v63;
	vm12 =	vgt.f32 v62, v0  }
0xe3: {  	v2 =	vadd.f32 v61, v2;
	v0 =	vsel vm12, v62, v0;
	v1 =	vsel vm12, $0x40A00000, v1  }
0xe4: {  	v0 =	vsel vm13, v3, v0;
	v3 =	vmax.f32 v62, v3;
	v62 =	vadd.s32 s2, v19  }
0xe5: {  	(erf) = vrcp.f32 v2;
	v2 =	vmul.f32 $1.442695020e+00, v57;
	v57 =	vsel vm13, $0x40A00000, v63  }
0xe6: {  	v1 =	vsel vm13, v63, v1;
	vm14 =	vgt.f32 v61, v3;
	vm15 =	vgt.f32 v61, v0  }
0xe7: {  	v39 =	vsel vm14, $0x40C00000, v57;
	(erf) = vpow2.f32 v2;
	v2 =	vand.u32 $0x7F, v62  }
0xe8: {  	v62 =	vshll.u32 v62, $0x3;
	v1 =	vsel vm15, $0x40C00000, v1;
	(erf) = vpow2.f32 v58  }
0xe9: {  	v52 =	vld.idx.msk [tilespmem:v52+s7+$0x0], $0xffff;
	v0 =	vsel vm15, v61, v0;
	v58 =	vtrunc.f32 v39;
	v62 =	vand.u32 $0x7FFFFC00, v62  }
0xea: {  	v1 =	vsel vm14, v57, v1;
	v57 =	vor.u32 v36, v60;
	v58 =	vcvt.f32.s32 v58  }
0xeb: {  	v0 =	vsel vm14, v3, v0;
	(erf) = vpow2.f32 v4;
	v4 =	vor.u32 v36, v54  }
0xec: {  	v54 =	vor.u32 v36, v56;
	v56 =	vor.u32 v36, v59;
	v41 =	vadd.s32 v58, v41  }
0xed: {  	v51 =	vld.idx.msk [tilespmem:v51+s7+$0x0], $0xffff;
	v3 =	vmax.f32 v61, v3;
	v1 =	vsub.f32 v39, v1;
	v58 =	vand.u32 $0x7F, v41  }
0xee: {  	v2 =	vor.u32 v62, v2;
	v59 =	vmul.f32 $1.442695020e+00, v52;
	v41 =	vshll.u32 v41, $0x3  }
0xef: {  	(erf) = vpow2.f32 v53;
	v1 =	vand.u32 $0x7FFFFFFF, v1;
	v41 =	vand.u32 $0xFFFFFC00, v41;
	v53 =	vpop (erf)  }
0xf0: {  	v1 =	vadd.f32 $-1.000000000e+00, v1;
	v41 =	vor.u32 v41, v58;
	v4 =	vld.idx.msk [tilespmem:v4+s7+$0x0], $0xffff;
	v0 =	vmul.f32 v0, v53;
	v58 =	vpop (erf)  }
0xf1: {  	v2 =	vor.u32 v36, v2;
	v56 =	vld.idx.msk [tilespmem:v56+s7+$0x0], $0xffff;
	v3 =	vmul.f32 v53, v3;
	(erf) = vpow2.f32 v42;
	v53 =	vpop (erf)  }
0xf2: {  	v0 =	vmul.f32 v1, v0;
	v1 =	vmul.f32 $1.442695020e+00, v51;
	vm4 =	vgt.f32 v53, $0.0e+00  }
0xf3: {  	vm5 =	vgt.f32 v53, v58;
	v42 =	vmax.f32 v53, v58;
	vm0 =	vmneg vm4  }
0xf4: {  	v51 =	vpop (erf);
	v52 =	vadd.f32 v53, v58;
	(erf) = vpow2.f32 v1;
	v1 =	vsel vm0, $0x0, v53  }
0xf5: {  	vm7 =	vgt.f32 v51, v42;
	v4 =	vmul.f32 $1.442695020e+00, v4;
	v1 =	vsel vm5, v58, v1  }
0xf6: {  	v56 =	vmul.f32 $1.442695020e+00, v56;
	vm0 =	vmor vm5, vm0;
	vm6 =	vgt.f32 v51, v1  }
0xf7: {  	(erf) = vpow2.f32 v59;
	v53 =	vsel vm0, $0x0, v30;
	v1 =	vsel vm6, v51, v1  }
0xf8: {  	v59 =	vsel vm5, $0x3F800000, v29;
	v53 =	vsel vm6, $0x40000000, v53;
	v1 =	vsel vm7, v42, v1  }
0xf9: {  	v58 =	vpop (erf);
	v42 =	vmax.f32 v51, v42;
	v51 =	vadd.f32 v51, v52;
	v53 =	vsel vm7, v59, v53  }
0xfa: {  	v52 =	vsel vm7, $0x40000000, v59;
	vm8 =	vgt.f32 v58, v1;
	vm9 =	vgt.f32 v58, v42  }
0xfb: {  	v1 =	vsel vm8, v58, v1;
	v53 =	vsel vm8, $0x40400000, v53;
	v51 =	vadd.f32 v58, v51  }
0xfc: {  	v1 =	vsel vm9, v42, v1;
	v42 =	vmax.f32 v58, v42;
	v58 =	vpop (erf);
	v53 =	vsel vm9, v52, v53  }
0xfd: {  	v52 =	vsel vm9, $0x40400000, v52;
	vm10 =	vgt.f32 v58, v42;
	vm11 =	vgt.f32 v58, v1  }
0xfe: {  	v59 =	vadd.f32 v58, v51;
	v1 =	vsel vm11, v58, v1;
	v53 =	vsel vm11, $0x40800000, v53  }
0xff: {  	v51 =	vadd.f32 v0, v3;
	v0 =	vpop (erf);
	v1 =	vsel vm10, v42, v1;
	v3 =	vsel vm10, v52, v53;
	v53 =	vld.idx.msk [tilespmem:v54+s7+$0x0], $0xffff  }
0x100: {  	v42 =	vmax.f32 v58, v42;
	v54 =	vadd.f32 v0, v59;
	vm12 =	vgt.f32 v0, v1  }
0x101: {  	v58 =	vpop (erf);
	v52 =	vsel vm10, $0x40800000, v52;
	vm13 =	vgt.f32 v0, v42;
	v1 =	vsel vm12, v0, v1  }
0x102: {  	v48 =	vld.idx.msk [tilespmem:v48+s7+$0x0], $0xffff;
	v0 =	vmax.f32 v0, v42;
	v1 =	vsel vm13, v42, v1;
	v42 =	vadd.f32 v58, v54  }
0x103: {  	v3 =	vsel vm12, $0x40A00000, v3;
	v54 =	vsel vm13, $0x40A00000, v52;
	vm14 =	vgt.f32 v58, v0  }
0x104: {  	(erf) = vrcp.f32 v42;
	v42 =	vsel vm14, $0x40C00000, v54;
	v53 =	vmul.f32 $1.442695020e+00, v53  }
0x105: {  	v57 =	vld.idx.msk [tilespmem:v57+s7+$0x0], $0xffff;
	v3 =	vsel vm13, v52, v3;
	v52 =	vtrunc.f32 v42;
	(erf) = vpow2.f32 v4  }
0x106: {  	v50 =	vor.u32 v36, v50;
	v2 =	vld.idx.msk [tilespmem:v2+s7+$0x0], $0xffff;
	v4 =	vcvt.f32.s32 v52;
	(erf) = vpow2.f32 v53  }
0x107: {  	v48 =	vmul.f32 $1.442695020e+00, v48;
	v39 =	vadd.f32 $5.000000000e-01, v39;
	v41 =	vor.u32 v36, v41;
	v52 =	vld.idx.msk [tilespmem:v55+s7+$0x0], $0xffff  }
0x108: {  	vm15 =	vgt.f32 v58, v1;
	(erf) = vpow2.f32 v56;
	v4 =	vadd.s32 v4, v40  }
0x109: {  	v3 =	vsel vm15, $0x40C00000, v3;
	v53 =	vand.u32 $0x7F, v4;
	v4 =	vshll.u32 v4, $0x3  }
0x10a: {  	v57 =	vmul.f32 $1.442695020e+00, v57;
	v3 =	vsel vm14, v54, v3;
	v4 =	vand.u32 $0xFFFFFC00, v4  }
0x10b: {  	v43 =	vld.idx.msk [tilespmem:v43+s7+$0x0], $0xffff;
	v2 =	vmul.f32 $1.442695020e+00, v2;
	v1 =	vsel vm15, v58, v1;
	v3 =	vsub.f32 v42, v3  }
0x10c: {  	v1 =	vsel vm14, v0, v1;
	v0 =	vmax.f32 v58, v0;
	v52 =	vmul.f32 $1.442695020e+00, v52  }
0x10d: {  	v3 =	vand.u32 $0x7FFFFFFF, v3;
	(erf) = vpow2.f32 v57;
	v40 =	vor.u32 v4, v53;
	v4 =	vpop (erf)  }
0x10e: {  	v3 =	vadd.f32 $-1.000000000e+00, v3;
	(erf) = vpow2.f32 v52;
	v53 =	vpop (erf);
	v1 =	vmul.f32 v1, v4  }
0x10f: {  	v40 =	vor.u32 v36, v40;
	v0 =	vmul.f32 v4, v0;
	(erf) = vpow2.f32 v44;
	v4 =	vpop (erf)  }
0x110: {  	vm4 =	vgt.f32 v4, $0.0e+00;
	v1 =	vmul.f32 v3, v1;
	v3 =	vmul.f32 $1.442695020e+00, v43  }
0x111: {  	vm5 =	vgt.f32 v4, v53;
	v43 =	vpop (erf);
	v56 =	vmax.f32 v4, v53;
	vm0 =	vmneg vm4  }
0x112: {  	vm6 =	vgt.f32 v43, v56;
	v57 =	vsel vm0, $0x0, v4;
	(erf) = vpow2.f32 v3  }
0x113: {  	vm0 =	vmor vm5, vm0;
	v4 =	vadd.f32 v4, v53;
	v0 =	vadd.f32 v1, v0  }
0x114: {  	v3 =	vsel vm5, v53, v57;
	v58 =	vsel vm0, $0x0, v30;
	v57 =	vsel vm5, $0x3F800000, v29  }
0x115: {  	vm7 =	vgt.f32 v43, v3;
	v4 =	vadd.f32 v43, v4;
	v53 =	vsel vm6, $0x40000000, v57  }
0x116: {  	v1 =	vpop (erf);
	v3 =	vsel vm7, v43, v3;
	v44 =	vsel vm7, $0x40000000, v58;
	v43 =	vmax.f32 v43, v56  }
0x117: {  	v45 =	vld.idx.msk [tilespmem:v45+s7+$0x0], $0xffff;
	v3 =	vsel vm6, v56, v3;
	v4 =	vadd.f32 v1, v4;
	vm9 =	vgt.f32 v1, v43  }
0x118: {  	v44 =	vsel vm6, v57, v44;
	v58 =	vpop (erf);
	vm8 =	vgt.f32 v1, v3;
	v57 =	vsel vm9, $0x40400000, v53  }
0x119: {  	v3 =	vsel vm8, v1, v3;
	v44 =	vsel vm8, $0x40400000, v44;
	v4 =	vadd.f32 v58, v4  }
0x11a: {  	v46 =	vld.idx.msk [tilespmem:v46+s7+$0x0], $0xffff;
	v54 =	vpop (erf);
	v1 =	vmax.f32 v1, v43;
	v3 =	vsel vm9, v43, v3;
	v44 =	vsel vm9, v53, v44  }
0x11b: {  	vm11 =	vgt.f32 v58, v1;
	vm10 =	vgt.f32 v58, v3;
	v4 =	vadd.f32 v54, v4  }
0x11c: {  	v53 =	vmul.f32 $1.442695020e+00, v45;
	v3 =	vsel vm10, v58, v3;
	v55 =	vpop (erf);
	v44 =	vsel vm10, $0x40800000, v44  }
0x11d: {  	v3 =	vsel vm11, v1, v3;
	v1 =	vmax.f32 v58, v1;
	v4 =	vadd.f32 v55, v4  }
0x11e: {  	v44 =	vsel vm11, v57, v44;
	v58 =	vsel vm11, $0x40800000, v57;
	vm12 =	vgt.f32 v54, v1  }
0x11f: {  	vm13 =	vgt.f32 v54, v3;
	(erf) = vrcp.f32 v4;
	v4 =	vmul.f32 $1.442695020e+00, v46  }
0x120: {  	v3 =	vsel vm13, v54, v3;
	v54 =	vmax.f32 v54, v1;
	v57 =	vsel vm12, $0x40A00000, v58  }
0x121: {  	v56 =	vld.idx.msk [tilespmem:v47+s7+$0x0], $0xffff;
	(erf) = vpow2.f32 v53;
	vm14 =	vgt.f32 v55, v54;
	v1 =	vsel vm12, v1, v3  }
0x122: {  	v49 =	vld.idx.msk [tilespmem:v49+s7+$0x0], $0xffff;
	v3 =	vsel vm13, $0x40A00000, v44;
	v44 =	vadd.f32 v0, v51;
	(erf) = vpow2.f32 v4  }
0x123: {  	v43 =	vsel vm14, $0x40C00000, v57;
	vm15 =	vgt.f32 v55, v1;
	v3 =	vsel vm12, v58, v3  }
0x124: {  	v4 =	vtrunc.f32 v43;
	(erf) = vpow2.f32 v48;
	v3 =	vsel vm15, $0x40C00000, v3  }
0x125: {  	v0 =	vsel vm15, v55, v1;
	v1 =	vcvt.f32.s32 v4;
	v4 =	vld.idx.msk [tilespmem:v50+s7+$0x0], $0xffff;
	v3 =	vsel vm14, v57, v3  }
0x126: {  	v51 =	vmax.f32 v55, v54;
	v58 =	vmul.f32 $1.442695020e+00, v56;
	v3 =	vsub.f32 v43, v3  }
0x127: {  	v56 =	vmul.f32 $1.442695020e+00, v49;
	v55 =	vlaneseq.u32;
	v1 =	vadd.s32 v1, v38  }
0x128: {  	v48 =	vand.u32 $0x7F, v1;
	v1 =	vshll.u32 v1, $0x3;
	v3 =	vand.u32 $0x7FFFFFFF, v3  }
0x129: {  	v0 =	vsel vm14, v54, v0;
	v1 =	vand.u32 $0xFFFFFC00, v1;
	v3 =	vadd.f32 $-1.000000000e+00, v3;
	v50 =	vpop (erf)  }
0x12a: {  	s2 =	sor.u32 s16, s12;
	(erf) = vpow2.f32 v58;
	v1 =	vor.u32 v1, v48;
	v4 =	vmul.f32 $1.442695020e+00, v4;
	v54 =	vpop (erf)  }
0x12b: {  	v0 =	vmul.f32 v0, v50;
	(erf) = vpow2.f32 v56;
	v56 =	vmov s2;
	v57 =	vpop (erf)  }
0x12c: {  	(erf) = vpow2.f32 v4;
	v48 =	vshll.u32 v56, $0x2;
	vm4 =	vgt.f32 v57, $0.0e+00  }
0x12d: {  	vm5 =	vgt.f32 v57, v54;
	v0 =	vmul.f32 v3, v0;
	v3 =	vpop (erf);
	(erf) = vpow2.f32 v2  }
0x12e: {  	v45 =	vadd.f32 v57, v54;
	v48 =	vand.u32 $0xFFFFFE00, v48;
	vm0 =	vmneg vm4  }
0x12f: {  	v53 =	vsel vm5, $0x3F800000, v29;
	v4 =	vsel vm0, $0x0, v57;
	vm0 =	vmor vm5, vm0  }
0x130: {  	v2 =	vsel vm5, v54, v4;
	v4 =	vmax.f32 v57, v54;
	v58 =	vsel vm0, $0x0, v30  }
0x131: {  	v57 =	vmul.u32 $0xA00, v35;
	vm6 =	vgt.f32 v3, v2;
	vm7 =	vgt.f32 v3, v4  }
0x132: {  	v2 =	vsel vm6, v3, v2;
	v46 =	vsel vm6, $0x40000000, v58;
	v49 =	vsel vm7, $0x40000000, v53  }
0x133: {  	v58 =	vor.u32 s2, v55;
	v48 =	vadd.s32 v57, v48;
	v52 =	vpop (erf);
	v2 =	vsel vm7, v4, v2  }
0x134: {  	v4 =	vmax.f32 v3, v4;
	v3 =	vadd.f32 v3, v45;
	vm8 =	vgt.f32 v52, v2  }
0x135: {  	v46 =	vsel vm7, v53, v46;
	vm9 =	vgt.f32 v52, v4;
	v2 =	vsel vm8, v52, v2  }
0x136: {  	v56 =	vand.u32 $0x3F, v58;
	v47 =	vpop (erf);
	v3 =	vadd.f32 v52, v3;
	v2 =	vsel vm9, v4, v2  }
0x137: {  	v54 =	vsel vm8, $0x40400000, v46;
	v4 =	vmax.f32 v52, v4;
	vm10 =	vgt.f32 v47, v2  }
0x138: {  	vm11 =	vgt.f32 v47, v4;
	v3 =	vadd.f32 v47, v3;
	v2 =	vsel vm10, v47, v2  }
0x139: {  	v46 =	vsel vm9, $0x40400000, v49;
	v45 =	vsel vm9, v49, v54;
	v49 =	vpop (erf);
	v2 =	vsel vm11, v4, v2  }
0x13a: {  	v3 =	vadd.f32 v49, v3;
	v4 =	vmax.f32 v47, v4;
	v47 =	vor.u32 v56, v48  }
0x13b: {  	v38 =	vmul.f32 v50, v51;
	v52 =	vpop (erf);
	v45 =	vsel vm10, $0x40800000, v45;
	v57 =	vor.u32 $0x100, v47  }
0x13c: {  	v45 =	vsel vm11, v46, v45;
	v46 =	vsel vm11, $0x40800000, v46;
	v3 =	vadd.f32 v52, v3  }
0x13d: {  	vm12 =	vgt.f32 v49, v4;
	v48 =	vmax.f32 v49, v4;
	vm14 =	vgt.f32 v49, v2  }
0x13e: {  	v53 =	vor.u32 $0x80, v47;
	v54 =	vor.u32 $0x180, v47;
	(erf) = vrcp.f32 v3  }
0x13f: {  	v51 =	vsel vm12, $0x40A00000, v46;
	vm13 =	vgt.f32 v52, v48;
	v2 =	vsel vm14, v49, v2;
	v47 =	vld.idx.msk [tilespmem:v47+s31+$0x0], $0xffff  }
0x140: {  	v45 =	vsel vm14, $0x40A00000, v45;
	v2 =	vsel vm12, v4, v2;
	v3 =	vsel vm13, $0x40C00000, v51;
	v57 =	vld.idx.msk [tilespmem:v57+s31+$0x0], $0xffff  }
0x141: {  	v4 =	vsel vm12, v46, v45;
	vm15 =	vgt.f32 v52, v2;
	v58 =	vtrunc.f32 v3  }
0x142: {  	v1 =	vor.u32 v36, v1;
	v4 =	vsel vm15, $0x40C00000, v4;
	v49 =	vcvt.f32.s32 v58  }
0x143: {  	v0 =	vadd.f32 v0, v38;
	v2 =	vsel vm15, v52, v2;
	v45 =	vld.idx.msk [tilespmem:v53+s31+$0x0], $0xffff;
	v4 =	vsel vm13, v51, v4  }
0x144: {  	v2 =	vsel vm13, v48, v2;
	v4 =	vsub.f32 v3, v4;
	v37 =	vadd.s32 v49, v37;
	v49 =	vld.idx.msk [tilespmem:v54+s31+$0x0], $0xffff  }
0x145: {  	v41 =	vld.idx.msk [tilespmem:v41+s26+$0x0], $0xffff;
	v48 =	vmax.f32 v52, v48;
	v58 =	vshll.u32 v37, $0x3;
	v50 =	vsub.f32 v57, v47  }
0x146: {  	v37 =	vand.u32 $0x7F, v37;
	v4 =	vand.u32 $0x7FFFFFFF, v4;
	v46 =	vand.u32 $0xFFFFFC00, v58  }
0x147: {  	v37 =	vor.u32 v46, v37;
	v38 =	vadd.f32 v57, v47;
	v56 =	vpop (erf);
	v47 =	vmul.f32 $1.700000050e+00, v50  }
0x148: {  	v4 =	vadd.f32 $-1.000000000e+00, v4;
	v36 =	vor.u32 v36, v37;
	v2 =	vmul.f32 v2, v56  }
0x149: {  	v1 =	vld.idx.msk [tilespmem:v1+s26+$0x0], $0xffff;
	v57 =	vsub.f32 v49, v45;
	v37 =	vmul.f32 v56, v48;
	v58 =	vsub.f32 v38, v47  }
0x14a: {  	v39 =	vsub.f32 v39, v41;
	v41 =	vmul.f32 v47, v31;
	v2 =	vmul.f32 v4, v2  }
0x14b: {  	v56 =	vadd.f32 v49, v45;
	v4 =	vmul.f32 $1.700000050e+00, v57;
	v57 =	vmul.f32 $5.000000000e-01, v58;
	v58 =	vld.idx.msk [tilespmem:v40+s26+$0x0], $0xffff  }
0x14c: {  	v43 =	vadd.f32 $5.000000000e-01, v43;
	v0 =	vadd.f32 v0, v44  }
0x14d: {  	v39 =	vmul.f32 v41, v39;
	v48 =	vsub.f32 v56, v4;
	v44 =	vadd.f32 v4, v56;
	v56 =	vld [tilespmem:$0x1FF20]  }
0x14e: {  	v42 =	vadd.f32 $5.000000000e-01, v42;
	v35 =	vshll.u32 v35, $0x9;
	v1 =	vsub.f32 v43, v1;
	v36 =	vld.idx.msk [tilespmem:v36+s26+$0x0], $0xffff  }
0x14f: {  	v35 =	vor.u32 s12, v35;
	v2 =	vadd.f32 v2, v37;
	v39 =	vadd.f32 v39, v57;
	v57 =	vld [tilespmem:$0x1FF30]  }
0x150: {  	v37 =	vadd.f32 v47, v38;
	v4 =	vmul.f32 v4, v31;
	v38 =	vadd.f32 v58, v42;
	v58 =	vld [tilespmem:$0x1FF40]  }
0x151: {  	v55 =	vor.u32 v55, v35;
	v3 =	vadd.f32 $5.000000000e-01, v3  }
0x152: {  	v40 =	vmul.f32 $5.000000000e-01, v48;
	v1 =	vmul.f32 v4, v1;
	v42 =	vor.u32 v56, v35  }
0x153: {  	v37 =	vmul.f32 $5.000000000e-01, v37;
	v3 =	vadd.f32 v3, v36  }
0x154: {  	v1 =	vadd.f32 v1, v40;
	v36 =	vor.u32 v57, v35;
	v38 =	vmul.f32 v41, v38  }
0x155: {  	v3 =	vmul.f32 v4, v3;
	v4 =	vmul.f32 $5.000000000e-01, v44;
	v35 =	vor.u32 v58, v35  }
0x156: {  	p4 =	sne.s32 s11, $0x1F;
	s4 =	smul.u32 $0xA80, s4;
	v0 =	vadd.f32 v2, v0;
	[tilespmem:v55+s18+$0x0] =	vst.idx.msk $0xffff, v39  }
.Ltmp5:
0x157: {  	v2 =	vsub.f32 v37, v38;
	[tilespmem:v42+s18+$0x0] =	vst.idx.msk $0xffff, v1;
	v1 =	vsub.f32 v4, v3;
	(pc) =	sbr.rel @p4 .LBB2_4-.Ltmp5, $4  }
0x158: {  	v63 =	vmov v34;
	v60 =	vmov v18;
	s2 =	sshrl.u32 s4, $0x2  }
0x159: {  	v61 =	vmovc v32;
	v62 =	vmovc v33;
	s2 =	sadd.s32 s2, s17;
	v53 =	vmov v16;
	v51 =	vmov v14;
	v0 =	vmul.f32 $2.500000000e-01, v0;
	[tilespmem:v36+s18+$0x0] =	vst.idx.msk $0xffff, v2  }
0x15a: {  	s2 =	sadd.s32 s12, s2;
	v52 =	vmovc v15;
	v54 =	vmovc v17;
	v46 =	vmov v10;
	v49 =	vmov v12;
	v50 =	vmov v13;
	[tilespmem:v35+s18+$0x0] =	vst.idx.msk $0xffff, v1  }
0x15b: {  	s10 =	sadd.s32 $0x10, s10;
	s20 =	sadd.s32 $0x2, s20;
	s11 =	sadd.s32 $0x1, s11;
	v59 =	vld [tilespmem:$0x1FF50];
	v47 =	vmovc v11;
	v44 =	vmovc v9;
	v4 =	vmov v7;
	v2 =	vmov v6;
	v1 =	vmov v5;
	[tilespmem:s2+$0x0] =	vst v0  }
0x15c: {  	s2 =	sadd.s32 $0x2, s3  }
0x15d: {  	p4 =	sge.u32 s2, s8  }
0x15e: {  	s2 =	smul.u32 @!p4 $0x700, s2;
	_ =	sdelay $0x1  }
0x15f: {  	s2 =	sadd.s32 @!p4 s9, s2  }
0x160: {  	s10 =	simm.s32 @!p4 $0x0;
	s4 =	sadd.s32 @!p4 s0, s2  }
0x161: {  	[tilespmem:s10], [sflag:$0x1] =	stream.linear.gather @!p4 [hbm4b:s4+s10], $0x3800, $0x38;
	[tilespmem:$0x15900] =	vst v63  }
0x162: {  	s2 =	sadd.s32 @!p4 s1, s2;
	s4 =	simm.s32 @!p4 $0x7000  }
0x163: {  	[tilespmem:s4], [sflag:$0x1] =	stream.linear.gather @!p4 [hbm4b:s2+s10], $0x3800, $0x38;
	[tilespmem:$0x15900] =	vst v63  }
0x164: {  	p4 =	seq.s32 s15, $0x0  }
.Ltmp6:
0x165: {  	_ = 	snop;
	(pc) =	sbr.rel @p4 .LBB2_9-.Ltmp6, $2  }
0x166: {  	_ =	sdelay $0x2  }
0x167: {  	v37 =	vmov v8  }
.LBB2_6:
0x168: {  	_ =	swait.ge [sflag:s30], $0x3800  }
0x169: {  	[sflag:s30] =	ssyncset.done $0x0  }
0x16a: {  	[sflag:s30] =	ssyncadd.s32 $0xFFFFC800  }
0x16b: {  	_ =	swait.ge [sflag:s30], $0x3800  }
0x16c: {  	v20 =	vld [tilespmem:$0x1FF60]  }
0x16d: {  	v21 =	vld [tilespmem:$0x1FF70]  }
0x16e: {  	v22 =	vld [tilespmem:$0x1FF80]  }
0x16f: {  	v23 =	vld [tilespmem:$0x1FF90]  }
0x170: {  	v24 =	vld [tilespmem:$0x1FFA0]  }
0x171: {  	v25 =	vld [tilespmem:$0x1FFB0]  }
0x172: {  	v26 =	vld [tilespmem:$0x1FFC0]  }
0x173: {  	s15 =	sshrl.u32 s3, $0x1;
	s20 =	simm.s32 $0x0;
	s10 =	simm.s32 $0x0;
	v27 =	vld [tilespmem:$0x1FFD0]  }
0x174: {  	s11 =	simm.s32 $0x0;
	s2 =	sshll.u32 s15, $0x7;
	[sflag:s30] =	ssyncset.done $0x0;
	v28 =	vld [tilespmem:$0x1FFE0]  }
0x175: {  	s16 =	sor.u32 $0x40, s2;
	s17 =	sadd.s32 $0x14040, s2;
	v19 =	vld [tilespmem:$0x1FFF0];
	[sflag:s30] =	ssyncadd.s32 $0xFFFFC800  }
.LBB2_7:
0x176: {  	s2 =	sand.u32 $0x10, s10;
	s4 =	sand.u32 $0x20, s20  }
0x177: {  	s12 =	sor.u32 s2, s4  }
0x178: {  	s4 =	sshrl.u32 s11, $0x1;
	s2 =	smul.u32 $0x1C, s12  }
0x179: {  	s4 =	sand.u32 $0x7, s4  }
0x17a: {  	v35 =	vmov s4;
	v41 =	vadd.s32 s2, v1  }
0x17b: {  	v2 =	vadd.s32 s2, v6;
	v36 =	vshll.u32 v35, $0x7;
	v3 =	vadd.s32 s2, v4  }
0x17c: {  	v4 =	vadd.s32 s2, v37;
	v55 =	vadd.s32 s2, v44;
	v38 =	vadd.s32 s2, v46  }
0x17d: {  	v39 =	vadd.s32 s2, v47;
	v40 =	vadd.s32 s2, v49;
	v42 =	vadd.s32 s2, v50  }
0x17e: {  	v43 =	vadd.s32 s2, v53;
	v0 =	vshll.u32 v41, $0x3;
	v1 =	vand.u32 $0x7C, v41  }
0x17f: {  	v37 =	vand.u32 $0x7C, v55;
	v56 =	vshll.u32 v38, $0x3;
	v0 =	vand.u32 $0x7FFFFC00, v0  }
0x180: {  	v38 =	vand.u32 $0x7D, v38;
	v0 =	vor.u32 v0, v1;
	v1 =	vshll.u32 v2, $0x3  }
0x181: {  	v57 =	vshll.u32 v39, $0x3;
	v2 =	vand.u32 $0x7D, v2;
	v1 =	vand.u32 $0x7FFFFC00, v1  }
0x182: {  	v39 =	vand.u32 $0x7E, v39;
	v1 =	vor.u32 v1, v2;
	v2 =	vshll.u32 v3, $0x3  }
0x183: {  	v0 =	vor.u32 v36, v0;
	v3 =	vand.u32 $0x7E, v3;
	v2 =	vand.u32 $0x7FFFFC00, v2  }
0x184: {  	v45 =	vshll.u32 v40, $0x3;
	v2 =	vor.u32 v2, v3;
	v3 =	vshll.u32 v4, $0x3  }
0x185: {  	v46 =	vand.u32 $0x7F, v40;
	v4 =	vand.u32 $0x7F, v4;
	v3 =	vand.u32 $0x7FFFFC00, v3  }
0x186: {  	v50 =	vshll.u32 v42, $0x3;
	v3 =	vor.u32 v3, v4;
	v4 =	vshll.u32 v55, $0x3  }
0x187: {  	v1 =	vor.u32 v36, v1;
	v2 =	vor.u32 v36, v2;
	v4 =	vand.u32 $0x7FFFFC00, v4  }
0x188: {  	v55 =	vand.u32 $0x7C, v42;
	v0 =	vld.idx.msk [tilespmem:v0+s28+$0x0], $0xffff;
	v4 =	vor.u32 v4, v37;
	v37 =	vand.u32 $0x7FFFFC00, v56  }
0x189: {  	v3 =	vor.u32 v36, v3;
	v37 =	vor.u32 v37, v38;
	v38 =	vand.u32 $0x7FFFFC00, v57  }
0x18a: {  	v4 =	vor.u32 v36, v4;
	v47 =	vor.u32 v36, v37;
	v58 =	vor.u32 v38, v39  }
0x18b: {  	v38 =	vand.u32 $0x7FFFFC00, v45;
	v45 =	vadd.s32 s2, v51;
	v51 =	vadd.s32 s2, v52  }
0x18c: {  	v1 =	vld.idx.msk [tilespmem:v1+s28+$0x0], $0xffff;
	v48 =	vor.u32 v36, v58;
	v49 =	vor.u32 v38, v46;
	v38 =	vand.u32 $0x7FFFFC00, v50  }
0x18d: {  	v50 =	vand.u32 $0x7D, v45;
	v42 =	vand.u32 $0x7E, v51;
	v0 =	vmul.f32 $1.442695020e+00, v0  }
0x18e: {  	v57 =	vor.u32 v36, v49;
	v46 =	vor.u32 v38, v55;
	v49 =	vshll.u32 v45, $0x3  }
0x18f: {  	v55 =	vshll.u32 v51, $0x3;
	v45 =	vshll.u32 v43, $0x3;
	v38 =	vand.u32 $0x7FFFFC00, v49  }
0x190: {  	v2 =	vld.idx.msk [tilespmem:v2+s28+$0x0], $0xffff;
	v58 =	vor.u32 v36, v46;
	v46 =	vand.u32 $0x7F, v43;
	v49 =	vadd.s32 s2, v54  }
0x191: {  	v1 =	vmul.f32 $1.442695020e+00, v1;
	(erf) = vpow2.f32 v0;
	v52 =	vor.u32 v38, v50  }
0x192: {  	v38 =	vand.u32 $0x7FFFFC00, v55;
	v51 =	vshll.u32 v49, $0x3;
	v43 =	vand.u32 $0x7C, v49  }
0x193: {  	v39 =	vor.u32 v36, v52;
	v56 =	vor.u32 v38, v42;
	v38 =	vand.u32 $0x7FFFFC00, v45  }
0x194: {  	v52 =	vadd.s32 s2, v60;
	v45 =	vadd.s32 s2, v62;
	(erf) = vpow2.f32 v1  }
0x195: {  	v0 =	vld.idx.msk [tilespmem:v3+s28+$0x0], $0xffff;
	v2 =	vmul.f32 $1.442695020e+00, v2;
	v53 =	vor.u32 v36, v56;
	v50 =	vor.u32 v38, v46  }
0x196: {  	v38 =	vand.u32 $0x7FFFFC00, v51;
	v55 =	vshll.u32 v52, $0x3;
	v56 =	vand.u32 $0x7D, v52  }
0x197: {  	v42 =	vor.u32 v36, v50;
	v54 =	vor.u32 v38, v43;
	v60 =	vand.u32 $0x7FFFFC00, v55  }
0x198: {  	v38 =	vadd.s32 s2, v61;
	(erf) = vpow2.f32 v2;
	v51 =	vor.u32 v36, v54  }
0x199: {  	v61 =	vor.u32 v60, v56;
	v49 =	vshll.u32 v38, $0x3;
	v50 =	vand.u32 $0x7E, v38  }
0x19a: {  	v56 =	vshll.u32 v45, $0x3;
	v60 =	vand.u32 $0x7F, v45;
	v0 =	vmul.f32 $1.442695020e+00, v0  }
0x19b: {  	v43 =	vand.u32 $0x7FFFFC00, v49;
	v52 =	vor.u32 v36, v61;
	v37 =	vand.u32 $0x7FFFFC00, v56  }
0x19c: {  	v61 =	vadd.s32 s2, v63;
	v63 =	vadd.s32 s2, v59;
	v54 =	vor.u32 v43, v50  }
0x19d: {  	v56 =	vor.u32 v37, v60;
	v62 =	vshll.u32 v61, $0x3;
	v44 =	vand.u32 $0x7C, v61  }
0x19e: {  	v49 =	vshll.u32 v63, $0x3;
	v43 =	vand.u32 $0x7D, v63;
	v50 =	vadd.s32 s2, v20  }
0x19f: {  	v2 =	vld.idx.msk [tilespmem:v47+s28+$0x0], $0xffff;
	(erf) = vpow2.f32 v0;
	v37 =	vand.u32 $0x7FFFFC00, v62;
	v45 =	vand.u32 $0x7FFFFC00, v49  }
0x1a0: {  	v58 =	vld.idx.msk [tilespmem:v58+s28+$0x0], $0xffff;
	v55 =	vshll.u32 v50, $0x3;
	v61 =	vand.u32 $0x7E, v50;
	v62 =	vadd.s32 s2, v21  }
0x1a1: {  	v49 =	vadd.s32 s2, v22;
	v54 =	vor.u32 v36, v54;
	v56 =	vor.u32 v36, v56  }
0x1a2: {  	v59 =	vor.u32 v37, v44;
	v60 =	vor.u32 v45, v43;
	v37 =	vand.u32 $0x7FFFFC00, v55  }
0x1a3: {  	v63 =	vshll.u32 v62, $0x3;
	v44 =	vand.u32 $0x7F, v62;
	v50 =	vshll.u32 v49, $0x3  }
0x1a4: {  	v2 =	vmul.f32 $1.442695020e+00, v2;
	v55 =	vor.u32 v37, v61;
	v37 =	vand.u32 $0x7FFFFC00, v63  }
0x1a5: {  	v53 =	vld.idx.msk [tilespmem:v53+s28+$0x0], $0xffff;
	v61 =	vand.u32 $0x7C, v49;
	v62 =	vand.u32 $0x7FFFFC00, v50;
	v58 =	vmul.f32 $1.442695020e+00, v58  }
0x1a6: {  	v44 =	vor.u32 v37, v44;
	v43 =	vor.u32 v62, v61;
	v37 =	vadd.s32 s2, v23  }
0x1a7: {  	v42 =	vld.idx.msk [tilespmem:v42+s28+$0x0], $0xffff;
	v61 =	vadd.s32 s2, v24;
	v62 =	vadd.s32 s2, v25;
	v55 =	vor.u32 v36, v55  }
0x1a8: {  	v63 =	vand.u32 $0x7D, v37;
	v50 =	vshll.u32 v37, $0x3;
	v3 =	vshll.u32 v61, $0x3  }
0x1a9: {  	v1 =	vand.u32 $0x7E, v61;
	v44 =	vor.u32 v36, v44;
	v43 =	vor.u32 v36, v43  }
0x1aa: {  	v46 =	vand.u32 $0x7FFFFC00, v50;
	v3 =	vand.u32 $0x7FFFFC00, v3;
	v53 =	vmul.f32 $1.442695020e+00, v53  }
0x1ab: {  	v45 =	vor.u32 v46, v63;
	v46 =	vor.u32 v3, v1;
	v1 =	vshll.u32 v62, $0x3  }
0x1ac: {  	v3 =	vld.idx.msk [tilespmem:v4+s28+$0x0], $0xffff;
	v4 =	vand.u32 $0x7F, v62;
	v63 =	vadd.s32 s2, v26;
	v42 =	vmul.f32 $1.442695020e+00, v42  }
0x1ad: {  	v1 =	vand.u32 $0x7FFFFC00, v1;
	v50 =	vand.u32 $0x7C, v63;
	v49 =	vshll.u32 v63, $0x3  }
0x1ae: {  	v45 =	vor.u32 v36, v45;
	v47 =	vand.u32 $0x7FFFFC00, v49;
	v49 =	vadd.s32 s2, v27  }
0x1af: {  	v61 =	vld.idx.msk [tilespmem:v48+s28+$0x0], $0xffff;
	v48 =	vor.u32 v1, v4;
	v47 =	vor.u32 v47, v50;
	v1 =	vand.u32 $0x7D, v49  }
0x1b0: {  	v4 =	vshll.u32 v49, $0x3;
	v50 =	vadd.s32 s2, v28;
	v48 =	vor.u32 v36, v48  }
0x1b1: {  	v44 =	vld.idx.msk [tilespmem:v44+s28+$0x0], $0xffff;
	v0 =	vand.u32 $0x7FFFFC00, v4;
	v4 =	vshll.u32 v50, $0x3;
	v3 =	vmul.f32 $1.442695020e+00, v3  }
0x1b2: {  	v49 =	vor.u32 v0, v1;
	v0 =	vand.u32 $0x7E, v50;
	v1 =	vand.u32 $0x7FFFFC00, v4  }
0x1b3: {  	v62 =	vpop (erf);
	v46 =	vor.u32 v36, v46;
	v47 =	vor.u32 v36, v47;
	v50 =	vor.u32 v1, v0  }
0x1b4: {  	v0 =	vmul.f32 $1.442695020e+00, v61;
	v49 =	vor.u32 v36, v49;
	v4 =	vpop (erf);
	(erf) = vpow2.f32 v3  }
0x1b5: {  	vm0 =	vgt.f32 v4, $0.0e+00;
	(erf) = vpow2.f32 v2;
	vm1 =	vgt.f32 v4, v62;
	v48 =	vld.idx.msk [tilespmem:v48+s28+$0x0], $0xffff  }
0x1b6: {  	v2 =	vpop (erf);
	v3 =	vmax.f32 v4, v62;
	v44 =	vmul.f32 $1.442695020e+00, v44;
	vm0 =	vmneg vm0  }
0x1b7: {  	(erf) = vpow2.f32 v0;
	vm2 =	vgt.f32 v2, v3;
	v1 =	vsel vm0, $0x0, v4  }
0x1b8: {  	vm0 =	vmor vm1, vm0;
	v4 =	vadd.f32 v4, v62;
	v0 =	vsel vm1, v62, v1  }
0x1b9: {  	v1 =	vsel vm0, $0x0, v30;
	v62 =	vsel vm1, $0x3F800000, v29;
	vm7 =	vgt.f32 v2, v0  }
0x1ba: {  	v0 =	vsel vm7, v2, v0;
	v1 =	vsel vm7, $0x40000000, v1;
	v48 =	vmul.f32 $1.442695020e+00, v48  }
0x1bb: {  	v61 =	vpop (erf);
	v0 =	vsel vm2, v3, v0;
	v3 =	vmax.f32 v2, v3;
	v2 =	vadd.f32 v2, v4  }
0x1bc: {  	v1 =	vsel vm2, v62, v1;
	v62 =	vsel vm2, $0x40000000, v62;
	vm8 =	vgt.f32 v61, v0  }
0x1bd: {  	vm9 =	vgt.f32 v61, v3;
	v0 =	vsel vm8, v61, v0;
	v2 =	vadd.f32 v61, v2  }
0x1be: {  	v4 =	vpop (erf);
	v1 =	vsel vm8, $0x40400000, v1;
	v0 =	vsel vm9, v3, v0;
	v3 =	vmax.f32 v61, v3  }
0x1bf: {  	v1 =	vsel vm9, v62, v1;
	vm10 =	vgt.f32 v4, v0;
	v2 =	vadd.f32 v4, v2  }
0x1c0: {  	v57 =	vld.idx.msk [tilespmem:v57+s28+$0x0], $0xffff;
	v61 =	vpop (erf);
	v62 =	vsel vm9, $0x40400000, v62;
	vm11 =	vgt.f32 v4, v3;
	v0 =	vsel vm10, v4, v0  }
0x1c1: {  	v1 =	vsel vm10, $0x40800000, v1;
	v0 =	vsel vm11, v3, v0;
	v2 =	vadd.f32 v61, v2  }
0x1c2: {  	v3 =	vmax.f32 v4, v3;
	v4 =	vpop (erf);
	v1 =	vsel vm11, v62, v1;
	vm12 =	vgt.f32 v61, v0  }
0x1c3: {  	v63 =	vld.idx.msk [tilespmem:v39+s28+$0x0], $0xffff;
	vm13 =	vgt.f32 v61, v3;
	v0 =	vsel vm12, v61, v0;
	v2 =	vadd.f32 v4, v2  }
0x1c4: {  	v62 =	vsel vm11, $0x40800000, v62;
	v1 =	vsel vm12, $0x40A00000, v1;
	v0 =	vsel vm13, v3, v0  }
0x1c5: {  	v3 =	vmax.f32 v61, v3;
	(erf) = vrcp.f32 v2;
	v2 =	vmul.f32 $1.442695020e+00, v57  }
0x1c6: {  	v61 =	vadd.s32 s2, v19;
	v1 =	vsel vm13, v62, v1;
	v57 =	vsel vm13, $0x40A00000, v62  }
0x1c7: {  	vm14 =	vgt.f32 v4, v3;
	vm15 =	vgt.f32 v4, v0;
	(erf) = vpow2.f32 v2  }
0x1c8: {  	v62 =	vmul.f32 $1.442695020e+00, v63;
	v39 =	vsel vm14, $0x40C00000, v57;
	(erf) = vpow2.f32 v58  }
0x1c9: {  	v1 =	vsel vm15, $0x40C00000, v1;
	v0 =	vsel vm15, v4, v0;
	v58 =	vtrunc.f32 v39  }
0x1ca: {  	v2 =	vand.u32 $0x7F, v61;
	v61 =	vshll.u32 v61, $0x3;
	v58 =	vcvt.f32.s32 v58  }
0x1cb: {  	v1 =	vsel vm14, v57, v1;
	v57 =	vor.u32 v36, v59;
	(erf) = vpow2.f32 v62  }
0x1cc: {  	v51 =	vld.idx.msk [tilespmem:v51+s28+$0x0], $0xffff;
	v0 =	vsel vm14, v3, v0;
	v1 =	vsub.f32 v39, v1;
	v41 =	vadd.s32 v58, v41  }
0x1cd: {  	v52 =	vld.idx.msk [tilespmem:v52+s28+$0x0], $0xffff;
	v3 =	vmax.f32 v4, v3;
	v61 =	vand.u32 $0x7FFFFC00, v61;
	v4 =	vand.u32 $0x7F, v41  }
0x1ce: {  	(erf) = vpow2.f32 v53;
	v1 =	vand.u32 $0x7FFFFFFF, v1;
	v41 =	vshll.u32 v41, $0x3;
	v59 =	vpop (erf)  }
0x1cf: {  	v1 =	vadd.f32 $-1.000000000e+00, v1;
	v41 =	vand.u32 $0xFFFFFC00, v41;
	v0 =	vmul.f32 v0, v59  }
0x1d0: {  	v2 =	vor.u32 v61, v2;
	v41 =	vor.u32 v41, v4;
	v3 =	vmul.f32 v59, v3;
	v4 =	vpop (erf)  }
0x1d1: {  	v2 =	vor.u32 v36, v2;
	v53 =	vpop (erf);
	v0 =	vmul.f32 v1, v0;
	v1 =	vmul.f32 $1.442695020e+00, v51  }
0x1d2: {  	v59 =	vmul.f32 $1.442695020e+00, v52;
	(erf) = vpow2.f32 v42;
	vm4 =	vgt.f32 v53, $0.0e+00  }
0x1d3: {  	v58 =	vor.u32 v36, v60;
	vm0 =	vmneg vm4;
	(erf) = vpow2.f32 v1  }
0x1d4: {  	vm5 =	vgt.f32 v53, v4;
	v51 =	vpop (erf);
	v1 =	vsel vm0, $0x0, v53;
	(erf) = vpow2.f32 v59  }
0x1d5: {  	vm0 =	vmor vm5, vm0;
	v59 =	vmax.f32 v53, v4;
	v1 =	vsel vm5, v4, v1  }
0x1d6: {  	v4 =	vadd.f32 v53, v4;
	v52 =	vsel vm0, $0x0, v30;
	vm6 =	vgt.f32 v51, v1  }
0x1d7: {  	vm7 =	vgt.f32 v51, v59;
	v53 =	vpop (erf);
	v42 =	vmax.f32 v51, v59;
	v1 =	vsel vm6, v51, v1  }
0x1d8: {  	vm9 =	vgt.f32 v53, v42;
	v4 =	vadd.f32 v51, v4;
	v1 =	vsel vm7, v59, v1  }
0x1d9: {  	v52 =	vsel vm6, $0x40000000, v52;
	v59 =	vsel vm5, $0x3F800000, v29;
	vm8 =	vgt.f32 v53, v1  }
0x1da: {  	v52 =	vsel vm7, v59, v52;
	v51 =	vsel vm7, $0x40000000, v59;
	v4 =	vadd.f32 v53, v4  }
0x1db: {  	v1 =	vsel vm8, v53, v1;
	v52 =	vsel vm8, $0x40400000, v52;
	v59 =	vsel vm9, $0x40400000, v51  }
0x1dc: {  	v1 =	vsel vm9, v42, v1;
	v42 =	vmax.f32 v53, v42;
	v53 =	vpop (erf);
	v52 =	vsel vm9, v51, v52  }
0x1dd: {  	v51 =	vadd.f32 v0, v3;
	vm11 =	vgt.f32 v53, v1;
	v4 =	vadd.f32 v53, v4  }
0x1de: {  	v54 =	vld.idx.msk [tilespmem:v54+s28+$0x0], $0xffff;
	vm10 =	vgt.f32 v53, v42;
	v0 =	vpop (erf);
	v1 =	vsel vm11, v53, v1;
	v52 =	vsel vm11, $0x40800000, v52  }
0x1df: {  	v1 =	vsel vm10, v42, v1;
	v3 =	vsel vm10, v59, v52;
	v52 =	vld.idx.msk [tilespmem:v56+s28+$0x0], $0xffff;
	v4 =	vadd.f32 v0, v4  }
0x1e0: {  	v42 =	vmax.f32 v53, v42;
	v53 =	vpop (erf);
	v56 =	vsel vm10, $0x40800000, v59;
	vm12 =	vgt.f32 v0, v1  }
0x1e1: {  	vm13 =	vgt.f32 v0, v42;
	v1 =	vsel vm12, v0, v1;
	v4 =	vadd.f32 v53, v4  }
0x1e2: {  	v2 =	vld.idx.msk [tilespmem:v2+s28+$0x0], $0xffff;
	v0 =	vmax.f32 v0, v42;
	v3 =	vsel vm12, $0x40A00000, v3;
	v59 =	vsel vm13, $0x40A00000, v56  }
0x1e3: {  	vm14 =	vgt.f32 v53, v0;
	(erf) = vrcp.f32 v4;
	v4 =	vmul.f32 $1.442695020e+00, v54;
	v54 =	vld.idx.msk [tilespmem:v57+s28+$0x0], $0xffff  }
0x1e4: {  	v1 =	vsel vm13, v42, v1;
	v42 =	vsel vm14, $0x40C00000, v59;
	v52 =	vmul.f32 $1.442695020e+00, v52  }
0x1e5: {  	v3 =	vsel vm13, v56, v3;
	v56 =	vtrunc.f32 v42;
	(erf) = vpow2.f32 v4  }
0x1e6: {  	v50 =	vor.u32 v36, v50;
	v58 =	vld.idx.msk [tilespmem:v58+s28+$0x0], $0xffff;
	v4 =	vcvt.f32.s32 v56;
	(erf) = vpow2.f32 v52  }
0x1e7: {  	v39 =	vadd.f32 $5.000000000e-01, v39;
	v41 =	vor.u32 v36, v41;
	v2 =	vmul.f32 $1.442695020e+00, v2;
	v52 =	vld.idx.msk [tilespmem:v55+s28+$0x0], $0xffff  }
0x1e8: {  	vm15 =	vgt.f32 v53, v1;
	v4 =	vadd.s32 v4, v40;
	v54 =	vmul.f32 $1.442695020e+00, v54  }
0x1e9: {  	v3 =	vsel vm15, $0x40C00000, v3;
	v57 =	vand.u32 $0x7F, v4;
	v4 =	vshll.u32 v4, $0x3  }
0x1ea: {  	v3 =	vsel vm14, v59, v3;
	v4 =	vand.u32 $0xFFFFFC00, v4;
	(erf) = vpow2.f32 v54  }
0x1eb: {  	v43 =	vld.idx.msk [tilespmem:v43+s28+$0x0], $0xffff;
	v58 =	vmul.f32 $1.442695020e+00, v58;
	v1 =	vsel vm15, v53, v1;
	v3 =	vsub.f32 v42, v3  }
0x1ec: {  	v1 =	vsel vm14, v0, v1;
	v0 =	vmax.f32 v53, v0;
	v52 =	vmul.f32 $1.442695020e+00, v52  }
0x1ed: {  	v3 =	vand.u32 $0x7FFFFFFF, v3;
	v40 =	vor.u32 v4, v57;
	(erf) = vpow2.f32 v58;
	v4 =	vpop (erf)  }
0x1ee: {  	v3 =	vadd.f32 $-1.000000000e+00, v3;
	v1 =	vmul.f32 v1, v4;
	(erf) = vpow2.f32 v52;
	v53 =	vpop (erf)  }
0x1ef: {  	v40 =	vor.u32 v36, v40;
	v0 =	vmul.f32 v4, v0;
	(erf) = vpow2.f32 v44;
	v4 =	vpop (erf)  }
0x1f0: {  	v1 =	vmul.f32 v3, v1;
	v3 =	vmul.f32 $1.442695020e+00, v43;
	vm4 =	vgt.f32 v4, $0.0e+00  }
0x1f1: {  	vm5 =	vgt.f32 v4, v53;
	v56 =	vmax.f32 v4, v53;
	vm0 =	vmneg vm4  }
0x1f2: {  	(erf) = vpow2.f32 v3;
	v0 =	vadd.f32 v1, v0;
	v57 =	vsel vm0, $0x0, v4  }
0x1f3: {  	vm0 =	vmor vm5, vm0;
	v4 =	vadd.f32 v4, v53;
	v3 =	vsel vm5, v53, v57;
	v43 =	vpop (erf)  }
0x1f4: {  	v58 =	vsel vm0, $0x0, v30;
	v57 =	vsel vm5, $0x3F800000, v29;
	vm7 =	vgt.f32 v43, v3  }
0x1f5: {  	vm6 =	vgt.f32 v43, v56;
	v4 =	vadd.f32 v43, v4;
	v3 =	vsel vm7, v43, v3  }
0x1f6: {  	v1 =	vpop (erf);
	v44 =	vsel vm7, $0x40000000, v58;
	v43 =	vmax.f32 v43, v56;
	v53 =	vsel vm6, $0x40000000, v57  }
0x1f7: {  	v45 =	vld.idx.msk [tilespmem:v45+s28+$0x0], $0xffff;
	v3 =	vsel vm6, v56, v3;
	v4 =	vadd.f32 v1, v4;
	vm9 =	vgt.f32 v1, v43  }
0x1f8: {  	v44 =	vsel vm6, v57, v44;
	v58 =	vpop (erf);
	vm8 =	vgt.f32 v1, v3;
	v57 =	vsel vm9, $0x40400000, v53  }
0x1f9: {  	v3 =	vsel vm8, v1, v3;
	v44 =	vsel vm8, $0x40400000, v44;
	v4 =	vadd.f32 v58, v4  }
0x1fa: {  	v46 =	vld.idx.msk [tilespmem:v46+s28+$0x0], $0xffff;
	v54 =	vpop (erf);
	v1 =	vmax.f32 v1, v43;
	v3 =	vsel vm9, v43, v3;
	v44 =	vsel vm9, v53, v44  }
0x1fb: {  	vm11 =	vgt.f32 v58, v1;
	vm10 =	vgt.f32 v58, v3;
	v4 =	vadd.f32 v54, v4  }
0x1fc: {  	v53 =	vmul.f32 $1.442695020e+00, v45;
	v55 =	vpop (erf);
	v3 =	vsel vm10, v58, v3;
	v44 =	vsel vm10, $0x40800000, v44  }
0x1fd: {  	v3 =	vsel vm11, v1, v3;
	v1 =	vmax.f32 v58, v1;
	v4 =	vadd.f32 v55, v4  }
0x1fe: {  	v44 =	vsel vm11, v57, v44;
	v58 =	vsel vm11, $0x40800000, v57;
	vm12 =	vgt.f32 v54, v1  }
0x1ff: {  	vm13 =	vgt.f32 v54, v3;
	(erf) = vrcp.f32 v4;
	v4 =	vmul.f32 $1.442695020e+00, v46  }
0x200: {  	v3 =	vsel vm13, v54, v3;
	v54 =	vmax.f32 v54, v1;
	v57 =	vsel vm12, $0x40A00000, v58  }
0x201: {  	v56 =	vld.idx.msk [tilespmem:v47+s28+$0x0], $0xffff;
	(erf) = vpow2.f32 v53;
	vm14 =	vgt.f32 v55, v54;
	v1 =	vsel vm12, v1, v3  }
0x202: {  	v49 =	vld.idx.msk [tilespmem:v49+s28+$0x0], $0xffff;
	v3 =	vsel vm13, $0x40A00000, v44;
	v44 =	vadd.f32 v0, v51;
	(erf) = vpow2.f32 v4  }
0x203: {  	v43 =	vsel vm14, $0x40C00000, v57;
	vm15 =	vgt.f32 v55, v1;
	v3 =	vsel vm12, v58, v3  }
0x204: {  	v4 =	vtrunc.f32 v43;
	(erf) = vpow2.f32 v48;
	v3 =	vsel vm15, $0x40C00000, v3  }
0x205: {  	v0 =	vsel vm15, v55, v1;
	v1 =	vcvt.f32.s32 v4;
	v4 =	vld.idx.msk [tilespmem:v50+s28+$0x0], $0xffff;
	v3 =	vsel vm14, v57, v3  }
0x206: {  	v51 =	vmax.f32 v55, v54;
	v58 =	vmul.f32 $1.442695020e+00, v56;
	v3 =	vsub.f32 v43, v3  }
0x207: {  	v56 =	vmul.f32 $1.442695020e+00, v49;
	v55 =	vlaneseq.u32;
	v1 =	vadd.s32 v1, v38  }
0x208: {  	v48 =	vand.u32 $0x7F, v1;
	v1 =	vshll.u32 v1, $0x3;
	v3 =	vand.u32 $0x7FFFFFFF, v3  }
0x209: {  	v0 =	vsel vm14, v54, v0;
	v1 =	vand.u32 $0xFFFFFC00, v1;
	v3 =	vadd.f32 $-1.000000000e+00, v3;
	v50 =	vpop (erf)  }
0x20a: {  	s2 =	sor.u32 s16, s12;
	(erf) = vpow2.f32 v58;
	v1 =	vor.u32 v1, v48;
	v4 =	vmul.f32 $1.442695020e+00, v4;
	v54 =	vpop (erf)  }
0x20b: {  	v0 =	vmul.f32 v0, v50;
	(erf) = vpow2.f32 v56;
	v56 =	vmov s2;
	v57 =	vpop (erf)  }
0x20c: {  	(erf) = vpow2.f32 v4;
	v48 =	vshll.u32 v56, $0x2;
	vm4 =	vgt.f32 v57, $0.0e+00  }
0x20d: {  	vm5 =	vgt.f32 v57, v54;
	v0 =	vmul.f32 v3, v0;
	v3 =	vpop (erf);
	(erf) = vpow2.f32 v2  }
0x20e: {  	v45 =	vadd.f32 v57, v54;
	v48 =	vand.u32 $0xFFFFFE00, v48;
	vm0 =	vmneg vm4  }
0x20f: {  	v53 =	vsel vm5, $0x3F800000, v29;
	v4 =	vsel vm0, $0x0, v57;
	vm0 =	vmor vm5, vm0  }
0x210: {  	v2 =	vsel vm5, v54, v4;
	v4 =	vmax.f32 v57, v54;
	v58 =	vsel vm0, $0x0, v30  }
0x211: {  	v57 =	vmul.u32 $0xA00, v35;
	vm6 =	vgt.f32 v3, v2;
	vm7 =	vgt.f32 v3, v4  }
0x212: {  	v2 =	vsel vm6, v3, v2;
	v46 =	vsel vm6, $0x40000000, v58;
	v49 =	vsel vm7, $0x40000000, v53  }
0x213: {  	v58 =	vor.u32 s2, v55;
	v48 =	vadd.s32 v57, v48;
	v52 =	vpop (erf);
	v2 =	vsel vm7, v4, v2  }
0x214: {  	v4 =	vmax.f32 v3, v4;
	v3 =	vadd.f32 v3, v45;
	vm8 =	vgt.f32 v52, v2  }
0x215: {  	v46 =	vsel vm7, v53, v46;
	vm9 =	vgt.f32 v52, v4;
	v2 =	vsel vm8, v52, v2  }
0x216: {  	v56 =	vand.u32 $0x7F, v58;
	v47 =	vpop (erf);
	v3 =	vadd.f32 v52, v3;
	v2 =	vsel vm9, v4, v2  }
0x217: {  	v54 =	vsel vm8, $0x40400000, v46;
	v4 =	vmax.f32 v52, v4;
	vm10 =	vgt.f32 v47, v2  }
0x218: {  	vm11 =	vgt.f32 v47, v4;
	v3 =	vadd.f32 v47, v3;
	v2 =	vsel vm10, v47, v2  }
0x219: {  	v46 =	vsel vm9, $0x40400000, v49;
	v45 =	vsel vm9, v49, v54;
	v49 =	vpop (erf);
	v2 =	vsel vm11, v4, v2  }
0x21a: {  	v3 =	vadd.f32 v49, v3;
	v4 =	vmax.f32 v47, v4;
	v47 =	vor.u32 v56, v48  }
0x21b: {  	v38 =	vmul.f32 v50, v51;
	v52 =	vpop (erf);
	v45 =	vsel vm10, $0x40800000, v45;
	v57 =	vor.u32 $0x100, v47  }
0x21c: {  	v45 =	vsel vm11, v46, v45;
	v46 =	vsel vm11, $0x40800000, v46;
	v3 =	vadd.f32 v52, v3  }
0x21d: {  	vm12 =	vgt.f32 v49, v4;
	v48 =	vmax.f32 v49, v4;
	vm14 =	vgt.f32 v49, v2  }
0x21e: {  	v53 =	vor.u32 $0x80, v47;
	v54 =	vor.u32 $0x180, v47;
	(erf) = vrcp.f32 v3  }
0x21f: {  	v51 =	vsel vm12, $0x40A00000, v46;
	vm13 =	vgt.f32 v52, v48;
	v2 =	vsel vm14, v49, v2;
	v47 =	vld.idx.msk [tilespmem:v47+s31+$0x0], $0xffff  }
0x220: {  	v45 =	vsel vm14, $0x40A00000, v45;
	v2 =	vsel vm12, v4, v2;
	v3 =	vsel vm13, $0x40C00000, v51;
	v57 =	vld.idx.msk [tilespmem:v57+s31+$0x0], $0xffff  }
0x221: {  	v4 =	vsel vm12, v46, v45;
	vm15 =	vgt.f32 v52, v2;
	v58 =	vtrunc.f32 v3  }
0x222: {  	v1 =	vor.u32 v36, v1;
	v4 =	vsel vm15, $0x40C00000, v4;
	v49 =	vcvt.f32.s32 v58  }
0x223: {  	v0 =	vadd.f32 v0, v38;
	v2 =	vsel vm15, v52, v2;
	v45 =	vld.idx.msk [tilespmem:v53+s31+$0x0], $0xffff;
	v4 =	vsel vm13, v51, v4  }
0x224: {  	v2 =	vsel vm13, v48, v2;
	v4 =	vsub.f32 v3, v4;
	v37 =	vadd.s32 v49, v37;
	v49 =	vld.idx.msk [tilespmem:v54+s31+$0x0], $0xffff  }
0x225: {  	v41 =	vld.idx.msk [tilespmem:v41+s29+$0x0], $0xffff;
	v48 =	vmax.f32 v52, v48;
	v58 =	vshll.u32 v37, $0x3;
	v50 =	vsub.f32 v57, v47  }
0x226: {  	v37 =	vand.u32 $0x7F, v37;
	v4 =	vand.u32 $0x7FFFFFFF, v4;
	v46 =	vand.u32 $0xFFFFFC00, v58  }
0x227: {  	v37 =	vor.u32 v46, v37;
	v38 =	vadd.f32 v57, v47;
	v56 =	vpop (erf);
	v47 =	vmul.f32 $1.700000050e+00, v50  }
0x228: {  	v4 =	vadd.f32 $-1.000000000e+00, v4;
	v36 =	vor.u32 v36, v37;
	v2 =	vmul.f32 v2, v56  }
0x229: {  	v1 =	vld.idx.msk [tilespmem:v1+s29+$0x0], $0xffff;
	v57 =	vsub.f32 v49, v45;
	v37 =	vmul.f32 v56, v48;
	v58 =	vsub.f32 v38, v47  }
0x22a: {  	v39 =	vsub.f32 v39, v41;
	v41 =	vmul.f32 v47, v31;
	v2 =	vmul.f32 v4, v2  }
0x22b: {  	v56 =	vadd.f32 v49, v45;
	v4 =	vmul.f32 $1.700000050e+00, v57;
	v57 =	vmul.f32 $5.000000000e-01, v58;
	v58 =	vld.idx.msk [tilespmem:v40+s29+$0x0], $0xffff  }
0x22c: {  	v43 =	vadd.f32 $5.000000000e-01, v43;
	v0 =	vadd.f32 v0, v44  }
0x22d: {  	v39 =	vmul.f32 v41, v39;
	v48 =	vsub.f32 v56, v4;
	v44 =	vadd.f32 v4, v56;
	v56 =	vld [tilespmem:$0x1FF20]  }
0x22e: {  	v42 =	vadd.f32 $5.000000000e-01, v42;
	v35 =	vshll.u32 v35, $0x9;
	s2 =	sor.u32 $0x40, s12;
	v1 =	vsub.f32 v43, v1;
	v36 =	vld.idx.msk [tilespmem:v36+s29+$0x0], $0xffff  }
0x22f: {  	v35 =	vor.u32 s2, v35;
	v2 =	vadd.f32 v2, v37;
	v39 =	vadd.f32 v39, v57;
	v57 =	vld [tilespmem:$0x1FF30]  }
0x230: {  	v37 =	vadd.f32 v47, v38;
	v4 =	vmul.f32 v4, v31;
	v38 =	vadd.f32 v58, v42;
	v58 =	vld [tilespmem:$0x1FF40]  }
0x231: {  	v55 =	vor.u32 v55, v35;
	v3 =	vadd.f32 $5.000000000e-01, v3  }
0x232: {  	v40 =	vmul.f32 $5.000000000e-01, v48;
	v1 =	vmul.f32 v4, v1;
	v42 =	vor.u32 v56, v35  }
0x233: {  	v37 =	vmul.f32 $5.000000000e-01, v37;
	v3 =	vadd.f32 v3, v36  }
0x234: {  	v1 =	vadd.f32 v1, v40;
	v36 =	vor.u32 v57, v35;
	v38 =	vmul.f32 v41, v38  }
0x235: {  	v3 =	vmul.f32 v4, v3;
	v4 =	vmul.f32 $5.000000000e-01, v44;
	v35 =	vor.u32 v58, v35  }
0x236: {  	p4 =	sne.s32 s11, $0x1F;
	s4 =	smul.u32 $0xA80, s4;
	v0 =	vadd.f32 v2, v0;
	[tilespmem:v55+s18+$0x0] =	vst.idx.msk $0xffff, v39  }
.Ltmp7:
0x237: {  	v2 =	vsub.f32 v37, v38;
	[tilespmem:v42+s18+$0x0] =	vst.idx.msk $0xffff, v1;
	v1 =	vsub.f32 v4, v3;
	(pc) =	sbr.rel @p4 .LBB2_7-.Ltmp7, $4  }
0x238: {  	v63 =	vmov v34;
	v62 =	vmov v33;
	s2 =	sshrl.u32 s4, $0x2  }
0x239: {  	v61 =	vmovc v32;
	v60 =	vmovc v18;
	s2 =	sadd.s32 s2, s17;
	v53 =	vmov v16;
	v51 =	vmov v14;
	v0 =	vmul.f32 $2.500000000e-01, v0;
	[tilespmem:v36+s18+$0x0] =	vst.idx.msk $0xffff, v2  }
0x23a: {  	s2 =	sadd.s32 s12, s2;
	v52 =	vmovc v15;
	v54 =	vmovc v17;
	v46 =	vmov v10;
	v49 =	vmov v12;
	v50 =	vmov v13;
	[tilespmem:v35+s18+$0x0] =	vst.idx.msk $0xffff, v1  }
0x23b: {  	s10 =	sadd.s32 $0x10, s10;
	s20 =	sadd.s32 $0x2, s20;
	s11 =	sadd.s32 $0x1, s11;
	v59 =	vld [tilespmem:$0x1FF50];
	v47 =	vmovc v11;
	v44 =	vmovc v9;
	v37 =	vmov v8;
	v4 =	vmov v7;
	v1 =	vmov v5;
	[tilespmem:s2+$0x0] =	vst v0  }
0x23c: {  	s2 =	sadd.s32 s6, s15  }
0x23d: {  	s2 =	sshll.u32 s2, $0x6  }
0x23e: {  	s2 =	sand.u32 $0x1FFFFFC0, s2  }
0x23f: {  	s2 =	sadd.s32 s5, s2  }
0x240: {  	[hbm4b:s2+s19] =	stream.strided.scatter [tilespmem:s18], [sflag:$0x3], $0x1000, s21, s19, $0x38;
	[tilespmem:$0x15900] =	vst v63  }
0x241: {  	s2 =	sadd.s32 $0x2, s3  }
0x242: {  	p4 =	sge.u32 s2, s8  }
0x243: {  	_ =	swait.ge [sflag:s22], $0x1000;
	s2 =	smul.u32 @!p4 $0x700, s2  }
0x244: {  	[sflag:s22] =	ssyncset.done $0x0  }
.Ltmp8:
0x245: {  	s10 =	simm.s32 @!p4 $0x0;
	s2 =	sadd.s32 @!p4 s9, s2;
	(pc) =	sbr.rel .LBB2_9-.Ltmp8, $4  }
0x246: {  	s11 =	simm.s32 @!p4 $0x3800;
	[sflag:s22] =	ssyncadd.s32 $0xFFFFF000;
	s4 =	sadd.s32 @!p4 s0, s2  }
0x247: {  	[tilespmem:s11], [sflag:$0x2] =	stream.linear.gather @!p4 [hbm4b:s4+s10], $0x3800, $0x38;
	[tilespmem:$0x15900] =	vst v63  }
0x248: {  	s2 =	sadd.s32 @!p4 s1, s2;
	s4 =	simm.s32 @!p4 $0xA800  }
0x249: {  	v2 =	vmov v6;
	[tilespmem:s4], [sflag:$0x2] =	stream.linear.gather @!p4 [hbm4b:s2+s10], $0x3800, $0x38;
	[tilespmem:$0x15900] =	vst v63  }
.LBB2_10:
.Ltmp9:
0x24a: {  	(pc) =	sbr.rel @p1 .LBB2_15-.Ltmp9, $1  }
0x24b: {  	_ =	sdelay $0x3  }
0x24c: {  	s3 =	simm.s32 $0x0;
	s2 =	rddreg [dreg:$0x1d]  }
0x24d: {  	[tilespmem:s3], [sflag:$0x3] =	stream.linear.gather [hbm4b:s2+s3], $0x1C00, $0x38;
	[tilespmem:$0x15900] =	vst v63  }
0x24e: {  	_ =	swait.ge [sflag:s22], $0x1C00  }
0x24f: {  	[sflag:s22] =	ssyncset.done $0x0  }
0x250: {  	s20 =	rddreg [dreg:$0x1e];
	[sflag:s22] =	ssyncadd.s32 $0xFFFFE400  }
0x251: {  	[tilespmem:s26], [sflag:$0x3] =	stream.linear.gather [hbm4b:s20+s3], $0x1C00, $0x38;
	[tilespmem:$0x15900] =	vst v63  }
0x252: {  	_ =	swait.ge [sflag:s22], $0x1C00  }
0x253: {  	v20 =	vld [tilespmem:$0x1FF60]  }
0x254: {  	v21 =	vld [tilespmem:$0x1FF70]  }
0x255: {  	v22 =	vld [tilespmem:$0x1FF80]  }
0x256: {  	v23 =	vld [tilespmem:$0x1FF90]  }
0x257: {  	v24 =	vld [tilespmem:$0x1FFA0]  }
0x258: {  	v25 =	vld [tilespmem:$0x1FFB0]  }
0x259: {  	v26 =	vld [tilespmem:$0x1FFC0]  }
0x25a: {  	v27 =	vld [tilespmem:$0x1FFD0]  }
0x25b: {  	[sflag:s22] =	ssyncset.done $0x0;
	v28 =	vld [tilespmem:$0x1FFE0]  }
0x25c: {  	v19 =	vld [tilespmem:$0x1FFF0];
	[sflag:s22] =	ssyncadd.s32 $0xFFFFE400  }
.LBB2_12:
0x25d: {  	s10 =	sand.u32 $0x1, s3;
	s4 =	sshrl.u32 s3, $0x1  }
0x25e: {  	s2 =	smul.u32 $0x1C0, s10;
	v35 =	vmov s4  }
0x25f: {  	v36 =	vshll.u32 v35, $0x7  }
0x260: {  	v41 =	vadd.s32 s2, v1;
	v2 =	vadd.s32 s2, v6;
	v38 =	vadd.s32 s2, v46  }
0x261: {  	v56 =	vadd.s32 s2, v47;
	v40 =	vadd.s32 s2, v49;
	v43 =	vadd.s32 s2, v50  }
0x262: {  	v53 =	vadd.s32 s2, v53;
	v0 =	vand.u32 $0x7C, v41;
	v1 =	vshll.u32 v41, $0x3  }
0x263: {  	v3 =	vshll.u32 v2, $0x3;
	v39 =	vshll.u32 v38, $0x3;
	v48 =	vand.u32 $0x7D, v38  }
0x264: {  	v57 =	vshll.u32 v56, $0x3;
	v38 =	vand.u32 $0x7E, v56;
	v58 =	vshll.u32 v40, $0x3  }
0x265: {  	v59 =	vand.u32 $0x7F, v40;
	v1 =	vand.u32 $0x1C00, v1;
	v55 =	vand.u32 $0x1C00, v39  }
0x266: {  	v39 =	vand.u32 $0x1C00, v58;
	v58 =	vand.u32 $0x7F, v53;
	v0 =	vor.u32 v1, v0  }
0x267: {  	v1 =	vand.u32 $0x7D, v2;
	v2 =	vand.u32 $0x1C00, v3;
	v42 =	vor.u32 v39, v59  }
0x268: {  	v0 =	vor.u32 v36, v0;
	v1 =	vor.u32 v2, v1;
	v2 =	vadd.s32 s2, v4  }
0x269: {  	v4 =	vadd.s32 s2, v37;
	v56 =	vor.u32 v36, v42;
	v3 =	vshll.u32 v2, $0x3  }
0x26a: {  	v2 =	vand.u32 $0x7E, v2;
	v37 =	vshll.u32 v4, $0x3;
	v3 =	vand.u32 $0x1C00, v3  }
0x26b: {  	v2 =	vor.u32 v3, v2;
	v3 =	vand.u32 $0x7F, v4;
	v4 =	vand.u32 $0x1C00, v37  }
0x26c: {  	v1 =	vor.u32 v36, v1;
	v3 =	vor.u32 v4, v3;
	v4 =	vadd.s32 s2, v44  }
0x26d: {  	v2 =	vor.u32 v36, v2;
	v44 =	vshll.u32 v43, $0x3;
	v45 =	vshll.u32 v4, $0x3  }
0x26e: {  	v3 =	vor.u32 v36, v3;
	v4 =	vand.u32 $0x7C, v4;
	v37 =	vand.u32 $0x1C00, v45  }
0x26f: {  	v45 =	vadd.s32 s2, v51;
	v51 =	vadd.s32 s2, v52;
	v4 =	vor.u32 v37, v4  }
0x270: {  	v37 =	vor.u32 v55, v48;
	v42 =	vshll.u32 v45, $0x3;
	v46 =	vand.u32 $0x7D, v45  }
0x271: {  	v0 =	vld.idx.msk [tilespmem:v0+s7+$0x0], $0xffff;
	v52 =	vshll.u32 v51, $0x3;
	v45 =	vadd.s32 s2, v54;
	v4 =	vor.u32 v36, v4  }
0x272: {  	v56 =	vld.idx.msk [tilespmem:v56+s7+$0x0], $0xffff;
	v48 =	vor.u32 v36, v37;
	v37 =	vand.u32 $0x1C00, v57;
	v47 =	vand.u32 $0x1C00, v42  }
0x273: {  	v57 =	vshll.u32 v53, $0x3;
	v37 =	vor.u32 v37, v38;
	v38 =	vand.u32 $0x7C, v43  }
0x274: {  	v1 =	vld.idx.msk [tilespmem:v1+s7+$0x0], $0xffff;
	v50 =	vor.u32 v47, v46;
	v42 =	vand.u32 $0x1C00, v57;
	v46 =	vshll.u32 v45, $0x3  }
0x275: {  	v47 =	vadd.s32 s2, v60;
	v49 =	vor.u32 v36, v37;
	v37 =	vand.u32 $0x1C00, v44  }
0x276: {  	v55 =	vor.u32 v36, v50;
	v44 =	vor.u32 v42, v58;
	v43 =	vshll.u32 v47, $0x3  }
0x277: {  	v50 =	vand.u32 $0x7D, v47;
	v0 =	vmul.f32 $1.442695020e+00, v0;
	v56 =	vmul.f32 $1.442695020e+00, v56  }
0x278: {  	v37 =	vor.u32 v37, v38;
	v38 =	vand.u32 $0x7E, v51;
	v51 =	vor.u32 v36, v44  }
0x279: {  	v2 =	vld.idx.msk [tilespmem:v2+s7+$0x0], $0xffff;
	v57 =	vand.u32 $0x1C00, v43;
	v1 =	vmul.f32 $1.442695020e+00, v1;
	v59 =	vor.u32 v36, v37  }
0x27a: {  	v37 =	vand.u32 $0x1C00, v52;
	v58 =	vor.u32 v57, v50;
	(erf) = vpow2.f32 v0  }
0x27b: {  	v37 =	vor.u32 v37, v38;
	v38 =	vand.u32 $0x7C, v45;
	v52 =	vor.u32 v36, v58  }
0x27c: {  	v45 =	vadd.s32 s2, v63;
	v63 =	vadd.s32 s2, v20;
	(erf) = vpow2.f32 v1  }
0x27d: {  	v39 =	vor.u32 v36, v37;
	v37 =	vand.u32 $0x1C00, v46;
	v54 =	vshll.u32 v45, $0x3  }
0x27e: {  	v0 =	vld.idx.msk [tilespmem:v3+s7+$0x0], $0xffff;
	v2 =	vmul.f32 $1.442695020e+00, v2;
	v37 =	vor.u32 v37, v38;
	v38 =	vadd.s32 s2, v61  }
0x27f: {  	v61 =	vadd.s32 s2, v62;
	v53 =	vor.u32 v36, v37;
	v60 =	vshll.u32 v38, $0x3  }
0x280: {  	v4 =	vld.idx.msk [tilespmem:v4+s7+$0x0], $0xffff;
	v62 =	vand.u32 $0x7E, v38;
	v50 =	vshll.u32 v61, $0x3;
	v42 =	vand.u32 $0x7F, v61  }
0x281: {  	(erf) = vpow2.f32 v2;
	v2 =	vld.idx.msk [tilespmem:v48+s7+$0x0], $0xffff;
	v48 =	vadd.s32 s2, v26;
	v37 =	vand.u32 $0x1C00, v60  }
0x282: {  	v55 =	vld.idx.msk [tilespmem:v55+s7+$0x0], $0xffff;
	v44 =	vand.u32 $0x1C00, v50;
	v60 =	vand.u32 $0x7C, v45;
	v50 =	vshll.u32 v63, $0x3  }
0x283: {  	v61 =	vld [tilespmem:$0x1FF50];
	v0 =	vmul.f32 $1.442695020e+00, v0;
	v57 =	vor.u32 v37, v62;
	v58 =	vor.u32 v44, v42  }
0x284: {  	v51 =	vld.idx.msk [tilespmem:v51+s7+$0x0], $0xffff;
	v37 =	vand.u32 $0x1C00, v54;
	v42 =	vand.u32 $0x7E, v63;
	v44 =	vand.u32 $0x1C00, v50  }
0x285: {  	v59 =	vld.idx.msk [tilespmem:v59+s7+$0x0], $0xffff;
	v63 =	vadd.s32 s2, v22;
	v4 =	vmul.f32 $1.442695020e+00, v4;
	v54 =	vor.u32 v37, v60  }
0x286: {  	v60 =	vadd.s32 s2, v21;
	v44 =	vor.u32 v44, v42;
	v50 =	vshll.u32 v63, $0x3  }
0x287: {  	(erf) = vpow2.f32 v0;
	v39 =	vld.idx.msk [tilespmem:v39+s7+$0x0], $0xffff;
	v55 =	vmul.f32 $1.442695020e+00, v55;
	v54 =	vor.u32 v36, v54  }
0x288: {  	v44 =	vor.u32 v36, v44;
	v43 =	vadd.s32 s2, v61;
	v61 =	vshll.u32 v60, $0x3  }
0x289: {  	v51 =	vmul.f32 $1.442695020e+00, v51;
	v62 =	vshll.u32 v43, $0x3;
	v43 =	vand.u32 $0x7D, v43  }
0x28a: {  	v59 =	vmul.f32 $1.442695020e+00, v59;
	v37 =	vand.u32 $0x1C00, v62;
	v62 =	vand.u32 $0x7F, v60  }
0x28b: {  	v60 =	vand.u32 $0x7C, v63;
	v43 =	vor.u32 v37, v43;
	v37 =	vand.u32 $0x1C00, v61  }
0x28c: {  	v61 =	vadd.s32 s2, v24;
	v39 =	vmul.f32 $1.442695020e+00, v39;
	v46 =	vor.u32 v37, v62  }
0x28d: {  	v37 =	vand.u32 $0x1C00, v50;
	v62 =	vshll.u32 v61, $0x3;
	v42 =	vand.u32 $0x7E, v61  }
0x28e: {  	v50 =	vadd.s32 s2, v27;
	v43 =	vor.u32 v36, v43;
	v47 =	vor.u32 v37, v60  }
0x28f: {  	v37 =	vadd.s32 s2, v23;
	v63 =	vand.u32 $0x1C00, v62;
	v60 =	vld.idx.msk [tilespmem:v49+s7+$0x0], $0xffff;
	v49 =	vand.u32 $0x7C, v48  }
0x290: {  	v48 =	vshll.u32 v48, $0x3;
	v61 =	vshll.u32 v50, $0x3;
	v0 =	vand.u32 $0x7D, v50  }
0x291: {  	v46 =	vor.u32 v36, v46;
	v3 =	vshll.u32 v37, $0x3;
	v1 =	vand.u32 $0x7D, v37  }
0x292: {  	v44 =	vld.idx.msk [tilespmem:v44+s7+$0x0], $0xffff;
	v42 =	vor.u32 v63, v42;
	v48 =	vand.u32 $0x1C00, v48;
	v61 =	vand.u32 $0x1C00, v61  }
0x293: {  	v47 =	vor.u32 v36, v47;
	v3 =	vand.u32 $0x1C00, v3;
	v49 =	vor.u32 v48, v49  }
0x294: {  	v62 =	vpop (erf);
	v48 =	vor.u32 v61, v0;
	(erf) = vpow2.f32 v4;
	v45 =	vor.u32 v3, v1  }
0x295: {  	v1 =	vadd.s32 s2, v25;
	v0 =	vpop (erf);
	v49 =	vor.u32 v36, v49;
	v48 =	vor.u32 v36, v48  }
0x296: {  	v3 =	vand.u32 $0x7F, v1;
	v1 =	vshll.u32 v1, $0x3;
	vm0 =	vgt.f32 v0, $0.0e+00  }
0x297: {  	vm1 =	vgt.f32 v0, v62;
	v45 =	vor.u32 v36, v45;
	v44 =	vmul.f32 $1.442695020e+00, v44  }
0x298: {  	v1 =	vand.u32 $0x1C00, v1;
	vm0 =	vmneg vm0;
	v63 =	vsel vm1, $0x3F800000, v29  }
0x299: {  	v43 =	vld.idx.msk [tilespmem:v43+s7+$0x0], $0xffff;
	v50 =	vor.u32 v1, v3;
	v1 =	vmul.f32 $1.442695020e+00, v2;
	v2 =	vadd.s32 s2, v28  }
0x29a: {  	v3 =	vmul.f32 $1.442695020e+00, v60;
	v4 =	vand.u32 $0x7E, v2;
	v2 =	vshll.u32 v2, $0x3  }
0x29b: {  	(erf) = vpow2.f32 v1;
	v1 =	vsel vm0, $0x0, v0;
	vm0 =	vmor vm1, vm0  }
0x29c: {  	v2 =	vand.u32 $0x1C00, v2;
	(erf) = vpow2.f32 v3;
	v1 =	vsel vm1, v62, v1  }
0x29d: {  	v60 =	vpop (erf);
	v3 =	vmax.f32 v0, v62;
	v0 =	vadd.f32 v0, v62;
	v62 =	vsel vm0, $0x0, v30  }
0x29e: {  	v2 =	vor.u32 v2, v4;
	v43 =	vmul.f32 $1.442695020e+00, v43;
	v45 =	vld.idx.msk [tilespmem:v45+s7+$0x0], $0xffff;
	vm2 =	vgt.f32 v60, v1  }
0x29f: {  	vm3 =	vgt.f32 v60, v3;
	v2 =	vor.u32 v36, v2;
	v1 =	vsel vm2, v60, v1  }
0x2a0: {  	v0 =	vadd.f32 v60, v0;
	v62 =	vsel vm2, $0x40000000, v62;
	v1 =	vsel vm3, v3, v1  }
0x2a1: {  	v61 =	vpop (erf);
	v3 =	vmax.f32 v60, v3;
	v62 =	vsel vm3, v63, v62;
	v63 =	vsel vm3, $0x40000000, v63  }
0x2a2: {  	vm4 =	vgt.f32 v61, v1;
	vm13 =	vgt.f32 v61, v3;
	v0 =	vadd.f32 v61, v0  }
0x2a3: {  	v60 =	vpop (erf);
	v1 =	vsel vm4, v61, v1;
	v62 =	vsel vm4, $0x40400000, v62;
	v45 =	vmul.f32 $1.442695020e+00, v45  }
0x2a4: {  	v1 =	vsel vm13, v3, v1;
	v3 =	vmax.f32 v61, v3;
	v0 =	vadd.f32 v60, v0  }
0x2a5: {  	v62 =	vsel vm13, v63, v62;
	v63 =	vsel vm13, $0x40400000, v63;
	vm14 =	vgt.f32 v60, v1;
	v61 =	vpop (erf)  }
0x2a6: {  	vm15 =	vgt.f32 v60, v3;
	v1 =	vsel vm14, v60, v1;
	v0 =	vadd.f32 v61, v0  }
0x2a7: {  	v62 =	vsel vm14, $0x40800000, v62;
	v1 =	vsel vm15, v3, v1;
	v3 =	vmax.f32 v60, v3;
	v60 =	vpop (erf)  }
0x2a8: {  	v62 =	vsel vm15, v63, v62;
	vm8 =	vgt.f32 v61, v1;
	v0 =	vadd.f32 v60, v0  }
0x2a9: {  	v63 =	vsel vm15, $0x40800000, v63;
	vm9 =	vgt.f32 v61, v3;
	v1 =	vsel vm8, v61, v1  }
0x2aa: {  	v1 =	vsel vm9, v3, v1;
	v3 =	vmax.f32 v61, v3;
	(erf) = vrcp.f32 v0  }
0x2ab: {  	vm10 =	vgt.f32 v60, v3;
	(erf) = vpow2.f32 v56;
	v56 =	vsel vm9, $0x40A00000, v63  }
0x2ac: {  	v62 =	vsel vm8, $0x40A00000, v62;
	(erf) = vpow2.f32 v59;
	v59 =	vsel vm10, $0x40C00000, v56  }
0x2ad: {  	v61 =	vadd.s32 s2, v19;
	v62 =	vsel vm9, v63, v62;
	v63 =	vtrunc.f32 v59  }
0x2ae: {  	v2 =	vld.idx.msk [tilespmem:v2+s7+$0x0], $0xffff;
	v0 =	vshll.u32 v61, $0x3;
	vm11 =	vgt.f32 v60, v1;
	v63 =	vcvt.f32.s32 v63  }
0x2af: {  	v61 =	vand.u32 $0x7F, v61;
	v0 =	vand.u32 $0x1C00, v0;
	v62 =	vsel vm11, $0x40C00000, v62  }
0x2b0: {  	v1 =	vsel vm11, v60, v1;
	(erf) = vpow2.f32 v55;
	v41 =	vadd.s32 v63, v41  }
0x2b1: {  	v53 =	vld.idx.msk [tilespmem:v53+s7+$0x0], $0xffff;
	v4 =	vsel vm10, v56, v62;
	v55 =	vor.u32 v36, v57;
	v57 =	vshll.u32 v41, $0x3  }
0x2b2: {  	v56 =	vor.u32 v36, v58;
	v58 =	vld.idx.msk [tilespmem:v52+s7+$0x0], $0xffff;
	v4 =	vsub.f32 v59, v4;
	v41 =	vand.u32 $0x7F, v41  }
0x2b3: {  	v2 =	vmul.f32 $1.442695020e+00, v2;
	v0 =	vor.u32 v0, v61;
	v1 =	vsel vm10, v3, v1  }
0x2b4: {  	(erf) = vpow2.f32 v39;
	v4 =	vand.u32 $0x7FFFFFFF, v4;
	v52 =	vand.u32 $0xFFFFFC00, v57;
	v57 =	vpop (erf)  }
0x2b5: {  	v4 =	vadd.f32 $-1.000000000e+00, v4;
	v52 =	vor.u32 v52, v41;
	v41 =	vpop (erf);
	v1 =	vmul.f32 v1, v57  }
0x2b6: {  	v3 =	vmax.f32 v60, v3;
	(erf) = vpow2.f32 v51;
	v51 =	vmul.f32 $1.442695020e+00, v53;
	v39 =	vpop (erf)  }
0x2b7: {  	v3 =	vmul.f32 v57, v3;
	v53 =	vmul.f32 $1.442695020e+00, v58;
	vm12 =	vgt.f32 v39, $0.0e+00  }
0x2b8: {  	v1 =	vmul.f32 v4, v1;
	(erf) = vpow2.f32 v51;
	vm0 =	vmneg vm12  }
0x2b9: {  	vm13 =	vgt.f32 v39, v41;
	v4 =	vpop (erf);
	(erf) = vpow2.f32 v53;
	v57 =	vsel vm0, $0x0, v39  }
0x2ba: {  	v51 =	vadd.f32 v1, v3;
	vm0 =	vmor vm13, vm0;
	v58 =	vsel vm13, v41, v57  }
0x2bb: {  	v57 =	vmax.f32 v39, v41;
	v39 =	vadd.f32 v39, v41;
	vm14 =	vgt.f32 v4, v58  }
0x2bc: {  	vm15 =	vgt.f32 v4, v57;
	v41 =	vmax.f32 v4, v57;
	v58 =	vsel vm14, v4, v58  }
0x2bd: {  	v1 =	vpop (erf);
	v4 =	vadd.f32 v4, v39;
	v39 =	vsel vm0, $0x0, v30;
	v3 =	vsel vm15, v57, v58  }
0x2be: {  	vm9 =	vgt.f32 v1, v41;
	v57 =	vsel vm13, $0x3F800000, v29;
	vm8 =	vgt.f32 v1, v3  }
0x2bf: {  	v39 =	vsel vm14, $0x40000000, v39;
	v4 =	vadd.f32 v1, v4;
	v3 =	vsel vm8, v1, v3  }
0x2c0: {  	v53 =	vpop (erf);
	v39 =	vsel vm15, v57, v39;
	v57 =	vsel vm15, $0x40000000, v57;
	v3 =	vsel vm9, v41, v3  }
0x2c1: {  	v1 =	vmax.f32 v1, v41;
	v4 =	vadd.f32 v53, v4;
	vm10 =	vgt.f32 v53, v3  }
0x2c2: {  	v39 =	vsel vm8, $0x40400000, v39;
	vm11 =	vgt.f32 v53, v1;
	v41 =	vpop (erf);
	v3 =	vsel vm10, v53, v3  }
0x2c3: {  	v4 =	vadd.f32 v41, v4;
	v3 =	vsel vm11, v1, v3;
	v1 =	vmax.f32 v53, v1;
	v53 =	vld.idx.msk [tilespmem:v55+s7+$0x0], $0xffff  }
0x2c4: {  	v0 =	vor.u32 v36, v0;
	v56 =	vld.idx.msk [tilespmem:v56+s7+$0x0], $0xffff;
	v39 =	vsel vm9, v57, v39;
	v57 =	vsel vm9, $0x40400000, v57;
	v55 =	vpop (erf)  }
0x2c5: {  	v58 =	vsel vm11, $0x40800000, v57;
	vm12 =	vgt.f32 v41, v3;
	v4 =	vadd.f32 v55, v4  }
0x2c6: {  	v54 =	vld.idx.msk [tilespmem:v54+s7+$0x0], $0xffff;
	v39 =	vsel vm10, $0x40800000, v39;
	vm13 =	vgt.f32 v41, v1;
	v3 =	vsel vm12, v41, v3  }
0x2c7: {  	v3 =	vsel vm13, v1, v3;
	(erf) = vrcp.f32 v4;
	v4 =	vsel vm11, v57, v39  }
0x2c8: {  	v1 =	vmax.f32 v41, v1;
	v4 =	vsel vm12, $0x40A00000, v4;
	v57 =	vmul.f32 $1.442695020e+00, v53  }
0x2c9: {  	v0 =	vld.idx.msk [tilespmem:v0+s7+$0x0], $0xffff;
	v39 =	vsel vm13, $0x40A00000, v58;
	v4 =	vsel vm13, v58, v4;
	v58 =	vmul.f32 $1.442695020e+00, v56  }
0x2ca: {  	vm14 =	vgt.f32 v55, v1;
	vm15 =	vgt.f32 v55, v3;
	(erf) = vpow2.f32 v57  }
0x2cb: {  	v4 =	vsel vm15, $0x40C00000, v4;
	v57 =	vmul.f32 $1.442695020e+00, v54;
	(erf) = vpow2.f32 v58  }
0x2cc: {  	v46 =	vld.idx.msk [tilespmem:v46+s7+$0x0], $0xffff;
	v41 =	vsel vm14, $0x40C00000, v39;
	v3 =	vsel vm15, v55, v3;
	v4 =	vsel vm14, v39, v4  }
0x2cd: {  	v56 =	vtrunc.f32 v41;
	v4 =	vsub.f32 v41, v4;
	(erf) = vpow2.f32 v57  }
0x2ce: {  	v0 =	vmul.f32 $1.442695020e+00, v0;
	v3 =	vsel vm14, v1, v3;
	v53 =	vcvt.f32.s32 v56  }
0x2cf: {  	v1 =	vmax.f32 v55, v1;
	v55 =	vld.idx.msk [tilespmem:v47+s7+$0x0], $0xffff;
	v47 =	vor.u32 v36, v50;
	v4 =	vand.u32 $0x7FFFFFFF, v4  }
0x2d0: {  	v54 =	vlaneseq.u32;
	v40 =	vadd.s32 v53, v40;
	v4 =	vadd.f32 $-1.000000000e+00, v4;
	v56 =	vpop (erf)  }
0x2d1: {  	v53 =	vor.u32 v36, v42;
	v57 =	vmul.f32 $1.442695020e+00, v46;
	v3 =	vmul.f32 v3, v56  }
0x2d2: {  	v58 =	vshll.u32 v40, $0x3;
	v40 =	vand.u32 $0x7F, v40;
	(erf) = vpow2.f32 v43  }
0x2d3: {  	v39 =	vand.u32 $0xFFFFFC00, v58;
	v1 =	vmul.f32 v56, v1;
	v3 =	vmul.f32 v4, v3;
	v43 =	vpop (erf)  }
0x2d4: {  	v42 =	vmul.f32 $1.442695020e+00, v55;
	v40 =	vor.u32 v39, v40;
	(erf) = vpow2.f32 v44;
	v4 =	vpop (erf)  }
0x2d5: {  	(erf) = vpow2.f32 v57;
	v1 =	vadd.f32 v3, v1;
	vm4 =	vgt.f32 v4, $0.0e+00  }
0x2d6: {  	vm5 =	vgt.f32 v4, v43;
	v50 =	vpop (erf);
	(erf) = vpow2.f32 v42;
	v56 =	vmax.f32 v4, v43  }
0x2d7: {  	vm0 =	vmneg vm4;
	v57 =	vsel vm5, $0x3F800000, v29;
	vm7 =	vgt.f32 v50, v56  }
0x2d8: {  	v46 =	vmax.f32 v50, v56;
	v1 =	vadd.f32 v1, v51;
	v58 =	vsel vm0, $0x0, v4  }
0x2d9: {  	vm0 =	vmor vm5, vm0;
	v4 =	vadd.f32 v4, v43;
	v39 =	vsel vm5, v43, v58  }
0x2da: {  	v55 =	vsel vm0, $0x0, v30;
	v43 =	vsel vm7, $0x40000000, v57;
	vm6 =	vgt.f32 v50, v39  }
0x2db: {  	v4 =	vadd.f32 v50, v4;
	v39 =	vsel vm6, v50, v39;
	v58 =	vpop (erf);
	v42 =	vsel vm6, $0x40000000, v55  }
0x2dc: {  	v39 =	vsel vm7, v56, v39;
	v55 =	vsel vm7, v57, v42;
	vm9 =	vgt.f32 v58, v46  }
0x2dd: {  	v4 =	vadd.f32 v58, v4;
	v3 =	vpop (erf);
	v44 =	vmax.f32 v58, v46;
	vm8 =	vgt.f32 v58, v39  }
0x2de: {  	v42 =	vor.u32 v36, v52;
	vm11 =	vgt.f32 v3, v44;
	v39 =	vsel vm8, v58, v39  }
0x2df: {  	v50 =	vsel vm8, $0x40400000, v55;
	v4 =	vadd.f32 v3, v4;
	v55 =	vld.idx.msk [tilespmem:v49+s7+$0x0], $0xffff;
	v39 =	vsel vm9, v46, v39  }
0x2e0: {  	v56 =	vld.idx.msk [tilespmem:v53+s7+$0x0], $0xffff;
	v57 =	vpop (erf);
	v50 =	vsel vm9, v43, v50;
	v43 =	vsel vm9, $0x40400000, v43;
	vm10 =	vgt.f32 v3, v39  }
0x2e1: {  	v4 =	vadd.f32 v57, v4;
	v39 =	vsel vm10, v3, v39;
	v50 =	vsel vm10, $0x40800000, v50  }
0x2e2: {  	v3 =	vmax.f32 v3, v44;
	v39 =	vsel vm11, v44, v39;
	v44 =	vpop (erf);
	v50 =	vsel vm11, v43, v50  }
0x2e3: {  	v47 =	vld.idx.msk [tilespmem:v47+s7+$0x0], $0xffff;
	v43 =	vsel vm11, $0x40800000, v43;
	vm12 =	vgt.f32 v57, v3;
	v4 =	vadd.f32 v44, v4  }
0x2e4: {  	v48 =	vld.idx.msk [tilespmem:v48+s7+$0x0], $0xffff;
	v52 =	vmax.f32 v57, v3;
	vm13 =	vgt.f32 v57, v39;
	v51 =	vmul.f32 $1.442695020e+00, v55  }
0x2e5: {  	vm14 =	vgt.f32 v44, v52;
	(erf) = vrcp.f32 v4;
	v4 =	vmul.f32 $1.442695020e+00, v56  }
0x2e6: {  	v39 =	vsel vm13, v57, v39;
	v58 =	vsel vm13, $0x40A00000, v50;
	(erf) = vpow2.f32 v45  }
0x2e7: {  	v56 =	vsel vm12, $0x40A00000, v43;
	v3 =	vsel vm12, v3, v39;
	(erf) = vpow2.f32 v4  }
0x2e8: {  	v4 =	vsel vm12, v43, v58;
	v43 =	vsel vm14, $0x40C00000, v56;
	v58 =	vmul.f32 $1.442695020e+00, v47  }
0x2e9: {  	v55 =	vmul.f32 $1.442695020e+00, v48;
	vm15 =	vgt.f32 v44, v3;
	v57 =	vtrunc.f32 v43  }
0x2ea: {  	v4 =	vsel vm15, $0x40C00000, v4;
	v39 =	vcvt.f32.s32 v57;
	(erf) = vpow2.f32 v58  }
0x2eb: {  	v3 =	vsel vm15, v44, v3;
	v44 =	vmax.f32 v44, v52;
	v4 =	vsel vm14, v56, v4  }
0x2ec: {  	v3 =	vsel vm14, v52, v3;
	v4 =	vsub.f32 v43, v4;
	v38 =	vadd.s32 v39, v38  }
0x2ed: {  	(erf) = vpow2.f32 v51;
	v43 =	vadd.f32 $5.000000000e-01, v43;
	v52 =	vshll.u32 v38, $0x3  }
0x2ee: {  	v38 =	vand.u32 $0x7F, v38;
	v4 =	vand.u32 $0x7FFFFFFF, v4;
	v45 =	vand.u32 $0xFFFFFC00, v52;
	v46 =	vpop (erf)  }
0x2ef: {  	v4 =	vadd.f32 $-1.000000000e+00, v4;
	(erf) = vpow2.f32 v55;
	v39 =	vpop (erf);
	v3 =	vmul.f32 v3, v46  }
0x2f0: {  	v38 =	vor.u32 v45, v38;
	(erf) = vpow2.f32 v2;
	v44 =	vmul.f32 v46, v44;
	v56 =	vpop (erf)  }
0x2f1: {  	v38 =	vor.u32 v36, v38;
	(erf) = vpow2.f32 v0;
	vm4 =	vgt.f32 v56, $0.0e+00  }
0x2f2: {  	vm5 =	vgt.f32 v56, v39;
	v58 =	vmax.f32 v56, v39;
	vm0 =	vmneg vm4  }
0x2f3: {  	v3 =	vmul.f32 v4, v3;
	v2 =	vpop (erf);
	v52 =	vsel vm5, $0x3F800000, v29;
	v0 =	vsel vm0, $0x0, v56  }
0x2f4: {  	vm0 =	vmor vm5, vm0;
	vm7 =	vgt.f32 v2, v58;
	v0 =	vsel vm5, v39, v0  }
0x2f5: {  	v57 =	vsel vm0, $0x0, v30;
	v39 =	vadd.f32 v56, v39;
	vm6 =	vgt.f32 v2, v0  }
0x2f6: {  	v48 =	vmax.f32 v2, v58;
	v0 =	vsel vm6, v2, v0;
	v45 =	vsel vm6, $0x40000000, v57  }
0x2f7: {  	v55 =	vpop (erf);
	v2 =	vadd.f32 v2, v39;
	v0 =	vsel vm7, v58, v0;
	v45 =	vsel vm7, v52, v45  }
0x2f8: {  	v49 =	vsel vm7, $0x40000000, v52;
	vm9 =	vgt.f32 v55, v48;
	vm8 =	vgt.f32 v55, v0  }
0x2f9: {  	v47 =	vmax.f32 v55, v48;
	v2 =	vadd.f32 v55, v2;
	v0 =	vsel vm8, v55, v0  }
0x2fa: {  	v57 =	vsel vm9, $0x40400000, v49;
	v56 =	vsel vm8, $0x40400000, v45;
	v45 =	vpop (erf);
	v0 =	vsel vm9, v48, v0  }
0x2fb: {  	v39 =	vsel vm9, v49, v56;
	vm10 =	vgt.f32 v45, v0;
	v2 =	vadd.f32 v45, v2  }
0x2fc: {  	s17 =	sshll.u32 s10, $0x4;
	vm11 =	vgt.f32 v45, v47;
	v58 =	vpop (erf);
	v0 =	vsel vm10, v45, v0;
	v4 =	vsel vm10, $0x40800000, v39  }
0x2fd: {  	v39 =	vor.u32 s17, v54;
	v45 =	vmax.f32 v45, v47;
	v2 =	vadd.f32 v58, v2  }
0x2fe: {  	v46 =	vpop (erf);
	v48 =	vsel vm11, $0x40800000, v57;
	v0 =	vsel vm11, v47, v0;
	v4 =	vsel vm11, v57, v4  }
0x2ff: {  	s20 =	sshll.u32 s4, $0x7;
	v55 =	vshll.u32 v39, $0x2;
	vm12 =	vgt.f32 v58, v45;
	v2 =	vadd.f32 v46, v2  }
0x300: {  	v49 =	vmax.f32 v58, v45;
	v47 =	vor.u32 s20, v55;
	vm13 =	vgt.f32 v58, v0  }
0x301: {  	v38 =	vld.idx.msk [tilespmem:v38+s26+$0x0], $0xffff;
	vm14 =	vgt.f32 v46, v49;
	v56 =	vor.u32 $0x2, v47;
	(erf) = vrcp.f32 v2  }
0x302: {  	v0 =	vsel vm13, v58, v0;
	v2 =	vsel vm13, $0x40A00000, v4;
	v4 =	vsel vm12, $0x40A00000, v48  }
0x303: {  	v3 =	vadd.f32 v3, v44;
	v0 =	vsel vm12, v45, v0;
	v45 =	vsel vm14, $0x40C00000, v4  }
0x304: {  	v58 =	vor.u32 $0x1, v47;
	vm15 =	vgt.f32 v46, v0;
	v57 =	vtrunc.f32 v45  }
0x305: {  	v2 =	vsel vm12, v48, v2;
	v51 =	vld.idx.msk [tilespmem:v47+s23+$0x0], $0xffff;
	v47 =	vor.u32 $0x3, v47;
	v48 =	vcvt.f32.s32 v57  }
0x306: {  	v1 =	vadd.f32 v3, v1;
	v38 =	vsub.f32 v43, v38;
	v2 =	vsel vm15, $0x40C00000, v2  }
0x307: {  	v44 =	vmax.f32 v46, v49;
	v50 =	vld.idx.msk [tilespmem:v56+s23+$0x0], $0xffff;
	v2 =	vsel vm14, v4, v2;
	v37 =	vadd.s32 v48, v37  }
0x308: {  	v4 =	vor.u32 v36, v40;
	v40 =	vld.idx.msk [tilespmem:v42+s26+$0x0], $0xffff;
	v2 =	vsub.f32 v45, v2;
	v56 =	vshll.u32 v37, $0x3  }
0x309: {  	v0 =	vsel vm15, v46, v0;
	v46 =	vld.idx.msk [tilespmem:v58+s23+$0x0], $0xffff;
	v37 =	vand.u32 $0x7F, v37;
	v42 =	vand.u32 $0xFFFFFC00, v56  }
0x30a: {  	v0 =	vsel vm14, v49, v0;
	v2 =	vand.u32 $0x7FFFFFFF, v2;
	v47 =	vld.idx.msk [tilespmem:v47+s23+$0x0], $0xffff;
	v37 =	vor.u32 v42, v37;
	v57 =	vpop (erf)  }
0x30b: {  	v2 =	vadd.f32 $-1.000000000e+00, v2;
	v36 =	vor.u32 v36, v37;
	v0 =	vmul.f32 v0, v57  }
0x30c: {  	v35 =	vshll.u32 v35, $0x9;
	v56 =	vadd.f32 $5.000000000e-01, v59;
	v58 =	vsub.f32 v50, v51  }
0x30d: {  	v59 =	vadd.f32 $5.000000000e-01, v41;
	v4 =	vld.idx.msk [tilespmem:v4+s26+$0x0], $0xffff;
	v3 =	vmul.f32 v57, v44;
	v0 =	vmul.f32 v2, v0  }
0x30e: {  	v55 =	vadd.f32 v50, v51;
	v40 =	vsub.f32 v56, v40;
	v48 =	vmul.f32 $1.700000050e+00, v58  }
0x30f: {  	v35 =	vor.u32 v35, v39;
	v0 =	vadd.f32 v0, v3;
	v3 =	vsub.f32 v47, v46  }
0x310: {  	v56 =	vor.u32 $0x80, v35;
	v2 =	vsub.f32 v55, v48;
	v42 =	vmul.f32 v48, v31;
	v36 =	vld.idx.msk [tilespmem:v36+s26+$0x0], $0xffff  }
0x311: {  	v57 =	vadd.f32 v47, v46;
	v37 =	vadd.f32 v48, v55;
	v3 =	vmul.f32 $1.700000050e+00, v3  }
0x312: {  	v55 =	vadd.f32 $5.000000000e-01, v45;
	v4 =	vadd.f32 v4, v59;
	v2 =	vmul.f32 $5.000000000e-01, v2  }
0x313: {  	v58 =	vsub.f32 v57, v3;
	v48 =	vadd.f32 v3, v57;
	v3 =	vmul.f32 v3, v31  }
0x314: {  	v40 =	vmul.f32 v42, v40;
	v37 =	vmul.f32 $5.000000000e-01, v37;
	v57 =	vor.u32 $0x100, v35  }
0x315: {  	v36 =	vadd.f32 v55, v36;
	v39 =	vmul.f32 $5.000000000e-01, v58;
	v38 =	vmul.f32 v3, v38  }
0x316: {  	v4 =	vmul.f32 v42, v4;
	v2 =	vadd.f32 v40, v2;
	v58 =	vor.u32 $0x180, v35  }
0x317: {  	p4 =	seq.s32 s3, $0xF;
	s4 =	smul.u32 $0x2A0, s4;
	v59 =	vmul.f32 $5.000000000e-01, v48;
	v3 =	vmul.f32 v3, v36;
	v38 =	vadd.f32 v38, v39  }
.Ltmp10:
0x318: {  	v0 =	vadd.f32 v0, v1;
	v1 =	vsub.f32 v37, v4;
	[tilespmem:v35+s18+$0x0] =	vst.idx.msk $0xffff, v2;
	(pc) =	sbr.rel @!p4 .LBB2_12-.Ltmp10, $4  }
0x319: {  	v60 =	vmov v18;
	v61 =	vmov v32;
	v2 =	vsub.f32 v59, v3;
	[tilespmem:v56+s18+$0x0] =	vst.idx.msk $0xffff, v38  }
0x31a: {  	s4 =	sand.u32 $0x1FE0, s4;
	v62 =	vmovc v33;
	v63 =	vmovc v34;
	v53 =	vmov v16;
	v52 =	vmov v15;
	v0 =	vmul.f32 $2.500000000e-01, v0;
	[tilespmem:v57+s18+$0x0] =	vst.idx.msk $0xffff, v1  }
0x31b: {  	s2 =	sor.u32 s17, s4;
	v54 =	vmovc v17;
	v49 =	vmovc v12;
	v51 =	vmov v14;
	v50 =	vmov v13;
	v44 =	vmov v9;
	[tilespmem:v58+s18+$0x0] =	vst.idx.msk $0xffff, v2  }
0x31c: {  	s3 =	sadd.s32 $0x1, s3;
	v47 =	vmovc v11;
	v46 =	vmovc v10;
	v37 =	vmov v8;
	v4 =	vmov v7;
	v1 =	vmov v5;
	[tilespmem:s2+$0x14200] =	vst v0  }
.Ltmp11:
0x31d: {  	s2 =	rddreg [dreg:$0x1f];
	(pc) =	sbr.rel @p2 .LBB2_18-.Ltmp11, $4  }
0x31e: {  	[hbm4b:s2+s19] =	stream.strided.scatter [tilespmem:s18], [sflag:$0x3], $0x1000, s21, s19, $0x38;
	[tilespmem:$0x15900] =	vst v63  }
0x31f: {  	_ =	swait.ge [sflag:s22], $0x1000  }
0x320: {  	[sflag:s22] =	ssyncset.done $0x0  }
0x321: {  	v2 =	vmov v6;
	v59 =	vld [tilespmem:$0x1FF50];
	[sflag:s22] =	ssyncadd.s32 $0xFFFFF000  }
0x322: {  	s2 =	rddreg [dreg:$0x13];
	s3 =	simm.s32 $0x14000  }
0x323: {  	[hbm4b:s2+s7] =	stream.linear.scatter [tilespmem:s3], [sflag:$0x3], $0x220, $0x38;
	[tilespmem:$0x15900] =	vst v63  }
0x324: {  	_ =	swait.ge [sflag:s22], $0x220  }
0x325: {  	[sflag:s22] =	ssyncset.done $0x0  }
0x326: {  	s12 =	simm.s32 $0x142A0;
	s11 =	rddreg [dreg:$0x14];
	[sflag:s22] =	ssyncadd.s32 $0xFFFFFDE0  }
0x327: {  	[hbm4b:s11+s7] =	stream.linear.scatter [tilespmem:s12], [sflag:$0x3], $0x220, $0x38;
	[tilespmem:$0x15900] =	vst v63  }
0x328: {  	_ =	swait.ge [sflag:s22], $0x220  }
0x329: {  	[sflag:s22] =	ssyncset.done $0x0  }
0x32a: {  	s16 =	simm.s32 $0x14540;
	s15 =	rddreg [dreg:$0x15];
	[sflag:s22] =	ssyncadd.s32 $0xFFFFFDE0  }
0x32b: {  	[hbm4b:s15+s7] =	stream.linear.scatter [tilespmem:s16], [sflag:$0x3], $0x220, $0x38;
	[tilespmem:$0x15900] =	vst v63  }
0x32c: {  	_ =	swait.ge [sflag:s22], $0x220  }
0x32d: {  	[sflag:s22] =	ssyncset.done $0x0  }
0x32e: {  	s20 =	simm.s32 $0x147E0;
	s17 =	rddreg [dreg:$0x16];
	[sflag:s22] =	ssyncadd.s32 $0xFFFFFDE0  }
0x32f: {  	[hbm4b:s17+s7] =	stream.linear.scatter [tilespmem:s20], [sflag:$0x3], $0x220, $0x38;
	[tilespmem:$0x15900] =	vst v63  }
0x330: {  	_ =	swait.ge [sflag:s22], $0x220  }
0x331: {  	[sflag:s22] =	ssyncset.done $0x0  }
0x332: {  	s10 =	simm.s32 $0x14A80;
	s4 =	rddreg [dreg:$0x17];
	[sflag:s22] =	ssyncadd.s32 $0xFFFFFDE0  }
0x333: {  	[hbm4b:s4+s7] =	stream.linear.scatter [tilespmem:s10], [sflag:$0x3], $0x220, $0x38;
	[tilespmem:$0x15900] =	vst v63  }
0x334: {  	_ =	swait.ge [sflag:s22], $0x220  }
0x335: {  	[sflag:s22] =	ssyncset.done $0x0  }
0x336: {  	s12 =	simm.s32 $0x14D20;
	s11 =	rddreg [dreg:$0x18];
	[sflag:s22] =	ssyncadd.s32 $0xFFFFFDE0  }
0x337: {  	[hbm4b:s11+s7] =	stream.linear.scatter [tilespmem:s12], [sflag:$0x3], $0x220, $0x38;
	[tilespmem:$0x15900] =	vst v63  }
0x338: {  	_ =	swait.ge [sflag:s22], $0x220  }
0x339: {  	[sflag:s22] =	ssyncset.done $0x0  }
0x33a: {  	s16 =	simm.s32 $0x14FC0;
	s15 =	rddreg [dreg:$0x19];
	[sflag:s22] =	ssyncadd.s32 $0xFFFFFDE0  }
0x33b: {  	[hbm4b:s15+s7] =	stream.linear.scatter [tilespmem:s16], [sflag:$0x3], $0x220, $0x38;
	[tilespmem:$0x15900] =	vst v63  }
0x33c: {  	_ =	swait.ge [sflag:s22], $0x220  }
0x33d: {  	s20 =	simm.s32 $0x15260;
	[sflag:s22] =	ssyncset.done $0x0  }
.Ltmp12:
0x33e: {  	s17 =	rddreg [dreg:$0x1a];
	[sflag:s22] =	ssyncadd.s32 $0xFFFFFDE0;
	(pc) =	sbr.rel .LBB2_19-.Ltmp12, $4  }
0x33f: {  	[hbm4b:s17+s7] =	stream.linear.scatter [tilespmem:s20], [sflag:$0x3], $0x220, $0x38;
	[tilespmem:$0x15900] =	vst v63  }
0x340: {  	_ =	swait.ge [sflag:s22], $0x220  }
0x341: {  	[sflag:s22] =	ssyncset.done $0x0  }
0x342: {  	[sflag:s22] =	ssyncadd.s32 $0xFFFFFDE0  }
.LBB2_15:
.Ltmp13:
0x343: {  	(pc) =	sbr.rel @!p0 .LBB2_16-.Ltmp13, $1  }
0x344: {  	_ =	sdelay $0x3  }
.Ltmp14:
0x345: {  	(pc) =	sbr.rel @!p2 .LBB2_19-.Ltmp14, $4  }
.Ltmp15:
0x346: {  	(pc) =	sbr.rel @p2 .LBB2_18-.Ltmp15, $4  }
0x347: {  	_ = 	snop  }
0x348: {  	_ = 	snop  }
0x349: {  	_ = 	snop  }
0x34a: {  	_ = 	snop  }
.LBB2_16:
0x34b: {  	s2 =	rddreg [dreg:$0xa];
	s3 =	simm.s32 $0x14000  }
0x34c: {  	[hbm4b:s2+s7] =	stream.linear.scatter [tilespmem:s3], [sflag:$0x3], $0x280, $0x38;
	[tilespmem:$0x15900] =	vst v63  }
0x34d: {  	_ =	swait.ge [sflag:s22], $0x280  }
0x34e: {  	[sflag:s22] =	ssyncset.done $0x0  }
0x34f: {  	s12 =	simm.s32 $0x142A0;
	s11 =	rddreg [dreg:$0xb];
	[sflag:s22] =	ssyncadd.s32 $0xFFFFFD80  }
0x350: {  	[hbm4b:s11+s7] =	stream.linear.scatter [tilespmem:s12], [sflag:$0x3], $0x280, $0x38;
	[tilespmem:$0x15900] =	vst v63  }
0x351: {  	_ =	swait.ge [sflag:s22], $0x280  }
0x352: {  	[sflag:s22] =	ssyncset.done $0x0  }
0x353: {  	s16 =	simm.s32 $0x14540;
	s15 =	rddreg [dreg:$0xc];
	[sflag:s22] =	ssyncadd.s32 $0xFFFFFD80  }
0x354: {  	[hbm4b:s15+s7] =	stream.linear.scatter [tilespmem:s16], [sflag:$0x3], $0x280, $0x38;
	[tilespmem:$0x15900] =	vst v63  }
0x355: {  	_ =	swait.ge [sflag:s22], $0x280  }
0x356: {  	[sflag:s22] =	ssyncset.done $0x0  }
0x357: {  	s20 =	simm.s32 $0x147E0;
	s17 =	rddreg [dreg:$0xd];
	[sflag:s22] =	ssyncadd.s32 $0xFFFFFD80  }
0x358: {  	[hbm4b:s17+s7] =	stream.linear.scatter [tilespmem:s20], [sflag:$0x3], $0x280, $0x38;
	[tilespmem:$0x15900] =	vst v63  }
0x359: {  	_ =	swait.ge [sflag:s22], $0x280  }
0x35a: {  	[sflag:s22] =	ssyncset.done $0x0  }
0x35b: {  	s10 =	simm.s32 $0x14A80;
	s4 =	rddreg [dreg:$0xe];
	[sflag:s22] =	ssyncadd.s32 $0xFFFFFD80  }
0x35c: {  	[hbm4b:s4+s7] =	stream.linear.scatter [tilespmem:s10], [sflag:$0x3], $0x280, $0x38;
	[tilespmem:$0x15900] =	vst v63  }
0x35d: {  	_ =	swait.ge [sflag:s22], $0x280  }
0x35e: {  	[sflag:s22] =	ssyncset.done $0x0  }
0x35f: {  	s12 =	simm.s32 $0x14D20;
	s11 =	rddreg [dreg:$0xf];
	[sflag:s22] =	ssyncadd.s32 $0xFFFFFD80  }
0x360: {  	[hbm4b:s11+s7] =	stream.linear.scatter [tilespmem:s12], [sflag:$0x3], $0x280, $0x38;
	[tilespmem:$0x15900] =	vst v63  }
0x361: {  	_ =	swait.ge [sflag:s22], $0x280  }
0x362: {  	[sflag:s22] =	ssyncset.done $0x0  }
0x363: {  	s16 =	simm.s32 $0x14FC0;
	s15 =	rddreg [dreg:$0x11];
	[sflag:s22] =	ssyncadd.s32 $0xFFFFFD80  }
0x364: {  	[hbm4b:s15+s7] =	stream.linear.scatter [tilespmem:s16], [sflag:$0x3], $0x280, $0x38;
	[tilespmem:$0x15900] =	vst v63  }
0x365: {  	_ =	swait.ge [sflag:s22], $0x280  }
0x366: {  	s20 =	simm.s32 $0x15260;
	[sflag:s22] =	ssyncset.done $0x0  }
.Ltmp16:
0x367: {  	s17 =	rddreg [dreg:$0x12];
	[sflag:s22] =	ssyncadd.s32 $0xFFFFFD80;
	(pc) =	sbr.rel .LBB2_19-.Ltmp16, $4  }
0x368: {  	[hbm4b:s17+s7] =	stream.linear.scatter [tilespmem:s20], [sflag:$0x3], $0x280, $0x38;
	[tilespmem:$0x15900] =	vst v63  }
0x369: {  	_ =	swait.ge [sflag:s22], $0x280  }
0x36a: {  	[sflag:s22] =	ssyncset.done $0x0  }
0x36b: {  	[sflag:s22] =	ssyncadd.s32 $0xFFFFFD80  }
.LBB2_20:
0x36c: {  	_ =	sfence.sel $0x180000  }
0x36d: {  	[bflag:$0x0] =	sbarrier.arrive $0xFFFF  }
0x36e: {  	_ =	strace $0x90000047  }
0x36f: {  	s0 =	stileid.u32;
	[bflag:$0x2] =	sbarrier.arrive $0xFFFF  }
0x370: {  	p0 =	sne.s32 s0, $0x0;
	s0 =	rddreg [dreg:$0x6]  }
0x371: {  	s0 =	sadd.s32 @!p0 $0x100000, s0  }
0x372: {  	[sflag:s0] =	ssyncadd.tile.s32 @!p0 $0x1;
	_ =	shalt  }
.Lfunc_end2:
_tile_overlayer_lowered:
.L_overlay_start_2:
0x373: {  	(tag) =	ssettag $0x2  }
0x374: {  	s0 =	rddreg [dreg:$0x0];
	s2 =	stileid.u32  }
0x375: {  	s1 =	rddreg [dreg:$0x1];
	p0 =	sne.s32 s2, $0x0  }
0x376: {  	s3 =	rddreg [dreg:$0x2];
	[bflag:$0x3] =	sbarrier.arrive $0xFFFF;
	s2 =	simm.s32 @!p0 $0x1C03  }
0x377: {  	[timem:s3], [sflag:s2] =	dma.local @!p0 [hbm:s0], s1  }
0x378: {  	s0 =	simm.s32 @!p0 $0x3  }
0x379: {  	_ =	swait.ge @!p0 [sflag:s0], s1  }
0x37a: {  	s1 =	ssub.s32 @!p0 $0x0, s1;
	[sflag:s0] =	ssyncset.done @!p0 $0x0  }
0x37b: {  	[sflag:s0] =	ssyncadd.s32 @!p0 s1  }
0x37c: {  	[bflag:$0x3] =	sbarrier.arrive $0xFFFF  }
0x37d: {  	_ =	shalt  }

</sc_bundles>
